<compile_context>
chip_gen: v7x
topology: tpu7x:2x2x1
jax: 0.10.2.dev20260603
libtpu: 0.0.44.dev20260713+nightly
codegen_flags: <defaults>
</compile_context>

<pallas_src>
import functools

import jax
import jax.numpy as jnp
from jax import lax
from jax.experimental import pallas as pl
from jax.experimental.pallas import tpu as pltpu
from jax.experimental.pallas import tpu_sc as plsc


@functools.partial(jax.jit, static_argnames=("b", "l", "d"))
def _sc_gather(table, idx, b, l, d):
    info = plsc.get_sparse_core_info()
    nc, ns, nl = info.num_cores, info.num_subcores, info.num_lanes
    nw = nc * ns
    assert b % (nw * 128) == 0 and d % 8 == 0
    bw = b // nw
    nb0 = bw // 128
    nd0 = d // 8
    per_w = bw * l
    kq = d // nl

    mesh = plsc.VectorSubcoreMesh(core_axis_name="c", subcore_axis_name="s")

    @functools.partial(
        pl.kernel,
        mesh=mesh,
        out_type=jax.ShapeDtypeStruct(
            (l, nd0, b // 128, 8, 128), jnp.float32),
        compiler_params=pltpu.CompilerParams(
            use_tc_tiling_on_sc=False, needs_layout_passes=False),
        scratch_types=[
            pltpu.VMEM((per_w,), jnp.int32),
            pltpu.VMEM((bw,), jnp.int32),
            pltpu.VMEM((bw,), jnp.int32),
            pltpu.VMEM((bw, d), jnp.float32),
            pltpu.VMEM((bw, d), jnp.float32),
            pltpu.VMEM((nb0, nd0, 8, 129), jnp.float32),
            pltpu.SemaphoreType.DMA,
            pltpu.SemaphoreType.DMA,
            pltpu.SemaphoreType.DMA,
        ],
    )
    def k(table_hbm, idx_hbm, z_hbm, idx_all, il0, il1, r0, r1, stg,
          g0, g1, wsem):
        wid = lax.axis_index("s") * nc + lax.axis_index("c")
        idx_v = (il0, il1)
        rows_v = (r0, r1)
        gsem = (g0, g1)

        pltpu.sync_copy(idx_hbm.at[pl.ds(wid * per_w, per_w)], idx_all)

        lane = jnp.arange(nl, dtype=jnp.int32)
        lane_l = lane * l
        d0b = lane // 8
        dsb = lane % 8

        def build_idx(li, bb):
            for q in range(bw // nl):
                addr = lane_l + (q * nl * l + li)
                v = plsc.load_gather(idx_all, [addr])
                idx_v[bb][pl.ds(q * nl, nl)] = v

        def start_gather(bb):
            pltpu.async_copy(table_hbm.at[idx_v[bb]], rows_v[bb], gsem[bb])

        def wait_gather(bb):
            pltpu.make_async_copy(
                table_hbm.at[idx_v[bb]], rows_v[bb], gsem[bb]).wait()

        def out_dma(li, start):
            for d0 in range(nd0):
                cp = (pltpu.async_copy if start else pltpu.make_async_copy)
                r = cp(stg.at[:, d0, pl.ds(0, 8), pl.ds(0, 128)],
                       z_hbm.at[li, d0, pl.ds(nb0 * wid, nb0)], wsem)
                if not start:
                    r.wait()

        d0qs = [d0b + 2 * q for q in range(kq)]

        def transpose(bb):
            def body(bp):
                b0f = jnp.full((nl,), bp // 128, dtype=jnp.int32)
                bsf = jnp.full((nl,), bp % 128, dtype=jnp.int32)
                for q in range(kq):
                    vec = rows_v[bb][bp, pl.ds(q * nl, nl)]
                    plsc.store_scatter(stg, [b0f, d0qs[q], dsb, bsf], vec)
            pl.loop(0, bw, unroll=8)(body)

        build_idx(0, 0)
        start_gather(0)

        def phase(li, bb):
            nbb = 1 - bb
            wait_gather(bb)

            @pl.when(li < l - 1)
            def _():
                build_idx(li + 1, nbb)
                start_gather(nbb)

            @pl.when(li > 0)
            def _():
                out_dma(li - 1, start=False)

            transpose(bb)
            out_dma(li, start=True)

        def step(i, carry):
            phase(2 * i, 0)
            phase(2 * i + 1, 1)
            return carry

        lax.fori_loop(0, l // 2, step, 0)
        out_dma(l - 1, start=False)

    return k(table, idx)


def kernel(text_vec, w2v_table):
    b, l = text_vec.shape
    v, d = w2v_table.shape
    idx = text_vec.reshape(b * l).astype(jnp.int32)
    z = _sc_gather(w2v_table, idx, b, l, d)
    return jnp.transpose(z, (2, 4, 0, 1, 3)).reshape(b, l, d)

# --- scband reference (transcript-rebuilt; emitter-appended) ---
"""Pipeline reference for scband-word2-vec-encoder-24343874633940 (READ-ONLY COPY).

The authoritative reference and input builder live on the scoring server;
editing this copy changes nothing except your own understanding.
"""

import jax, jax.numpy as jnp
import numpy as np

VOCAB = 1000000
EMB = 64
B = 16384
L = 50

def setup_inputs(seed: int = 0) -> dict:
    key = jax.random.key(seed)
    k1, k2 = jax.random.split(key)
    text_vec = jax.random.randint(k1, (B, L), 0, VOCAB, dtype=jnp.int64 if jax.config.jax_enable_x64 else jnp.int32)
    w2v_table = jax.random.normal(k2, (VOCAB, EMB), dtype=jnp.float32)
    return {"text_vec": text_vec, "w2v_table": w2v_table}

def reference(text_vec, w2v_table):
    # nn.Embedding forward: gather rows of the table by index
    emb = jnp.take(w2v_table, text_vec, axis=0)
    return emb

if __name__ == "__main__":
    import jax
    _d = setup_inputs()
    print(jax.jit(kernel)(*tuple(_d.values())))

</pallas_src>

<mosaic_0001>
#map = affine_map<(d0, d1) -> (0, 0)>
#map1 = affine_map<(d0, d1) -> (0)>
#map2 = affine_map<(d0, d1) -> (0, 0, 0, 0, 0)>
module attributes {stable_mosaic.version = 14 : i64} {
  func.func @k(%arg0: i32, %arg1: i32, %arg2: memref<1000000x64xf32, #tpu.memory_space<hbm>>, %arg3: memref<819200xi32, #tpu.memory_space<hbm>>, %arg4: memref<50x8x128x8x128xf32, #tpu.memory_space<hbm>>, %arg5: memref<25600xi32, #tpu.memory_space<vmem>>, %arg6: memref<512xi32, #tpu.memory_space<vmem>>, %arg7: memref<512xi32, #tpu.memory_space<vmem>>, %arg8: memref<512x64xf32, #tpu.memory_space<vmem>>, %arg9: memref<512x64xf32, #tpu.memory_space<vmem>>, %arg10: memref<4x8x8x129xf32, #tpu.memory_space<vmem>>, %arg11: memref<!tpu.dma_semaphore, #tpu.memory_space<semaphore_mem>>, %arg12: memref<!tpu.dma_semaphore, #tpu.memory_space<semaphore_mem>>, %arg13: memref<!tpu.dma_semaphore, #tpu.memory_space<semaphore_mem>>) attributes {dimension_semantics = [#tpu.dimension_semantics<core_parallel>, #tpu.dimension_semantics<subcore_parallel>], iteration_bounds = array<i64: 2, 16>, scalar_prefetch = 0 : i64, scratch_operands = 9 : i64, tpu.core_type = #tpu.core_type<sc_vector_subcore>, window_params = [{transform_indices = #map}, {transform_indices = #map1}, {transform_indices = #map2}]} {
    %mul3A = arith.constant 2 : i32
    %mul3A_0 = arith.muli %arg1, %mul3A : i32
    %add3A = arith.addi %mul3A_0, %arg0 : i32
    %mul3A_1 = arith.constant 25600 : i32
    %mul3A_2 = arith.muli %add3A, %mul3A_1 : i32
    "tpu.region"() ({
      %run_scoped3A = tpu.sem_alloc : memref<!tpu.dma_semaphore, #tpu.memory_space<semaphore_mem>>
      %dma_start3A_441 = tpu.memref_slice %arg3[%mul3A_2] : memref<819200xi32, #tpu.memory_space<hbm>> -> memref<25600xi32, #tpu.memory_space<hbm>>
      %dma_start3A_442 = tpu.memref_slice %arg3[%mul3A_2] : memref<819200xi32, #tpu.memory_space<hbm>> -> memref<25600xi32, #tpu.memory_space<hbm>>
      tpu.enqueue_dma source(%dma_start3A_442 : memref<25600xi32, #tpu.memory_space<hbm>>) target(%arg5 : memref<25600xi32, #tpu.memory_space<vmem>>) target_semaphore(%run_scoped3A : memref<!tpu.dma_semaphore, #tpu.memory_space<semaphore_mem>>)
      %dma_wait3A_443 = tpu.memref_slice %arg3[%mul3A_2] : memref<819200xi32, #tpu.memory_space<hbm>> -> memref<25600xi32, #tpu.memory_space<hbm>>
      %dma_wait3A_444 = tpu.memref_slice %arg3[%mul3A_2] : memref<819200xi32, #tpu.memory_space<hbm>> -> memref<25600xi32, #tpu.memory_space<hbm>>
      tpu.wait_dma2 semaphore(%run_scoped3A : memref<!tpu.dma_semaphore, #tpu.memory_space<semaphore_mem>>) src(%dma_wait3A_444 : memref<25600xi32, #tpu.memory_space<hbm>>) dst(%arg5 : memref<25600xi32, #tpu.memory_space<vmem>>)
      tpu.yield
    }) : () -> ()
    %iota3A = tpu.iota {dimensions = array<i32: 0>} : vector<16xi32>
    %mul3A_3 = arith.constant 50 : i32
    %mul3A_4 = vector.broadcast %mul3A_3 : i32 to vector<16xi32>
    %mul3A_5 = arith.muli %iota3A, %mul3A_4 : vector<16xi32>
    %jit3A = arith.constant 8 : i32
    %div3A = vector.broadcast %jit3A : i32 to vector<16xi32>
    %div3A_6 = arith.divsi %iota3A, %div3A : vector<16xi32>
    %sign3A = arith.constant 0 : i32
    %sign3A_7 = vector.broadcast %sign3A : i32 to vector<16xi32>
    %sign3A_8 = arith.cmpi sgt, %iota3A, %sign3A_7 : vector<16xi32>
    %sign3A_9 = arith.extui %sign3A_8 : vector<16xi1> to vector<16xi32>
    %sign3A_10 = arith.constant 0 : i32
    %sign3A_11 = vector.broadcast %sign3A_10 : i32 to vector<16xi32>
    %sign3A_12 = arith.cmpi slt, %iota3A, %sign3A_11 : vector<16xi32>
    %sign3A_13 = arith.extui %sign3A_12 : vector<16xi1> to vector<16xi32>
    %sign3A_14 = arith.subi %sign3A_9, %sign3A_13 : vector<16xi32>
    %sign3A_15 = arith.constant 0 : i32
    %sign3A_16 = arith.cmpi sgt, %jit3A, %sign3A_15 : i32
    %sign3A_17 = arith.extui %sign3A_16 : i1 to i32
    %sign3A_18 = arith.constant 0 : i32
    %sign3A_19 = arith.cmpi slt, %jit3A, %sign3A_18 : i32
    %sign3A_20 = arith.extui %sign3A_19 : i1 to i32
    %sign3A_21 = arith.subi %sign3A_17, %sign3A_20 : i32
    %ne3A = vector.broadcast %sign3A_21 : i32 to vector<16xi32>
    %ne3A_22 = arith.cmpi ne, %sign3A_14, %ne3A : vector<16xi32>
    %rem3A = vector.broadcast %jit3A : i32 to vector<16xi32>
    %rem3A_23 = arith.remsi %iota3A, %rem3A : vector<16xi32>
    %ne3A_24 = arith.constant 0 : i32
    %ne3A_25 = vector.broadcast %ne3A_24 : i32 to vector<16xi32>
    %ne3A_26 = arith.cmpi ne, %rem3A_23, %ne3A_25 : vector<16xi32>
    %and3A = arith.andi %ne3A_22, %ne3A_26 : vector<16xi1>
    %sub3A = arith.constant 1 : i32
    %sub3A_27 = vector.broadcast %sub3A : i32 to vector<16xi32>
    %sub3A_28 = arith.subi %div3A_6, %sub3A_27 : vector<16xi32>
    %select_n3A = arith.select %and3A, %sub3A_28, %div3A_6 : vector<16xi1>, vector<16xi32>
    %jit3A_29 = arith.constant 8 : i32
    %eq3A = arith.constant 0 : i32
    %eq3A_30 = arith.cmpi eq, %jit3A_29, %eq3A : i32
    %jit3A_31 = arith.constant 1 : i32
    %select_n3A_32 = arith.select %eq3A_30, %jit3A_31, %jit3A_29 : i32
    %rem3A_33 = vector.broadcast %select_n3A_32 : i32 to vector<16xi32>
    %rem3A_34 = arith.remsi %iota3A, %rem3A_33 : vector<16xi32>
    %ne3A_35 = arith.constant 0 : i32
    %ne3A_36 = vector.broadcast %ne3A_35 : i32 to vector<16xi32>
    %ne3A_37 = arith.cmpi ne, %rem3A_34, %ne3A_36 : vector<16xi32>
    %lt3A = arith.constant 0 : i32
    %lt3A_38 = vector.broadcast %lt3A : i32 to vector<16xi32>
    %lt3A_39 = arith.cmpi slt, %rem3A_34, %lt3A_38 : vector<16xi32>
    %lt3A_40 = arith.constant 0 : i32
    %lt3A_41 = arith.cmpi slt, %select_n3A_32, %lt3A_40 : i32
    %ne3A_42 = vector.broadcast %lt3A_41 : i1 to vector<16xi1>
    %ne3A_43 = vector.broadcast %ne3A_42 : vector<16xi1> to vector<16xi1>
    %ne3A_44 = arith.xori %lt3A_39, %ne3A_43 : vector<16xi1>
    %and3A_45 = arith.andi %ne3A_44, %ne3A_37 : vector<16xi1>
    %add3A_46 = vector.broadcast %select_n3A_32 : i32 to vector<16xi32>
    %add3A_47 = arith.addi %rem3A_34, %add3A_46 : vector<16xi32>
    %select_n3A_48 = arith.select %and3A_45, %add3A_47, %rem3A_34 : vector<16xi1>, vector<16xi32>
    %add3A_49 = arith.constant 0 : i32
    %add3A_50 = vector.broadcast %add3A_49 : i32 to vector<16xi32>
    %add3A_51 = arith.addi %select_n3A, %add3A_50 : vector<16xi32>
    %add3A_52 = arith.constant 2 : i32
    %add3A_53 = vector.broadcast %add3A_52 : i32 to vector<16xi32>
    %add3A_54 = arith.addi %select_n3A, %add3A_53 : vector<16xi32>
    %add3A_55 = arith.constant 4 : i32
    %add3A_56 = vector.broadcast %add3A_55 : i32 to vector<16xi32>
    %add3A_57 = arith.addi %select_n3A, %add3A_56 : vector<16xi32>
    %add3A_58 = arith.constant 6 : i32
    %add3A_59 = vector.broadcast %add3A_58 : i32 to vector<16xi32>
    %add3A_60 = arith.addi %select_n3A, %add3A_59 : vector<16xi32>
    %add3A_61 = arith.constant 0 : i32
    %add3A_62 = vector.broadcast %add3A_61 : i32 to vector<16xi32>
    %add3A_63 = arith.addi %mul3A_5, %add3A_62 : vector<16xi32>
    %gather3A = tpu.vector_load_idx %arg5[%add3A_63] : memref<25600xi32, #tpu.memory_space<vmem>>[vector<16xi32>], vector<16xi32>,
    %swap3A = arith.constant 0 : index
    %swap3A_64 = tpu.vector_load %arg6[%swap3A] {strides = array<i32>} : memref<512xi32, #tpu.memory_space<vmem>>, vector<16xi32>,
    tpu.vector_store %arg6[%swap3A], %gather3A {strides = array<i32>} : memref<512xi32, #tpu.memory_space<vmem>>, vector<16xi32>,
    %add3A_65 = arith.constant 800 : i32
    %add3A_66 = vector.broadcast %add3A_65 : i32 to vector<16xi32>
    %add3A_67 = arith.addi %mul3A_5, %add3A_66 : vector<16xi32>
    %gather3A_68 = tpu.vector_load_idx %arg5[%add3A_67] : memref<25600xi32, #tpu.memory_space<vmem>>[vector<16xi32>], vector<16xi32>,
    %swap3A_69 = arith.constant 16 : index
    %swap3A_70 = tpu.vector_load %arg6[%swap3A_69] {strides = array<i32>} : memref<512xi32, #tpu.memory_space<vmem>>, vector<16xi32>,
    tpu.vector_store %arg6[%swap3A_69], %gather3A_68 {strides = array<i32>} : memref<512xi32, #tpu.memory_space<vmem>>, vector<16xi32>,
    %add3A_71 = arith.constant 1600 : i32
    %add3A_72 = vector.broadcast %add3A_71 : i32 to vector<16xi32>
    %add3A_73 = arith.addi %mul3A_5, %add3A_72 : vector<16xi32>
    %gather3A_74 = tpu.vector_load_idx %arg5[%add3A_73] : memref<25600xi32, #tpu.memory_space<vmem>>[vector<16xi32>], vector<16xi32>,
    %swap3A_75 = arith.constant 32 : index
    %swap3A_76 = tpu.vector_load %arg6[%swap3A_75] {strides = array<i32>} : memref<512xi32, #tpu.memory_space<vmem>>, vector<16xi32>,
    tpu.vector_store %arg6[%swap3A_75], %gather3A_74 {strides = array<i32>} : memref<512xi32, #tpu.memory_space<vmem>>, vector<16xi32>,
    %add3A_77 = arith.constant 2400 : i32
    %add3A_78 = vector.broadcast %add3A_77 : i32 to vector<16xi32>
    %add3A_79 = arith.addi %mul3A_5, %add3A_78 : vector<16xi32>
    %gather3A_80 = tpu.vector_load_idx %arg5[%add3A_79] : memref<25600xi32, #tpu.memory_space<vmem>>[vector<16xi32>], vector<16xi32>,
    %swap3A_81 = arith.constant 48 : index
    %swap3A_82 = tpu.vector_load %arg6[%swap3A_81] {strides = array<i32>} : memref<512xi32, #tpu.memory_space<vmem>>, vector<16xi32>,
    tpu.vector_store %arg6[%swap3A_81], %gather3A_80 {strides = array<i32>} : memref<512xi32, #tpu.memory_space<vmem>>, vector<16xi32>,
    %add3A_83 = arith.constant 3200 : i32
    %add3A_84 = vector.broadcast %add3A_83 : i32 to vector<16xi32>
    %add3A_85 = arith.addi %mul3A_5, %add3A_84 : vector<16xi32>
    %gather3A_86 = tpu.vector_load_idx %arg5[%add3A_85] : memref<25600xi32, #tpu.memory_space<vmem>>[vector<16xi32>], vector<16xi32>,
    %swap3A_87 = arith.constant 64 : index
    %swap3A_88 = tpu.vector_load %arg6[%swap3A_87] {strides = array<i32>} : memref<512xi32, #tpu.memory_space<vmem>>, vector<16xi32>,
    tpu.vector_store %arg6[%swap3A_87], %gather3A_86 {strides = array<i32>} : memref<512xi32, #tpu.memory_space<vmem>>, vector<16xi32>,
    %add3A_89 = arith.constant 4000 : i32
    %add3A_90 = vector.broadcast %add3A_89 : i32 to vector<16xi32>
    %add3A_91 = arith.addi %mul3A_5, %add3A_90 : vector<16xi32>
    %gather3A_92 = tpu.vector_load_idx %arg5[%add3A_91] : memref<25600xi32, #tpu.memory_space<vmem>>[vector<16xi32>], vector<16xi32>,
    %swap3A_93 = arith.constant 80 : index
    %swap3A_94 = tpu.vector_load %arg6[%swap3A_93] {strides = array<i32>} : memref<512xi32, #tpu.memory_space<vmem>>, vector<16xi32>,
    tpu.vector_store %arg6[%swap3A_93], %gather3A_92 {strides = array<i32>} : memref<512xi32, #tpu.memory_space<vmem>>, vector<16xi32>,
    %add3A_95 = arith.constant 4800 : i32
    %add3A_96 = vector.broadcast %add3A_95 : i32 to vector<16xi32>
    %add3A_97 = arith.addi %mul3A_5, %add3A_96 : vector<16xi32>
    %gather3A_98 = tpu.vector_load_idx %arg5[%add3A_97] : memref<25600xi32, #tpu.memory_space<vmem>>[vector<16xi32>], vector<16xi32>,
    %swap3A_99 = arith.constant 96 : index
    %swap3A_100 = tpu.vector_load %arg6[%swap3A_99] {strides = array<i32>} : memref<512xi32, #tpu.memory_space<vmem>>, vector<16xi32>,
    tpu.vector_store %arg6[%swap3A_99], %gather3A_98 {strides = array<i32>} : memref<512xi32, #tpu.memory_space<vmem>>, vector<16xi32>,
    %add3A_101 = arith.constant 5600 : i32
    %add3A_102 = vector.broadcast %add3A_101 : i32 to vector<16xi32>
    %add3A_103 = arith.addi %mul3A_5, %add3A_102 : vector<16xi32>
    %gather3A_104 = tpu.vector_load_idx %arg5[%add3A_103] : memref<25600xi32, #tpu.memory_space<vmem>>[vector<16xi32>], vector<16xi32>,
    %swap3A_105 = arith.constant 112 : index
    %swap3A_106 = tpu.vector_load %arg6[%swap3A_105] {strides = array<i32>} : memref<512xi32, #tpu.memory_space<vmem>>, vector<16xi32>,
    tpu.vector_store %arg6[%swap3A_105], %gather3A_104 {strides = array<i32>} : memref<512xi32, #tpu.memory_space<vmem>>, vector<16xi32>,
    %add3A_107 = arith.constant 6400 : i32
    %add3A_108 = vector.broadcast %add3A_107 : i32 to vector<16xi32>
    %add3A_109 = arith.addi %mul3A_5, %add3A_108 : vector<16xi32>
    %gather3A_110 = tpu.vector_load_idx %arg5[%add3A_109] : memref<25600xi32, #tpu.memory_space<vmem>>[vector<16xi32>], vector<16xi32>,
    %swap3A_111 = arith.constant 128 : index
    %swap3A_112 = tpu.vector_load %arg6[%swap3A_111] {strides = array<i32>} : memref<512xi32, #tpu.memory_space<vmem>>, vector<16xi32>,
    tpu.vector_store %arg6[%swap3A_111], %gather3A_110 {strides = array<i32>} : memref<512xi32, #tpu.memory_space<vmem>>, vector<16xi32>,
    %add3A_113 = arith.constant 7200 : i32
    %add3A_114 = vector.broadcast %add3A_113 : i32 to vector<16xi32>
    %add3A_115 = arith.addi %mul3A_5, %add3A_114 : vector<16xi32>
    %gather3A_116 = tpu.vector_load_idx %arg5[%add3A_115] : memref<25600xi32, #tpu.memory_space<vmem>>[vector<16xi32>], vector<16xi32>,
    %swap3A_117 = arith.constant 144 : index
    %swap3A_118 = tpu.vector_load %arg6[%swap3A_117] {strides = array<i32>} : memref<512xi32, #tpu.memory_space<vmem>>, vector<16xi32>,
    tpu.vector_store %arg6[%swap3A_117], %gather3A_116 {strides = array<i32>} : memref<512xi32, #tpu.memory_space<vmem>>, vector<16xi32>,
    %add3A_119 = arith.constant 8000 : i32
    %add3A_120 = vector.broadcast %add3A_119 : i32 to vector<16xi32>
    %add3A_121 = arith.addi %mul3A_5, %add3A_120 : vector<16xi32>
    %gather3A_122 = tpu.vector_load_idx %arg5[%add3A_121] : memref<25600xi32, #tpu.memory_space<vmem>>[vector<16xi32>], vector<16xi32>,
    %swap3A_123 = arith.constant 160 : index
    %swap3A_124 = tpu.vector_load %arg6[%swap3A_123] {strides = array<i32>} : memref<512xi32, #tpu.memory_space<vmem>>, vector<16xi32>,
    tpu.vector_store %arg6[%swap3A_123], %gather3A_122 {strides = array<i32>} : memref<512xi32, #tpu.memory_space<vmem>>, vector<16xi32>,
    %add3A_125 = arith.constant 8800 : i32
    %add3A_126 = vector.broadcast %add3A_125 : i32 to vector<16xi32>
    %add3A_127 = arith.addi %mul3A_5, %add3A_126 : vector<16xi32>
    %gather3A_128 = tpu.vector_load_idx %arg5[%add3A_127] : memref<25600xi32, #tpu.memory_space<vmem>>[vector<16xi32>], vector<16xi32>,
    %swap3A_129 = arith.constant 176 : index
    %swap3A_130 = tpu.vector_load %arg6[%swap3A_129] {strides = array<i32>} : memref<512xi32, #tpu.memory_space<vmem>>, vector<16xi32>,
    tpu.vector_store %arg6[%swap3A_129], %gather3A_128 {strides = array<i32>} : memref<512xi32, #tpu.memory_space<vmem>>, vector<16xi32>,
    %add3A_131 = arith.constant 9600 : i32
    %add3A_132 = vector.broadcast %add3A_131 : i32 to vector<16xi32>
    %add3A_133 = arith.addi %mul3A_5, %add3A_132 : vector<16xi32>
    %gather3A_134 = tpu.vector_load_idx %arg5[%add3A_133] : memref<25600xi32, #tpu.memory_space<vmem>>[vector<16xi32>], vector<16xi32>,
    %swap3A_135 = arith.constant 192 : index
    %swap3A_136 = tpu.vector_load %arg6[%swap3A_135] {strides = array<i32>} : memref<512xi32, #tpu.memory_space<vmem>>, vector<16xi32>,
    tpu.vector_store %arg6[%swap3A_135], %gather3A_134 {strides = array<i32>} : memref<512xi32, #tpu.memory_space<vmem>>, vector<16xi32>,
    %add3A_137 = arith.constant 10400 : i32
    %add3A_138 = vector.broadcast %add3A_137 : i32 to vector<16xi32>
    %add3A_139 = arith.addi %mul3A_5, %add3A_138 : vector<16xi32>
    %gather3A_140 = tpu.vector_load_idx %arg5[%add3A_139] : memref<25600xi32, #tpu.memory_space<vmem>>[vector<16xi32>], vector<16xi32>,
    %swap3A_141 = arith.constant 208 : index
    %swap3A_142 = tpu.vector_load %arg6[%swap3A_141] {strides = array<i32>} : memref<512xi32, #tpu.memory_space<vmem>>, vector<16xi32>,
    tpu.vector_store %arg6[%swap3A_141], %gather3A_140 {strides = array<i32>} : memref<512xi32, #tpu.memory_space<vmem>>, vector<16xi32>,
    %add3A_143 = arith.constant 11200 : i32
    %add3A_144 = vector.broadcast %add3A_143 : i32 to vector<16xi32>
    %add3A_145 = arith.addi %mul3A_5, %add3A_144 : vector<16xi32>
    %gather3A_146 = tpu.vector_load_idx %arg5[%add3A_145] : memref<25600xi32, #tpu.memory_space<vmem>>[vector<16xi32>], vector<16xi32>,
    %swap3A_147 = arith.constant 224 : index
    %swap3A_148 = tpu.vector_load %arg6[%swap3A_147] {strides = array<i32>} : memref<512xi32, #tpu.memory_space<vmem>>, vector<16xi32>,
    tpu.vector_store %arg6[%swap3A_147], %gather3A_146 {strides = array<i32>} : memref<512xi32, #tpu.memory_space<vmem>>, vector<16xi32>,
    %add3A_149 = arith.constant 12000 : i32
    %add3A_150 = vector.broadcast %add3A_149 : i32 to vector<16xi32>
    %add3A_151 = arith.addi %mul3A_5, %add3A_150 : vector<16xi32>
    %gather3A_152 = tpu.vector_load_idx %arg5[%add3A_151] : memref<25600xi32, #tpu.memory_space<vmem>>[vector<16xi32>], vector<16xi32>,
    %swap3A_153 = arith.constant 240 : index
    %swap3A_154 = tpu.vector_load %arg6[%swap3A_153] {strides = array<i32>} : memref<512xi32, #tpu.memory_space<vmem>>, vector<16xi32>,
    tpu.vector_store %arg6[%swap3A_153], %gather3A_152 {strides = array<i32>} : memref<512xi32, #tpu.memory_space<vmem>>, vector<16xi32>,
    %add3A_155 = arith.constant 12800 : i32
    %add3A_156 = vector.broadcast %add3A_155 : i32 to vector<16xi32>
    %add3A_157 = arith.addi %mul3A_5, %add3A_156 : vector<16xi32>
    %gather3A_158 = tpu.vector_load_idx %arg5[%add3A_157] : memref<25600xi32, #tpu.memory_space<vmem>>[vector<16xi32>], vector<16xi32>,
    %swap3A_159 = arith.constant 256 : index
    %swap3A_160 = tpu.vector_load %arg6[%swap3A_159] {strides = array<i32>} : memref<512xi32, #tpu.memory_space<vmem>>, vector<16xi32>,
    tpu.vector_store %arg6[%swap3A_159], %gather3A_158 {strides = array<i32>} : memref<512xi32, #tpu.memory_space<vmem>>, vector<16xi32>,
    %add3A_161 = arith.constant 13600 : i32
    %add3A_162 = vector.broadcast %add3A_161 : i32 to vector<16xi32>
    %add3A_163 = arith.addi %mul3A_5, %add3A_162 : vector<16xi32>
    %gather3A_164 = tpu.vector_load_idx %arg5[%add3A_163] : memref<25600xi32, #tpu.memory_space<vmem>>[vector<16xi32>], vector<16xi32>,
    %swap3A_165 = arith.constant 272 : index
    %swap3A_166 = tpu.vector_load %arg6[%swap3A_165] {strides = array<i32>} : memref<512xi32, #tpu.memory_space<vmem>>, vector<16xi32>,
    tpu.vector_store %arg6[%swap3A_165], %gather3A_164 {strides = array<i32>} : memref<512xi32, #tpu.memory_space<vmem>>, vector<16xi32>,
    %add3A_167 = arith.constant 14400 : i32
    %add3A_168 = vector.broadcast %add3A_167 : i32 to vector<16xi32>
    %add3A_169 = arith.addi %mul3A_5, %add3A_168 : vector<16xi32>
    %gather3A_170 = tpu.vector_load_idx %arg5[%add3A_169] : memref<25600xi32, #tpu.memory_space<vmem>>[vector<16xi32>], vector<16xi32>,
    %swap3A_171 = arith.constant 288 : index
    %swap3A_172 = tpu.vector_load %arg6[%swap3A_171] {strides = array<i32>} : memref<512xi32, #tpu.memory_space<vmem>>, vector<16xi32>,
    tpu.vector_store %arg6[%swap3A_171], %gather3A_170 {strides = array<i32>} : memref<512xi32, #tpu.memory_space<vmem>>, vector<16xi32>,
    %add3A_173 = arith.constant 15200 : i32
    %add3A_174 = vector.broadcast %add3A_173 : i32 to vector<16xi32>
    %add3A_175 = arith.addi %mul3A_5, %add3A_174 : vector<16xi32>
    %gather3A_176 = tpu.vector_load_idx %arg5[%add3A_175] : memref<25600xi32, #tpu.memory_space<vmem>>[vector<16xi32>], vector<16xi32>,
    %swap3A_177 = arith.constant 304 : index
    %swap3A_178 = tpu.vector_load %arg6[%swap3A_177] {strides = array<i32>} : memref<512xi32, #tpu.memory_space<vmem>>, vector<16xi32>,
    tpu.vector_store %arg6[%swap3A_177], %gather3A_176 {strides = array<i32>} : memref<512xi32, #tpu.memory_space<vmem>>, vector<16xi32>,
    %add3A_179 = arith.constant 16000 : i32
    %add3A_180 = vector.broadcast %add3A_179 : i32 to vector<16xi32>
    %add3A_181 = arith.addi %mul3A_5, %add3A_180 : vector<16xi32>
    %gather3A_182 = tpu.vector_load_idx %arg5[%add3A_181] : memref<25600xi32, #tpu.memory_space<vmem>>[vector<16xi32>], vector<16xi32>,
    %swap3A_183 = arith.constant 320 : index
    %swap3A_184 = tpu.vector_load %arg6[%swap3A_183] {strides = array<i32>} : memref<512xi32, #tpu.memory_space<vmem>>, vector<16xi32>,
    tpu.vector_store %arg6[%swap3A_183], %gather3A_182 {strides = array<i32>} : memref<512xi32, #tpu.memory_space<vmem>>, vector<16xi32>,
    %add3A_185 = arith.constant 16800 : i32
    %add3A_186 = vector.broadcast %add3A_185 : i32 to vector<16xi32>
    %add3A_187 = arith.addi %mul3A_5, %add3A_186 : vector<16xi32>
    %gather3A_188 = tpu.vector_load_idx %arg5[%add3A_187] : memref<25600xi32, #tpu.memory_space<vmem>>[vector<16xi32>], vector<16xi32>,
    %swap3A_189 = arith.constant 336 : index
    %swap3A_190 = tpu.vector_load %arg6[%swap3A_189] {strides = array<i32>} : memref<512xi32, #tpu.memory_space<vmem>>, vector<16xi32>,
    tpu.vector_store %arg6[%swap3A_189], %gather3A_188 {strides = array<i32>} : memref<512xi32, #tpu.memory_space<vmem>>, vector<16xi32>,
    %add3A_191 = arith.constant 17600 : i32
    %add3A_192 = vector.broadcast %add3A_191 : i32 to vector<16xi32>
    %add3A_193 = arith.addi %mul3A_5, %add3A_192 : vector<16xi32>
    %gather3A_194 = tpu.vector_load_idx %arg5[%add3A_193] : memref<25600xi32, #tpu.memory_space<vmem>>[vector<16xi32>], vector<16xi32>,
    %swap3A_195 = arith.constant 352 : index
    %swap3A_196 = tpu.vector_load %arg6[%swap3A_195] {strides = array<i32>} : memref<512xi32, #tpu.memory_space<vmem>>, vector<16xi32>,
    tpu.vector_store %arg6[%swap3A_195], %gather3A_194 {strides = array<i32>} : memref<512xi32, #tpu.memory_space<vmem>>, vector<16xi32>,
    %add3A_197 = arith.constant 18400 : i32
    %add3A_198 = vector.broadcast %add3A_197 : i32 to vector<16xi32>
    %add3A_199 = arith.addi %mul3A_5, %add3A_198 : vector<16xi32>
    %gather3A_200 = tpu.vector_load_idx %arg5[%add3A_199] : memref<25600xi32, #tpu.memory_space<vmem>>[vector<16xi32>], vector<16xi32>,
    %swap3A_201 = arith.constant 368 : index
    %swap3A_202 = tpu.vector_load %arg6[%swap3A_201] {strides = array<i32>} : memref<512xi32, #tpu.memory_space<vmem>>, vector<16xi32>,
    tpu.vector_store %arg6[%swap3A_201], %gather3A_200 {strides = array<i32>} : memref<512xi32, #tpu.memory_space<vmem>>, vector<16xi32>,
    %add3A_203 = arith.constant 19200 : i32
    %add3A_204 = vector.broadcast %add3A_203 : i32 to vector<16xi32>
    %add3A_205 = arith.addi %mul3A_5, %add3A_204 : vector<16xi32>
    %gather3A_206 = tpu.vector_load_idx %arg5[%add3A_205] : memref<25600xi32, #tpu.memory_space<vmem>>[vector<16xi32>], vector<16xi32>,
    %swap3A_207 = arith.constant 384 : index
    %swap3A_208 = tpu.vector_load %arg6[%swap3A_207] {strides = array<i32>} : memref<512xi32, #tpu.memory_space<vmem>>, vector<16xi32>,
    tpu.vector_store %arg6[%swap3A_207], %gather3A_206 {strides = array<i32>} : memref<512xi32, #tpu.memory_space<vmem>>, vector<16xi32>,
    %add3A_209 = arith.constant 20000 : i32
    %add3A_210 = vector.broadcast %add3A_209 : i32 to vector<16xi32>
    %add3A_211 = arith.addi %mul3A_5, %add3A_210 : vector<16xi32>
    %gather3A_212 = tpu.vector_load_idx %arg5[%add3A_211] : memref<25600xi32, #tpu.memory_space<vmem>>[vector<16xi32>], vector<16xi32>,
    %swap3A_213 = arith.constant 400 : index
    %swap3A_214 = tpu.vector_load %arg6[%swap3A_213] {strides = array<i32>} : memref<512xi32, #tpu.memory_space<vmem>>, vector<16xi32>,
    tpu.vector_store %arg6[%swap3A_213], %gather3A_212 {strides = array<i32>} : memref<512xi32, #tpu.memory_space<vmem>>, vector<16xi32>,
    %add3A_215 = arith.constant 20800 : i32
    %add3A_216 = vector.broadcast %add3A_215 : i32 to vector<16xi32>
    %add3A_217 = arith.addi %mul3A_5, %add3A_216 : vector<16xi32>
    %gather3A_218 = tpu.vector_load_idx %arg5[%add3A_217] : memref<25600xi32, #tpu.memory_space<vmem>>[vector<16xi32>], vector<16xi32>,
    %swap3A_219 = arith.constant 416 : index
    %swap3A_220 = tpu.vector_load %arg6[%swap3A_219] {strides = array<i32>} : memref<512xi32, #tpu.memory_space<vmem>>, vector<16xi32>,
    tpu.vector_store %arg6[%swap3A_219], %gather3A_218 {strides = array<i32>} : memref<512xi32, #tpu.memory_space<vmem>>, vector<16xi32>,
    %add3A_221 = arith.constant 21600 : i32
    %add3A_222 = vector.broadcast %add3A_221 : i32 to vector<16xi32>
    %add3A_223 = arith.addi %mul3A_5, %add3A_222 : vector<16xi32>
    %gather3A_224 = tpu.vector_load_idx %arg5[%add3A_223] : memref<25600xi32, #tpu.memory_space<vmem>>[vector<16xi32>], vector<16xi32>,
    %swap3A_225 = arith.constant 432 : index
    %swap3A_226 = tpu.vector_load %arg6[%swap3A_225] {strides = array<i32>} : memref<512xi32, #tpu.memory_space<vmem>>, vector<16xi32>,
    tpu.vector_store %arg6[%swap3A_225], %gather3A_224 {strides = array<i32>} : memref<512xi32, #tpu.memory_space<vmem>>, vector<16xi32>,
    %add3A_227 = arith.constant 22400 : i32
    %add3A_228 = vector.broadcast %add3A_227 : i32 to vector<16xi32>
    %add3A_229 = arith.addi %mul3A_5, %add3A_228 : vector<16xi32>
    %gather3A_230 = tpu.vector_load_idx %arg5[%add3A_229] : memref<25600xi32, #tpu.memory_space<vmem>>[vector<16xi32>], vector<16xi32>,
    %swap3A_231 = arith.constant 448 : index
    %swap3A_232 = tpu.vector_load %arg6[%swap3A_231] {strides = array<i32>} : memref<512xi32, #tpu.memory_space<vmem>>, vector<16xi32>,
    tpu.vector_store %arg6[%swap3A_231], %gather3A_230 {strides = array<i32>} : memref<512xi32, #tpu.memory_space<vmem>>, vector<16xi32>,
    %add3A_233 = arith.constant 23200 : i32
    %add3A_234 = vector.broadcast %add3A_233 : i32 to vector<16xi32>
    %add3A_235 = arith.addi %mul3A_5, %add3A_234 : vector<16xi32>
    %gather3A_236 = tpu.vector_load_idx %arg5[%add3A_235] : memref<25600xi32, #tpu.memory_space<vmem>>[vector<16xi32>], vector<16xi32>,
    %swap3A_237 = arith.constant 464 : index
    %swap3A_238 = tpu.vector_load %arg6[%swap3A_237] {strides = array<i32>} : memref<512xi32, #tpu.memory_space<vmem>>, vector<16xi32>,
    tpu.vector_store %arg6[%swap3A_237], %gather3A_236 {strides = array<i32>} : memref<512xi32, #tpu.memory_space<vmem>>, vector<16xi32>,
    %add3A_239 = arith.constant 24000 : i32
    %add3A_240 = vector.broadcast %add3A_239 : i32 to vector<16xi32>
    %add3A_241 = arith.addi %mul3A_5, %add3A_240 : vector<16xi32>
    %gather3A_242 = tpu.vector_load_idx %arg5[%add3A_241] : memref<25600xi32, #tpu.memory_space<vmem>>[vector<16xi32>], vector<16xi32>,
    %swap3A_243 = arith.constant 480 : index
    %swap3A_244 = tpu.vector_load %arg6[%swap3A_243] {strides = array<i32>} : memref<512xi32, #tpu.memory_space<vmem>>, vector<16xi32>,
    tpu.vector_store %arg6[%swap3A_243], %gather3A_242 {strides = array<i32>} : memref<512xi32, #tpu.memory_space<vmem>>, vector<16xi32>,
    %add3A_245 = arith.constant 24800 : i32
    %add3A_246 = vector.broadcast %add3A_245 : i32 to vector<16xi32>
    %add3A_247 = arith.addi %mul3A_5, %add3A_246 : vector<16xi32>
    %gather3A_248 = tpu.vector_load_idx %arg5[%add3A_247] : memref<25600xi32, #tpu.memory_space<vmem>>[vector<16xi32>], vector<16xi32>,
    %swap3A_249 = arith.constant 496 : index
    %swap3A_250 = tpu.vector_load %arg6[%swap3A_249] {strides = array<i32>} : memref<512xi32, #tpu.memory_space<vmem>>, vector<16xi32>,
    tpu.vector_store %arg6[%swap3A_249], %gather3A_248 {strides = array<i32>} : memref<512xi32, #tpu.memory_space<vmem>>, vector<16xi32>,
    %dma_start3A = arith.constant 0 : i32
    %dma_start3A_251 = arith.constant 0 : i32
    %dma_start3A_252 = tpu.memref_slice %arg2[%dma_start3A, %dma_start3A_251] : memref<1000000x64xf32, #tpu.memory_space<hbm>> -> memref<1000000x64xf32, #tpu.memory_space<hbm>>
    tpu.enqueue_indirect_dma source(%dma_start3A_252 : memref<1000000x64xf32, #tpu.memory_space<hbm>>) target(%arg8 : memref<512x64xf32, #tpu.memory_space<vmem>>) offsets(%arg6 : memref<512xi32, #tpu.memory_space<vmem>>) semaphore(%arg11 : memref<!tpu.dma_semaphore, #tpu.memory_space<semaphore_mem>>)
    %scan3A = arith.constant 0 : i32
    %scan3A_253 = arith.constant 0 : i32
    %scan3A_254 = arith.constant 25 : i32
    %scan3A_255 = arith.addi %scan3A_253, %scan3A_254 : i32
    %scan3A_256 = arith.constant 1 : i32
    scf.for %scan3A_441 = %scan3A_253 to %scan3A_255 step %scan3A_256  : i32 {
      %mul3A_442 = arith.constant 2 : i32
      %mul3A_443 = arith.muli %mul3A_442, %scan3A_441 : i32
      %dma_wait3A_444 = arith.constant 0 : i32
      %dma_wait3A_445 = arith.constant 0 : i32
      %dma_wait3A_446 = tpu.memref_slice %arg2[%dma_wait3A_444, %dma_wait3A_445] : memref<1000000x64xf32, #tpu.memory_space<hbm>> -> memref<1000000x64xf32, #tpu.memory_space<hbm>>
      tpu.wait_indirect_dma semaphore(%arg11 : memref<!tpu.dma_semaphore, #tpu.memory_space<semaphore_mem>>) src(%dma_wait3A_446 : memref<1000000x64xf32, #tpu.memory_space<hbm>>) dst(%arg8 : memref<512x64xf32, #tpu.memory_space<vmem>>)
      %lt3A_447 = arith.constant 49 : i32
      %lt3A_448 = arith.cmpi slt, %mul3A_443, %lt3A_447 : i32
      %convert_element_type3A = arith.extui %lt3A_448 : i1 to i32
      %cond3A = arith.constant 0 : i32
      %cond3A_449 = arith.cmpi ne, %convert_element_type3A, %cond3A : i32
      scf.if %cond3A_449 {
        %add3A_833 = arith.constant 1 : i32
        %add3A_834 = arith.addi %mul3A_443, %add3A_833 : i32
        %add3A_835 = arith.constant 0 : i32
        %add3A_836 = arith.addi %add3A_835, %add3A_834 : i32
        %add3A_837 = vector.broadcast %add3A_836 : i32 to vector<16xi32>
        %add3A_838 = arith.addi %mul3A_5, %add3A_837 : vector<16xi32>
        %gather3A_839 = tpu.vector_load_idx %arg5[%add3A_838] : memref<25600xi32, #tpu.memory_space<vmem>>[vector<16xi32>], vector<16xi32>,
        %swap3A_840 = arith.constant 0 : index
        %swap3A_841 = tpu.vector_load %arg7[%swap3A_840] {strides = array<i32>} : memref<512xi32, #tpu.memory_space<vmem>>, vector<16xi32>,
        tpu.vector_store %arg7[%swap3A_840], %gather3A_839 {strides = array<i32>} : memref<512xi32, #tpu.memory_space<vmem>>, vector<16xi32>,
        %add3A_842 = arith.constant 800 : i32
        %add3A_843 = arith.addi %add3A_842, %add3A_834 : i32
        %add3A_844 = vector.broadcast %add3A_843 : i32 to vector<16xi32>
        %add3A_845 = arith.addi %mul3A_5, %add3A_844 : vector<16xi32>
        %gather3A_846 = tpu.vector_load_idx %arg5[%add3A_845] : memref<25600xi32, #tpu.memory_space<vmem>>[vector<16xi32>], vector<16xi32>,
        %swap3A_847 = arith.constant 16 : index
        %swap3A_848 = tpu.vector_load %arg7[%swap3A_847] {strides = array<i32>} : memref<512xi32, #tpu.memory_space<vmem>>, vector<16xi32>,
        tpu.vector_store %arg7[%swap3A_847], %gather3A_846 {strides = array<i32>} : memref<512xi32, #tpu.memory_space<vmem>>, vector<16xi32>,
        %add3A_849 = arith.constant 1600 : i32
        %add3A_850 = arith.addi %add3A_849, %add3A_834 : i32
        %add3A_851 = vector.broadcast %add3A_850 : i32 to vector<16xi32>
        %add3A_852 = arith.addi %mul3A_5, %add3A_851 : vector<16xi32>
        %gather3A_853 = tpu.vector_load_idx %arg5[%add3A_852] : memref<25600xi32, #tpu.memory_space<vmem>>[vector<16xi32>], vector<16xi32>,
        %swap3A_854 = arith.constant 32 : index
        %swap3A_855 = tpu.vector_load %arg7[%swap3A_854] {strides = array<i32>} : memref<512xi32, #tpu.memory_space<vmem>>, vector<16xi32>,
        tpu.vector_store %arg7[%swap3A_854], %gather3A_853 {strides = array<i32>} : memref<512xi32, #tpu.memory_space<vmem>>, vector<16xi32>,
        %add3A_856 = arith.constant 2400 : i32
        %add3A_857 = arith.addi %add3A_856, %add3A_834 : i32
        %add3A_858 = vector.broadcast %add3A_857 : i32 to vector<16xi32>
        %add3A_859 = arith.addi %mul3A_5, %add3A_858 : vector<16xi32>
        %gather3A_860 = tpu.vector_load_idx %arg5[%add3A_859] : memref<25600xi32, #tpu.memory_space<vmem>>[vector<16xi32>], vector<16xi32>,
        %swap3A_861 = arith.constant 48 : index
        %swap3A_862 = tpu.vector_load %arg7[%swap3A_861] {strides = array<i32>} : memref<512xi32, #tpu.memory_space<vmem>>, vector<16xi32>,
        tpu.vector_store %arg7[%swap3A_861], %gather3A_860 {strides = array<i32>} : memref<512xi32, #tpu.memory_space<vmem>>, vector<16xi32>,
        %add3A_863 = arith.constant 3200 : i32
        %add3A_864 = arith.addi %add3A_863, %add3A_834 : i32
        %add3A_865 = vector.broadcast %add3A_864 : i32 to vector<16xi32>
        %add3A_866 = arith.addi %mul3A_5, %add3A_865 : vector<16xi32>
        %gather3A_867 = tpu.vector_load_idx %arg5[%add3A_866] : memref<25600xi32, #tpu.memory_space<vmem>>[vector<16xi32>], vector<16xi32>,
        %swap3A_868 = arith.constant 64 : index
        %swap3A_869 = tpu.vector_load %arg7[%swap3A_868] {strides = array<i32>} : memref<512xi32, #tpu.memory_space<vmem>>, vector<16xi32>,
        tpu.vector_store %arg7[%swap3A_868], %gather3A_867 {strides = array<i32>} : memref<512xi32, #tpu.memory_space<vmem>>, vector<16xi32>,
        %add3A_870 = arith.constant 4000 : i32
        %add3A_871 = arith.addi %add3A_870, %add3A_834 : i32
        %add3A_872 = vector.broadcast %add3A_871 : i32 to vector<16xi32>
        %add3A_873 = arith.addi %mul3A_5, %add3A_872 : vector<16xi32>
        %gather3A_874 = tpu.vector_load_idx %arg5[%add3A_873] : memref<25600xi32, #tpu.memory_space<vmem>>[vector<16xi32>], vector<16xi32>,
        %swap3A_875 = arith.constant 80 : index
        %swap3A_876 = tpu.vector_load %arg7[%swap3A_875] {strides = array<i32>} : memref<512xi32, #tpu.memory_space<vmem>>, vector<16xi32>,
        tpu.vector_store %arg7[%swap3A_875], %gather3A_874 {strides = array<i32>} : memref<512xi32, #tpu.memory_space<vmem>>, vector<16xi32>,
        %add3A_877 = arith.constant 4800 : i32
        %add3A_878 = arith.addi %add3A_877, %add3A_834 : i32
        %add3A_879 = vector.broadcast %add3A_878 : i32 to vector<16xi32>
        %add3A_880 = arith.addi %mul3A_5, %add3A_879 : vector<16xi32>
        %gather3A_881 = tpu.vector_load_idx %arg5[%add3A_880] : memref<25600xi32, #tpu.memory_space<vmem>>[vector<16xi32>], vector<16xi32>,
        %swap3A_882 = arith.constant 96 : index
        %swap3A_883 = tpu.vector_load %arg7[%swap3A_882] {strides = array<i32>} : memref<512xi32, #tpu.memory_space<vmem>>, vector<16xi32>,
        tpu.vector_store %arg7[%swap3A_882], %gather3A_881 {strides = array<i32>} : memref<512xi32, #tpu.memory_space<vmem>>, vector<16xi32>,
        %add3A_884 = arith.constant 5600 : i32
        %add3A_885 = arith.addi %add3A_884, %add3A_834 : i32
        %add3A_886 = vector.broadcast %add3A_885 : i32 to vector<16xi32>
        %add3A_887 = arith.addi %mul3A_5, %add3A_886 : vector<16xi32>
        %gather3A_888 = tpu.vector_load_idx %arg5[%add3A_887] : memref<25600xi32, #tpu.memory_space<vmem>>[vector<16xi32>], vector<16xi32>,
        %swap3A_889 = arith.constant 112 : index
        %swap3A_890 = tpu.vector_load %arg7[%swap3A_889] {strides = array<i32>} : memref<512xi32, #tpu.memory_space<vmem>>, vector<16xi32>,
        tpu.vector_store %arg7[%swap3A_889], %gather3A_888 {strides = array<i32>} : memref<512xi32, #tpu.memory_space<vmem>>, vector<16xi32>,
        %add3A_891 = arith.constant 6400 : i32
        %add3A_892 = arith.addi %add3A_891, %add3A_834 : i32
        %add3A_893 = vector.broadcast %add3A_892 : i32 to vector<16xi32>
        %add3A_894 = arith.addi %mul3A_5, %add3A_893 : vector<16xi32>
        %gather3A_895 = tpu.vector_load_idx %arg5[%add3A_894] : memref<25600xi32, #tpu.memory_space<vmem>>[vector<16xi32>], vector<16xi32>,
        %swap3A_896 = arith.constant 128 : index
        %swap3A_897 = tpu.vector_load %arg7[%swap3A_896] {strides = array<i32>} : memref<512xi32, #tpu.memory_space<vmem>>, vector<16xi32>,
        tpu.vector_store %arg7[%swap3A_896], %gather3A_895 {strides = array<i32>} : memref<512xi32, #tpu.memory_space<vmem>>, vector<16xi32>,
        %add3A_898 = arith.constant 7200 : i32
        %add3A_899 = arith.addi %add3A_898, %add3A_834 : i32
        %add3A_900 = vector.broadcast %add3A_899 : i32 to vector<16xi32>
        %add3A_901 = arith.addi %mul3A_5, %add3A_900 : vector<16xi32>
        %gather3A_902 = tpu.vector_load_idx %arg5[%add3A_901] : memref<25600xi32, #tpu.memory_space<vmem>>[vector<16xi32>], vector<16xi32>,
        %swap3A_903 = arith.constant 144 : index
        %swap3A_904 = tpu.vector_load %arg7[%swap3A_903] {strides = array<i32>} : memref<512xi32, #tpu.memory_space<vmem>>, vector<16xi32>,
        tpu.vector_store %arg7[%swap3A_903], %gather3A_902 {strides = array<i32>} : memref<512xi32, #tpu.memory_space<vmem>>, vector<16xi32>,
        %add3A_905 = arith.constant 8000 : i32
        %add3A_906 = arith.addi %add3A_905, %add3A_834 : i32
        %add3A_907 = vector.broadcast %add3A_906 : i32 to vector<16xi32>
        %add3A_908 = arith.addi %mul3A_5, %add3A_907 : vector<16xi32>
        %gather3A_909 = tpu.vector_load_idx %arg5[%add3A_908] : memref<25600xi32, #tpu.memory_space<vmem>>[vector<16xi32>], vector<16xi32>,
        %swap3A_910 = arith.constant 160 : index
        %swap3A_911 = tpu.vector_load %arg7[%swap3A_910] {strides = array<i32>} : memref<512xi32, #tpu.memory_space<vmem>>, vector<16xi32>,
        tpu.vector_store %arg7[%swap3A_910], %gather3A_909 {strides = array<i32>} : memref<512xi32, #tpu.memory_space<vmem>>, vector<16xi32>,
        %add3A_912 = arith.constant 8800 : i32
        %add3A_913 = arith.addi %add3A_912, %add3A_834 : i32
        %add3A_914 = vector.broadcast %add3A_913 : i32 to vector<16xi32>
        %add3A_915 = arith.addi %mul3A_5, %add3A_914 : vector<16xi32>
        %gather3A_916 = tpu.vector_load_idx %arg5[%add3A_915] : memref<25600xi32, #tpu.memory_space<vmem>>[vector<16xi32>], vector<16xi32>,
        %swap3A_917 = arith.constant 176 : index
        %swap3A_918 = tpu.vector_load %arg7[%swap3A_917] {strides = array<i32>} : memref<512xi32, #tpu.memory_space<vmem>>, vector<16xi32>,
        tpu.vector_store %arg7[%swap3A_917], %gather3A_916 {strides = array<i32>} : memref<512xi32, #tpu.memory_space<vmem>>, vector<16xi32>,
        %add3A_919 = arith.constant 9600 : i32
        %add3A_920 = arith.addi %add3A_919, %add3A_834 : i32
        %add3A_921 = vector.broadcast %add3A_920 : i32 to vector<16xi32>
        %add3A_922 = arith.addi %mul3A_5, %add3A_921 : vector<16xi32>
        %gather3A_923 = tpu.vector_load_idx %arg5[%add3A_922] : memref<25600xi32, #tpu.memory_space<vmem>>[vector<16xi32>], vector<16xi32>,
        %swap3A_924 = arith.constant 192 : index
        %swap3A_925 = tpu.vector_load %arg7[%swap3A_924] {strides = array<i32>} : memref<512xi32, #tpu.memory_space<vmem>>, vector<16xi32>,
        tpu.vector_store %arg7[%swap3A_924], %gather3A_923 {strides = array<i32>} : memref<512xi32, #tpu.memory_space<vmem>>, vector<16xi32>,
        %add3A_926 = arith.constant 10400 : i32
        %add3A_927 = arith.addi %add3A_926, %add3A_834 : i32
        %add3A_928 = vector.broadcast %add3A_927 : i32 to vector<16xi32>
        %add3A_929 = arith.addi %mul3A_5, %add3A_928 : vector<16xi32>
        %gather3A_930 = tpu.vector_load_idx %arg5[%add3A_929] : memref<25600xi32, #tpu.memory_space<vmem>>[vector<16xi32>], vector<16xi32>,
        %swap3A_931 = arith.constant 208 : index
        %swap3A_932 = tpu.vector_load %arg7[%swap3A_931] {strides = array<i32>} : memref<512xi32, #tpu.memory_space<vmem>>, vector<16xi32>,
        tpu.vector_store %arg7[%swap3A_931], %gather3A_930 {strides = array<i32>} : memref<512xi32, #tpu.memory_space<vmem>>, vector<16xi32>,
        %add3A_933 = arith.constant 11200 : i32
        %add3A_934 = arith.addi %add3A_933, %add3A_834 : i32
        %add3A_935 = vector.broadcast %add3A_934 : i32 to vector<16xi32>
        %add3A_936 = arith.addi %mul3A_5, %add3A_935 : vector<16xi32>
        %gather3A_937 = tpu.vector_load_idx %arg5[%add3A_936] : memref<25600xi32, #tpu.memory_space<vmem>>[vector<16xi32>], vector<16xi32>,
        %swap3A_938 = arith.constant 224 : index
        %swap3A_939 = tpu.vector_load %arg7[%swap3A_938] {strides = array<i32>} : memref<512xi32, #tpu.memory_space<vmem>>, vector<16xi32>,
        tpu.vector_store %arg7[%swap3A_938], %gather3A_937 {strides = array<i32>} : memref<512xi32, #tpu.memory_space<vmem>>, vector<16xi32>,
        %add3A_940 = arith.constant 12000 : i32
        %add3A_941 = arith.addi %add3A_940, %add3A_834 : i32
        %add3A_942 = vector.broadcast %add3A_941 : i32 to vector<16xi32>
        %add3A_943 = arith.addi %mul3A_5, %add3A_942 : vector<16xi32>
        %gather3A_944 = tpu.vector_load_idx %arg5[%add3A_943] : memref<25600xi32, #tpu.memory_space<vmem>>[vector<16xi32>], vector<16xi32>,
        %swap3A_945 = arith.constant 240 : index
        %swap3A_946 = tpu.vector_load %arg7[%swap3A_945] {strides = array<i32>} : memref<512xi32, #tpu.memory_space<vmem>>, vector<16xi32>,
        tpu.vector_store %arg7[%swap3A_945], %gather3A_944 {strides = array<i32>} : memref<512xi32, #tpu.memory_space<vmem>>, vector<16xi32>,
        %add3A_947 = arith.constant 12800 : i32
        %add3A_948 = arith.addi %add3A_947, %add3A_834 : i32
        %add3A_949 = vector.broadcast %add3A_948 : i32 to vector<16xi32>
        %add3A_950 = arith.addi %mul3A_5, %add3A_949 : vector<16xi32>
        %gather3A_951 = tpu.vector_load_idx %arg5[%add3A_950] : memref<25600xi32, #tpu.memory_space<vmem>>[vector<16xi32>], vector<16xi32>,
        %swap3A_952 = arith.constant 256 : index
        %swap3A_953 = tpu.vector_load %arg7[%swap3A_952] {strides = array<i32>} : memref<512xi32, #tpu.memory_space<vmem>>, vector<16xi32>,
        tpu.vector_store %arg7[%swap3A_952], %gather3A_951 {strides = array<i32>} : memref<512xi32, #tpu.memory_space<vmem>>, vector<16xi32>,
        %add3A_954 = arith.constant 13600 : i32
        %add3A_955 = arith.addi %add3A_954, %add3A_834 : i32
        %add3A_956 = vector.broadcast %add3A_955 : i32 to vector<16xi32>
        %add3A_957 = arith.addi %mul3A_5, %add3A_956 : vector<16xi32>
        %gather3A_958 = tpu.vector_load_idx %arg5[%add3A_957] : memref<25600xi32, #tpu.memory_space<vmem>>[vector<16xi32>], vector<16xi32>,
        %swap3A_959 = arith.constant 272 : index
        %swap3A_960 = tpu.vector_load %arg7[%swap3A_959] {strides = array<i32>} : memref<512xi32, #tpu.memory_space<vmem>>, vector<16xi32>,
        tpu.vector_store %arg7[%swap3A_959], %gather3A_958 {strides = array<i32>} : memref<512xi32, #tpu.memory_space<vmem>>, vector<16xi32>,
        %add3A_961 = arith.constant 14400 : i32
        %add3A_962 = arith.addi %add3A_961, %add3A_834 : i32
        %add3A_963 = vector.broadcast %add3A_962 : i32 to vector<16xi32>
        %add3A_964 = arith.addi %mul3A_5, %add3A_963 : vector<16xi32>
        %gather3A_965 = tpu.vector_load_idx %arg5[%add3A_964] : memref<25600xi32, #tpu.memory_space<vmem>>[vector<16xi32>], vector<16xi32>,
        %swap3A_966 = arith.constant 288 : index
        %swap3A_967 = tpu.vector_load %arg7[%swap3A_966] {strides = array<i32>} : memref<512xi32, #tpu.memory_space<vmem>>, vector<16xi32>,
        tpu.vector_store %arg7[%swap3A_966], %gather3A_965 {strides = array<i32>} : memref<512xi32, #tpu.memory_space<vmem>>, vector<16xi32>,
        %add3A_968 = arith.constant 15200 : i32
        %add3A_969 = arith.addi %add3A_968, %add3A_834 : i32
        %add3A_970 = vector.broadcast %add3A_969 : i32 to vector<16xi32>
        %add3A_971 = arith.addi %mul3A_5, %add3A_970 : vector<16xi32>
        %gather3A_972 = tpu.vector_load_idx %arg5[%add3A_971] : memref<25600xi32, #tpu.memory_space<vmem>>[vector<16xi32>], vector<16xi32>,
        %swap3A_973 = arith.constant 304 : index
        %swap3A_974 = tpu.vector_load %arg7[%swap3A_973] {strides = array<i32>} : memref<512xi32, #tpu.memory_space<vmem>>, vector<16xi32>,
        tpu.vector_store %arg7[%swap3A_973], %gather3A_972 {strides = array<i32>} : memref<512xi32, #tpu.memory_space<vmem>>, vector<16xi32>,
        %add3A_975 = arith.constant 16000 : i32
        %add3A_976 = arith.addi %add3A_975, %add3A_834 : i32
        %add3A_977 = vector.broadcast %add3A_976 : i32 to vector<16xi32>
        %add3A_978 = arith.addi %mul3A_5, %add3A_977 : vector<16xi32>
        %gather3A_979 = tpu.vector_load_idx %arg5[%add3A_978] : memref<25600xi32, #tpu.memory_space<vmem>>[vector<16xi32>], vector<16xi32>,
        %swap3A_980 = arith.constant 320 : index
        %swap3A_981 = tpu.vector_load %arg7[%swap3A_980] {strides = array<i32>} : memref<512xi32, #tpu.memory_space<vmem>>, vector<16xi32>,
        tpu.vector_store %arg7[%swap3A_980], %gather3A_979 {strides = array<i32>} : memref<512xi32, #tpu.memory_space<vmem>>, vector<16xi32>,
        %add3A_982 = arith.constant 16800 : i32
        %add3A_983 = arith.addi %add3A_982, %add3A_834 : i32
        %add3A_984 = vector.broadcast %add3A_983 : i32 to vector<16xi32>
        %add3A_985 = arith.addi %mul3A_5, %add3A_984 : vector<16xi32>
        %gather3A_986 = tpu.vector_load_idx %arg5[%add3A_985] : memref<25600xi32, #tpu.memory_space<vmem>>[vector<16xi32>], vector<16xi32>,
        %swap3A_987 = arith.constant 336 : index
        %swap3A_988 = tpu.vector_load %arg7[%swap3A_987] {strides = array<i32>} : memref<512xi32, #tpu.memory_space<vmem>>, vector<16xi32>,
        tpu.vector_store %arg7[%swap3A_987], %gather3A_986 {strides = array<i32>} : memref<512xi32, #tpu.memory_space<vmem>>, vector<16xi32>,
        %add3A_989 = arith.constant 17600 : i32
        %add3A_990 = arith.addi %add3A_989, %add3A_834 : i32
        %add3A_991 = vector.broadcast %add3A_990 : i32 to vector<16xi32>
        %add3A_992 = arith.addi %mul3A_5, %add3A_991 : vector<16xi32>
        %gather3A_993 = tpu.vector_load_idx %arg5[%add3A_992] : memref<25600xi32, #tpu.memory_space<vmem>>[vector<16xi32>], vector<16xi32>,
        %swap3A_994 = arith.constant 352 : index
        %swap3A_995 = tpu.vector_load %arg7[%swap3A_994] {strides = array<i32>} : memref<512xi32, #tpu.memory_space<vmem>>, vector<16xi32>,
        tpu.vector_store %arg7[%swap3A_994], %gather3A_993 {strides = array<i32>} : memref<512xi32, #tpu.memory_space<vmem>>, vector<16xi32>,
        %add3A_996 = arith.constant 18400 : i32
        %add3A_997 = arith.addi %add3A_996, %add3A_834 : i32
        %add3A_998 = vector.broadcast %add3A_997 : i32 to vector<16xi32>
        %add3A_999 = arith.addi %mul3A_5, %add3A_998 : vector<16xi32>
        %gather3A_1000 = tpu.vector_load_idx %arg5[%add3A_999] : memref<25600xi32, #tpu.memory_space<vmem>>[vector<16xi32>], vector<16xi32>,
        %swap3A_1001 = arith.constant 368 : index
        %swap3A_1002 = tpu.vector_load %arg7[%swap3A_1001] {strides = array<i32>} : memref<512xi32, #tpu.memory_space<vmem>>, vector<16xi32>,
        tpu.vector_store %arg7[%swap3A_1001], %gather3A_1000 {strides = array<i32>} : memref<512xi32, #tpu.memory_space<vmem>>, vector<16xi32>,
        %add3A_1003 = arith.constant 19200 : i32
        %add3A_1004 = arith.addi %add3A_1003, %add3A_834 : i32
        %add3A_1005 = vector.broadcast %add3A_1004 : i32 to vector<16xi32>
        %add3A_1006 = arith.addi %mul3A_5, %add3A_1005 : vector<16xi32>
        %gather3A_1007 = tpu.vector_load_idx %arg5[%add3A_1006] : memref<25600xi32, #tpu.memory_space<vmem>>[vector<16xi32>], vector<16xi32>,
        %swap3A_1008 = arith.constant 384 : index
        %swap3A_1009 = tpu.vector_load %arg7[%swap3A_1008] {strides = array<i32>} : memref<512xi32, #tpu.memory_space<vmem>>, vector<16xi32>,
        tpu.vector_store %arg7[%swap3A_1008], %gather3A_1007 {strides = array<i32>} : memref<512xi32, #tpu.memory_space<vmem>>, vector<16xi32>,
        %add3A_1010 = arith.constant 20000 : i32
        %add3A_1011 = arith.addi %add3A_1010, %add3A_834 : i32
        %add3A_1012 = vector.broadcast %add3A_1011 : i32 to vector<16xi32>
        %add3A_1013 = arith.addi %mul3A_5, %add3A_1012 : vector<16xi32>
        %gather3A_1014 = tpu.vector_load_idx %arg5[%add3A_1013] : memref<25600xi32, #tpu.memory_space<vmem>>[vector<16xi32>], vector<16xi32>,
        %swap3A_1015 = arith.constant 400 : index
        %swap3A_1016 = tpu.vector_load %arg7[%swap3A_1015] {strides = array<i32>} : memref<512xi32, #tpu.memory_space<vmem>>, vector<16xi32>,
        tpu.vector_store %arg7[%swap3A_1015], %gather3A_1014 {strides = array<i32>} : memref<512xi32, #tpu.memory_space<vmem>>, vector<16xi32>,
        %add3A_1017 = arith.constant 20800 : i32
        %add3A_1018 = arith.addi %add3A_1017, %add3A_834 : i32
        %add3A_1019 = vector.broadcast %add3A_1018 : i32 to vector<16xi32>
        %add3A_1020 = arith.addi %mul3A_5, %add3A_1019 : vector<16xi32>
        %gather3A_1021 = tpu.vector_load_idx %arg5[%add3A_1020] : memref<25600xi32, #tpu.memory_space<vmem>>[vector<16xi32>], vector<16xi32>,
        %swap3A_1022 = arith.constant 416 : index
        %swap3A_1023 = tpu.vector_load %arg7[%swap3A_1022] {strides = array<i32>} : memref<512xi32, #tpu.memory_space<vmem>>, vector<16xi32>,
        tpu.vector_store %arg7[%swap3A_1022], %gather3A_1021 {strides = array<i32>} : memref<512xi32, #tpu.memory_space<vmem>>, vector<16xi32>,
        %add3A_1024 = arith.constant 21600 : i32
        %add3A_1025 = arith.addi %add3A_1024, %add3A_834 : i32
        %add3A_1026 = vector.broadcast %add3A_1025 : i32 to vector<16xi32>
        %add3A_1027 = arith.addi %mul3A_5, %add3A_1026 : vector<16xi32>
        %gather3A_1028 = tpu.vector_load_idx %arg5[%add3A_1027] : memref<25600xi32, #tpu.memory_space<vmem>>[vector<16xi32>], vector<16xi32>,
        %swap3A_1029 = arith.constant 432 : index
        %swap3A_1030 = tpu.vector_load %arg7[%swap3A_1029] {strides = array<i32>} : memref<512xi32, #tpu.memory_space<vmem>>, vector<16xi32>,
        tpu.vector_store %arg7[%swap3A_1029], %gather3A_1028 {strides = array<i32>} : memref<512xi32, #tpu.memory_space<vmem>>, vector<16xi32>,
        %add3A_1031 = arith.constant 22400 : i32
        %add3A_1032 = arith.addi %add3A_1031, %add3A_834 : i32
        %add3A_1033 = vector.broadcast %add3A_1032 : i32 to vector<16xi32>
        %add3A_1034 = arith.addi %mul3A_5, %add3A_1033 : vector<16xi32>
        %gather3A_1035 = tpu.vector_load_idx %arg5[%add3A_1034] : memref<25600xi32, #tpu.memory_space<vmem>>[vector<16xi32>], vector<16xi32>,
        %swap3A_1036 = arith.constant 448 : index
        %swap3A_1037 = tpu.vector_load %arg7[%swap3A_1036] {strides = array<i32>} : memref<512xi32, #tpu.memory_space<vmem>>, vector<16xi32>,
        tpu.vector_store %arg7[%swap3A_1036], %gather3A_1035 {strides = array<i32>} : memref<512xi32, #tpu.memory_space<vmem>>, vector<16xi32>,
        %add3A_1038 = arith.constant 23200 : i32
        %add3A_1039 = arith.addi %add3A_1038, %add3A_834 : i32
        %add3A_1040 = vector.broadcast %add3A_1039 : i32 to vector<16xi32>
        %add3A_1041 = arith.addi %mul3A_5, %add3A_1040 : vector<16xi32>
        %gather3A_1042 = tpu.vector_load_idx %arg5[%add3A_1041] : memref<25600xi32, #tpu.memory_space<vmem>>[vector<16xi32>], vector<16xi32>,
        %swap3A_1043 = arith.constant 464 : index
        %swap3A_1044 = tpu.vector_load %arg7[%swap3A_1043] {strides = array<i32>} : memref<512xi32, #tpu.memory_space<vmem>>, vector<16xi32>,
        tpu.vector_store %arg7[%swap3A_1043], %gather3A_1042 {strides = array<i32>} : memref<512xi32, #tpu.memory_space<vmem>>, vector<16xi32>,
        %add3A_1045 = arith.constant 24000 : i32
        %add3A_1046 = arith.addi %add3A_1045, %add3A_834 : i32
        %add3A_1047 = vector.broadcast %add3A_1046 : i32 to vector<16xi32>
        %add3A_1048 = arith.addi %mul3A_5, %add3A_1047 : vector<16xi32>
        %gather3A_1049 = tpu.vector_load_idx %arg5[%add3A_1048] : memref<25600xi32, #tpu.memory_space<vmem>>[vector<16xi32>], vector<16xi32>,
        %swap3A_1050 = arith.constant 480 : index
        %swap3A_1051 = tpu.vector_load %arg7[%swap3A_1050] {strides = array<i32>} : memref<512xi32, #tpu.memory_space<vmem>>, vector<16xi32>,
        tpu.vector_store %arg7[%swap3A_1050], %gather3A_1049 {strides = array<i32>} : memref<512xi32, #tpu.memory_space<vmem>>, vector<16xi32>,
        %add3A_1052 = arith.constant 24800 : i32
        %add3A_1053 = arith.addi %add3A_1052, %add3A_834 : i32
        %add3A_1054 = vector.broadcast %add3A_1053 : i32 to vector<16xi32>
        %add3A_1055 = arith.addi %mul3A_5, %add3A_1054 : vector<16xi32>
        %gather3A_1056 = tpu.vector_load_idx %arg5[%add3A_1055] : memref<25600xi32, #tpu.memory_space<vmem>>[vector<16xi32>], vector<16xi32>,
        %swap3A_1057 = arith.constant 496 : index
        %swap3A_1058 = tpu.vector_load %arg7[%swap3A_1057] {strides = array<i32>} : memref<512xi32, #tpu.memory_space<vmem>>, vector<16xi32>,
        tpu.vector_store %arg7[%swap3A_1057], %gather3A_1056 {strides = array<i32>} : memref<512xi32, #tpu.memory_space<vmem>>, vector<16xi32>,
        %dma_start3A_1059 = arith.constant 0 : i32
        %dma_start3A_1060 = arith.constant 0 : i32
        %dma_start3A_1061 = tpu.memref_slice %arg2[%dma_start3A_1059, %dma_start3A_1060] : memref<1000000x64xf32, #tpu.memory_space<hbm>> -> memref<1000000x64xf32, #tpu.memory_space<hbm>>
        tpu.enqueue_indirect_dma source(%dma_start3A_1061 : memref<1000000x64xf32, #tpu.memory_space<hbm>>) target(%arg9 : memref<512x64xf32, #tpu.memory_space<vmem>>) offsets(%arg7 : memref<512xi32, #tpu.memory_space<vmem>>) semaphore(%arg12 : memref<!tpu.dma_semaphore, #tpu.memory_space<semaphore_mem>>)
      } else {
      }
      %gt3A = arith.constant 0 : i32
      %gt3A_450 = arith.cmpi sgt, %mul3A_443, %gt3A : i32
      %convert_element_type3A_451 = arith.extui %gt3A_450 : i1 to i32
      %cond3A_452 = arith.constant 0 : i32
      %cond3A_453 = arith.cmpi ne, %convert_element_type3A_451, %cond3A_452 : i32
      scf.if %cond3A_453 {
        %sub3A_833 = arith.constant 1 : i32
        %sub3A_834 = arith.subi %mul3A_443, %sub3A_833 : i32
        %mul3A_835 = arith.constant 4 : i32
        %mul3A_836 = arith.muli %mul3A_835, %add3A : i32
        %dma_wait3A_837 = arith.constant 0 : i32
        %dma_wait3A_838 = arith.constant 0 : i32
        %dma_wait3A_839 = arith.constant 0 : i32
        %dma_wait3A_840 = arith.constant 0 : i32
        %dma_wait3A_841 = arith.constant 0 : i32
        %dma_wait3A_842 = tpu.memref_slice %arg10[%dma_wait3A_839, %dma_wait3A_837, %dma_wait3A_840, %dma_wait3A_841] : memref<4x8x8x129xf32, #tpu.memory_space<vmem>> -> memref<4x1x8x128xf32, #tpu.memory_space<vmem>>
        %dma_wait3A_843 = tpu.memref_squeeze %dma_wait3A_842 : memref<4x1x8x128xf32, #tpu.memory_space<vmem>> -> memref<4x8x128xf32, #tpu.memory_space<vmem>>
        %dma_wait3A_844 = arith.constant 0 : i32
        %dma_wait3A_845 = arith.constant 0 : i32
        %dma_wait3A_846 = tpu.memref_slice %arg4[%sub3A_834, %dma_wait3A_838, %mul3A_836, %dma_wait3A_844, %dma_wait3A_845] : memref<50x8x128x8x128xf32, #tpu.memory_space<hbm>> -> memref<1x1x4x8x128xf32, #tpu.memory_space<hbm>>
        %dma_wait3A_847 = tpu.memref_squeeze %dma_wait3A_846 : memref<1x1x4x8x128xf32, #tpu.memory_space<hbm>> -> memref<4x8x128xf32, #tpu.memory_space<hbm>>
        %dma_wait3A_848 = arith.constant 0 : i32
        %dma_wait3A_849 = arith.constant 0 : i32
        %dma_wait3A_850 = tpu.memref_slice %arg4[%sub3A_834, %dma_wait3A_838, %mul3A_836, %dma_wait3A_848, %dma_wait3A_849] : memref<50x8x128x8x128xf32, #tpu.memory_space<hbm>> -> memref<1x1x4x8x128xf32, #tpu.memory_space<hbm>>
        %dma_wait3A_851 = tpu.memref_squeeze %dma_wait3A_850 : memref<1x1x4x8x128xf32, #tpu.memory_space<hbm>> -> memref<4x8x128xf32, #tpu.memory_space<hbm>>
        %dma_wait3A_852 = arith.constant 0 : i32
        %dma_wait3A_853 = arith.constant 0 : i32
        %dma_wait3A_854 = arith.constant 0 : i32
        %dma_wait3A_855 = tpu.memref_slice %arg10[%dma_wait3A_852, %dma_wait3A_837, %dma_wait3A_853, %dma_wait3A_854] : memref<4x8x8x129xf32, #tpu.memory_space<vmem>> -> memref<4x1x8x128xf32, #tpu.memory_space<vmem>>
        %dma_wait3A_856 = tpu.memref_squeeze %dma_wait3A_855 : memref<4x1x8x128xf32, #tpu.memory_space<vmem>> -> memref<4x8x128xf32, #tpu.memory_space<vmem>>
        tpu.wait_dma2 semaphore(%arg13 : memref<!tpu.dma_semaphore, #tpu.memory_space<semaphore_mem>>) src(%dma_wait3A_856 : memref<4x8x128xf32, #tpu.memory_space<vmem>>) dst(%dma_wait3A_851 : memref<4x8x128xf32, #tpu.memory_space<hbm>>)
        %mul3A_857 = arith.constant 4 : i32
        %mul3A_858 = arith.muli %mul3A_857, %add3A : i32
        %dma_wait3A_859 = arith.constant 1 : i32
        %dma_wait3A_860 = arith.constant 1 : i32
        %dma_wait3A_861 = arith.constant 0 : i32
        %dma_wait3A_862 = arith.constant 0 : i32
        %dma_wait3A_863 = arith.constant 0 : i32
        %dma_wait3A_864 = tpu.memref_slice %arg10[%dma_wait3A_861, %dma_wait3A_859, %dma_wait3A_862, %dma_wait3A_863] : memref<4x8x8x129xf32, #tpu.memory_space<vmem>> -> memref<4x1x8x128xf32, #tpu.memory_space<vmem>>
        %dma_wait3A_865 = tpu.memref_squeeze %dma_wait3A_864 : memref<4x1x8x128xf32, #tpu.memory_space<vmem>> -> memref<4x8x128xf32, #tpu.memory_space<vmem>>
        %dma_wait3A_866 = arith.constant 0 : i32
        %dma_wait3A_867 = arith.constant 0 : i32
        %dma_wait3A_868 = tpu.memref_slice %arg4[%sub3A_834, %dma_wait3A_860, %mul3A_858, %dma_wait3A_866, %dma_wait3A_867] : memref<50x8x128x8x128xf32, #tpu.memory_space<hbm>> -> memref<1x1x4x8x128xf32, #tpu.memory_space<hbm>>
        %dma_wait3A_869 = tpu.memref_squeeze %dma_wait3A_868 : memref<1x1x4x8x128xf32, #tpu.memory_space<hbm>> -> memref<4x8x128xf32, #tpu.memory_space<hbm>>
        %dma_wait3A_870 = arith.constant 0 : i32
        %dma_wait3A_871 = arith.constant 0 : i32
        %dma_wait3A_872 = tpu.memref_slice %arg4[%sub3A_834, %dma_wait3A_860, %mul3A_858, %dma_wait3A_870, %dma_wait3A_871] : memref<50x8x128x8x128xf32, #tpu.memory_space<hbm>> -> memref<1x1x4x8x128xf32, #tpu.memory_space<hbm>>
        %dma_wait3A_873 = tpu.memref_squeeze %dma_wait3A_872 : memref<1x1x4x8x128xf32, #tpu.memory_space<hbm>> -> memref<4x8x128xf32, #tpu.memory_space<hbm>>
        %dma_wait3A_874 = arith.constant 0 : i32
        %dma_wait3A_875 = arith.constant 0 : i32
        %dma_wait3A_876 = arith.constant 0 : i32
        %dma_wait3A_877 = tpu.memref_slice %arg10[%dma_wait3A_874, %dma_wait3A_859, %dma_wait3A_875, %dma_wait3A_876] : memref<4x8x8x129xf32, #tpu.memory_space<vmem>> -> memref<4x1x8x128xf32, #tpu.memory_space<vmem>>
        %dma_wait3A_878 = tpu.memref_squeeze %dma_wait3A_877 : memref<4x1x8x128xf32, #tpu.memory_space<vmem>> -> memref<4x8x128xf32, #tpu.memory_space<vmem>>
        tpu.wait_dma2 semaphore(%arg13 : memref<!tpu.dma_semaphore, #tpu.memory_space<semaphore_mem>>) src(%dma_wait3A_878 : memref<4x8x128xf32, #tpu.memory_space<vmem>>) dst(%dma_wait3A_873 : memref<4x8x128xf32, #tpu.memory_space<hbm>>)
        %mul3A_879 = arith.constant 4 : i32
        %mul3A_880 = arith.muli %mul3A_879, %add3A : i32
        %dma_wait3A_881 = arith.constant 2 : i32
        %dma_wait3A_882 = arith.constant 2 : i32
        %dma_wait3A_883 = arith.constant 0 : i32
        %dma_wait3A_884 = arith.constant 0 : i32
        %dma_wait3A_885 = arith.constant 0 : i32
        %dma_wait3A_886 = tpu.memref_slice %arg10[%dma_wait3A_883, %dma_wait3A_881, %dma_wait3A_884, %dma_wait3A_885] : memref<4x8x8x129xf32, #tpu.memory_space<vmem>> -> memref<4x1x8x128xf32, #tpu.memory_space<vmem>>
        %dma_wait3A_887 = tpu.memref_squeeze %dma_wait3A_886 : memref<4x1x8x128xf32, #tpu.memory_space<vmem>> -> memref<4x8x128xf32, #tpu.memory_space<vmem>>
        %dma_wait3A_888 = arith.constant 0 : i32
        %dma_wait3A_889 = arith.constant 0 : i32
        %dma_wait3A_890 = tpu.memref_slice %arg4[%sub3A_834, %dma_wait3A_882, %mul3A_880, %dma_wait3A_888, %dma_wait3A_889] : memref<50x8x128x8x128xf32, #tpu.memory_space<hbm>> -> memref<1x1x4x8x128xf32, #tpu.memory_space<hbm>>
        %dma_wait3A_891 = tpu.memref_squeeze %dma_wait3A_890 : memref<1x1x4x8x128xf32, #tpu.memory_space<hbm>> -> memref<4x8x128xf32, #tpu.memory_space<hbm>>
        %dma_wait3A_892 = arith.constant 0 : i32
        %dma_wait3A_893 = arith.constant 0 : i32
        %dma_wait3A_894 = tpu.memref_slice %arg4[%sub3A_834, %dma_wait3A_882, %mul3A_880, %dma_wait3A_892, %dma_wait3A_893] : memref<50x8x128x8x128xf32, #tpu.memory_space<hbm>> -> memref<1x1x4x8x128xf32, #tpu.memory_space<hbm>>
        %dma_wait3A_895 = tpu.memref_squeeze %dma_wait3A_894 : memref<1x1x4x8x128xf32, #tpu.memory_space<hbm>> -> memref<4x8x128xf32, #tpu.memory_space<hbm>>
        %dma_wait3A_896 = arith.constant 0 : i32
        %dma_wait3A_897 = arith.constant 0 : i32
        %dma_wait3A_898 = arith.constant 0 : i32
        %dma_wait3A_899 = tpu.memref_slice %arg10[%dma_wait3A_896, %dma_wait3A_881, %dma_wait3A_897, %dma_wait3A_898] : memref<4x8x8x129xf32, #tpu.memory_space<vmem>> -> memref<4x1x8x128xf32, #tpu.memory_space<vmem>>
        %dma_wait3A_900 = tpu.memref_squeeze %dma_wait3A_899 : memref<4x1x8x128xf32, #tpu.memory_space<vmem>> -> memref<4x8x128xf32, #tpu.memory_space<vmem>>
        tpu.wait_dma2 semaphore(%arg13 : memref<!tpu.dma_semaphore, #tpu.memory_space<semaphore_mem>>) src(%dma_wait3A_900 : memref<4x8x128xf32, #tpu.memory_space<vmem>>) dst(%dma_wait3A_895 : memref<4x8x128xf32, #tpu.memory_space<hbm>>)
        %mul3A_901 = arith.constant 4 : i32
        %mul3A_902 = arith.muli %mul3A_901, %add3A : i32
        %dma_wait3A_903 = arith.constant 3 : i32
        %dma_wait3A_904 = arith.constant 3 : i32
        %dma_wait3A_905 = arith.constant 0 : i32
        %dma_wait3A_906 = arith.constant 0 : i32
        %dma_wait3A_907 = arith.constant 0 : i32
        %dma_wait3A_908 = tpu.memref_slice %arg10[%dma_wait3A_905, %dma_wait3A_903, %dma_wait3A_906, %dma_wait3A_907] : memref<4x8x8x129xf32, #tpu.memory_space<vmem>> -> memref<4x1x8x128xf32, #tpu.memory_space<vmem>>
        %dma_wait3A_909 = tpu.memref_squeeze %dma_wait3A_908 : memref<4x1x8x128xf32, #tpu.memory_space<vmem>> -> memref<4x8x128xf32, #tpu.memory_space<vmem>>
        %dma_wait3A_910 = arith.constant 0 : i32
        %dma_wait3A_911 = arith.constant 0 : i32
        %dma_wait3A_912 = tpu.memref_slice %arg4[%sub3A_834, %dma_wait3A_904, %mul3A_902, %dma_wait3A_910, %dma_wait3A_911] : memref<50x8x128x8x128xf32, #tpu.memory_space<hbm>> -> memref<1x1x4x8x128xf32, #tpu.memory_space<hbm>>
        %dma_wait3A_913 = tpu.memref_squeeze %dma_wait3A_912 : memref<1x1x4x8x128xf32, #tpu.memory_space<hbm>> -> memref<4x8x128xf32, #tpu.memory_space<hbm>>
        %dma_wait3A_914 = arith.constant 0 : i32
        %dma_wait3A_915 = arith.constant 0 : i32
        %dma_wait3A_916 = tpu.memref_slice %arg4[%sub3A_834, %dma_wait3A_904, %mul3A_902, %dma_wait3A_914, %dma_wait3A_915] : memref<50x8x128x8x128xf32, #tpu.memory_space<hbm>> -> memref<1x1x4x8x128xf32, #tpu.memory_space<hbm>>
        %dma_wait3A_917 = tpu.memref_squeeze %dma_wait3A_916 : memref<1x1x4x8x128xf32, #tpu.memory_space<hbm>> -> memref<4x8x128xf32, #tpu.memory_space<hbm>>
        %dma_wait3A_918 = arith.constant 0 : i32
        %dma_wait3A_919 = arith.constant 0 : i32
        %dma_wait3A_920 = arith.constant 0 : i32
        %dma_wait3A_921 = tpu.memref_slice %arg10[%dma_wait3A_918, %dma_wait3A_903, %dma_wait3A_919, %dma_wait3A_920] : memref<4x8x8x129xf32, #tpu.memory_space<vmem>> -> memref<4x1x8x128xf32, #tpu.memory_space<vmem>>
        %dma_wait3A_922 = tpu.memref_squeeze %dma_wait3A_921 : memref<4x1x8x128xf32, #tpu.memory_space<vmem>> -> memref<4x8x128xf32, #tpu.memory_space<vmem>>
        tpu.wait_dma2 semaphore(%arg13 : memref<!tpu.dma_semaphore, #tpu.memory_space<semaphore_mem>>) src(%dma_wait3A_922 : memref<4x8x128xf32, #tpu.memory_space<vmem>>) dst(%dma_wait3A_917 : memref<4x8x128xf32, #tpu.memory_space<hbm>>)
        %mul3A_923 = arith.constant 4 : i32
        %mul3A_924 = arith.muli %mul3A_923, %add3A : i32
        %dma_wait3A_925 = arith.constant 4 : i32
        %dma_wait3A_926 = arith.constant 4 : i32
        %dma_wait3A_927 = arith.constant 0 : i32
        %dma_wait3A_928 = arith.constant 0 : i32
        %dma_wait3A_929 = arith.constant 0 : i32
        %dma_wait3A_930 = tpu.memref_slice %arg10[%dma_wait3A_927, %dma_wait3A_925, %dma_wait3A_928, %dma_wait3A_929] : memref<4x8x8x129xf32, #tpu.memory_space<vmem>> -> memref<4x1x8x128xf32, #tpu.memory_space<vmem>>
        %dma_wait3A_931 = tpu.memref_squeeze %dma_wait3A_930 : memref<4x1x8x128xf32, #tpu.memory_space<vmem>> -> memref<4x8x128xf32, #tpu.memory_space<vmem>>
        %dma_wait3A_932 = arith.constant 0 : i32
        %dma_wait3A_933 = arith.constant 0 : i32
        %dma_wait3A_934 = tpu.memref_slice %arg4[%sub3A_834, %dma_wait3A_926, %mul3A_924, %dma_wait3A_932, %dma_wait3A_933] : memref<50x8x128x8x128xf32, #tpu.memory_space<hbm>> -> memref<1x1x4x8x128xf32, #tpu.memory_space<hbm>>
        %dma_wait3A_935 = tpu.memref_squeeze %dma_wait3A_934 : memref<1x1x4x8x128xf32, #tpu.memory_space<hbm>> -> memref<4x8x128xf32, #tpu.memory_space<hbm>>
        %dma_wait3A_936 = arith.constant 0 : i32
        %dma_wait3A_937 = arith.constant 0 : i32
        %dma_wait3A_938 = tpu.memref_slice %arg4[%sub3A_834, %dma_wait3A_926, %mul3A_924, %dma_wait3A_936, %dma_wait3A_937] : memref<50x8x128x8x128xf32, #tpu.memory_space<hbm>> -> memref<1x1x4x8x128xf32, #tpu.memory_space<hbm>>
        %dma_wait3A_939 = tpu.memref_squeeze %dma_wait3A_938 : memref<1x1x4x8x128xf32, #tpu.memory_space<hbm>> -> memref<4x8x128xf32, #tpu.memory_space<hbm>>
        %dma_wait3A_940 = arith.constant 0 : i32
        %dma_wait3A_941 = arith.constant 0 : i32
        %dma_wait3A_942 = arith.constant 0 : i32
        %dma_wait3A_943 = tpu.memref_slice %arg10[%dma_wait3A_940, %dma_wait3A_925, %dma_wait3A_941, %dma_wait3A_942] : memref<4x8x8x129xf32, #tpu.memory_space<vmem>> -> memref<4x1x8x128xf32, #tpu.memory_space<vmem>>
        %dma_wait3A_944 = tpu.memref_squeeze %dma_wait3A_943 : memref<4x1x8x128xf32, #tpu.memory_space<vmem>> -> memref<4x8x128xf32, #tpu.memory_space<vmem>>
        tpu.wait_dma2 semaphore(%arg13 : memref<!tpu.dma_semaphore, #tpu.memory_space<semaphore_mem>>) src(%dma_wait3A_944 : memref<4x8x128xf32, #tpu.memory_space<vmem>>) dst(%dma_wait3A_939 : memref<4x8x128xf32, #tpu.memory_space<hbm>>)
        %mul3A_945 = arith.constant 4 : i32
        %mul3A_946 = arith.muli %mul3A_945, %add3A : i32
        %dma_wait3A_947 = arith.constant 5 : i32
        %dma_wait3A_948 = arith.constant 5 : i32
        %dma_wait3A_949 = arith.constant 0 : i32
        %dma_wait3A_950 = arith.constant 0 : i32
        %dma_wait3A_951 = arith.constant 0 : i32
        %dma_wait3A_952 = tpu.memref_slice %arg10[%dma_wait3A_949, %dma_wait3A_947, %dma_wait3A_950, %dma_wait3A_951] : memref<4x8x8x129xf32, #tpu.memory_space<vmem>> -> memref<4x1x8x128xf32, #tpu.memory_space<vmem>>
        %dma_wait3A_953 = tpu.memref_squeeze %dma_wait3A_952 : memref<4x1x8x128xf32, #tpu.memory_space<vmem>> -> memref<4x8x128xf32, #tpu.memory_space<vmem>>
        %dma_wait3A_954 = arith.constant 0 : i32
        %dma_wait3A_955 = arith.constant 0 : i32
        %dma_wait3A_956 = tpu.memref_slice %arg4[%sub3A_834, %dma_wait3A_948, %mul3A_946, %dma_wait3A_954, %dma_wait3A_955] : memref<50x8x128x8x128xf32, #tpu.memory_space<hbm>> -> memref<1x1x4x8x128xf32, #tpu.memory_space<hbm>>
        %dma_wait3A_957 = tpu.memref_squeeze %dma_wait3A_956 : memref<1x1x4x8x128xf32, #tpu.memory_space<hbm>> -> memref<4x8x128xf32, #tpu.memory_space<hbm>>
        %dma_wait3A_958 = arith.constant 0 : i32
        %dma_wait3A_959 = arith.constant 0 : i32
        %dma_wait3A_960 = tpu.memref_slice %arg4[%sub3A_834, %dma_wait3A_948, %mul3A_946, %dma_wait3A_958, %dma_wait3A_959] : memref<50x8x128x8x128xf32, #tpu.memory_space<hbm>> -> memref<1x1x4x8x128xf32, #tpu.memory_space<hbm>>
        %dma_wait3A_961 = tpu.memref_squeeze %dma_wait3A_960 : memref<1x1x4x8x128xf32, #tpu.memory_space<hbm>> -> memref<4x8x128xf32, #tpu.memory_space<hbm>>
        %dma_wait3A_962 = arith.constant 0 : i32
        %dma_wait3A_963 = arith.constant 0 : i32
        %dma_wait3A_964 = arith.constant 0 : i32
        %dma_wait3A_965 = tpu.memref_slice %arg10[%dma_wait3A_962, %dma_wait3A_947, %dma_wait3A_963, %dma_wait3A_964] : memref<4x8x8x129xf32, #tpu.memory_space<vmem>> -> memref<4x1x8x128xf32, #tpu.memory_space<vmem>>
        %dma_wait3A_966 = tpu.memref_squeeze %dma_wait3A_965 : memref<4x1x8x128xf32, #tpu.memory_space<vmem>> -> memref<4x8x128xf32, #tpu.memory_space<vmem>>
        tpu.wait_dma2 semaphore(%arg13 : memref<!tpu.dma_semaphore, #tpu.memory_space<semaphore_mem>>) src(%dma_wait3A_966 : memref<4x8x128xf32, #tpu.memory_space<vmem>>) dst(%dma_wait3A_961 : memref<4x8x128xf32, #tpu.memory_space<hbm>>)
        %mul3A_967 = arith.constant 4 : i32
        %mul3A_968 = arith.muli %mul3A_967, %add3A : i32
        %dma_wait3A_969 = arith.constant 6 : i32
        %dma_wait3A_970 = arith.constant 6 : i32
        %dma_wait3A_971 = arith.constant 0 : i32
        %dma_wait3A_972 = arith.constant 0 : i32
        %dma_wait3A_973 = arith.constant 0 : i32
        %dma_wait3A_974 = tpu.memref_slice %arg10[%dma_wait3A_971, %dma_wait3A_969, %dma_wait3A_972, %dma_wait3A_973] : memref<4x8x8x129xf32, #tpu.memory_space<vmem>> -> memref<4x1x8x128xf32, #tpu.memory_space<vmem>>
        %dma_wait3A_975 = tpu.memref_squeeze %dma_wait3A_974 : memref<4x1x8x128xf32, #tpu.memory_space<vmem>> -> memref<4x8x128xf32, #tpu.memory_space<vmem>>
        %dma_wait3A_976 = arith.constant 0 : i32
        %dma_wait3A_977 = arith.constant 0 : i32
        %dma_wait3A_978 = tpu.memref_slice %arg4[%sub3A_834, %dma_wait3A_970, %mul3A_968, %dma_wait3A_976, %dma_wait3A_977] : memref<50x8x128x8x128xf32, #tpu.memory_space<hbm>> -> memref<1x1x4x8x128xf32, #tpu.memory_space<hbm>>
        %dma_wait3A_979 = tpu.memref_squeeze %dma_wait3A_978 : memref<1x1x4x8x128xf32, #tpu.memory_space<hbm>> -> memref<4x8x128xf32, #tpu.memory_space<hbm>>
        %dma_wait3A_980 = arith.constant 0 : i32
        %dma_wait3A_981 = arith.constant 0 : i32
        %dma_wait3A_982 = tpu.memref_slice %arg4[%sub3A_834, %dma_wait3A_970, %mul3A_968, %dma_wait3A_980, %dma_wait3A_981] : memref<50x8x128x8x128xf32, #tpu.memory_space<hbm>> -> memref<1x1x4x8x128xf32, #tpu.memory_space<hbm>>
        %dma_wait3A_983 = tpu.memref_squeeze %dma_wait3A_982 : memref<1x1x4x8x128xf32, #tpu.memory_space<hbm>> -> memref<4x8x128xf32, #tpu.memory_space<hbm>>
        %dma_wait3A_984 = arith.constant 0 : i32
        %dma_wait3A_985 = arith.constant 0 : i32
        %dma_wait3A_986 = arith.constant 0 : i32
        %dma_wait3A_987 = tpu.memref_slice %arg10[%dma_wait3A_984, %dma_wait3A_969, %dma_wait3A_985, %dma_wait3A_986] : memref<4x8x8x129xf32, #tpu.memory_space<vmem>> -> memref<4x1x8x128xf32, #tpu.memory_space<vmem>>
        %dma_wait3A_988 = tpu.memref_squeeze %dma_wait3A_987 : memref<4x1x8x128xf32, #tpu.memory_space<vmem>> -> memref<4x8x128xf32, #tpu.memory_space<vmem>>
        tpu.wait_dma2 semaphore(%arg13 : memref<!tpu.dma_semaphore, #tpu.memory_space<semaphore_mem>>) src(%dma_wait3A_988 : memref<4x8x128xf32, #tpu.memory_space<vmem>>) dst(%dma_wait3A_983 : memref<4x8x128xf32, #tpu.memory_space<hbm>>)
        %mul3A_989 = arith.constant 4 : i32
        %mul3A_990 = arith.muli %mul3A_989, %add3A : i32
        %dma_wait3A_991 = arith.constant 7 : i32
        %dma_wait3A_992 = arith.constant 7 : i32
        %dma_wait3A_993 = arith.constant 0 : i32
        %dma_wait3A_994 = arith.constant 0 : i32
        %dma_wait3A_995 = arith.constant 0 : i32
        %dma_wait3A_996 = tpu.memref_slice %arg10[%dma_wait3A_993, %dma_wait3A_991, %dma_wait3A_994, %dma_wait3A_995] : memref<4x8x8x129xf32, #tpu.memory_space<vmem>> -> memref<4x1x8x128xf32, #tpu.memory_space<vmem>>
        %dma_wait3A_997 = tpu.memref_squeeze %dma_wait3A_996 : memref<4x1x8x128xf32, #tpu.memory_space<vmem>> -> memref<4x8x128xf32, #tpu.memory_space<vmem>>
        %dma_wait3A_998 = arith.constant 0 : i32
        %dma_wait3A_999 = arith.constant 0 : i32
        %dma_wait3A_1000 = tpu.memref_slice %arg4[%sub3A_834, %dma_wait3A_992, %mul3A_990, %dma_wait3A_998, %dma_wait3A_999] : memref<50x8x128x8x128xf32, #tpu.memory_space<hbm>> -> memref<1x1x4x8x128xf32, #tpu.memory_space<hbm>>
        %dma_wait3A_1001 = tpu.memref_squeeze %dma_wait3A_1000 : memref<1x1x4x8x128xf32, #tpu.memory_space<hbm>> -> memref<4x8x128xf32, #tpu.memory_space<hbm>>
        %dma_wait3A_1002 = arith.constant 0 : i32
        %dma_wait3A_1003 = arith.constant 0 : i32
        %dma_wait3A_1004 = tpu.memref_slice %arg4[%sub3A_834, %dma_wait3A_992, %mul3A_990, %dma_wait3A_1002, %dma_wait3A_1003] : memref<50x8x128x8x128xf32, #tpu.memory_space<hbm>> -> memref<1x1x4x8x128xf32, #tpu.memory_space<hbm>>
        %dma_wait3A_1005 = tpu.memref_squeeze %dma_wait3A_1004 : memref<1x1x4x8x128xf32, #tpu.memory_space<hbm>> -> memref<4x8x128xf32, #tpu.memory_space<hbm>>
        %dma_wait3A_1006 = arith.constant 0 : i32
        %dma_wait3A_1007 = arith.constant 0 : i32
        %dma_wait3A_1008 = arith.constant 0 : i32
        %dma_wait3A_1009 = tpu.memref_slice %arg10[%dma_wait3A_1006, %dma_wait3A_991, %dma_wait3A_1007, %dma_wait3A_1008] : memref<4x8x8x129xf32, #tpu.memory_space<vmem>> -> memref<4x1x8x128xf32, #tpu.memory_space<vmem>>
        %dma_wait3A_1010 = tpu.memref_squeeze %dma_wait3A_1009 : memref<4x1x8x128xf32, #tpu.memory_space<vmem>> -> memref<4x8x128xf32, #tpu.memory_space<vmem>>
        tpu.wait_dma2 semaphore(%arg13 : memref<!tpu.dma_semaphore, #tpu.memory_space<semaphore_mem>>) src(%dma_wait3A_1010 : memref<4x8x128xf32, #tpu.memory_space<vmem>>) dst(%dma_wait3A_1005 : memref<4x8x128xf32, #tpu.memory_space<hbm>>)
      } else {
      }
      %scan3A_454 = arith.constant 0 : i32
      %scan3A_455 = arith.constant 512 : i32
      %scan3A_456 = arith.addi %scan3A_454, %scan3A_455 : i32
      %scan3A_457 = arith.constant 8 : i32
      scf.for %scan3A_833 = %scan3A_454 to %scan3A_456 step %scan3A_457  : i32 {
        %mul3A_834 = arith.constant 1 : i32
        %mul3A_835 = arith.muli %scan3A_833, %mul3A_834 : i32
        %add3A_836 = arith.constant 0 : i32
        %add3A_837 = arith.addi %add3A_836, %mul3A_835 : i32
        %jit3A_838 = arith.constant 128 : i32
        %div3A_839 = arith.divsi %add3A_837, %jit3A_838 : i32
        %sign3A_840 = arith.constant 0 : i32
        %sign3A_841 = arith.cmpi sgt, %add3A_837, %sign3A_840 : i32
        %sign3A_842 = arith.extui %sign3A_841 : i1 to i32
        %sign3A_843 = arith.constant 0 : i32
        %sign3A_844 = arith.cmpi slt, %add3A_837, %sign3A_843 : i32
        %sign3A_845 = arith.extui %sign3A_844 : i1 to i32
        %sign3A_846 = arith.subi %sign3A_842, %sign3A_845 : i32
        %sign3A_847 = arith.constant 0 : i32
        %sign3A_848 = arith.cmpi sgt, %jit3A_838, %sign3A_847 : i32
        %sign3A_849 = arith.extui %sign3A_848 : i1 to i32
        %sign3A_850 = arith.constant 0 : i32
        %sign3A_851 = arith.cmpi slt, %jit3A_838, %sign3A_850 : i32
        %sign3A_852 = arith.extui %sign3A_851 : i1 to i32
        %sign3A_853 = arith.subi %sign3A_849, %sign3A_852 : i32
        %ne3A_854 = arith.cmpi ne, %sign3A_846, %sign3A_853 : i32
        %rem3A_855 = arith.remsi %add3A_837, %jit3A_838 : i32
        %ne3A_856 = arith.constant 0 : i32
        %ne3A_857 = arith.cmpi ne, %rem3A_855, %ne3A_856 : i32
        %and3A_858 = arith.andi %ne3A_854, %ne3A_857 : i1
        %sub3A_859 = arith.constant 1 : i32
        %sub3A_860 = arith.subi %div3A_839, %sub3A_859 : i32
        %select_n3A_861 = arith.select %and3A_858, %sub3A_860, %div3A_839 : i32
        %broadcast_in_dim3A = vector.broadcast %select_n3A_861 : i32 to vector<16xi32>
        %jit3A_862 = arith.constant 128 : i32
        %eq3A_863 = arith.constant 0 : i32
        %eq3A_864 = arith.cmpi eq, %jit3A_862, %eq3A_863 : i32
        %jit3A_865 = arith.constant 1 : i32
        %select_n3A_866 = arith.select %eq3A_864, %jit3A_865, %jit3A_862 : i32
        %rem3A_867 = arith.remsi %add3A_837, %select_n3A_866 : i32
        %ne3A_868 = arith.constant 0 : i32
        %ne3A_869 = arith.cmpi ne, %rem3A_867, %ne3A_868 : i32
        %lt3A_870 = arith.constant 0 : i32
        %lt3A_871 = arith.cmpi slt, %rem3A_867, %lt3A_870 : i32
        %lt3A_872 = arith.constant 0 : i32
        %lt3A_873 = arith.cmpi slt, %select_n3A_866, %lt3A_872 : i32
        %ne3A_874 = arith.xori %lt3A_871, %lt3A_873 : i1
        %and3A_875 = arith.andi %ne3A_874, %ne3A_869 : i1
        %add3A_876 = arith.addi %rem3A_867, %select_n3A_866 : i32
        %select_n3A_877 = arith.select %and3A_875, %add3A_876, %rem3A_867 : i32
        %broadcast_in_dim3A_878 = vector.broadcast %select_n3A_877 : i32 to vector<16xi32>
        %get3A = arith.index_cast %add3A_837 : i32 to index
        %get3A_879 = arith.constant 0 : index
        %get3A_880 = tpu.vector_load %arg8[%get3A, %get3A_879] {strides = array<i32>} : memref<512x64xf32, #tpu.memory_space<vmem>>, vector<16xf32>,
        tpu.vector_store_idx %arg10[%broadcast_in_dim3A, %add3A_51, %select_n3A_48, %broadcast_in_dim3A_878], %get3A_880 : memref<4x8x8x129xf32, #tpu.memory_space<vmem>>[vector<16xi32>, vector<16xi32>, vector<16xi32>, vector<16xi32>], vector<16xf32>,
        %get3A_881 = arith.index_cast %add3A_837 : i32 to index
        %get3A_882 = arith.constant 16 : index
        %get3A_883 = tpu.vector_load %arg8[%get3A_881, %get3A_882] {strides = array<i32>} : memref<512x64xf32, #tpu.memory_space<vmem>>, vector<16xf32>,
        tpu.vector_store_idx %arg10[%broadcast_in_dim3A, %add3A_54, %select_n3A_48, %broadcast_in_dim3A_878], %get3A_883 : memref<4x8x8x129xf32, #tpu.memory_space<vmem>>[vector<16xi32>, vector<16xi32>, vector<16xi32>, vector<16xi32>], vector<16xf32>,
        %get3A_884 = arith.index_cast %add3A_837 : i32 to index
        %get3A_885 = arith.constant 32 : index
        %get3A_886 = tpu.vector_load %arg8[%get3A_884, %get3A_885] {strides = array<i32>} : memref<512x64xf32, #tpu.memory_space<vmem>>, vector<16xf32>,
        tpu.vector_store_idx %arg10[%broadcast_in_dim3A, %add3A_57, %select_n3A_48, %broadcast_in_dim3A_878], %get3A_886 : memref<4x8x8x129xf32, #tpu.memory_space<vmem>>[vector<16xi32>, vector<16xi32>, vector<16xi32>, vector<16xi32>], vector<16xf32>,
        %get3A_887 = arith.index_cast %add3A_837 : i32 to index
        %get3A_888 = arith.constant 48 : index
        %get3A_889 = tpu.vector_load %arg8[%get3A_887, %get3A_888] {strides = array<i32>} : memref<512x64xf32, #tpu.memory_space<vmem>>, vector<16xf32>,
        tpu.vector_store_idx %arg10[%broadcast_in_dim3A, %add3A_60, %select_n3A_48, %broadcast_in_dim3A_878], %get3A_889 : memref<4x8x8x129xf32, #tpu.memory_space<vmem>>[vector<16xi32>, vector<16xi32>, vector<16xi32>, vector<16xi32>], vector<16xf32>,
        %scan3A_890 = arith.constant 1 : i32
        %scan3A_891 = arith.addi %scan3A_833, %scan3A_890 : i32
        %mul3A_892 = arith.constant 1 : i32
        %mul3A_893 = arith.muli %scan3A_891, %mul3A_892 : i32
        %add3A_894 = arith.constant 0 : i32
        %add3A_895 = arith.addi %add3A_894, %mul3A_893 : i32
        %jit3A_896 = arith.constant 128 : i32
        %div3A_897 = arith.divsi %add3A_895, %jit3A_896 : i32
        %sign3A_898 = arith.constant 0 : i32
        %sign3A_899 = arith.cmpi sgt, %add3A_895, %sign3A_898 : i32
        %sign3A_900 = arith.extui %sign3A_899 : i1 to i32
        %sign3A_901 = arith.constant 0 : i32
        %sign3A_902 = arith.cmpi slt, %add3A_895, %sign3A_901 : i32
        %sign3A_903 = arith.extui %sign3A_902 : i1 to i32
        %sign3A_904 = arith.subi %sign3A_900, %sign3A_903 : i32
        %sign3A_905 = arith.constant 0 : i32
        %sign3A_906 = arith.cmpi sgt, %jit3A_896, %sign3A_905 : i32
        %sign3A_907 = arith.extui %sign3A_906 : i1 to i32
        %sign3A_908 = arith.constant 0 : i32
        %sign3A_909 = arith.cmpi slt, %jit3A_896, %sign3A_908 : i32
        %sign3A_910 = arith.extui %sign3A_909 : i1 to i32
        %sign3A_911 = arith.subi %sign3A_907, %sign3A_910 : i32
        %ne3A_912 = arith.cmpi ne, %sign3A_904, %sign3A_911 : i32
        %rem3A_913 = arith.remsi %add3A_895, %jit3A_896 : i32
        %ne3A_914 = arith.constant 0 : i32
        %ne3A_915 = arith.cmpi ne, %rem3A_913, %ne3A_914 : i32
        %and3A_916 = arith.andi %ne3A_912, %ne3A_915 : i1
        %sub3A_917 = arith.constant 1 : i32
        %sub3A_918 = arith.subi %div3A_897, %sub3A_917 : i32
        %select_n3A_919 = arith.select %and3A_916, %sub3A_918, %div3A_897 : i32
        %broadcast_in_dim3A_920 = vector.broadcast %select_n3A_919 : i32 to vector<16xi32>
        %jit3A_921 = arith.constant 128 : i32
        %eq3A_922 = arith.constant 0 : i32
        %eq3A_923 = arith.cmpi eq, %jit3A_921, %eq3A_922 : i32
        %jit3A_924 = arith.constant 1 : i32
        %select_n3A_925 = arith.select %eq3A_923, %jit3A_924, %jit3A_921 : i32
        %rem3A_926 = arith.remsi %add3A_895, %select_n3A_925 : i32
        %ne3A_927 = arith.constant 0 : i32
        %ne3A_928 = arith.cmpi ne, %rem3A_926, %ne3A_927 : i32
        %lt3A_929 = arith.constant 0 : i32
        %lt3A_930 = arith.cmpi slt, %rem3A_926, %lt3A_929 : i32
        %lt3A_931 = arith.constant 0 : i32
        %lt3A_932 = arith.cmpi slt, %select_n3A_925, %lt3A_931 : i32
        %ne3A_933 = arith.xori %lt3A_930, %lt3A_932 : i1
        %and3A_934 = arith.andi %ne3A_933, %ne3A_928 : i1
        %add3A_935 = arith.addi %rem3A_926, %select_n3A_925 : i32
        %select_n3A_936 = arith.select %and3A_934, %add3A_935, %rem3A_926 : i32
        %broadcast_in_dim3A_937 = vector.broadcast %select_n3A_936 : i32 to vector<16xi32>
        %get3A_938 = arith.index_cast %add3A_895 : i32 to index
        %get3A_939 = arith.constant 0 : index
        %get3A_940 = tpu.vector_load %arg8[%get3A_938, %get3A_939] {strides = array<i32>} : memref<512x64xf32, #tpu.memory_space<vmem>>, vector<16xf32>,
        tpu.vector_store_idx %arg10[%broadcast_in_dim3A_920, %add3A_51, %select_n3A_48, %broadcast_in_dim3A_937], %get3A_940 : memref<4x8x8x129xf32, #tpu.memory_space<vmem>>[vector<16xi32>, vector<16xi32>, vector<16xi32>, vector<16xi32>], vector<16xf32>,
        %get3A_941 = arith.index_cast %add3A_895 : i32 to index
        %get3A_942 = arith.constant 16 : index
        %get3A_943 = tpu.vector_load %arg8[%get3A_941, %get3A_942] {strides = array<i32>} : memref<512x64xf32, #tpu.memory_space<vmem>>, vector<16xf32>,
        tpu.vector_store_idx %arg10[%broadcast_in_dim3A_920, %add3A_54, %select_n3A_48, %broadcast_in_dim3A_937], %get3A_943 : memref<4x8x8x129xf32, #tpu.memory_space<vmem>>[vector<16xi32>, vector<16xi32>, vector<16xi32>, vector<16xi32>], vector<16xf32>,
        %get3A_944 = arith.index_cast %add3A_895 : i32 to index
        %get3A_945 = arith.constant 32 : index
        %get3A_946 = tpu.vector_load %arg8[%get3A_944, %get3A_945] {strides = array<i32>} : memref<512x64xf32, #tpu.memory_space<vmem>>, vector<16xf32>,
        tpu.vector_store_idx %arg10[%broadcast_in_dim3A_920, %add3A_57, %select_n3A_48, %broadcast_in_dim3A_937], %get3A_946 : memref<4x8x8x129xf32, #tpu.memory_space<vmem>>[vector<16xi32>, vector<16xi32>, vector<16xi32>, vector<16xi32>], vector<16xf32>,
        %get3A_947 = arith.index_cast %add3A_895 : i32 to index
        %get3A_948 = arith.constant 48 : index
        %get3A_949 = tpu.vector_load %arg8[%get3A_947, %get3A_948] {strides = array<i32>} : memref<512x64xf32, #tpu.memory_space<vmem>>, vector<16xf32>,
        tpu.vector_store_idx %arg10[%broadcast_in_dim3A_920, %add3A_60, %select_n3A_48, %broadcast_in_dim3A_937], %get3A_949 : memref<4x8x8x129xf32, #tpu.memory_space<vmem>>[vector<16xi32>, vector<16xi32>, vector<16xi32>, vector<16xi32>], vector<16xf32>,
        %scan3A_950 = arith.constant 2 : i32
        %scan3A_951 = arith.addi %scan3A_833, %scan3A_950 : i32
        %mul3A_952 = arith.constant 1 : i32
        %mul3A_953 = arith.muli %scan3A_951, %mul3A_952 : i32
        %add3A_954 = arith.constant 0 : i32
        %add3A_955 = arith.addi %add3A_954, %mul3A_953 : i32
        %jit3A_956 = arith.constant 128 : i32
        %div3A_957 = arith.divsi %add3A_955, %jit3A_956 : i32
        %sign3A_958 = arith.constant 0 : i32
        %sign3A_959 = arith.cmpi sgt, %add3A_955, %sign3A_958 : i32
        %sign3A_960 = arith.extui %sign3A_959 : i1 to i32
        %sign3A_961 = arith.constant 0 : i32
        %sign3A_962 = arith.cmpi slt, %add3A_955, %sign3A_961 : i32
        %sign3A_963 = arith.extui %sign3A_962 : i1 to i32
        %sign3A_964 = arith.subi %sign3A_960, %sign3A_963 : i32
        %sign3A_965 = arith.constant 0 : i32
        %sign3A_966 = arith.cmpi sgt, %jit3A_956, %sign3A_965 : i32
        %sign3A_967 = arith.extui %sign3A_966 : i1 to i32
        %sign3A_968 = arith.constant 0 : i32
        %sign3A_969 = arith.cmpi slt, %jit3A_956, %sign3A_968 : i32
        %sign3A_970 = arith.extui %sign3A_969 : i1 to i32
        %sign3A_971 = arith.subi %sign3A_967, %sign3A_970 : i32
        %ne3A_972 = arith.cmpi ne, %sign3A_964, %sign3A_971 : i32
        %rem3A_973 = arith.remsi %add3A_955, %jit3A_956 : i32
        %ne3A_974 = arith.constant 0 : i32
        %ne3A_975 = arith.cmpi ne, %rem3A_973, %ne3A_974 : i32
        %and3A_976 = arith.andi %ne3A_972, %ne3A_975 : i1
        %sub3A_977 = arith.constant 1 : i32
        %sub3A_978 = arith.subi %div3A_957, %sub3A_977 : i32
        %select_n3A_979 = arith.select %and3A_976, %sub3A_978, %div3A_957 : i32
        %broadcast_in_dim3A_980 = vector.broadcast %select_n3A_979 : i32 to vector<16xi32>
        %jit3A_981 = arith.constant 128 : i32
        %eq3A_982 = arith.constant 0 : i32
        %eq3A_983 = arith.cmpi eq, %jit3A_981, %eq3A_982 : i32
        %jit3A_984 = arith.constant 1 : i32
        %select_n3A_985 = arith.select %eq3A_983, %jit3A_984, %jit3A_981 : i32
        %rem3A_986 = arith.remsi %add3A_955, %select_n3A_985 : i32
        %ne3A_987 = arith.constant 0 : i32
        %ne3A_988 = arith.cmpi ne, %rem3A_986, %ne3A_987 : i32
        %lt3A_989 = arith.constant 0 : i32
        %lt3A_990 = arith.cmpi slt, %rem3A_986, %lt3A_989 : i32
        %lt3A_991 = arith.constant 0 : i32
        %lt3A_992 = arith.cmpi slt, %select_n3A_985, %lt3A_991 : i32
        %ne3A_993 = arith.xori %lt3A_990, %lt3A_992 : i1
        %and3A_994 = arith.andi %ne3A_993, %ne3A_988 : i1
        %add3A_995 = arith.addi %rem3A_986, %select_n3A_985 : i32
        %select_n3A_996 = arith.select %and3A_994, %add3A_995, %rem3A_986 : i32
        %broadcast_in_dim3A_997 = vector.broadcast %select_n3A_996 : i32 to vector<16xi32>
        %get3A_998 = arith.index_cast %add3A_955 : i32 to index
        %get3A_999 = arith.constant 0 : index
        %get3A_1000 = tpu.vector_load %arg8[%get3A_998, %get3A_999] {strides = array<i32>} : memref<512x64xf32, #tpu.memory_space<vmem>>, vector<16xf32>,
        tpu.vector_store_idx %arg10[%broadcast_in_dim3A_980, %add3A_51, %select_n3A_48, %broadcast_in_dim3A_997], %get3A_1000 : memref<4x8x8x129xf32, #tpu.memory_space<vmem>>[vector<16xi32>, vector<16xi32>, vector<16xi32>, vector<16xi32>], vector<16xf32>,
        %get3A_1001 = arith.index_cast %add3A_955 : i32 to index
        %get3A_1002 = arith.constant 16 : index
        %get3A_1003 = tpu.vector_load %arg8[%get3A_1001, %get3A_1002] {strides = array<i32>} : memref<512x64xf32, #tpu.memory_space<vmem>>, vector<16xf32>,
        tpu.vector_store_idx %arg10[%broadcast_in_dim3A_980, %add3A_54, %select_n3A_48, %broadcast_in_dim3A_997], %get3A_1003 : memref<4x8x8x129xf32, #tpu.memory_space<vmem>>[vector<16xi32>, vector<16xi32>, vector<16xi32>, vector<16xi32>], vector<16xf32>,
        %get3A_1004 = arith.index_cast %add3A_955 : i32 to index
        %get3A_1005 = arith.constant 32 : index
        %get3A_1006 = tpu.vector_load %arg8[%get3A_1004, %get3A_1005] {strides = array<i32>} : memref<512x64xf32, #tpu.memory_space<vmem>>, vector<16xf32>,
        tpu.vector_store_idx %arg10[%broadcast_in_dim3A_980, %add3A_57, %select_n3A_48, %broadcast_in_dim3A_997], %get3A_1006 : memref<4x8x8x129xf32, #tpu.memory_space<vmem>>[vector<16xi32>, vector<16xi32>, vector<16xi32>, vector<16xi32>], vector<16xf32>,
        %get3A_1007 = arith.index_cast %add3A_955 : i32 to index
        %get3A_1008 = arith.constant 48 : index
        %get3A_1009 = tpu.vector_load %arg8[%get3A_1007, %get3A_1008] {strides = array<i32>} : memref<512x64xf32, #tpu.memory_space<vmem>>, vector<16xf32>,
        tpu.vector_store_idx %arg10[%broadcast_in_dim3A_980, %add3A_60, %select_n3A_48, %broadcast_in_dim3A_997], %get3A_1009 : memref<4x8x8x129xf32, #tpu.memory_space<vmem>>[vector<16xi32>, vector<16xi32>, vector<16xi32>, vector<16xi32>], vector<16xf32>,
        %scan3A_1010 = arith.constant 3 : i32
        %scan3A_1011 = arith.addi %scan3A_833, %scan3A_1010 : i32
        %mul3A_1012 = arith.constant 1 : i32
        %mul3A_1013 = arith.muli %scan3A_1011, %mul3A_1012 : i32
        %add3A_1014 = arith.constant 0 : i32
        %add3A_1015 = arith.addi %add3A_1014, %mul3A_1013 : i32
        %jit3A_1016 = arith.constant 128 : i32
        %div3A_1017 = arith.divsi %add3A_1015, %jit3A_1016 : i32
        %sign3A_1018 = arith.constant 0 : i32
        %sign3A_1019 = arith.cmpi sgt, %add3A_1015, %sign3A_1018 : i32
        %sign3A_1020 = arith.extui %sign3A_1019 : i1 to i32
        %sign3A_1021 = arith.constant 0 : i32
        %sign3A_1022 = arith.cmpi slt, %add3A_1015, %sign3A_1021 : i32
        %sign3A_1023 = arith.extui %sign3A_1022 : i1 to i32
        %sign3A_1024 = arith.subi %sign3A_1020, %sign3A_1023 : i32
        %sign3A_1025 = arith.constant 0 : i32
        %sign3A_1026 = arith.cmpi sgt, %jit3A_1016, %sign3A_1025 : i32
        %sign3A_1027 = arith.extui %sign3A_1026 : i1 to i32
        %sign3A_1028 = arith.constant 0 : i32
        %sign3A_1029 = arith.cmpi slt, %jit3A_1016, %sign3A_1028 : i32
        %sign3A_1030 = arith.extui %sign3A_1029 : i1 to i32
        %sign3A_1031 = arith.subi %sign3A_1027, %sign3A_1030 : i32
        %ne3A_1032 = arith.cmpi ne, %sign3A_1024, %sign3A_1031 : i32
        %rem3A_1033 = arith.remsi %add3A_1015, %jit3A_1016 : i32
        %ne3A_1034 = arith.constant 0 : i32
        %ne3A_1035 = arith.cmpi ne, %rem3A_1033, %ne3A_1034 : i32
        %and3A_1036 = arith.andi %ne3A_1032, %ne3A_1035 : i1
        %sub3A_1037 = arith.constant 1 : i32
        %sub3A_1038 = arith.subi %div3A_1017, %sub3A_1037 : i32
        %select_n3A_1039 = arith.select %and3A_1036, %sub3A_1038, %div3A_1017 : i32
        %broadcast_in_dim3A_1040 = vector.broadcast %select_n3A_1039 : i32 to vector<16xi32>
        %jit3A_1041 = arith.constant 128 : i32
        %eq3A_1042 = arith.constant 0 : i32
        %eq3A_1043 = arith.cmpi eq, %jit3A_1041, %eq3A_1042 : i32
        %jit3A_1044 = arith.constant 1 : i32
        %select_n3A_1045 = arith.select %eq3A_1043, %jit3A_1044, %jit3A_1041 : i32
        %rem3A_1046 = arith.remsi %add3A_1015, %select_n3A_1045 : i32
        %ne3A_1047 = arith.constant 0 : i32
        %ne3A_1048 = arith.cmpi ne, %rem3A_1046, %ne3A_1047 : i32
        %lt3A_1049 = arith.constant 0 : i32
        %lt3A_1050 = arith.cmpi slt, %rem3A_1046, %lt3A_1049 : i32
        %lt3A_1051 = arith.constant 0 : i32
        %lt3A_1052 = arith.cmpi slt, %select_n3A_1045, %lt3A_1051 : i32
        %ne3A_1053 = arith.xori %lt3A_1050, %lt3A_1052 : i1
        %and3A_1054 = arith.andi %ne3A_1053, %ne3A_1048 : i1
        %add3A_1055 = arith.addi %rem3A_1046, %select_n3A_1045 : i32
        %select_n3A_1056 = arith.select %and3A_1054, %add3A_1055, %rem3A_1046 : i32
        %broadcast_in_dim3A_1057 = vector.broadcast %select_n3A_1056 : i32 to vector<16xi32>
        %get3A_1058 = arith.index_cast %add3A_1015 : i32 to index
        %get3A_1059 = arith.constant 0 : index
        %get3A_1060 = tpu.vector_load %arg8[%get3A_1058, %get3A_1059] {strides = array<i32>} : memref<512x64xf32, #tpu.memory_space<vmem>>, vector<16xf32>,
        tpu.vector_store_idx %arg10[%broadcast_in_dim3A_1040, %add3A_51, %select_n3A_48, %broadcast_in_dim3A_1057], %get3A_1060 : memref<4x8x8x129xf32, #tpu.memory_space<vmem>>[vector<16xi32>, vector<16xi32>, vector<16xi32>, vector<16xi32>], vector<16xf32>,
        %get3A_1061 = arith.index_cast %add3A_1015 : i32 to index
        %get3A_1062 = arith.constant 16 : index
        %get3A_1063 = tpu.vector_load %arg8[%get3A_1061, %get3A_1062] {strides = array<i32>} : memref<512x64xf32, #tpu.memory_space<vmem>>, vector<16xf32>,
        tpu.vector_store_idx %arg10[%broadcast_in_dim3A_1040, %add3A_54, %select_n3A_48, %broadcast_in_dim3A_1057], %get3A_1063 : memref<4x8x8x129xf32, #tpu.memory_space<vmem>>[vector<16xi32>, vector<16xi32>, vector<16xi32>, vector<16xi32>], vector<16xf32>,
        %get3A_1064 = arith.index_cast %add3A_1015 : i32 to index
        %get3A_1065 = arith.constant 32 : index
        %get3A_1066 = tpu.vector_load %arg8[%get3A_1064, %get3A_1065] {strides = array<i32>} : memref<512x64xf32, #tpu.memory_space<vmem>>, vector<16xf32>,
        tpu.vector_store_idx %arg10[%broadcast_in_dim3A_1040, %add3A_57, %select_n3A_48, %broadcast_in_dim3A_1057], %get3A_1066 : memref<4x8x8x129xf32, #tpu.memory_space<vmem>>[vector<16xi32>, vector<16xi32>, vector<16xi32>, vector<16xi32>], vector<16xf32>,
        %get3A_1067 = arith.index_cast %add3A_1015 : i32 to index
        %get3A_1068 = arith.constant 48 : index
        %get3A_1069 = tpu.vector_load %arg8[%get3A_1067, %get3A_1068] {strides = array<i32>} : memref<512x64xf32, #tpu.memory_space<vmem>>, vector<16xf32>,
        tpu.vector_store_idx %arg10[%broadcast_in_dim3A_1040, %add3A_60, %select_n3A_48, %broadcast_in_dim3A_1057], %get3A_1069 : memref<4x8x8x129xf32, #tpu.memory_space<vmem>>[vector<16xi32>, vector<16xi32>, vector<16xi32>, vector<16xi32>], vector<16xf32>,
        %scan3A_1070 = arith.constant 4 : i32
        %scan3A_1071 = arith.addi %scan3A_833, %scan3A_1070 : i32
        %mul3A_1072 = arith.constant 1 : i32
        %mul3A_1073 = arith.muli %scan3A_1071, %mul3A_1072 : i32
        %add3A_1074 = arith.constant 0 : i32
        %add3A_1075 = arith.addi %add3A_1074, %mul3A_1073 : i32
        %jit3A_1076 = arith.constant 128 : i32
        %div3A_1077 = arith.divsi %add3A_1075, %jit3A_1076 : i32
        %sign3A_1078 = arith.constant 0 : i32
        %sign3A_1079 = arith.cmpi sgt, %add3A_1075, %sign3A_1078 : i32
        %sign3A_1080 = arith.extui %sign3A_1079 : i1 to i32
        %sign3A_1081 = arith.constant 0 : i32
        %sign3A_1082 = arith.cmpi slt, %add3A_1075, %sign3A_1081 : i32
        %sign3A_1083 = arith.extui %sign3A_1082 : i1 to i32
        %sign3A_1084 = arith.subi %sign3A_1080, %sign3A_1083 : i32
        %sign3A_1085 = arith.constant 0 : i32
        %sign3A_1086 = arith.cmpi sgt, %jit3A_1076, %sign3A_1085 : i32
        %sign3A_1087 = arith.extui %sign3A_1086 : i1 to i32
        %sign3A_1088 = arith.constant 0 : i32
        %sign3A_1089 = arith.cmpi slt, %jit3A_1076, %sign3A_1088 : i32
        %sign3A_1090 = arith.extui %sign3A_1089 : i1 to i32
        %sign3A_1091 = arith.subi %sign3A_1087, %sign3A_1090 : i32
        %ne3A_1092 = arith.cmpi ne, %sign3A_1084, %sign3A_1091 : i32
        %rem3A_1093 = arith.remsi %add3A_1075, %jit3A_1076 : i32
        %ne3A_1094 = arith.constant 0 : i32
        %ne3A_1095 = arith.cmpi ne, %rem3A_1093, %ne3A_1094 : i32
        %and3A_1096 = arith.andi %ne3A_1092, %ne3A_1095 : i1
        %sub3A_1097 = arith.constant 1 : i32
        %sub3A_1098 = arith.subi %div3A_1077, %sub3A_1097 : i32
        %select_n3A_1099 = arith.select %and3A_1096, %sub3A_1098, %div3A_1077 : i32
        %broadcast_in_dim3A_1100 = vector.broadcast %select_n3A_1099 : i32 to vector<16xi32>
        %jit3A_1101 = arith.constant 128 : i32
        %eq3A_1102 = arith.constant 0 : i32
        %eq3A_1103 = arith.cmpi eq, %jit3A_1101, %eq3A_1102 : i32
        %jit3A_1104 = arith.constant 1 : i32
        %select_n3A_1105 = arith.select %eq3A_1103, %jit3A_1104, %jit3A_1101 : i32
        %rem3A_1106 = arith.remsi %add3A_1075, %select_n3A_1105 : i32
        %ne3A_1107 = arith.constant 0 : i32
        %ne3A_1108 = arith.cmpi ne, %rem3A_1106, %ne3A_1107 : i32
        %lt3A_1109 = arith.constant 0 : i32
        %lt3A_1110 = arith.cmpi slt, %rem3A_1106, %lt3A_1109 : i32
        %lt3A_1111 = arith.constant 0 : i32
        %lt3A_1112 = arith.cmpi slt, %select_n3A_1105, %lt3A_1111 : i32
        %ne3A_1113 = arith.xori %lt3A_1110, %lt3A_1112 : i1
        %and3A_1114 = arith.andi %ne3A_1113, %ne3A_1108 : i1
        %add3A_1115 = arith.addi %rem3A_1106, %select_n3A_1105 : i32
        %select_n3A_1116 = arith.select %and3A_1114, %add3A_1115, %rem3A_1106 : i32
        %broadcast_in_dim3A_1117 = vector.broadcast %select_n3A_1116 : i32 to vector<16xi32>
        %get3A_1118 = arith.index_cast %add3A_1075 : i32 to index
        %get3A_1119 = arith.constant 0 : index
        %get3A_1120 = tpu.vector_load %arg8[%get3A_1118, %get3A_1119] {strides = array<i32>} : memref<512x64xf32, #tpu.memory_space<vmem>>, vector<16xf32>,
        tpu.vector_store_idx %arg10[%broadcast_in_dim3A_1100, %add3A_51, %select_n3A_48, %broadcast_in_dim3A_1117], %get3A_1120 : memref<4x8x8x129xf32, #tpu.memory_space<vmem>>[vector<16xi32>, vector<16xi32>, vector<16xi32>, vector<16xi32>], vector<16xf32>,
        %get3A_1121 = arith.index_cast %add3A_1075 : i32 to index
        %get3A_1122 = arith.constant 16 : index
        %get3A_1123 = tpu.vector_load %arg8[%get3A_1121, %get3A_1122] {strides = array<i32>} : memref<512x64xf32, #tpu.memory_space<vmem>>, vector<16xf32>,
        tpu.vector_store_idx %arg10[%broadcast_in_dim3A_1100, %add3A_54, %select_n3A_48, %broadcast_in_dim3A_1117], %get3A_1123 : memref<4x8x8x129xf32, #tpu.memory_space<vmem>>[vector<16xi32>, vector<16xi32>, vector<16xi32>, vector<16xi32>], vector<16xf32>,
        %get3A_1124 = arith.index_cast %add3A_1075 : i32 to index
        %get3A_1125 = arith.constant 32 : index
        %get3A_1126 = tpu.vector_load %arg8[%get3A_1124, %get3A_1125] {strides = array<i32>} : memref<512x64xf32, #tpu.memory_space<vmem>>, vector<16xf32>,
        tpu.vector_store_idx %arg10[%broadcast_in_dim3A_1100, %add3A_57, %select_n3A_48, %broadcast_in_dim3A_1117], %get3A_1126 : memref<4x8x8x129xf32, #tpu.memory_space<vmem>>[vector<16xi32>, vector<16xi32>, vector<16xi32>, vector<16xi32>], vector<16xf32>,
        %get3A_1127 = arith.index_cast %add3A_1075 : i32 to index
        %get3A_1128 = arith.constant 48 : index
        %get3A_1129 = tpu.vector_load %arg8[%get3A_1127, %get3A_1128] {strides = array<i32>} : memref<512x64xf32, #tpu.memory_space<vmem>>, vector<16xf32>,
        tpu.vector_store_idx %arg10[%broadcast_in_dim3A_1100, %add3A_60, %select_n3A_48, %broadcast_in_dim3A_1117], %get3A_1129 : memref<4x8x8x129xf32, #tpu.memory_space<vmem>>[vector<16xi32>, vector<16xi32>, vector<16xi32>, vector<16xi32>], vector<16xf32>,
        %scan3A_1130 = arith.constant 5 : i32
        %scan3A_1131 = arith.addi %scan3A_833, %scan3A_1130 : i32
        %mul3A_1132 = arith.constant 1 : i32
        %mul3A_1133 = arith.muli %scan3A_1131, %mul3A_1132 : i32
        %add3A_1134 = arith.constant 0 : i32
        %add3A_1135 = arith.addi %add3A_1134, %mul3A_1133 : i32
        %jit3A_1136 = arith.constant 128 : i32
        %div3A_1137 = arith.divsi %add3A_1135, %jit3A_1136 : i32
        %sign3A_1138 = arith.constant 0 : i32
        %sign3A_1139 = arith.cmpi sgt, %add3A_1135, %sign3A_1138 : i32
        %sign3A_1140 = arith.extui %sign3A_1139 : i1 to i32
        %sign3A_1141 = arith.constant 0 : i32
        %sign3A_1142 = arith.cmpi slt, %add3A_1135, %sign3A_1141 : i32
        %sign3A_1143 = arith.extui %sign3A_1142 : i1 to i32
        %sign3A_1144 = arith.subi %sign3A_1140, %sign3A_1143 : i32
        %sign3A_1145 = arith.constant 0 : i32
        %sign3A_1146 = arith.cmpi sgt, %jit3A_1136, %sign3A_1145 : i32
        %sign3A_1147 = arith.extui %sign3A_1146 : i1 to i32
        %sign3A_1148 = arith.constant 0 : i32
        %sign3A_1149 = arith.cmpi slt, %jit3A_1136, %sign3A_1148 : i32
        %sign3A_1150 = arith.extui %sign3A_1149 : i1 to i32
        %sign3A_1151 = arith.subi %sign3A_1147, %sign3A_1150 : i32
        %ne3A_1152 = arith.cmpi ne, %sign3A_1144, %sign3A_1151 : i32
        %rem3A_1153 = arith.remsi %add3A_1135, %jit3A_1136 : i32
        %ne3A_1154 = arith.constant 0 : i32
        %ne3A_1155 = arith.cmpi ne, %rem3A_1153, %ne3A_1154 : i32
        %and3A_1156 = arith.andi %ne3A_1152, %ne3A_1155 : i1
        %sub3A_1157 = arith.constant 1 : i32
        %sub3A_1158 = arith.subi %div3A_1137, %sub3A_1157 : i32
        %select_n3A_1159 = arith.select %and3A_1156, %sub3A_1158, %div3A_1137 : i32
        %broadcast_in_dim3A_1160 = vector.broadcast %select_n3A_1159 : i32 to vector<16xi32>
        %jit3A_1161 = arith.constant 128 : i32
        %eq3A_1162 = arith.constant 0 : i32
        %eq3A_1163 = arith.cmpi eq, %jit3A_1161, %eq3A_1162 : i32
        %jit3A_1164 = arith.constant 1 : i32
        %select_n3A_1165 = arith.select %eq3A_1163, %jit3A_1164, %jit3A_1161 : i32
        %rem3A_1166 = arith.remsi %add3A_1135, %select_n3A_1165 : i32
        %ne3A_1167 = arith.constant 0 : i32
        %ne3A_1168 = arith.cmpi ne, %rem3A_1166, %ne3A_1167 : i32
        %lt3A_1169 = arith.constant 0 : i32
        %lt3A_1170 = arith.cmpi slt, %rem3A_1166, %lt3A_1169 : i32
        %lt3A_1171 = arith.constant 0 : i32
        %lt3A_1172 = arith.cmpi slt, %select_n3A_1165, %lt3A_1171 : i32
        %ne3A_1173 = arith.xori %lt3A_1170, %lt3A_1172 : i1
        %and3A_1174 = arith.andi %ne3A_1173, %ne3A_1168 : i1
        %add3A_1175 = arith.addi %rem3A_1166, %select_n3A_1165 : i32
        %select_n3A_1176 = arith.select %and3A_1174, %add3A_1175, %rem3A_1166 : i32
        %broadcast_in_dim3A_1177 = vector.broadcast %select_n3A_1176 : i32 to vector<16xi32>
        %get3A_1178 = arith.index_cast %add3A_1135 : i32 to index
        %get3A_1179 = arith.constant 0 : index
        %get3A_1180 = tpu.vector_load %arg8[%get3A_1178, %get3A_1179] {strides = array<i32>} : memref<512x64xf32, #tpu.memory_space<vmem>>, vector<16xf32>,
        tpu.vector_store_idx %arg10[%broadcast_in_dim3A_1160, %add3A_51, %select_n3A_48, %broadcast_in_dim3A_1177], %get3A_1180 : memref<4x8x8x129xf32, #tpu.memory_space<vmem>>[vector<16xi32>, vector<16xi32>, vector<16xi32>, vector<16xi32>], vector<16xf32>,
        %get3A_1181 = arith.index_cast %add3A_1135 : i32 to index
        %get3A_1182 = arith.constant 16 : index
        %get3A_1183 = tpu.vector_load %arg8[%get3A_1181, %get3A_1182] {strides = array<i32>} : memref<512x64xf32, #tpu.memory_space<vmem>>, vector<16xf32>,
        tpu.vector_store_idx %arg10[%broadcast_in_dim3A_1160, %add3A_54, %select_n3A_48, %broadcast_in_dim3A_1177], %get3A_1183 : memref<4x8x8x129xf32, #tpu.memory_space<vmem>>[vector<16xi32>, vector<16xi32>, vector<16xi32>, vector<16xi32>], vector<16xf32>,
        %get3A_1184 = arith.index_cast %add3A_1135 : i32 to index
        %get3A_1185 = arith.constant 32 : index
        %get3A_1186 = tpu.vector_load %arg8[%get3A_1184, %get3A_1185] {strides = array<i32>} : memref<512x64xf32, #tpu.memory_space<vmem>>, vector<16xf32>,
        tpu.vector_store_idx %arg10[%broadcast_in_dim3A_1160, %add3A_57, %select_n3A_48, %broadcast_in_dim3A_1177], %get3A_1186 : memref<4x8x8x129xf32, #tpu.memory_space<vmem>>[vector<16xi32>, vector<16xi32>, vector<16xi32>, vector<16xi32>], vector<16xf32>,
        %get3A_1187 = arith.index_cast %add3A_1135 : i32 to index
        %get3A_1188 = arith.constant 48 : index
        %get3A_1189 = tpu.vector_load %arg8[%get3A_1187, %get3A_1188] {strides = array<i32>} : memref<512x64xf32, #tpu.memory_space<vmem>>, vector<16xf32>,
        tpu.vector_store_idx %arg10[%broadcast_in_dim3A_1160, %add3A_60, %select_n3A_48, %broadcast_in_dim3A_1177], %get3A_1189 : memref<4x8x8x129xf32, #tpu.memory_space<vmem>>[vector<16xi32>, vector<16xi32>, vector<16xi32>, vector<16xi32>], vector<16xf32>,
        %scan3A_1190 = arith.constant 6 : i32
        %scan3A_1191 = arith.addi %scan3A_833, %scan3A_1190 : i32
        %mul3A_1192 = arith.constant 1 : i32
        %mul3A_1193 = arith.muli %scan3A_1191, %mul3A_1192 : i32
        %add3A_1194 = arith.constant 0 : i32
        %add3A_1195 = arith.addi %add3A_1194, %mul3A_1193 : i32
        %jit3A_1196 = arith.constant 128 : i32
        %div3A_1197 = arith.divsi %add3A_1195, %jit3A_1196 : i32
        %sign3A_1198 = arith.constant 0 : i32
        %sign3A_1199 = arith.cmpi sgt, %add3A_1195, %sign3A_1198 : i32
        %sign3A_1200 = arith.extui %sign3A_1199 : i1 to i32
        %sign3A_1201 = arith.constant 0 : i32
        %sign3A_1202 = arith.cmpi slt, %add3A_1195, %sign3A_1201 : i32
        %sign3A_1203 = arith.extui %sign3A_1202 : i1 to i32
        %sign3A_1204 = arith.subi %sign3A_1200, %sign3A_1203 : i32
        %sign3A_1205 = arith.constant 0 : i32
        %sign3A_1206 = arith.cmpi sgt, %jit3A_1196, %sign3A_1205 : i32
        %sign3A_1207 = arith.extui %sign3A_1206 : i1 to i32
        %sign3A_1208 = arith.constant 0 : i32
        %sign3A_1209 = arith.cmpi slt, %jit3A_1196, %sign3A_1208 : i32
        %sign3A_1210 = arith.extui %sign3A_1209 : i1 to i32
        %sign3A_1211 = arith.subi %sign3A_1207, %sign3A_1210 : i32
        %ne3A_1212 = arith.cmpi ne, %sign3A_1204, %sign3A_1211 : i32
        %rem3A_1213 = arith.remsi %add3A_1195, %jit3A_1196 : i32
        %ne3A_1214 = arith.constant 0 : i32
        %ne3A_1215 = arith.cmpi ne, %rem3A_1213, %ne3A_1214 : i32
        %and3A_1216 = arith.andi %ne3A_1212, %ne3A_1215 : i1
        %sub3A_1217 = arith.constant 1 : i32
        %sub3A_1218 = arith.subi %div3A_1197, %sub3A_1217 : i32
        %select_n3A_1219 = arith.select %and3A_1216, %sub3A_1218, %div3A_1197 : i32
        %broadcast_in_dim3A_1220 = vector.broadcast %select_n3A_1219 : i32 to vector<16xi32>
        %jit3A_1221 = arith.constant 128 : i32
        %eq3A_1222 = arith.constant 0 : i32
        %eq3A_1223 = arith.cmpi eq, %jit3A_1221, %eq3A_1222 : i32
        %jit3A_1224 = arith.constant 1 : i32
        %select_n3A_1225 = arith.select %eq3A_1223, %jit3A_1224, %jit3A_1221 : i32
        %rem3A_1226 = arith.remsi %add3A_1195, %select_n3A_1225 : i32
        %ne3A_1227 = arith.constant 0 : i32
        %ne3A_1228 = arith.cmpi ne, %rem3A_1226, %ne3A_1227 : i32
        %lt3A_1229 = arith.constant 0 : i32
        %lt3A_1230 = arith.cmpi slt, %rem3A_1226, %lt3A_1229 : i32
        %lt3A_1231 = arith.constant 0 : i32
        %lt3A_1232 = arith.cmpi slt, %select_n3A_1225, %lt3A_1231 : i32
        %ne3A_1233 = arith.xori %lt3A_1230, %lt3A_1232 : i1
        %and3A_1234 = arith.andi %ne3A_1233, %ne3A_1228 : i1
        %add3A_1235 = arith.addi %rem3A_1226, %select_n3A_1225 : i32
        %select_n3A_1236 = arith.select %and3A_1234, %add3A_1235, %rem3A_1226 : i32
        %broadcast_in_dim3A_1237 = vector.broadcast %select_n3A_1236 : i32 to vector<16xi32>
        %get3A_1238 = arith.index_cast %add3A_1195 : i32 to index
        %get3A_1239 = arith.constant 0 : index
        %get3A_1240 = tpu.vector_load %arg8[%get3A_1238, %get3A_1239] {strides = array<i32>} : memref<512x64xf32, #tpu.memory_space<vmem>>, vector<16xf32>,
        tpu.vector_store_idx %arg10[%broadcast_in_dim3A_1220, %add3A_51, %select_n3A_48, %broadcast_in_dim3A_1237], %get3A_1240 : memref<4x8x8x129xf32, #tpu.memory_space<vmem>>[vector<16xi32>, vector<16xi32>, vector<16xi32>, vector<16xi32>], vector<16xf32>,
        %get3A_1241 = arith.index_cast %add3A_1195 : i32 to index
        %get3A_1242 = arith.constant 16 : index
        %get3A_1243 = tpu.vector_load %arg8[%get3A_1241, %get3A_1242] {strides = array<i32>} : memref<512x64xf32, #tpu.memory_space<vmem>>, vector<16xf32>,
        tpu.vector_store_idx %arg10[%broadcast_in_dim3A_1220, %add3A_54, %select_n3A_48, %broadcast_in_dim3A_1237], %get3A_1243 : memref<4x8x8x129xf32, #tpu.memory_space<vmem>>[vector<16xi32>, vector<16xi32>, vector<16xi32>, vector<16xi32>], vector<16xf32>,
        %get3A_1244 = arith.index_cast %add3A_1195 : i32 to index
        %get3A_1245 = arith.constant 32 : index
        %get3A_1246 = tpu.vector_load %arg8[%get3A_1244, %get3A_1245] {strides = array<i32>} : memref<512x64xf32, #tpu.memory_space<vmem>>, vector<16xf32>,
        tpu.vector_store_idx %arg10[%broadcast_in_dim3A_1220, %add3A_57, %select_n3A_48, %broadcast_in_dim3A_1237], %get3A_1246 : memref<4x8x8x129xf32, #tpu.memory_space<vmem>>[vector<16xi32>, vector<16xi32>, vector<16xi32>, vector<16xi32>], vector<16xf32>,
        %get3A_1247 = arith.index_cast %add3A_1195 : i32 to index
        %get3A_1248 = arith.constant 48 : index
        %get3A_1249 = tpu.vector_load %arg8[%get3A_1247, %get3A_1248] {strides = array<i32>} : memref<512x64xf32, #tpu.memory_space<vmem>>, vector<16xf32>,
        tpu.vector_store_idx %arg10[%broadcast_in_dim3A_1220, %add3A_60, %select_n3A_48, %broadcast_in_dim3A_1237], %get3A_1249 : memref<4x8x8x129xf32, #tpu.memory_space<vmem>>[vector<16xi32>, vector<16xi32>, vector<16xi32>, vector<16xi32>], vector<16xf32>,
        %scan3A_1250 = arith.constant 7 : i32
        %scan3A_1251 = arith.addi %scan3A_833, %scan3A_1250 : i32
        %mul3A_1252 = arith.constant 1 : i32
        %mul3A_1253 = arith.muli %scan3A_1251, %mul3A_1252 : i32
        %add3A_1254 = arith.constant 0 : i32
        %add3A_1255 = arith.addi %add3A_1254, %mul3A_1253 : i32
        %jit3A_1256 = arith.constant 128 : i32
        %div3A_1257 = arith.divsi %add3A_1255, %jit3A_1256 : i32
        %sign3A_1258 = arith.constant 0 : i32
        %sign3A_1259 = arith.cmpi sgt, %add3A_1255, %sign3A_1258 : i32
        %sign3A_1260 = arith.extui %sign3A_1259 : i1 to i32
        %sign3A_1261 = arith.constant 0 : i32
        %sign3A_1262 = arith.cmpi slt, %add3A_1255, %sign3A_1261 : i32
        %sign3A_1263 = arith.extui %sign3A_1262 : i1 to i32
        %sign3A_1264 = arith.subi %sign3A_1260, %sign3A_1263 : i32
        %sign3A_1265 = arith.constant 0 : i32
        %sign3A_1266 = arith.cmpi sgt, %jit3A_1256, %sign3A_1265 : i32
        %sign3A_1267 = arith.extui %sign3A_1266 : i1 to i32
        %sign3A_1268 = arith.constant 0 : i32
        %sign3A_1269 = arith.cmpi slt, %jit3A_1256, %sign3A_1268 : i32
        %sign3A_1270 = arith.extui %sign3A_1269 : i1 to i32
        %sign3A_1271 = arith.subi %sign3A_1267, %sign3A_1270 : i32
        %ne3A_1272 = arith.cmpi ne, %sign3A_1264, %sign3A_1271 : i32
        %rem3A_1273 = arith.remsi %add3A_1255, %jit3A_1256 : i32
        %ne3A_1274 = arith.constant 0 : i32
        %ne3A_1275 = arith.cmpi ne, %rem3A_1273, %ne3A_1274 : i32
        %and3A_1276 = arith.andi %ne3A_1272, %ne3A_1275 : i1
        %sub3A_1277 = arith.constant 1 : i32
        %sub3A_1278 = arith.subi %div3A_1257, %sub3A_1277 : i32
        %select_n3A_1279 = arith.select %and3A_1276, %sub3A_1278, %div3A_1257 : i32
        %broadcast_in_dim3A_1280 = vector.broadcast %select_n3A_1279 : i32 to vector<16xi32>
        %jit3A_1281 = arith.constant 128 : i32
        %eq3A_1282 = arith.constant 0 : i32
        %eq3A_1283 = arith.cmpi eq, %jit3A_1281, %eq3A_1282 : i32
        %jit3A_1284 = arith.constant 1 : i32
        %select_n3A_1285 = arith.select %eq3A_1283, %jit3A_1284, %jit3A_1281 : i32
        %rem3A_1286 = arith.remsi %add3A_1255, %select_n3A_1285 : i32
        %ne3A_1287 = arith.constant 0 : i32
        %ne3A_1288 = arith.cmpi ne, %rem3A_1286, %ne3A_1287 : i32
        %lt3A_1289 = arith.constant 0 : i32
        %lt3A_1290 = arith.cmpi slt, %rem3A_1286, %lt3A_1289 : i32
        %lt3A_1291 = arith.constant 0 : i32
        %lt3A_1292 = arith.cmpi slt, %select_n3A_1285, %lt3A_1291 : i32
        %ne3A_1293 = arith.xori %lt3A_1290, %lt3A_1292 : i1
        %and3A_1294 = arith.andi %ne3A_1293, %ne3A_1288 : i1
        %add3A_1295 = arith.addi %rem3A_1286, %select_n3A_1285 : i32
        %select_n3A_1296 = arith.select %and3A_1294, %add3A_1295, %rem3A_1286 : i32
        %broadcast_in_dim3A_1297 = vector.broadcast %select_n3A_1296 : i32 to vector<16xi32>
        %get3A_1298 = arith.index_cast %add3A_1255 : i32 to index
        %get3A_1299 = arith.constant 0 : index
        %get3A_1300 = tpu.vector_load %arg8[%get3A_1298, %get3A_1299] {strides = array<i32>} : memref<512x64xf32, #tpu.memory_space<vmem>>, vector<16xf32>,
        tpu.vector_store_idx %arg10[%broadcast_in_dim3A_1280, %add3A_51, %select_n3A_48, %broadcast_in_dim3A_1297], %get3A_1300 : memref<4x8x8x129xf32, #tpu.memory_space<vmem>>[vector<16xi32>, vector<16xi32>, vector<16xi32>, vector<16xi32>], vector<16xf32>,
        %get3A_1301 = arith.index_cast %add3A_1255 : i32 to index
        %get3A_1302 = arith.constant 16 : index
        %get3A_1303 = tpu.vector_load %arg8[%get3A_1301, %get3A_1302] {strides = array<i32>} : memref<512x64xf32, #tpu.memory_space<vmem>>, vector<16xf32>,
        tpu.vector_store_idx %arg10[%broadcast_in_dim3A_1280, %add3A_54, %select_n3A_48, %broadcast_in_dim3A_1297], %get3A_1303 : memref<4x8x8x129xf32, #tpu.memory_space<vmem>>[vector<16xi32>, vector<16xi32>, vector<16xi32>, vector<16xi32>], vector<16xf32>,
        %get3A_1304 = arith.index_cast %add3A_1255 : i32 to index
        %get3A_1305 = arith.constant 32 : index
        %get3A_1306 = tpu.vector_load %arg8[%get3A_1304, %get3A_1305] {strides = array<i32>} : memref<512x64xf32, #tpu.memory_space<vmem>>, vector<16xf32>,
        tpu.vector_store_idx %arg10[%broadcast_in_dim3A_1280, %add3A_57, %select_n3A_48, %broadcast_in_dim3A_1297], %get3A_1306 : memref<4x8x8x129xf32, #tpu.memory_space<vmem>>[vector<16xi32>, vector<16xi32>, vector<16xi32>, vector<16xi32>], vector<16xf32>,
        %get3A_1307 = arith.index_cast %add3A_1255 : i32 to index
        %get3A_1308 = arith.constant 48 : index
        %get3A_1309 = tpu.vector_load %arg8[%get3A_1307, %get3A_1308] {strides = array<i32>} : memref<512x64xf32, #tpu.memory_space<vmem>>, vector<16xf32>,
        tpu.vector_store_idx %arg10[%broadcast_in_dim3A_1280, %add3A_60, %select_n3A_48, %broadcast_in_dim3A_1297], %get3A_1309 : memref<4x8x8x129xf32, #tpu.memory_space<vmem>>[vector<16xi32>, vector<16xi32>, vector<16xi32>, vector<16xi32>], vector<16xf32>,
      }
      %scan3A_458 = arith.constant 512 : i32
      %mul3A_459 = arith.constant 4 : i32
      %mul3A_460 = arith.muli %mul3A_459, %add3A : i32
      %dma_start3A_461 = arith.constant 0 : i32
      %dma_start3A_462 = arith.constant 0 : i32
      %dma_start3A_463 = arith.constant 0 : i32
      %dma_start3A_464 = arith.constant 0 : i32
      %dma_start3A_465 = arith.constant 0 : i32
      %dma_start3A_466 = tpu.memref_slice %arg10[%dma_start3A_463, %dma_start3A_461, %dma_start3A_464, %dma_start3A_465] : memref<4x8x8x129xf32, #tpu.memory_space<vmem>> -> memref<4x1x8x128xf32, #tpu.memory_space<vmem>>
      %dma_start3A_467 = tpu.memref_squeeze %dma_start3A_466 : memref<4x1x8x128xf32, #tpu.memory_space<vmem>> -> memref<4x8x128xf32, #tpu.memory_space<vmem>>
      %dma_start3A_468 = arith.constant 0 : i32
      %dma_start3A_469 = arith.constant 0 : i32
      %dma_start3A_470 = tpu.memref_slice %arg4[%mul3A_443, %dma_start3A_462, %mul3A_460, %dma_start3A_468, %dma_start3A_469] : memref<50x8x128x8x128xf32, #tpu.memory_space<hbm>> -> memref<1x1x4x8x128xf32, #tpu.memory_space<hbm>>
      %dma_start3A_471 = tpu.memref_squeeze %dma_start3A_470 : memref<1x1x4x8x128xf32, #tpu.memory_space<hbm>> -> memref<4x8x128xf32, #tpu.memory_space<hbm>>
      %dma_start3A_472 = arith.constant 0 : i32
      %dma_start3A_473 = arith.constant 0 : i32
      %dma_start3A_474 = tpu.memref_slice %arg4[%mul3A_443, %dma_start3A_462, %mul3A_460, %dma_start3A_472, %dma_start3A_473] : memref<50x8x128x8x128xf32, #tpu.memory_space<hbm>> -> memref<1x1x4x8x128xf32, #tpu.memory_space<hbm>>
      %dma_start3A_475 = tpu.memref_squeeze %dma_start3A_474 : memref<1x1x4x8x128xf32, #tpu.memory_space<hbm>> -> memref<4x8x128xf32, #tpu.memory_space<hbm>>
      %dma_start3A_476 = arith.constant 0 : i32
      %dma_start3A_477 = arith.constant 0 : i32
      %dma_start3A_478 = arith.constant 0 : i32
      %dma_start3A_479 = tpu.memref_slice %arg10[%dma_start3A_476, %dma_start3A_461, %dma_start3A_477, %dma_start3A_478] : memref<4x8x8x129xf32, #tpu.memory_space<vmem>> -> memref<4x1x8x128xf32, #tpu.memory_space<vmem>>
      %dma_start3A_480 = tpu.memref_squeeze %dma_start3A_479 : memref<4x1x8x128xf32, #tpu.memory_space<vmem>> -> memref<4x8x128xf32, #tpu.memory_space<vmem>>
      tpu.enqueue_dma source(%dma_start3A_480 : memref<4x8x128xf32, #tpu.memory_space<vmem>>) target(%dma_start3A_475 : memref<4x8x128xf32, #tpu.memory_space<hbm>>) target_semaphore(%arg13 : memref<!tpu.dma_semaphore, #tpu.memory_space<semaphore_mem>>)
      %mul3A_481 = arith.constant 4 : i32
      %mul3A_482 = arith.muli %mul3A_481, %add3A : i32
      %dma_start3A_483 = arith.constant 1 : i32
      %dma_start3A_484 = arith.constant 1 : i32
      %dma_start3A_485 = arith.constant 0 : i32
      %dma_start3A_486 = arith.constant 0 : i32
      %dma_start3A_487 = arith.constant 0 : i32
      %dma_start3A_488 = tpu.memref_slice %arg10[%dma_start3A_485, %dma_start3A_483, %dma_start3A_486, %dma_start3A_487] : memref<4x8x8x129xf32, #tpu.memory_space<vmem>> -> memref<4x1x8x128xf32, #tpu.memory_space<vmem>>
      %dma_start3A_489 = tpu.memref_squeeze %dma_start3A_488 : memref<4x1x8x128xf32, #tpu.memory_space<vmem>> -> memref<4x8x128xf32, #tpu.memory_space<vmem>>
      %dma_start3A_490 = arith.constant 0 : i32
      %dma_start3A_491 = arith.constant 0 : i32
      %dma_start3A_492 = tpu.memref_slice %arg4[%mul3A_443, %dma_start3A_484, %mul3A_482, %dma_start3A_490, %dma_start3A_491] : memref<50x8x128x8x128xf32, #tpu.memory_space<hbm>> -> memref<1x1x4x8x128xf32, #tpu.memory_space<hbm>>
      %dma_start3A_493 = tpu.memref_squeeze %dma_start3A_492 : memref<1x1x4x8x128xf32, #tpu.memory_space<hbm>> -> memref<4x8x128xf32, #tpu.memory_space<hbm>>
      %dma_start3A_494 = arith.constant 0 : i32
      %dma_start3A_495 = arith.constant 0 : i32
      %dma_start3A_496 = tpu.memref_slice %arg4[%mul3A_443, %dma_start3A_484, %mul3A_482, %dma_start3A_494, %dma_start3A_495] : memref<50x8x128x8x128xf32, #tpu.memory_space<hbm>> -> memref<1x1x4x8x128xf32, #tpu.memory_space<hbm>>
      %dma_start3A_497 = tpu.memref_squeeze %dma_start3A_496 : memref<1x1x4x8x128xf32, #tpu.memory_space<hbm>> -> memref<4x8x128xf32, #tpu.memory_space<hbm>>
      %dma_start3A_498 = arith.constant 0 : i32
      %dma_start3A_499 = arith.constant 0 : i32
      %dma_start3A_500 = arith.constant 0 : i32
      %dma_start3A_501 = tpu.memref_slice %arg10[%dma_start3A_498, %dma_start3A_483, %dma_start3A_499, %dma_start3A_500] : memref<4x8x8x129xf32, #tpu.memory_space<vmem>> -> memref<4x1x8x128xf32, #tpu.memory_space<vmem>>
      %dma_start3A_502 = tpu.memref_squeeze %dma_start3A_501 : memref<4x1x8x128xf32, #tpu.memory_space<vmem>> -> memref<4x8x128xf32, #tpu.memory_space<vmem>>
      tpu.enqueue_dma source(%dma_start3A_502 : memref<4x8x128xf32, #tpu.memory_space<vmem>>) target(%dma_start3A_497 : memref<4x8x128xf32, #tpu.memory_space<hbm>>) target_semaphore(%arg13 : memref<!tpu.dma_semaphore, #tpu.memory_space<semaphore_mem>>)
      %mul3A_503 = arith.constant 4 : i32
      %mul3A_504 = arith.muli %mul3A_503, %add3A : i32
      %dma_start3A_505 = arith.constant 2 : i32
      %dma_start3A_506 = arith.constant 2 : i32
      %dma_start3A_507 = arith.constant 0 : i32
      %dma_start3A_508 = arith.constant 0 : i32
      %dma_start3A_509 = arith.constant 0 : i32
      %dma_start3A_510 = tpu.memref_slice %arg10[%dma_start3A_507, %dma_start3A_505, %dma_start3A_508, %dma_start3A_509] : memref<4x8x8x129xf32, #tpu.memory_space<vmem>> -> memref<4x1x8x128xf32, #tpu.memory_space<vmem>>
      %dma_start3A_511 = tpu.memref_squeeze %dma_start3A_510 : memref<4x1x8x128xf32, #tpu.memory_space<vmem>> -> memref<4x8x128xf32, #tpu.memory_space<vmem>>
      %dma_start3A_512 = arith.constant 0 : i32
      %dma_start3A_513 = arith.constant 0 : i32
      %dma_start3A_514 = tpu.memref_slice %arg4[%mul3A_443, %dma_start3A_506, %mul3A_504, %dma_start3A_512, %dma_start3A_513] : memref<50x8x128x8x128xf32, #tpu.memory_space<hbm>> -> memref<1x1x4x8x128xf32, #tpu.memory_space<hbm>>
      %dma_start3A_515 = tpu.memref_squeeze %dma_start3A_514 : memref<1x1x4x8x128xf32, #tpu.memory_space<hbm>> -> memref<4x8x128xf32, #tpu.memory_space<hbm>>
      %dma_start3A_516 = arith.constant 0 : i32
      %dma_start3A_517 = arith.constant 0 : i32
      %dma_start3A_518 = tpu.memref_slice %arg4[%mul3A_443, %dma_start3A_506, %mul3A_504, %dma_start3A_516, %dma_start3A_517] : memref<50x8x128x8x128xf32, #tpu.memory_space<hbm>> -> memref<1x1x4x8x128xf32, #tpu.memory_space<hbm>>
      %dma_start3A_519 = tpu.memref_squeeze %dma_start3A_518 : memref<1x1x4x8x128xf32, #tpu.memory_space<hbm>> -> memref<4x8x128xf32, #tpu.memory_space<hbm>>
      %dma_start3A_520 = arith.constant 0 : i32
      %dma_start3A_521 = arith.constant 0 : i32
      %dma_start3A_522 = arith.constant 0 : i32
      %dma_start3A_523 = tpu.memref_slice %arg10[%dma_start3A_520, %dma_start3A_505, %dma_start3A_521, %dma_start3A_522] : memref<4x8x8x129xf32, #tpu.memory_space<vmem>> -> memref<4x1x8x128xf32, #tpu.memory_space<vmem>>
      %dma_start3A_524 = tpu.memref_squeeze %dma_start3A_523 : memref<4x1x8x128xf32, #tpu.memory_space<vmem>> -> memref<4x8x128xf32, #tpu.memory_space<vmem>>
      tpu.enqueue_dma source(%dma_start3A_524 : memref<4x8x128xf32, #tpu.memory_space<vmem>>) target(%dma_start3A_519 : memref<4x8x128xf32, #tpu.memory_space<hbm>>) target_semaphore(%arg13 : memref<!tpu.dma_semaphore, #tpu.memory_space<semaphore_mem>>)
      %mul3A_525 = arith.constant 4 : i32
      %mul3A_526 = arith.muli %mul3A_525, %add3A : i32
      %dma_start3A_527 = arith.constant 3 : i32
      %dma_start3A_528 = arith.constant 3 : i32
      %dma_start3A_529 = arith.constant 0 : i32
      %dma_start3A_530 = arith.constant 0 : i32
      %dma_start3A_531 = arith.constant 0 : i32
      %dma_start3A_532 = tpu.memref_slice %arg10[%dma_start3A_529, %dma_start3A_527, %dma_start3A_530, %dma_start3A_531] : memref<4x8x8x129xf32, #tpu.memory_space<vmem>> -> memref<4x1x8x128xf32, #tpu.memory_space<vmem>>
      %dma_start3A_533 = tpu.memref_squeeze %dma_start3A_532 : memref<4x1x8x128xf32, #tpu.memory_space<vmem>> -> memref<4x8x128xf32, #tpu.memory_space<vmem>>
      %dma_start3A_534 = arith.constant 0 : i32
      %dma_start3A_535 = arith.constant 0 : i32
      %dma_start3A_536 = tpu.memref_slice %arg4[%mul3A_443, %dma_start3A_528, %mul3A_526, %dma_start3A_534, %dma_start3A_535] : memref<50x8x128x8x128xf32, #tpu.memory_space<hbm>> -> memref<1x1x4x8x128xf32, #tpu.memory_space<hbm>>
      %dma_start3A_537 = tpu.memref_squeeze %dma_start3A_536 : memref<1x1x4x8x128xf32, #tpu.memory_space<hbm>> -> memref<4x8x128xf32, #tpu.memory_space<hbm>>
      %dma_start3A_538 = arith.constant 0 : i32
      %dma_start3A_539 = arith.constant 0 : i32
      %dma_start3A_540 = tpu.memref_slice %arg4[%mul3A_443, %dma_start3A_528, %mul3A_526, %dma_start3A_538, %dma_start3A_539] : memref<50x8x128x8x128xf32, #tpu.memory_space<hbm>> -> memref<1x1x4x8x128xf32, #tpu.memory_space<hbm>>
      %dma_start3A_541 = tpu.memref_squeeze %dma_start3A_540 : memref<1x1x4x8x128xf32, #tpu.memory_space<hbm>> -> memref<4x8x128xf32, #tpu.memory_space<hbm>>
      %dma_start3A_542 = arith.constant 0 : i32
      %dma_start3A_543 = arith.constant 0 : i32
      %dma_start3A_544 = arith.constant 0 : i32
      %dma_start3A_545 = tpu.memref_slice %arg10[%dma_start3A_542, %dma_start3A_527, %dma_start3A_543, %dma_start3A_544] : memref<4x8x8x129xf32, #tpu.memory_space<vmem>> -> memref<4x1x8x128xf32, #tpu.memory_space<vmem>>
      %dma_start3A_546 = tpu.memref_squeeze %dma_start3A_545 : memref<4x1x8x128xf32, #tpu.memory_space<vmem>> -> memref<4x8x128xf32, #tpu.memory_space<vmem>>
      tpu.enqueue_dma source(%dma_start3A_546 : memref<4x8x128xf32, #tpu.memory_space<vmem>>) target(%dma_start3A_541 : memref<4x8x128xf32, #tpu.memory_space<hbm>>) target_semaphore(%arg13 : memref<!tpu.dma_semaphore, #tpu.memory_space<semaphore_mem>>)
      %mul3A_547 = arith.constant 4 : i32
      %mul3A_548 = arith.muli %mul3A_547, %add3A : i32
      %dma_start3A_549 = arith.constant 4 : i32
      %dma_start3A_550 = arith.constant 4 : i32
      %dma_start3A_551 = arith.constant 0 : i32
      %dma_start3A_552 = arith.constant 0 : i32
      %dma_start3A_553 = arith.constant 0 : i32
      %dma_start3A_554 = tpu.memref_slice %arg10[%dma_start3A_551, %dma_start3A_549, %dma_start3A_552, %dma_start3A_553] : memref<4x8x8x129xf32, #tpu.memory_space<vmem>> -> memref<4x1x8x128xf32, #tpu.memory_space<vmem>>
      %dma_start3A_555 = tpu.memref_squeeze %dma_start3A_554 : memref<4x1x8x128xf32, #tpu.memory_space<vmem>> -> memref<4x8x128xf32, #tpu.memory_space<vmem>>
      %dma_start3A_556 = arith.constant 0 : i32
      %dma_start3A_557 = arith.constant 0 : i32
      %dma_start3A_558 = tpu.memref_slice %arg4[%mul3A_443, %dma_start3A_550, %mul3A_548, %dma_start3A_556, %dma_start3A_557] : memref<50x8x128x8x128xf32, #tpu.memory_space<hbm>> -> memref<1x1x4x8x128xf32, #tpu.memory_space<hbm>>
      %dma_start3A_559 = tpu.memref_squeeze %dma_start3A_558 : memref<1x1x4x8x128xf32, #tpu.memory_space<hbm>> -> memref<4x8x128xf32, #tpu.memory_space<hbm>>
      %dma_start3A_560 = arith.constant 0 : i32
      %dma_start3A_561 = arith.constant 0 : i32
      %dma_start3A_562 = tpu.memref_slice %arg4[%mul3A_443, %dma_start3A_550, %mul3A_548, %dma_start3A_560, %dma_start3A_561] : memref<50x8x128x8x128xf32, #tpu.memory_space<hbm>> -> memref<1x1x4x8x128xf32, #tpu.memory_space<hbm>>
      %dma_start3A_563 = tpu.memref_squeeze %dma_start3A_562 : memref<1x1x4x8x128xf32, #tpu.memory_space<hbm>> -> memref<4x8x128xf32, #tpu.memory_space<hbm>>
      %dma_start3A_564 = arith.constant 0 : i32
      %dma_start3A_565 = arith.constant 0 : i32
      %dma_start3A_566 = arith.constant 0 : i32
      %dma_start3A_567 = tpu.memref_slice %arg10[%dma_start3A_564, %dma_start3A_549, %dma_start3A_565, %dma_start3A_566] : memref<4x8x8x129xf32, #tpu.memory_space<vmem>> -> memref<4x1x8x128xf32, #tpu.memory_space<vmem>>
      %dma_start3A_568 = tpu.memref_squeeze %dma_start3A_567 : memref<4x1x8x128xf32, #tpu.memory_space<vmem>> -> memref<4x8x128xf32, #tpu.memory_space<vmem>>
      tpu.enqueue_dma source(%dma_start3A_568 : memref<4x8x128xf32, #tpu.memory_space<vmem>>) target(%dma_start3A_563 : memref<4x8x128xf32, #tpu.memory_space<hbm>>) target_semaphore(%arg13 : memref<!tpu.dma_semaphore, #tpu.memory_space<semaphore_mem>>)
      %mul3A_569 = arith.constant 4 : i32
      %mul3A_570 = arith.muli %mul3A_569, %add3A : i32
      %dma_start3A_571 = arith.constant 5 : i32
      %dma_start3A_572 = arith.constant 5 : i32
      %dma_start3A_573 = arith.constant 0 : i32
      %dma_start3A_574 = arith.constant 0 : i32
      %dma_start3A_575 = arith.constant 0 : i32
      %dma_start3A_576 = tpu.memref_slice %arg10[%dma_start3A_573, %dma_start3A_571, %dma_start3A_574, %dma_start3A_575] : memref<4x8x8x129xf32, #tpu.memory_space<vmem>> -> memref<4x1x8x128xf32, #tpu.memory_space<vmem>>
      %dma_start3A_577 = tpu.memref_squeeze %dma_start3A_576 : memref<4x1x8x128xf32, #tpu.memory_space<vmem>> -> memref<4x8x128xf32, #tpu.memory_space<vmem>>
      %dma_start3A_578 = arith.constant 0 : i32
      %dma_start3A_579 = arith.constant 0 : i32
      %dma_start3A_580 = tpu.memref_slice %arg4[%mul3A_443, %dma_start3A_572, %mul3A_570, %dma_start3A_578, %dma_start3A_579] : memref<50x8x128x8x128xf32, #tpu.memory_space<hbm>> -> memref<1x1x4x8x128xf32, #tpu.memory_space<hbm>>
      %dma_start3A_581 = tpu.memref_squeeze %dma_start3A_580 : memref<1x1x4x8x128xf32, #tpu.memory_space<hbm>> -> memref<4x8x128xf32, #tpu.memory_space<hbm>>
      %dma_start3A_582 = arith.constant 0 : i32
      %dma_start3A_583 = arith.constant 0 : i32
      %dma_start3A_584 = tpu.memref_slice %arg4[%mul3A_443, %dma_start3A_572, %mul3A_570, %dma_start3A_582, %dma_start3A_583] : memref<50x8x128x8x128xf32, #tpu.memory_space<hbm>> -> memref<1x1x4x8x128xf32, #tpu.memory_space<hbm>>
      %dma_start3A_585 = tpu.memref_squeeze %dma_start3A_584 : memref<1x1x4x8x128xf32, #tpu.memory_space<hbm>> -> memref<4x8x128xf32, #tpu.memory_space<hbm>>
      %dma_start3A_586 = arith.constant 0 : i32
      %dma_start3A_587 = arith.constant 0 : i32
      %dma_start3A_588 = arith.constant 0 : i32
      %dma_start3A_589 = tpu.memref_slice %arg10[%dma_start3A_586, %dma_start3A_571, %dma_start3A_587, %dma_start3A_588] : memref<4x8x8x129xf32, #tpu.memory_space<vmem>> -> memref<4x1x8x128xf32, #tpu.memory_space<vmem>>
      %dma_start3A_590 = tpu.memref_squeeze %dma_start3A_589 : memref<4x1x8x128xf32, #tpu.memory_space<vmem>> -> memref<4x8x128xf32, #tpu.memory_space<vmem>>
      tpu.enqueue_dma source(%dma_start3A_590 : memref<4x8x128xf32, #tpu.memory_space<vmem>>) target(%dma_start3A_585 : memref<4x8x128xf32, #tpu.memory_space<hbm>>) target_semaphore(%arg13 : memref<!tpu.dma_semaphore, #tpu.memory_space<semaphore_mem>>)
      %mul3A_591 = arith.constant 4 : i32
      %mul3A_592 = arith.muli %mul3A_591, %add3A : i32
      %dma_start3A_593 = arith.constant 6 : i32
      %dma_start3A_594 = arith.constant 6 : i32
      %dma_start3A_595 = arith.constant 0 : i32
      %dma_start3A_596 = arith.constant 0 : i32
      %dma_start3A_597 = arith.constant 0 : i32
      %dma_start3A_598 = tpu.memref_slice %arg10[%dma_start3A_595, %dma_start3A_593, %dma_start3A_596, %dma_start3A_597] : memref<4x8x8x129xf32, #tpu.memory_space<vmem>> -> memref<4x1x8x128xf32, #tpu.memory_space<vmem>>
      %dma_start3A_599 = tpu.memref_squeeze %dma_start3A_598 : memref<4x1x8x128xf32, #tpu.memory_space<vmem>> -> memref<4x8x128xf32, #tpu.memory_space<vmem>>
      %dma_start3A_600 = arith.constant 0 : i32
      %dma_start3A_601 = arith.constant 0 : i32
      %dma_start3A_602 = tpu.memref_slice %arg4[%mul3A_443, %dma_start3A_594, %mul3A_592, %dma_start3A_600, %dma_start3A_601] : memref<50x8x128x8x128xf32, #tpu.memory_space<hbm>> -> memref<1x1x4x8x128xf32, #tpu.memory_space<hbm>>
      %dma_start3A_603 = tpu.memref_squeeze %dma_start3A_602 : memref<1x1x4x8x128xf32, #tpu.memory_space<hbm>> -> memref<4x8x128xf32, #tpu.memory_space<hbm>>
      %dma_start3A_604 = arith.constant 0 : i32
      %dma_start3A_605 = arith.constant 0 : i32
      %dma_start3A_606 = tpu.memref_slice %arg4[%mul3A_443, %dma_start3A_594, %mul3A_592, %dma_start3A_604, %dma_start3A_605] : memref<50x8x128x8x128xf32, #tpu.memory_space<hbm>> -> memref<1x1x4x8x128xf32, #tpu.memory_space<hbm>>
      %dma_start3A_607 = tpu.memref_squeeze %dma_start3A_606 : memref<1x1x4x8x128xf32, #tpu.memory_space<hbm>> -> memref<4x8x128xf32, #tpu.memory_space<hbm>>
      %dma_start3A_608 = arith.constant 0 : i32
      %dma_start3A_609 = arith.constant 0 : i32
      %dma_start3A_610 = arith.constant 0 : i32
      %dma_start3A_611 = tpu.memref_slice %arg10[%dma_start3A_608, %dma_start3A_593, %dma_start3A_609, %dma_start3A_610] : memref<4x8x8x129xf32, #tpu.memory_space<vmem>> -> memref<4x1x8x128xf32, #tpu.memory_space<vmem>>
      %dma_start3A_612 = tpu.memref_squeeze %dma_start3A_611 : memref<4x1x8x128xf32, #tpu.memory_space<vmem>> -> memref<4x8x128xf32, #tpu.memory_space<vmem>>
      tpu.enqueue_dma source(%dma_start3A_612 : memref<4x8x128xf32, #tpu.memory_space<vmem>>) target(%dma_start3A_607 : memref<4x8x128xf32, #tpu.memory_space<hbm>>) target_semaphore(%arg13 : memref<!tpu.dma_semaphore, #tpu.memory_space<semaphore_mem>>)
      %mul3A_613 = arith.constant 4 : i32
      %mul3A_614 = arith.muli %mul3A_613, %add3A : i32
      %dma_start3A_615 = arith.constant 7 : i32
      %dma_start3A_616 = arith.constant 7 : i32
      %dma_start3A_617 = arith.constant 0 : i32
      %dma_start3A_618 = arith.constant 0 : i32
      %dma_start3A_619 = arith.constant 0 : i32
      %dma_start3A_620 = tpu.memref_slice %arg10[%dma_start3A_617, %dma_start3A_615, %dma_start3A_618, %dma_start3A_619] : memref<4x8x8x129xf32, #tpu.memory_space<vmem>> -> memref<4x1x8x128xf32, #tpu.memory_space<vmem>>
      %dma_start3A_621 = tpu.memref_squeeze %dma_start3A_620 : memref<4x1x8x128xf32, #tpu.memory_space<vmem>> -> memref<4x8x128xf32, #tpu.memory_space<vmem>>
      %dma_start3A_622 = arith.constant 0 : i32
      %dma_start3A_623 = arith.constant 0 : i32
      %dma_start3A_624 = tpu.memref_slice %arg4[%mul3A_443, %dma_start3A_616, %mul3A_614, %dma_start3A_622, %dma_start3A_623] : memref<50x8x128x8x128xf32, #tpu.memory_space<hbm>> -> memref<1x1x4x8x128xf32, #tpu.memory_space<hbm>>
      %dma_start3A_625 = tpu.memref_squeeze %dma_start3A_624 : memref<1x1x4x8x128xf32, #tpu.memory_space<hbm>> -> memref<4x8x128xf32, #tpu.memory_space<hbm>>
      %dma_start3A_626 = arith.constant 0 : i32
      %dma_start3A_627 = arith.constant 0 : i32
      %dma_start3A_628 = tpu.memref_slice %arg4[%mul3A_443, %dma_start3A_616, %mul3A_614, %dma_start3A_626, %dma_start3A_627] : memref<50x8x128x8x128xf32, #tpu.memory_space<hbm>> -> memref<1x1x4x8x128xf32, #tpu.memory_space<hbm>>
      %dma_start3A_629 = tpu.memref_squeeze %dma_start3A_628 : memref<1x1x4x8x128xf32, #tpu.memory_space<hbm>> -> memref<4x8x128xf32, #tpu.memory_space<hbm>>
      %dma_start3A_630 = arith.constant 0 : i32
      %dma_start3A_631 = arith.constant 0 : i32
      %dma_start3A_632 = arith.constant 0 : i32
      %dma_start3A_633 = tpu.memref_slice %arg10[%dma_start3A_630, %dma_start3A_615, %dma_start3A_631, %dma_start3A_632] : memref<4x8x8x129xf32, #tpu.memory_space<vmem>> -> memref<4x1x8x128xf32, #tpu.memory_space<vmem>>
      %dma_start3A_634 = tpu.memref_squeeze %dma_start3A_633 : memref<4x1x8x128xf32, #tpu.memory_space<vmem>> -> memref<4x8x128xf32, #tpu.memory_space<vmem>>
      tpu.enqueue_dma source(%dma_start3A_634 : memref<4x8x128xf32, #tpu.memory_space<vmem>>) target(%dma_start3A_629 : memref<4x8x128xf32, #tpu.memory_space<hbm>>) target_semaphore(%arg13 : memref<!tpu.dma_semaphore, #tpu.memory_space<semaphore_mem>>)
      %mul3A_635 = arith.constant 2 : i32
      %mul3A_636 = arith.muli %mul3A_635, %scan3A_441 : i32
      %add3A_637 = arith.constant 1 : i32
      %add3A_638 = arith.addi %mul3A_636, %add3A_637 : i32
      %dma_wait3A_639 = arith.constant 0 : i32
      %dma_wait3A_640 = arith.constant 0 : i32
      %dma_wait3A_641 = tpu.memref_slice %arg2[%dma_wait3A_639, %dma_wait3A_640] : memref<1000000x64xf32, #tpu.memory_space<hbm>> -> memref<1000000x64xf32, #tpu.memory_space<hbm>>
      tpu.wait_indirect_dma semaphore(%arg12 : memref<!tpu.dma_semaphore, #tpu.memory_space<semaphore_mem>>) src(%dma_wait3A_641 : memref<1000000x64xf32, #tpu.memory_space<hbm>>) dst(%arg9 : memref<512x64xf32, #tpu.memory_space<vmem>>)
      %lt3A_642 = arith.constant 49 : i32
      %lt3A_643 = arith.cmpi slt, %add3A_638, %lt3A_642 : i32
      %convert_element_type3A_644 = arith.extui %lt3A_643 : i1 to i32
      %cond3A_645 = arith.constant 0 : i32
      %cond3A_646 = arith.cmpi ne, %convert_element_type3A_644, %cond3A_645 : i32
      scf.if %cond3A_646 {
        %add3A_833 = arith.constant 1 : i32
        %add3A_834 = arith.addi %add3A_638, %add3A_833 : i32
        %add3A_835 = arith.constant 0 : i32
        %add3A_836 = arith.addi %add3A_835, %add3A_834 : i32
        %add3A_837 = vector.broadcast %add3A_836 : i32 to vector<16xi32>
        %add3A_838 = arith.addi %mul3A_5, %add3A_837 : vector<16xi32>
        %gather3A_839 = tpu.vector_load_idx %arg5[%add3A_838] : memref<25600xi32, #tpu.memory_space<vmem>>[vector<16xi32>], vector<16xi32>,
        %swap3A_840 = arith.constant 0 : index
        %swap3A_841 = tpu.vector_load %arg6[%swap3A_840] {strides = array<i32>} : memref<512xi32, #tpu.memory_space<vmem>>, vector<16xi32>,
        tpu.vector_store %arg6[%swap3A_840], %gather3A_839 {strides = array<i32>} : memref<512xi32, #tpu.memory_space<vmem>>, vector<16xi32>,
        %add3A_842 = arith.constant 800 : i32
        %add3A_843 = arith.addi %add3A_842, %add3A_834 : i32
        %add3A_844 = vector.broadcast %add3A_843 : i32 to vector<16xi32>
        %add3A_845 = arith.addi %mul3A_5, %add3A_844 : vector<16xi32>
        %gather3A_846 = tpu.vector_load_idx %arg5[%add3A_845] : memref<25600xi32, #tpu.memory_space<vmem>>[vector<16xi32>], vector<16xi32>,
        %swap3A_847 = arith.constant 16 : index
        %swap3A_848 = tpu.vector_load %arg6[%swap3A_847] {strides = array<i32>} : memref<512xi32, #tpu.memory_space<vmem>>, vector<16xi32>,
        tpu.vector_store %arg6[%swap3A_847], %gather3A_846 {strides = array<i32>} : memref<512xi32, #tpu.memory_space<vmem>>, vector<16xi32>,
        %add3A_849 = arith.constant 1600 : i32
        %add3A_850 = arith.addi %add3A_849, %add3A_834 : i32
        %add3A_851 = vector.broadcast %add3A_850 : i32 to vector<16xi32>
        %add3A_852 = arith.addi %mul3A_5, %add3A_851 : vector<16xi32>
        %gather3A_853 = tpu.vector_load_idx %arg5[%add3A_852] : memref<25600xi32, #tpu.memory_space<vmem>>[vector<16xi32>], vector<16xi32>,
        %swap3A_854 = arith.constant 32 : index
        %swap3A_855 = tpu.vector_load %arg6[%swap3A_854] {strides = array<i32>} : memref<512xi32, #tpu.memory_space<vmem>>, vector<16xi32>,
        tpu.vector_store %arg6[%swap3A_854], %gather3A_853 {strides = array<i32>} : memref<512xi32, #tpu.memory_space<vmem>>, vector<16xi32>,
        %add3A_856 = arith.constant 2400 : i32
        %add3A_857 = arith.addi %add3A_856, %add3A_834 : i32
        %add3A_858 = vector.broadcast %add3A_857 : i32 to vector<16xi32>
        %add3A_859 = arith.addi %mul3A_5, %add3A_858 : vector<16xi32>
        %gather3A_860 = tpu.vector_load_idx %arg5[%add3A_859] : memref<25600xi32, #tpu.memory_space<vmem>>[vector<16xi32>], vector<16xi32>,
        %swap3A_861 = arith.constant 48 : index
        %swap3A_862 = tpu.vector_load %arg6[%swap3A_861] {strides = array<i32>} : memref<512xi32, #tpu.memory_space<vmem>>, vector<16xi32>,
        tpu.vector_store %arg6[%swap3A_861], %gather3A_860 {strides = array<i32>} : memref<512xi32, #tpu.memory_space<vmem>>, vector<16xi32>,
        %add3A_863 = arith.constant 3200 : i32
        %add3A_864 = arith.addi %add3A_863, %add3A_834 : i32
        %add3A_865 = vector.broadcast %add3A_864 : i32 to vector<16xi32>
        %add3A_866 = arith.addi %mul3A_5, %add3A_865 : vector<16xi32>
        %gather3A_867 = tpu.vector_load_idx %arg5[%add3A_866] : memref<25600xi32, #tpu.memory_space<vmem>>[vector<16xi32>], vector<16xi32>,
        %swap3A_868 = arith.constant 64 : index
        %swap3A_869 = tpu.vector_load %arg6[%swap3A_868] {strides = array<i32>} : memref<512xi32, #tpu.memory_space<vmem>>, vector<16xi32>,
        tpu.vector_store %arg6[%swap3A_868], %gather3A_867 {strides = array<i32>} : memref<512xi32, #tpu.memory_space<vmem>>, vector<16xi32>,
        %add3A_870 = arith.constant 4000 : i32
        %add3A_871 = arith.addi %add3A_870, %add3A_834 : i32
        %add3A_872 = vector.broadcast %add3A_871 : i32 to vector<16xi32>
        %add3A_873 = arith.addi %mul3A_5, %add3A_872 : vector<16xi32>
        %gather3A_874 = tpu.vector_load_idx %arg5[%add3A_873] : memref<25600xi32, #tpu.memory_space<vmem>>[vector<16xi32>], vector<16xi32>,
        %swap3A_875 = arith.constant 80 : index
        %swap3A_876 = tpu.vector_load %arg6[%swap3A_875] {strides = array<i32>} : memref<512xi32, #tpu.memory_space<vmem>>, vector<16xi32>,
        tpu.vector_store %arg6[%swap3A_875], %gather3A_874 {strides = array<i32>} : memref<512xi32, #tpu.memory_space<vmem>>, vector<16xi32>,
        %add3A_877 = arith.constant 4800 : i32
        %add3A_878 = arith.addi %add3A_877, %add3A_834 : i32
        %add3A_879 = vector.broadcast %add3A_878 : i32 to vector<16xi32>
        %add3A_880 = arith.addi %mul3A_5, %add3A_879 : vector<16xi32>
        %gather3A_881 = tpu.vector_load_idx %arg5[%add3A_880] : memref<25600xi32, #tpu.memory_space<vmem>>[vector<16xi32>], vector<16xi32>,
        %swap3A_882 = arith.constant 96 : index
        %swap3A_883 = tpu.vector_load %arg6[%swap3A_882] {strides = array<i32>} : memref<512xi32, #tpu.memory_space<vmem>>, vector<16xi32>,
        tpu.vector_store %arg6[%swap3A_882], %gather3A_881 {strides = array<i32>} : memref<512xi32, #tpu.memory_space<vmem>>, vector<16xi32>,
        %add3A_884 = arith.constant 5600 : i32
        %add3A_885 = arith.addi %add3A_884, %add3A_834 : i32
        %add3A_886 = vector.broadcast %add3A_885 : i32 to vector<16xi32>
        %add3A_887 = arith.addi %mul3A_5, %add3A_886 : vector<16xi32>
        %gather3A_888 = tpu.vector_load_idx %arg5[%add3A_887] : memref<25600xi32, #tpu.memory_space<vmem>>[vector<16xi32>], vector<16xi32>,
        %swap3A_889 = arith.constant 112 : index
        %swap3A_890 = tpu.vector_load %arg6[%swap3A_889] {strides = array<i32>} : memref<512xi32, #tpu.memory_space<vmem>>, vector<16xi32>,
        tpu.vector_store %arg6[%swap3A_889], %gather3A_888 {strides = array<i32>} : memref<512xi32, #tpu.memory_space<vmem>>, vector<16xi32>,
        %add3A_891 = arith.constant 6400 : i32
        %add3A_892 = arith.addi %add3A_891, %add3A_834 : i32
        %add3A_893 = vector.broadcast %add3A_892 : i32 to vector<16xi32>
        %add3A_894 = arith.addi %mul3A_5, %add3A_893 : vector<16xi32>
        %gather3A_895 = tpu.vector_load_idx %arg5[%add3A_894] : memref<25600xi32, #tpu.memory_space<vmem>>[vector<16xi32>], vector<16xi32>,
        %swap3A_896 = arith.constant 128 : index
        %swap3A_897 = tpu.vector_load %arg6[%swap3A_896] {strides = array<i32>} : memref<512xi32, #tpu.memory_space<vmem>>, vector<16xi32>,
        tpu.vector_store %arg6[%swap3A_896], %gather3A_895 {strides = array<i32>} : memref<512xi32, #tpu.memory_space<vmem>>, vector<16xi32>,
        %add3A_898 = arith.constant 7200 : i32
        %add3A_899 = arith.addi %add3A_898, %add3A_834 : i32
        %add3A_900 = vector.broadcast %add3A_899 : i32 to vector<16xi32>
        %add3A_901 = arith.addi %mul3A_5, %add3A_900 : vector<16xi32>
        %gather3A_902 = tpu.vector_load_idx %arg5[%add3A_901] : memref<25600xi32, #tpu.memory_space<vmem>>[vector<16xi32>], vector<16xi32>,
        %swap3A_903 = arith.constant 144 : index
        %swap3A_904 = tpu.vector_load %arg6[%swap3A_903] {strides = array<i32>} : memref<512xi32, #tpu.memory_space<vmem>>, vector<16xi32>,
        tpu.vector_store %arg6[%swap3A_903], %gather3A_902 {strides = array<i32>} : memref<512xi32, #tpu.memory_space<vmem>>, vector<16xi32>,
        %add3A_905 = arith.constant 8000 : i32
        %add3A_906 = arith.addi %add3A_905, %add3A_834 : i32
        %add3A_907 = vector.broadcast %add3A_906 : i32 to vector<16xi32>
        %add3A_908 = arith.addi %mul3A_5, %add3A_907 : vector<16xi32>
        %gather3A_909 = tpu.vector_load_idx %arg5[%add3A_908] : memref<25600xi32, #tpu.memory_space<vmem>>[vector<16xi32>], vector<16xi32>,
        %swap3A_910 = arith.constant 160 : index
        %swap3A_911 = tpu.vector_load %arg6[%swap3A_910] {strides = array<i32>} : memref<512xi32, #tpu.memory_space<vmem>>, vector<16xi32>,
        tpu.vector_store %arg6[%swap3A_910], %gather3A_909 {strides = array<i32>} : memref<512xi32, #tpu.memory_space<vmem>>, vector<16xi32>,
        %add3A_912 = arith.constant 8800 : i32
        %add3A_913 = arith.addi %add3A_912, %add3A_834 : i32
        %add3A_914 = vector.broadcast %add3A_913 : i32 to vector<16xi32>
        %add3A_915 = arith.addi %mul3A_5, %add3A_914 : vector<16xi32>
        %gather3A_916 = tpu.vector_load_idx %arg5[%add3A_915] : memref<25600xi32, #tpu.memory_space<vmem>>[vector<16xi32>], vector<16xi32>,
        %swap3A_917 = arith.constant 176 : index
        %swap3A_918 = tpu.vector_load %arg6[%swap3A_917] {strides = array<i32>} : memref<512xi32, #tpu.memory_space<vmem>>, vector<16xi32>,
        tpu.vector_store %arg6[%swap3A_917], %gather3A_916 {strides = array<i32>} : memref<512xi32, #tpu.memory_space<vmem>>, vector<16xi32>,
        %add3A_919 = arith.constant 9600 : i32
        %add3A_920 = arith.addi %add3A_919, %add3A_834 : i32
        %add3A_921 = vector.broadcast %add3A_920 : i32 to vector<16xi32>
        %add3A_922 = arith.addi %mul3A_5, %add3A_921 : vector<16xi32>
        %gather3A_923 = tpu.vector_load_idx %arg5[%add3A_922] : memref<25600xi32, #tpu.memory_space<vmem>>[vector<16xi32>], vector<16xi32>,
        %swap3A_924 = arith.constant 192 : index
        %swap3A_925 = tpu.vector_load %arg6[%swap3A_924] {strides = array<i32>} : memref<512xi32, #tpu.memory_space<vmem>>, vector<16xi32>,
        tpu.vector_store %arg6[%swap3A_924], %gather3A_923 {strides = array<i32>} : memref<512xi32, #tpu.memory_space<vmem>>, vector<16xi32>,
        %add3A_926 = arith.constant 10400 : i32
        %add3A_927 = arith.addi %add3A_926, %add3A_834 : i32
        %add3A_928 = vector.broadcast %add3A_927 : i32 to vector<16xi32>
        %add3A_929 = arith.addi %mul3A_5, %add3A_928 : vector<16xi32>
        %gather3A_930 = tpu.vector_load_idx %arg5[%add3A_929] : memref<25600xi32, #tpu.memory_space<vmem>>[vector<16xi32>], vector<16xi32>,
        %swap3A_931 = arith.constant 208 : index
        %swap3A_932 = tpu.vector_load %arg6[%swap3A_931] {strides = array<i32>} : memref<512xi32, #tpu.memory_space<vmem>>, vector<16xi32>,
        tpu.vector_store %arg6[%swap3A_931], %gather3A_930 {strides = array<i32>} : memref<512xi32, #tpu.memory_space<vmem>>, vector<16xi32>,
        %add3A_933 = arith.constant 11200 : i32
        %add3A_934 = arith.addi %add3A_933, %add3A_834 : i32
        %add3A_935 = vector.broadcast %add3A_934 : i32 to vector<16xi32>
        %add3A_936 = arith.addi %mul3A_5, %add3A_935 : vector<16xi32>
        %gather3A_937 = tpu.vector_load_idx %arg5[%add3A_936] : memref<25600xi32, #tpu.memory_space<vmem>>[vector<16xi32>], vector<16xi32>,
        %swap3A_938 = arith.constant 224 : index
        %swap3A_939 = tpu.vector_load %arg6[%swap3A_938] {strides = array<i32>} : memref<512xi32, #tpu.memory_space<vmem>>, vector<16xi32>,
        tpu.vector_store %arg6[%swap3A_938], %gather3A_937 {strides = array<i32>} : memref<512xi32, #tpu.memory_space<vmem>>, vector<16xi32>,
        %add3A_940 = arith.constant 12000 : i32
        %add3A_941 = arith.addi %add3A_940, %add3A_834 : i32
        %add3A_942 = vector.broadcast %add3A_941 : i32 to vector<16xi32>
        %add3A_943 = arith.addi %mul3A_5, %add3A_942 : vector<16xi32>
        %gather3A_944 = tpu.vector_load_idx %arg5[%add3A_943] : memref<25600xi32, #tpu.memory_space<vmem>>[vector<16xi32>], vector<16xi32>,
        %swap3A_945 = arith.constant 240 : index
        %swap3A_946 = tpu.vector_load %arg6[%swap3A_945] {strides = array<i32>} : memref<512xi32, #tpu.memory_space<vmem>>, vector<16xi32>,
        tpu.vector_store %arg6[%swap3A_945], %gather3A_944 {strides = array<i32>} : memref<512xi32, #tpu.memory_space<vmem>>, vector<16xi32>,
        %add3A_947 = arith.constant 12800 : i32
        %add3A_948 = arith.addi %add3A_947, %add3A_834 : i32
        %add3A_949 = vector.broadcast %add3A_948 : i32 to vector<16xi32>
        %add3A_950 = arith.addi %mul3A_5, %add3A_949 : vector<16xi32>
        %gather3A_951 = tpu.vector_load_idx %arg5[%add3A_950] : memref<25600xi32, #tpu.memory_space<vmem>>[vector<16xi32>], vector<16xi32>,
        %swap3A_952 = arith.constant 256 : index
        %swap3A_953 = tpu.vector_load %arg6[%swap3A_952] {strides = array<i32>} : memref<512xi32, #tpu.memory_space<vmem>>, vector<16xi32>,
        tpu.vector_store %arg6[%swap3A_952], %gather3A_951 {strides = array<i32>} : memref<512xi32, #tpu.memory_space<vmem>>, vector<16xi32>,
        %add3A_954 = arith.constant 13600 : i32
        %add3A_955 = arith.addi %add3A_954, %add3A_834 : i32
        %add3A_956 = vector.broadcast %add3A_955 : i32 to vector<16xi32>
        %add3A_957 = arith.addi %mul3A_5, %add3A_956 : vector<16xi32>
        %gather3A_958 = tpu.vector_load_idx %arg5[%add3A_957] : memref<25600xi32, #tpu.memory_space<vmem>>[vector<16xi32>], vector<16xi32>,
        %swap3A_959 = arith.constant 272 : index
        %swap3A_960 = tpu.vector_load %arg6[%swap3A_959] {strides = array<i32>} : memref<512xi32, #tpu.memory_space<vmem>>, vector<16xi32>,
        tpu.vector_store %arg6[%swap3A_959], %gather3A_958 {strides = array<i32>} : memref<512xi32, #tpu.memory_space<vmem>>, vector<16xi32>,
        %add3A_961 = arith.constant 14400 : i32
        %add3A_962 = arith.addi %add3A_961, %add3A_834 : i32
        %add3A_963 = vector.broadcast %add3A_962 : i32 to vector<16xi32>
        %add3A_964 = arith.addi %mul3A_5, %add3A_963 : vector<16xi32>
        %gather3A_965 = tpu.vector_load_idx %arg5[%add3A_964] : memref<25600xi32, #tpu.memory_space<vmem>>[vector<16xi32>], vector<16xi32>,
        %swap3A_966 = arith.constant 288 : index
        %swap3A_967 = tpu.vector_load %arg6[%swap3A_966] {strides = array<i32>} : memref<512xi32, #tpu.memory_space<vmem>>, vector<16xi32>,
        tpu.vector_store %arg6[%swap3A_966], %gather3A_965 {strides = array<i32>} : memref<512xi32, #tpu.memory_space<vmem>>, vector<16xi32>,
        %add3A_968 = arith.constant 15200 : i32
        %add3A_969 = arith.addi %add3A_968, %add3A_834 : i32
        %add3A_970 = vector.broadcast %add3A_969 : i32 to vector<16xi32>
        %add3A_971 = arith.addi %mul3A_5, %add3A_970 : vector<16xi32>
        %gather3A_972 = tpu.vector_load_idx %arg5[%add3A_971] : memref<25600xi32, #tpu.memory_space<vmem>>[vector<16xi32>], vector<16xi32>,
        %swap3A_973 = arith.constant 304 : index
        %swap3A_974 = tpu.vector_load %arg6[%swap3A_973] {strides = array<i32>} : memref<512xi32, #tpu.memory_space<vmem>>, vector<16xi32>,
        tpu.vector_store %arg6[%swap3A_973], %gather3A_972 {strides = array<i32>} : memref<512xi32, #tpu.memory_space<vmem>>, vector<16xi32>,
        %add3A_975 = arith.constant 16000 : i32
        %add3A_976 = arith.addi %add3A_975, %add3A_834 : i32
        %add3A_977 = vector.broadcast %add3A_976 : i32 to vector<16xi32>
        %add3A_978 = arith.addi %mul3A_5, %add3A_977 : vector<16xi32>
        %gather3A_979 = tpu.vector_load_idx %arg5[%add3A_978] : memref<25600xi32, #tpu.memory_space<vmem>>[vector<16xi32>], vector<16xi32>,
        %swap3A_980 = arith.constant 320 : index
        %swap3A_981 = tpu.vector_load %arg6[%swap3A_980] {strides = array<i32>} : memref<512xi32, #tpu.memory_space<vmem>>, vector<16xi32>,
        tpu.vector_store %arg6[%swap3A_980], %gather3A_979 {strides = array<i32>} : memref<512xi32, #tpu.memory_space<vmem>>, vector<16xi32>,
        %add3A_982 = arith.constant 16800 : i32
        %add3A_983 = arith.addi %add3A_982, %add3A_834 : i32
        %add3A_984 = vector.broadcast %add3A_983 : i32 to vector<16xi32>
        %add3A_985 = arith.addi %mul3A_5, %add3A_984 : vector<16xi32>
        %gather3A_986 = tpu.vector_load_idx %arg5[%add3A_985] : memref<25600xi32, #tpu.memory_space<vmem>>[vector<16xi32>], vector<16xi32>,
        %swap3A_987 = arith.constant 336 : index
        %swap3A_988 = tpu.vector_load %arg6[%swap3A_987] {strides = array<i32>} : memref<512xi32, #tpu.memory_space<vmem>>, vector<16xi32>,
        tpu.vector_store %arg6[%swap3A_987], %gather3A_986 {strides = array<i32>} : memref<512xi32, #tpu.memory_space<vmem>>, vector<16xi32>,
        %add3A_989 = arith.constant 17600 : i32
        %add3A_990 = arith.addi %add3A_989, %add3A_834 : i32
        %add3A_991 = vector.broadcast %add3A_990 : i32 to vector<16xi32>
        %add3A_992 = arith.addi %mul3A_5, %add3A_991 : vector<16xi32>
        %gather3A_993 = tpu.vector_load_idx %arg5[%add3A_992] : memref<25600xi32, #tpu.memory_space<vmem>>[vector<16xi32>], vector<16xi32>,
        %swap3A_994 = arith.constant 352 : index
        %swap3A_995 = tpu.vector_load %arg6[%swap3A_994] {strides = array<i32>} : memref<512xi32, #tpu.memory_space<vmem>>, vector<16xi32>,
        tpu.vector_store %arg6[%swap3A_994], %gather3A_993 {strides = array<i32>} : memref<512xi32, #tpu.memory_space<vmem>>, vector<16xi32>,
        %add3A_996 = arith.constant 18400 : i32
        %add3A_997 = arith.addi %add3A_996, %add3A_834 : i32
        %add3A_998 = vector.broadcast %add3A_997 : i32 to vector<16xi32>
        %add3A_999 = arith.addi %mul3A_5, %add3A_998 : vector<16xi32>
        %gather3A_1000 = tpu.vector_load_idx %arg5[%add3A_999] : memref<25600xi32, #tpu.memory_space<vmem>>[vector<16xi32>], vector<16xi32>,
        %swap3A_1001 = arith.constant 368 : index
        %swap3A_1002 = tpu.vector_load %arg6[%swap3A_1001] {strides = array<i32>} : memref<512xi32, #tpu.memory_space<vmem>>, vector<16xi32>,
        tpu.vector_store %arg6[%swap3A_1001], %gather3A_1000 {strides = array<i32>} : memref<512xi32, #tpu.memory_space<vmem>>, vector<16xi32>,
        %add3A_1003 = arith.constant 19200 : i32
        %add3A_1004 = arith.addi %add3A_1003, %add3A_834 : i32
        %add3A_1005 = vector.broadcast %add3A_1004 : i32 to vector<16xi32>
        %add3A_1006 = arith.addi %mul3A_5, %add3A_1005 : vector<16xi32>
        %gather3A_1007 = tpu.vector_load_idx %arg5[%add3A_1006] : memref<25600xi32, #tpu.memory_space<vmem>>[vector<16xi32>], vector<16xi32>,
        %swap3A_1008 = arith.constant 384 : index
        %swap3A_1009 = tpu.vector_load %arg6[%swap3A_1008] {strides = array<i32>} : memref<512xi32, #tpu.memory_space<vmem>>, vector<16xi32>,
        tpu.vector_store %arg6[%swap3A_1008], %gather3A_1007 {strides = array<i32>} : memref<512xi32, #tpu.memory_space<vmem>>, vector<16xi32>,
        %add3A_1010 = arith.constant 20000 : i32
        %add3A_1011 = arith.addi %add3A_1010, %add3A_834 : i32
        %add3A_1012 = vector.broadcast %add3A_1011 : i32 to vector<16xi32>
        %add3A_1013 = arith.addi %mul3A_5, %add3A_1012 : vector<16xi32>
        %gather3A_1014 = tpu.vector_load_idx %arg5[%add3A_1013] : memref<25600xi32, #tpu.memory_space<vmem>>[vector<16xi32>], vector<16xi32>,
        %swap3A_1015 = arith.constant 400 : index
        %swap3A_1016 = tpu.vector_load %arg6[%swap3A_1015] {strides = array<i32>} : memref<512xi32, #tpu.memory_space<vmem>>, vector<16xi32>,
        tpu.vector_store %arg6[%swap3A_1015], %gather3A_1014 {strides = array<i32>} : memref<512xi32, #tpu.memory_space<vmem>>, vector<16xi32>,
        %add3A_1017 = arith.constant 20800 : i32
        %add3A_1018 = arith.addi %add3A_1017, %add3A_834 : i32
        %add3A_1019 = vector.broadcast %add3A_1018 : i32 to vector<16xi32>
        %add3A_1020 = arith.addi %mul3A_5, %add3A_1019 : vector<16xi32>
        %gather3A_1021 = tpu.vector_load_idx %arg5[%add3A_1020] : memref<25600xi32, #tpu.memory_space<vmem>>[vector<16xi32>], vector<16xi32>,
        %swap3A_1022 = arith.constant 416 : index
        %swap3A_1023 = tpu.vector_load %arg6[%swap3A_1022] {strides = array<i32>} : memref<512xi32, #tpu.memory_space<vmem>>, vector<16xi32>,
        tpu.vector_store %arg6[%swap3A_1022], %gather3A_1021 {strides = array<i32>} : memref<512xi32, #tpu.memory_space<vmem>>, vector<16xi32>,
        %add3A_1024 = arith.constant 21600 : i32
        %add3A_1025 = arith.addi %add3A_1024, %add3A_834 : i32
        %add3A_1026 = vector.broadcast %add3A_1025 : i32 to vector<16xi32>
        %add3A_1027 = arith.addi %mul3A_5, %add3A_1026 : vector<16xi32>
        %gather3A_1028 = tpu.vector_load_idx %arg5[%add3A_1027] : memref<25600xi32, #tpu.memory_space<vmem>>[vector<16xi32>], vector<16xi32>,
        %swap3A_1029 = arith.constant 432 : index
        %swap3A_1030 = tpu.vector_load %arg6[%swap3A_1029] {strides = array<i32>} : memref<512xi32, #tpu.memory_space<vmem>>, vector<16xi32>,
        tpu.vector_store %arg6[%swap3A_1029], %gather3A_1028 {strides = array<i32>} : memref<512xi32, #tpu.memory_space<vmem>>, vector<16xi32>,
        %add3A_1031 = arith.constant 22400 : i32
        %add3A_1032 = arith.addi %add3A_1031, %add3A_834 : i32
        %add3A_1033 = vector.broadcast %add3A_1032 : i32 to vector<16xi32>
        %add3A_1034 = arith.addi %mul3A_5, %add3A_1033 : vector<16xi32>
        %gather3A_1035 = tpu.vector_load_idx %arg5[%add3A_1034] : memref<25600xi32, #tpu.memory_space<vmem>>[vector<16xi32>], vector<16xi32>,
        %swap3A_1036 = arith.constant 448 : index
        %swap3A_1037 = tpu.vector_load %arg6[%swap3A_1036] {strides = array<i32>} : memref<512xi32, #tpu.memory_space<vmem>>, vector<16xi32>,
        tpu.vector_store %arg6[%swap3A_1036], %gather3A_1035 {strides = array<i32>} : memref<512xi32, #tpu.memory_space<vmem>>, vector<16xi32>,
        %add3A_1038 = arith.constant 23200 : i32
        %add3A_1039 = arith.addi %add3A_1038, %add3A_834 : i32
        %add3A_1040 = vector.broadcast %add3A_1039 : i32 to vector<16xi32>
        %add3A_1041 = arith.addi %mul3A_5, %add3A_1040 : vector<16xi32>
        %gather3A_1042 = tpu.vector_load_idx %arg5[%add3A_1041] : memref<25600xi32, #tpu.memory_space<vmem>>[vector<16xi32>], vector<16xi32>,
        %swap3A_1043 = arith.constant 464 : index
        %swap3A_1044 = tpu.vector_load %arg6[%swap3A_1043] {strides = array<i32>} : memref<512xi32, #tpu.memory_space<vmem>>, vector<16xi32>,
        tpu.vector_store %arg6[%swap3A_1043], %gather3A_1042 {strides = array<i32>} : memref<512xi32, #tpu.memory_space<vmem>>, vector<16xi32>,
        %add3A_1045 = arith.constant 24000 : i32
        %add3A_1046 = arith.addi %add3A_1045, %add3A_834 : i32
        %add3A_1047 = vector.broadcast %add3A_1046 : i32 to vector<16xi32>
        %add3A_1048 = arith.addi %mul3A_5, %add3A_1047 : vector<16xi32>
        %gather3A_1049 = tpu.vector_load_idx %arg5[%add3A_1048] : memref<25600xi32, #tpu.memory_space<vmem>>[vector<16xi32>], vector<16xi32>,
        %swap3A_1050 = arith.constant 480 : index
        %swap3A_1051 = tpu.vector_load %arg6[%swap3A_1050] {strides = array<i32>} : memref<512xi32, #tpu.memory_space<vmem>>, vector<16xi32>,
        tpu.vector_store %arg6[%swap3A_1050], %gather3A_1049 {strides = array<i32>} : memref<512xi32, #tpu.memory_space<vmem>>, vector<16xi32>,
        %add3A_1052 = arith.constant 24800 : i32
        %add3A_1053 = arith.addi %add3A_1052, %add3A_834 : i32
        %add3A_1054 = vector.broadcast %add3A_1053 : i32 to vector<16xi32>
        %add3A_1055 = arith.addi %mul3A_5, %add3A_1054 : vector<16xi32>
        %gather3A_1056 = tpu.vector_load_idx %arg5[%add3A_1055] : memref<25600xi32, #tpu.memory_space<vmem>>[vector<16xi32>], vector<16xi32>,
        %swap3A_1057 = arith.constant 496 : index
        %swap3A_1058 = tpu.vector_load %arg6[%swap3A_1057] {strides = array<i32>} : memref<512xi32, #tpu.memory_space<vmem>>, vector<16xi32>,
        tpu.vector_store %arg6[%swap3A_1057], %gather3A_1056 {strides = array<i32>} : memref<512xi32, #tpu.memory_space<vmem>>, vector<16xi32>,
        %dma_start3A_1059 = arith.constant 0 : i32
        %dma_start3A_1060 = arith.constant 0 : i32
        %dma_start3A_1061 = tpu.memref_slice %arg2[%dma_start3A_1059, %dma_start3A_1060] : memref<1000000x64xf32, #tpu.memory_space<hbm>> -> memref<1000000x64xf32, #tpu.memory_space<hbm>>
        tpu.enqueue_indirect_dma source(%dma_start3A_1061 : memref<1000000x64xf32, #tpu.memory_space<hbm>>) target(%arg8 : memref<512x64xf32, #tpu.memory_space<vmem>>) offsets(%arg6 : memref<512xi32, #tpu.memory_space<vmem>>) semaphore(%arg11 : memref<!tpu.dma_semaphore, #tpu.memory_space<semaphore_mem>>)
      } else {
      }
      %gt3A_647 = arith.constant 0 : i32
      %gt3A_648 = arith.cmpi sgt, %add3A_638, %gt3A_647 : i32
      %convert_element_type3A_649 = arith.extui %gt3A_648 : i1 to i32
      %cond3A_650 = arith.constant 0 : i32
      %cond3A_651 = arith.cmpi ne, %convert_element_type3A_649, %cond3A_650 : i32
      scf.if %cond3A_651 {
        %sub3A_833 = arith.constant 1 : i32
        %sub3A_834 = arith.subi %add3A_638, %sub3A_833 : i32
        %mul3A_835 = arith.constant 4 : i32
        %mul3A_836 = arith.muli %mul3A_835, %add3A : i32
        %dma_wait3A_837 = arith.constant 0 : i32
        %dma_wait3A_838 = arith.constant 0 : i32
        %dma_wait3A_839 = arith.constant 0 : i32
        %dma_wait3A_840 = arith.constant 0 : i32
        %dma_wait3A_841 = arith.constant 0 : i32
        %dma_wait3A_842 = tpu.memref_slice %arg10[%dma_wait3A_839, %dma_wait3A_837, %dma_wait3A_840, %dma_wait3A_841] : memref<4x8x8x129xf32, #tpu.memory_space<vmem>> -> memref<4x1x8x128xf32, #tpu.memory_space<vmem>>
        %dma_wait3A_843 = tpu.memref_squeeze %dma_wait3A_842 : memref<4x1x8x128xf32, #tpu.memory_space<vmem>> -> memref<4x8x128xf32, #tpu.memory_space<vmem>>
        %dma_wait3A_844 = arith.constant 0 : i32
        %dma_wait3A_845 = arith.constant 0 : i32
        %dma_wait3A_846 = tpu.memref_slice %arg4[%sub3A_834, %dma_wait3A_838, %mul3A_836, %dma_wait3A_844, %dma_wait3A_845] : memref<50x8x128x8x128xf32, #tpu.memory_space<hbm>> -> memref<1x1x4x8x128xf32, #tpu.memory_space<hbm>>
        %dma_wait3A_847 = tpu.memref_squeeze %dma_wait3A_846 : memref<1x1x4x8x128xf32, #tpu.memory_space<hbm>> -> memref<4x8x128xf32, #tpu.memory_space<hbm>>
        %dma_wait3A_848 = arith.constant 0 : i32
        %dma_wait3A_849 = arith.constant 0 : i32
        %dma_wait3A_850 = tpu.memref_slice %arg4[%sub3A_834, %dma_wait3A_838, %mul3A_836, %dma_wait3A_848, %dma_wait3A_849] : memref<50x8x128x8x128xf32, #tpu.memory_space<hbm>> -> memref<1x1x4x8x128xf32, #tpu.memory_space<hbm>>
        %dma_wait3A_851 = tpu.memref_squeeze %dma_wait3A_850 : memref<1x1x4x8x128xf32, #tpu.memory_space<hbm>> -> memref<4x8x128xf32, #tpu.memory_space<hbm>>
        %dma_wait3A_852 = arith.constant 0 : i32
        %dma_wait3A_853 = arith.constant 0 : i32
        %dma_wait3A_854 = arith.constant 0 : i32
        %dma_wait3A_855 = tpu.memref_slice %arg10[%dma_wait3A_852, %dma_wait3A_837, %dma_wait3A_853, %dma_wait3A_854] : memref<4x8x8x129xf32, #tpu.memory_space<vmem>> -> memref<4x1x8x128xf32, #tpu.memory_space<vmem>>
        %dma_wait3A_856 = tpu.memref_squeeze %dma_wait3A_855 : memref<4x1x8x128xf32, #tpu.memory_space<vmem>> -> memref<4x8x128xf32, #tpu.memory_space<vmem>>
        tpu.wait_dma2 semaphore(%arg13 : memref<!tpu.dma_semaphore, #tpu.memory_space<semaphore_mem>>) src(%dma_wait3A_856 : memref<4x8x128xf32, #tpu.memory_space<vmem>>) dst(%dma_wait3A_851 : memref<4x8x128xf32, #tpu.memory_space<hbm>>)
        %mul3A_857 = arith.constant 4 : i32
        %mul3A_858 = arith.muli %mul3A_857, %add3A : i32
        %dma_wait3A_859 = arith.constant 1 : i32
        %dma_wait3A_860 = arith.constant 1 : i32
        %dma_wait3A_861 = arith.constant 0 : i32
        %dma_wait3A_862 = arith.constant 0 : i32
        %dma_wait3A_863 = arith.constant 0 : i32
        %dma_wait3A_864 = tpu.memref_slice %arg10[%dma_wait3A_861, %dma_wait3A_859, %dma_wait3A_862, %dma_wait3A_863] : memref<4x8x8x129xf32, #tpu.memory_space<vmem>> -> memref<4x1x8x128xf32, #tpu.memory_space<vmem>>
        %dma_wait3A_865 = tpu.memref_squeeze %dma_wait3A_864 : memref<4x1x8x128xf32, #tpu.memory_space<vmem>> -> memref<4x8x128xf32, #tpu.memory_space<vmem>>
        %dma_wait3A_866 = arith.constant 0 : i32
        %dma_wait3A_867 = arith.constant 0 : i32
        %dma_wait3A_868 = tpu.memref_slice %arg4[%sub3A_834, %dma_wait3A_860, %mul3A_858, %dma_wait3A_866, %dma_wait3A_867] : memref<50x8x128x8x128xf32, #tpu.memory_space<hbm>> -> memref<1x1x4x8x128xf32, #tpu.memory_space<hbm>>
        %dma_wait3A_869 = tpu.memref_squeeze %dma_wait3A_868 : memref<1x1x4x8x128xf32, #tpu.memory_space<hbm>> -> memref<4x8x128xf32, #tpu.memory_space<hbm>>
        %dma_wait3A_870 = arith.constant 0 : i32
        %dma_wait3A_871 = arith.constant 0 : i32
        %dma_wait3A_872 = tpu.memref_slice %arg4[%sub3A_834, %dma_wait3A_860, %mul3A_858, %dma_wait3A_870, %dma_wait3A_871] : memref<50x8x128x8x128xf32, #tpu.memory_space<hbm>> -> memref<1x1x4x8x128xf32, #tpu.memory_space<hbm>>
        %dma_wait3A_873 = tpu.memref_squeeze %dma_wait3A_872 : memref<1x1x4x8x128xf32, #tpu.memory_space<hbm>> -> memref<4x8x128xf32, #tpu.memory_space<hbm>>
        %dma_wait3A_874 = arith.constant 0 : i32
        %dma_wait3A_875 = arith.constant 0 : i32
        %dma_wait3A_876 = arith.constant 0 : i32
        %dma_wait3A_877 = tpu.memref_slice %arg10[%dma_wait3A_874, %dma_wait3A_859, %dma_wait3A_875, %dma_wait3A_876] : memref<4x8x8x129xf32, #tpu.memory_space<vmem>> -> memref<4x1x8x128xf32, #tpu.memory_space<vmem>>
        %dma_wait3A_878 = tpu.memref_squeeze %dma_wait3A_877 : memref<4x1x8x128xf32, #tpu.memory_space<vmem>> -> memref<4x8x128xf32, #tpu.memory_space<vmem>>
        tpu.wait_dma2 semaphore(%arg13 : memref<!tpu.dma_semaphore, #tpu.memory_space<semaphore_mem>>) src(%dma_wait3A_878 : memref<4x8x128xf32, #tpu.memory_space<vmem>>) dst(%dma_wait3A_873 : memref<4x8x128xf32, #tpu.memory_space<hbm>>)
        %mul3A_879 = arith.constant 4 : i32
        %mul3A_880 = arith.muli %mul3A_879, %add3A : i32
        %dma_wait3A_881 = arith.constant 2 : i32
        %dma_wait3A_882 = arith.constant 2 : i32
        %dma_wait3A_883 = arith.constant 0 : i32
        %dma_wait3A_884 = arith.constant 0 : i32
        %dma_wait3A_885 = arith.constant 0 : i32
        %dma_wait3A_886 = tpu.memref_slice %arg10[%dma_wait3A_883, %dma_wait3A_881, %dma_wait3A_884, %dma_wait3A_885] : memref<4x8x8x129xf32, #tpu.memory_space<vmem>> -> memref<4x1x8x128xf32, #tpu.memory_space<vmem>>
        %dma_wait3A_887 = tpu.memref_squeeze %dma_wait3A_886 : memref<4x1x8x128xf32, #tpu.memory_space<vmem>> -> memref<4x8x128xf32, #tpu.memory_space<vmem>>
        %dma_wait3A_888 = arith.constant 0 : i32
        %dma_wait3A_889 = arith.constant 0 : i32
        %dma_wait3A_890 = tpu.memref_slice %arg4[%sub3A_834, %dma_wait3A_882, %mul3A_880, %dma_wait3A_888, %dma_wait3A_889] : memref<50x8x128x8x128xf32, #tpu.memory_space<hbm>> -> memref<1x1x4x8x128xf32, #tpu.memory_space<hbm>>
        %dma_wait3A_891 = tpu.memref_squeeze %dma_wait3A_890 : memref<1x1x4x8x128xf32, #tpu.memory_space<hbm>> -> memref<4x8x128xf32, #tpu.memory_space<hbm>>
        %dma_wait3A_892 = arith.constant 0 : i32
        %dma_wait3A_893 = arith.constant 0 : i32
        %dma_wait3A_894 = tpu.memref_slice %arg4[%sub3A_834, %dma_wait3A_882, %mul3A_880, %dma_wait3A_892, %dma_wait3A_893] : memref<50x8x128x8x128xf32, #tpu.memory_space<hbm>> -> memref<1x1x4x8x128xf32, #tpu.memory_space<hbm>>
        %dma_wait3A_895 = tpu.memref_squeeze %dma_wait3A_894 : memref<1x1x4x8x128xf32, #tpu.memory_space<hbm>> -> memref<4x8x128xf32, #tpu.memory_space<hbm>>
        %dma_wait3A_896 = arith.constant 0 : i32
        %dma_wait3A_897 = arith.constant 0 : i32
        %dma_wait3A_898 = arith.constant 0 : i32
        %dma_wait3A_899 = tpu.memref_slice %arg10[%dma_wait3A_896, %dma_wait3A_881, %dma_wait3A_897, %dma_wait3A_898] : memref<4x8x8x129xf32, #tpu.memory_space<vmem>> -> memref<4x1x8x128xf32, #tpu.memory_space<vmem>>
        %dma_wait3A_900 = tpu.memref_squeeze %dma_wait3A_899 : memref<4x1x8x128xf32, #tpu.memory_space<vmem>> -> memref<4x8x128xf32, #tpu.memory_space<vmem>>
        tpu.wait_dma2 semaphore(%arg13 : memref<!tpu.dma_semaphore, #tpu.memory_space<semaphore_mem>>) src(%dma_wait3A_900 : memref<4x8x128xf32, #tpu.memory_space<vmem>>) dst(%dma_wait3A_895 : memref<4x8x128xf32, #tpu.memory_space<hbm>>)
        %mul3A_901 = arith.constant 4 : i32
        %mul3A_902 = arith.muli %mul3A_901, %add3A : i32
        %dma_wait3A_903 = arith.constant 3 : i32
        %dma_wait3A_904 = arith.constant 3 : i32
        %dma_wait3A_905 = arith.constant 0 : i32
        %dma_wait3A_906 = arith.constant 0 : i32
        %dma_wait3A_907 = arith.constant 0 : i32
        %dma_wait3A_908 = tpu.memref_slice %arg10[%dma_wait3A_905, %dma_wait3A_903, %dma_wait3A_906, %dma_wait3A_907] : memref<4x8x8x129xf32, #tpu.memory_space<vmem>> -> memref<4x1x8x128xf32, #tpu.memory_space<vmem>>
        %dma_wait3A_909 = tpu.memref_squeeze %dma_wait3A_908 : memref<4x1x8x128xf32, #tpu.memory_space<vmem>> -> memref<4x8x128xf32, #tpu.memory_space<vmem>>
        %dma_wait3A_910 = arith.constant 0 : i32
        %dma_wait3A_911 = arith.constant 0 : i32
        %dma_wait3A_912 = tpu.memref_slice %arg4[%sub3A_834, %dma_wait3A_904, %mul3A_902, %dma_wait3A_910, %dma_wait3A_911] : memref<50x8x128x8x128xf32, #tpu.memory_space<hbm>> -> memref<1x1x4x8x128xf32, #tpu.memory_space<hbm>>
        %dma_wait3A_913 = tpu.memref_squeeze %dma_wait3A_912 : memref<1x1x4x8x128xf32, #tpu.memory_space<hbm>> -> memref<4x8x128xf32, #tpu.memory_space<hbm>>
        %dma_wait3A_914 = arith.constant 0 : i32
        %dma_wait3A_915 = arith.constant 0 : i32
        %dma_wait3A_916 = tpu.memref_slice %arg4[%sub3A_834, %dma_wait3A_904, %mul3A_902, %dma_wait3A_914, %dma_wait3A_915] : memref<50x8x128x8x128xf32, #tpu.memory_space<hbm>> -> memref<1x1x4x8x128xf32, #tpu.memory_space<hbm>>
        %dma_wait3A_917 = tpu.memref_squeeze %dma_wait3A_916 : memref<1x1x4x8x128xf32, #tpu.memory_space<hbm>> -> memref<4x8x128xf32, #tpu.memory_space<hbm>>
        %dma_wait3A_918 = arith.constant 0 : i32
        %dma_wait3A_919 = arith.constant 0 : i32
        %dma_wait3A_920 = arith.constant 0 : i32
        %dma_wait3A_921 = tpu.memref_slice %arg10[%dma_wait3A_918, %dma_wait3A_903, %dma_wait3A_919, %dma_wait3A_920] : memref<4x8x8x129xf32, #tpu.memory_space<vmem>> -> memref<4x1x8x128xf32, #tpu.memory_space<vmem>>
        %dma_wait3A_922 = tpu.memref_squeeze %dma_wait3A_921 : memref<4x1x8x128xf32, #tpu.memory_space<vmem>> -> memref<4x8x128xf32, #tpu.memory_space<vmem>>
        tpu.wait_dma2 semaphore(%arg13 : memref<!tpu.dma_semaphore, #tpu.memory_space<semaphore_mem>>) src(%dma_wait3A_922 : memref<4x8x128xf32, #tpu.memory_space<vmem>>) dst(%dma_wait3A_917 : memref<4x8x128xf32, #tpu.memory_space<hbm>>)
        %mul3A_923 = arith.constant 4 : i32
        %mul3A_924 = arith.muli %mul3A_923, %add3A : i32
        %dma_wait3A_925 = arith.constant 4 : i32
        %dma_wait3A_926 = arith.constant 4 : i32
        %dma_wait3A_927 = arith.constant 0 : i32
        %dma_wait3A_928 = arith.constant 0 : i32
        %dma_wait3A_929 = arith.constant 0 : i32
        %dma_wait3A_930 = tpu.memref_slice %arg10[%dma_wait3A_927, %dma_wait3A_925, %dma_wait3A_928, %dma_wait3A_929] : memref<4x8x8x129xf32, #tpu.memory_space<vmem>> -> memref<4x1x8x128xf32, #tpu.memory_space<vmem>>
        %dma_wait3A_931 = tpu.memref_squeeze %dma_wait3A_930 : memref<4x1x8x128xf32, #tpu.memory_space<vmem>> -> memref<4x8x128xf32, #tpu.memory_space<vmem>>
        %dma_wait3A_932 = arith.constant 0 : i32
        %dma_wait3A_933 = arith.constant 0 : i32
        %dma_wait3A_934 = tpu.memref_slice %arg4[%sub3A_834, %dma_wait3A_926, %mul3A_924, %dma_wait3A_932, %dma_wait3A_933] : memref<50x8x128x8x128xf32, #tpu.memory_space<hbm>> -> memref<1x1x4x8x128xf32, #tpu.memory_space<hbm>>
        %dma_wait3A_935 = tpu.memref_squeeze %dma_wait3A_934 : memref<1x1x4x8x128xf32, #tpu.memory_space<hbm>> -> memref<4x8x128xf32, #tpu.memory_space<hbm>>
        %dma_wait3A_936 = arith.constant 0 : i32
        %dma_wait3A_937 = arith.constant 0 : i32
        %dma_wait3A_938 = tpu.memref_slice %arg4[%sub3A_834, %dma_wait3A_926, %mul3A_924, %dma_wait3A_936, %dma_wait3A_937] : memref<50x8x128x8x128xf32, #tpu.memory_space<hbm>> -> memref<1x1x4x8x128xf32, #tpu.memory_space<hbm>>
        %dma_wait3A_939 = tpu.memref_squeeze %dma_wait3A_938 : memref<1x1x4x8x128xf32, #tpu.memory_space<hbm>> -> memref<4x8x128xf32, #tpu.memory_space<hbm>>
        %dma_wait3A_940 = arith.constant 0 : i32
        %dma_wait3A_941 = arith.constant 0 : i32
        %dma_wait3A_942 = arith.constant 0 : i32
        %dma_wait3A_943 = tpu.memref_slice %arg10[%dma_wait3A_940, %dma_wait3A_925, %dma_wait3A_941, %dma_wait3A_942] : memref<4x8x8x129xf32, #tpu.memory_space<vmem>> -> memref<4x1x8x128xf32, #tpu.memory_space<vmem>>
        %dma_wait3A_944 = tpu.memref_squeeze %dma_wait3A_943 : memref<4x1x8x128xf32, #tpu.memory_space<vmem>> -> memref<4x8x128xf32, #tpu.memory_space<vmem>>
        tpu.wait_dma2 semaphore(%arg13 : memref<!tpu.dma_semaphore, #tpu.memory_space<semaphore_mem>>) src(%dma_wait3A_944 : memref<4x8x128xf32, #tpu.memory_space<vmem>>) dst(%dma_wait3A_939 : memref<4x8x128xf32, #tpu.memory_space<hbm>>)
        %mul3A_945 = arith.constant 4 : i32
        %mul3A_946 = arith.muli %mul3A_945, %add3A : i32
        %dma_wait3A_947 = arith.constant 5 : i32
        %dma_wait3A_948 = arith.constant 5 : i32
        %dma_wait3A_949 = arith.constant 0 : i32
        %dma_wait3A_950 = arith.constant 0 : i32
        %dma_wait3A_951 = arith.constant 0 : i32
        %dma_wait3A_952 = tpu.memref_slice %arg10[%dma_wait3A_949, %dma_wait3A_947, %dma_wait3A_950, %dma_wait3A_951] : memref<4x8x8x129xf32, #tpu.memory_space<vmem>> -> memref<4x1x8x128xf32, #tpu.memory_space<vmem>>
        %dma_wait3A_953 = tpu.memref_squeeze %dma_wait3A_952 : memref<4x1x8x128xf32, #tpu.memory_space<vmem>> -> memref<4x8x128xf32, #tpu.memory_space<vmem>>
        %dma_wait3A_954 = arith.constant 0 : i32
        %dma_wait3A_955 = arith.constant 0 : i32
        %dma_wait3A_956 = tpu.memref_slice %arg4[%sub3A_834, %dma_wait3A_948, %mul3A_946, %dma_wait3A_954, %dma_wait3A_955] : memref<50x8x128x8x128xf32, #tpu.memory_space<hbm>> -> memref<1x1x4x8x128xf32, #tpu.memory_space<hbm>>
        %dma_wait3A_957 = tpu.memref_squeeze %dma_wait3A_956 : memref<1x1x4x8x128xf32, #tpu.memory_space<hbm>> -> memref<4x8x128xf32, #tpu.memory_space<hbm>>
        %dma_wait3A_958 = arith.constant 0 : i32
        %dma_wait3A_959 = arith.constant 0 : i32
        %dma_wait3A_960 = tpu.memref_slice %arg4[%sub3A_834, %dma_wait3A_948, %mul3A_946, %dma_wait3A_958, %dma_wait3A_959] : memref<50x8x128x8x128xf32, #tpu.memory_space<hbm>> -> memref<1x1x4x8x128xf32, #tpu.memory_space<hbm>>
        %dma_wait3A_961 = tpu.memref_squeeze %dma_wait3A_960 : memref<1x1x4x8x128xf32, #tpu.memory_space<hbm>> -> memref<4x8x128xf32, #tpu.memory_space<hbm>>
        %dma_wait3A_962 = arith.constant 0 : i32
        %dma_wait3A_963 = arith.constant 0 : i32
        %dma_wait3A_964 = arith.constant 0 : i32
        %dma_wait3A_965 = tpu.memref_slice %arg10[%dma_wait3A_962, %dma_wait3A_947, %dma_wait3A_963, %dma_wait3A_964] : memref<4x8x8x129xf32, #tpu.memory_space<vmem>> -> memref<4x1x8x128xf32, #tpu.memory_space<vmem>>
        %dma_wait3A_966 = tpu.memref_squeeze %dma_wait3A_965 : memref<4x1x8x128xf32, #tpu.memory_space<vmem>> -> memref<4x8x128xf32, #tpu.memory_space<vmem>>
        tpu.wait_dma2 semaphore(%arg13 : memref<!tpu.dma_semaphore, #tpu.memory_space<semaphore_mem>>) src(%dma_wait3A_966 : memref<4x8x128xf32, #tpu.memory_space<vmem>>) dst(%dma_wait3A_961 : memref<4x8x128xf32, #tpu.memory_space<hbm>>)
        %mul3A_967 = arith.constant 4 : i32
        %mul3A_968 = arith.muli %mul3A_967, %add3A : i32
        %dma_wait3A_969 = arith.constant 6 : i32
        %dma_wait3A_970 = arith.constant 6 : i32
        %dma_wait3A_971 = arith.constant 0 : i32
        %dma_wait3A_972 = arith.constant 0 : i32
        %dma_wait3A_973 = arith.constant 0 : i32
        %dma_wait3A_974 = tpu.memref_slice %arg10[%dma_wait3A_971, %dma_wait3A_969, %dma_wait3A_972, %dma_wait3A_973] : memref<4x8x8x129xf32, #tpu.memory_space<vmem>> -> memref<4x1x8x128xf32, #tpu.memory_space<vmem>>
        %dma_wait3A_975 = tpu.memref_squeeze %dma_wait3A_974 : memref<4x1x8x128xf32, #tpu.memory_space<vmem>> -> memref<4x8x128xf32, #tpu.memory_space<vmem>>
        %dma_wait3A_976 = arith.constant 0 : i32
        %dma_wait3A_977 = arith.constant 0 : i32
        %dma_wait3A_978 = tpu.memref_slice %arg4[%sub3A_834, %dma_wait3A_970, %mul3A_968, %dma_wait3A_976, %dma_wait3A_977] : memref<50x8x128x8x128xf32, #tpu.memory_space<hbm>> -> memref<1x1x4x8x128xf32, #tpu.memory_space<hbm>>
        %dma_wait3A_979 = tpu.memref_squeeze %dma_wait3A_978 : memref<1x1x4x8x128xf32, #tpu.memory_space<hbm>> -> memref<4x8x128xf32, #tpu.memory_space<hbm>>
        %dma_wait3A_980 = arith.constant 0 : i32
        %dma_wait3A_981 = arith.constant 0 : i32
        %dma_wait3A_982 = tpu.memref_slice %arg4[%sub3A_834, %dma_wait3A_970, %mul3A_968, %dma_wait3A_980, %dma_wait3A_981] : memref<50x8x128x8x128xf32, #tpu.memory_space<hbm>> -> memref<1x1x4x8x128xf32, #tpu.memory_space<hbm>>
        %dma_wait3A_983 = tpu.memref_squeeze %dma_wait3A_982 : memref<1x1x4x8x128xf32, #tpu.memory_space<hbm>> -> memref<4x8x128xf32, #tpu.memory_space<hbm>>
        %dma_wait3A_984 = arith.constant 0 : i32
        %dma_wait3A_985 = arith.constant 0 : i32
        %dma_wait3A_986 = arith.constant 0 : i32
        %dma_wait3A_987 = tpu.memref_slice %arg10[%dma_wait3A_984, %dma_wait3A_969, %dma_wait3A_985, %dma_wait3A_986] : memref<4x8x8x129xf32, #tpu.memory_space<vmem>> -> memref<4x1x8x128xf32, #tpu.memory_space<vmem>>
        %dma_wait3A_988 = tpu.memref_squeeze %dma_wait3A_987 : memref<4x1x8x128xf32, #tpu.memory_space<vmem>> -> memref<4x8x128xf32, #tpu.memory_space<vmem>>
        tpu.wait_dma2 semaphore(%arg13 : memref<!tpu.dma_semaphore, #tpu.memory_space<semaphore_mem>>) src(%dma_wait3A_988 : memref<4x8x128xf32, #tpu.memory_space<vmem>>) dst(%dma_wait3A_983 : memref<4x8x128xf32, #tpu.memory_space<hbm>>)
        %mul3A_989 = arith.constant 4 : i32
        %mul3A_990 = arith.muli %mul3A_989, %add3A : i32
        %dma_wait3A_991 = arith.constant 7 : i32
        %dma_wait3A_992 = arith.constant 7 : i32
        %dma_wait3A_993 = arith.constant 0 : i32
        %dma_wait3A_994 = arith.constant 0 : i32
        %dma_wait3A_995 = arith.constant 0 : i32
        %dma_wait3A_996 = tpu.memref_slice %arg10[%dma_wait3A_993, %dma_wait3A_991, %dma_wait3A_994, %dma_wait3A_995] : memref<4x8x8x129xf32, #tpu.memory_space<vmem>> -> memref<4x1x8x128xf32, #tpu.memory_space<vmem>>
        %dma_wait3A_997 = tpu.memref_squeeze %dma_wait3A_996 : memref<4x1x8x128xf32, #tpu.memory_space<vmem>> -> memref<4x8x128xf32, #tpu.memory_space<vmem>>
        %dma_wait3A_998 = arith.constant 0 : i32
        %dma_wait3A_999 = arith.constant 0 : i32
        %dma_wait3A_1000 = tpu.memref_slice %arg4[%sub3A_834, %dma_wait3A_992, %mul3A_990, %dma_wait3A_998, %dma_wait3A_999] : memref<50x8x128x8x128xf32, #tpu.memory_space<hbm>> -> memref<1x1x4x8x128xf32, #tpu.memory_space<hbm>>
        %dma_wait3A_1001 = tpu.memref_squeeze %dma_wait3A_1000 : memref<1x1x4x8x128xf32, #tpu.memory_space<hbm>> -> memref<4x8x128xf32, #tpu.memory_space<hbm>>
        %dma_wait3A_1002 = arith.constant 0 : i32
        %dma_wait3A_1003 = arith.constant 0 : i32
        %dma_wait3A_1004 = tpu.memref_slice %arg4[%sub3A_834, %dma_wait3A_992, %mul3A_990, %dma_wait3A_1002, %dma_wait3A_1003] : memref<50x8x128x8x128xf32, #tpu.memory_space<hbm>> -> memref<1x1x4x8x128xf32, #tpu.memory_space<hbm>>
        %dma_wait3A_1005 = tpu.memref_squeeze %dma_wait3A_1004 : memref<1x1x4x8x128xf32, #tpu.memory_space<hbm>> -> memref<4x8x128xf32, #tpu.memory_space<hbm>>
        %dma_wait3A_1006 = arith.constant 0 : i32
        %dma_wait3A_1007 = arith.constant 0 : i32
        %dma_wait3A_1008 = arith.constant 0 : i32
        %dma_wait3A_1009 = tpu.memref_slice %arg10[%dma_wait3A_1006, %dma_wait3A_991, %dma_wait3A_1007, %dma_wait3A_1008] : memref<4x8x8x129xf32, #tpu.memory_space<vmem>> -> memref<4x1x8x128xf32, #tpu.memory_space<vmem>>
        %dma_wait3A_1010 = tpu.memref_squeeze %dma_wait3A_1009 : memref<4x1x8x128xf32, #tpu.memory_space<vmem>> -> memref<4x8x128xf32, #tpu.memory_space<vmem>>
        tpu.wait_dma2 semaphore(%arg13 : memref<!tpu.dma_semaphore, #tpu.memory_space<semaphore_mem>>) src(%dma_wait3A_1010 : memref<4x8x128xf32, #tpu.memory_space<vmem>>) dst(%dma_wait3A_1005 : memref<4x8x128xf32, #tpu.memory_space<hbm>>)
      } else {
      }
      %scan3A_652 = arith.constant 0 : i32
      %scan3A_653 = arith.constant 512 : i32
      %scan3A_654 = arith.addi %scan3A_652, %scan3A_653 : i32
      %scan3A_655 = arith.constant 8 : i32
      scf.for %scan3A_833 = %scan3A_652 to %scan3A_654 step %scan3A_655  : i32 {
        %mul3A_834 = arith.constant 1 : i32
        %mul3A_835 = arith.muli %scan3A_833, %mul3A_834 : i32
        %add3A_836 = arith.constant 0 : i32
        %add3A_837 = arith.addi %add3A_836, %mul3A_835 : i32
        %jit3A_838 = arith.constant 128 : i32
        %div3A_839 = arith.divsi %add3A_837, %jit3A_838 : i32
        %sign3A_840 = arith.constant 0 : i32
        %sign3A_841 = arith.cmpi sgt, %add3A_837, %sign3A_840 : i32
        %sign3A_842 = arith.extui %sign3A_841 : i1 to i32
        %sign3A_843 = arith.constant 0 : i32
        %sign3A_844 = arith.cmpi slt, %add3A_837, %sign3A_843 : i32
        %sign3A_845 = arith.extui %sign3A_844 : i1 to i32
        %sign3A_846 = arith.subi %sign3A_842, %sign3A_845 : i32
        %sign3A_847 = arith.constant 0 : i32
        %sign3A_848 = arith.cmpi sgt, %jit3A_838, %sign3A_847 : i32
        %sign3A_849 = arith.extui %sign3A_848 : i1 to i32
        %sign3A_850 = arith.constant 0 : i32
        %sign3A_851 = arith.cmpi slt, %jit3A_838, %sign3A_850 : i32
        %sign3A_852 = arith.extui %sign3A_851 : i1 to i32
        %sign3A_853 = arith.subi %sign3A_849, %sign3A_852 : i32
        %ne3A_854 = arith.cmpi ne, %sign3A_846, %sign3A_853 : i32
        %rem3A_855 = arith.remsi %add3A_837, %jit3A_838 : i32
        %ne3A_856 = arith.constant 0 : i32
        %ne3A_857 = arith.cmpi ne, %rem3A_855, %ne3A_856 : i32
        %and3A_858 = arith.andi %ne3A_854, %ne3A_857 : i1
        %sub3A_859 = arith.constant 1 : i32
        %sub3A_860 = arith.subi %div3A_839, %sub3A_859 : i32
        %select_n3A_861 = arith.select %and3A_858, %sub3A_860, %div3A_839 : i32
        %broadcast_in_dim3A = vector.broadcast %select_n3A_861 : i32 to vector<16xi32>
        %jit3A_862 = arith.constant 128 : i32
        %eq3A_863 = arith.constant 0 : i32
        %eq3A_864 = arith.cmpi eq, %jit3A_862, %eq3A_863 : i32
        %jit3A_865 = arith.constant 1 : i32
        %select_n3A_866 = arith.select %eq3A_864, %jit3A_865, %jit3A_862 : i32
        %rem3A_867 = arith.remsi %add3A_837, %select_n3A_866 : i32
        %ne3A_868 = arith.constant 0 : i32
        %ne3A_869 = arith.cmpi ne, %rem3A_867, %ne3A_868 : i32
        %lt3A_870 = arith.constant 0 : i32
        %lt3A_871 = arith.cmpi slt, %rem3A_867, %lt3A_870 : i32
        %lt3A_872 = arith.constant 0 : i32
        %lt3A_873 = arith.cmpi slt, %select_n3A_866, %lt3A_872 : i32
        %ne3A_874 = arith.xori %lt3A_871, %lt3A_873 : i1
        %and3A_875 = arith.andi %ne3A_874, %ne3A_869 : i1
        %add3A_876 = arith.addi %rem3A_867, %select_n3A_866 : i32
        %select_n3A_877 = arith.select %and3A_875, %add3A_876, %rem3A_867 : i32
        %broadcast_in_dim3A_878 = vector.broadcast %select_n3A_877 : i32 to vector<16xi32>
        %get3A = arith.index_cast %add3A_837 : i32 to index
        %get3A_879 = arith.constant 0 : index
        %get3A_880 = tpu.vector_load %arg9[%get3A, %get3A_879] {strides = array<i32>} : memref<512x64xf32, #tpu.memory_space<vmem>>, vector<16xf32>,
        tpu.vector_store_idx %arg10[%broadcast_in_dim3A, %add3A_51, %select_n3A_48, %broadcast_in_dim3A_878], %get3A_880 : memref<4x8x8x129xf32, #tpu.memory_space<vmem>>[vector<16xi32>, vector<16xi32>, vector<16xi32>, vector<16xi32>], vector<16xf32>,
        %get3A_881 = arith.index_cast %add3A_837 : i32 to index
        %get3A_882 = arith.constant 16 : index
        %get3A_883 = tpu.vector_load %arg9[%get3A_881, %get3A_882] {strides = array<i32>} : memref<512x64xf32, #tpu.memory_space<vmem>>, vector<16xf32>,
        tpu.vector_store_idx %arg10[%broadcast_in_dim3A, %add3A_54, %select_n3A_48, %broadcast_in_dim3A_878], %get3A_883 : memref<4x8x8x129xf32, #tpu.memory_space<vmem>>[vector<16xi32>, vector<16xi32>, vector<16xi32>, vector<16xi32>], vector<16xf32>,
        %get3A_884 = arith.index_cast %add3A_837 : i32 to index
        %get3A_885 = arith.constant 32 : index
        %get3A_886 = tpu.vector_load %arg9[%get3A_884, %get3A_885] {strides = array<i32>} : memref<512x64xf32, #tpu.memory_space<vmem>>, vector<16xf32>,
        tpu.vector_store_idx %arg10[%broadcast_in_dim3A, %add3A_57, %select_n3A_48, %broadcast_in_dim3A_878], %get3A_886 : memref<4x8x8x129xf32, #tpu.memory_space<vmem>>[vector<16xi32>, vector<16xi32>, vector<16xi32>, vector<16xi32>], vector<16xf32>,
        %get3A_887 = arith.index_cast %add3A_837 : i32 to index
        %get3A_888 = arith.constant 48 : index
        %get3A_889 = tpu.vector_load %arg9[%get3A_887, %get3A_888] {strides = array<i32>} : memref<512x64xf32, #tpu.memory_space<vmem>>, vector<16xf32>,
        tpu.vector_store_idx %arg10[%broadcast_in_dim3A, %add3A_60, %select_n3A_48, %broadcast_in_dim3A_878], %get3A_889 : memref<4x8x8x129xf32, #tpu.memory_space<vmem>>[vector<16xi32>, vector<16xi32>, vector<16xi32>, vector<16xi32>], vector<16xf32>,
        %scan3A_890 = arith.constant 1 : i32
        %scan3A_891 = arith.addi %scan3A_833, %scan3A_890 : i32
        %mul3A_892 = arith.constant 1 : i32
        %mul3A_893 = arith.muli %scan3A_891, %mul3A_892 : i32
        %add3A_894 = arith.constant 0 : i32
        %add3A_895 = arith.addi %add3A_894, %mul3A_893 : i32
        %jit3A_896 = arith.constant 128 : i32
        %div3A_897 = arith.divsi %add3A_895, %jit3A_896 : i32
        %sign3A_898 = arith.constant 0 : i32
        %sign3A_899 = arith.cmpi sgt, %add3A_895, %sign3A_898 : i32
        %sign3A_900 = arith.extui %sign3A_899 : i1 to i32
        %sign3A_901 = arith.constant 0 : i32
        %sign3A_902 = arith.cmpi slt, %add3A_895, %sign3A_901 : i32
        %sign3A_903 = arith.extui %sign3A_902 : i1 to i32
        %sign3A_904 = arith.subi %sign3A_900, %sign3A_903 : i32
        %sign3A_905 = arith.constant 0 : i32
        %sign3A_906 = arith.cmpi sgt, %jit3A_896, %sign3A_905 : i32
        %sign3A_907 = arith.extui %sign3A_906 : i1 to i32
        %sign3A_908 = arith.constant 0 : i32
        %sign3A_909 = arith.cmpi slt, %jit3A_896, %sign3A_908 : i32
        %sign3A_910 = arith.extui %sign3A_909 : i1 to i32
        %sign3A_911 = arith.subi %sign3A_907, %sign3A_910 : i32
        %ne3A_912 = arith.cmpi ne, %sign3A_904, %sign3A_911 : i32
        %rem3A_913 = arith.remsi %add3A_895, %jit3A_896 : i32
        %ne3A_914 = arith.constant 0 : i32
        %ne3A_915 = arith.cmpi ne, %rem3A_913, %ne3A_914 : i32
        %and3A_916 = arith.andi %ne3A_912, %ne3A_915 : i1
        %sub3A_917 = arith.constant 1 : i32
        %sub3A_918 = arith.subi %div3A_897, %sub3A_917 : i32
        %select_n3A_919 = arith.select %and3A_916, %sub3A_918, %div3A_897 : i32
        %broadcast_in_dim3A_920 = vector.broadcast %select_n3A_919 : i32 to vector<16xi32>
        %jit3A_921 = arith.constant 128 : i32
        %eq3A_922 = arith.constant 0 : i32
        %eq3A_923 = arith.cmpi eq, %jit3A_921, %eq3A_922 : i32
        %jit3A_924 = arith.constant 1 : i32
        %select_n3A_925 = arith.select %eq3A_923, %jit3A_924, %jit3A_921 : i32
        %rem3A_926 = arith.remsi %add3A_895, %select_n3A_925 : i32
        %ne3A_927 = arith.constant 0 : i32
        %ne3A_928 = arith.cmpi ne, %rem3A_926, %ne3A_927 : i32
        %lt3A_929 = arith.constant 0 : i32
        %lt3A_930 = arith.cmpi slt, %rem3A_926, %lt3A_929 : i32
        %lt3A_931 = arith.constant 0 : i32
        %lt3A_932 = arith.cmpi slt, %select_n3A_925, %lt3A_931 : i32
        %ne3A_933 = arith.xori %lt3A_930, %lt3A_932 : i1
        %and3A_934 = arith.andi %ne3A_933, %ne3A_928 : i1
        %add3A_935 = arith.addi %rem3A_926, %select_n3A_925 : i32
        %select_n3A_936 = arith.select %and3A_934, %add3A_935, %rem3A_926 : i32
        %broadcast_in_dim3A_937 = vector.broadcast %select_n3A_936 : i32 to vector<16xi32>
        %get3A_938 = arith.index_cast %add3A_895 : i32 to index
        %get3A_939 = arith.constant 0 : index
        %get3A_940 = tpu.vector_load %arg9[%get3A_938, %get3A_939] {strides = array<i32>} : memref<512x64xf32, #tpu.memory_space<vmem>>, vector<16xf32>,
        tpu.vector_store_idx %arg10[%broadcast_in_dim3A_920, %add3A_51, %select_n3A_48, %broadcast_in_dim3A_937], %get3A_940 : memref<4x8x8x129xf32, #tpu.memory_space<vmem>>[vector<16xi32>, vector<16xi32>, vector<16xi32>, vector<16xi32>], vector<16xf32>,
        %get3A_941 = arith.index_cast %add3A_895 : i32 to index
        %get3A_942 = arith.constant 16 : index
        %get3A_943 = tpu.vector_load %arg9[%get3A_941, %get3A_942] {strides = array<i32>} : memref<512x64xf32, #tpu.memory_space<vmem>>, vector<16xf32>,
        tpu.vector_store_idx %arg10[%broadcast_in_dim3A_920, %add3A_54, %select_n3A_48, %broadcast_in_dim3A_937], %get3A_943 : memref<4x8x8x129xf32, #tpu.memory_space<vmem>>[vector<16xi32>, vector<16xi32>, vector<16xi32>, vector<16xi32>], vector<16xf32>,
        %get3A_944 = arith.index_cast %add3A_895 : i32 to index
        %get3A_945 = arith.constant 32 : index
        %get3A_946 = tpu.vector_load %arg9[%get3A_944, %get3A_945] {strides = array<i32>} : memref<512x64xf32, #tpu.memory_space<vmem>>, vector<16xf32>,
        tpu.vector_store_idx %arg10[%broadcast_in_dim3A_920, %add3A_57, %select_n3A_48, %broadcast_in_dim3A_937], %get3A_946 : memref<4x8x8x129xf32, #tpu.memory_space<vmem>>[vector<16xi32>, vector<16xi32>, vector<16xi32>, vector<16xi32>], vector<16xf32>,
        %get3A_947 = arith.index_cast %add3A_895 : i32 to index
        %get3A_948 = arith.constant 48 : index
        %get3A_949 = tpu.vector_load %arg9[%get3A_947, %get3A_948] {strides = array<i32>} : memref<512x64xf32, #tpu.memory_space<vmem>>, vector<16xf32>,
        tpu.vector_store_idx %arg10[%broadcast_in_dim3A_920, %add3A_60, %select_n3A_48, %broadcast_in_dim3A_937], %get3A_949 : memref<4x8x8x129xf32, #tpu.memory_space<vmem>>[vector<16xi32>, vector<16xi32>, vector<16xi32>, vector<16xi32>], vector<16xf32>,
        %scan3A_950 = arith.constant 2 : i32
        %scan3A_951 = arith.addi %scan3A_833, %scan3A_950 : i32
        %mul3A_952 = arith.constant 1 : i32
        %mul3A_953 = arith.muli %scan3A_951, %mul3A_952 : i32
        %add3A_954 = arith.constant 0 : i32
        %add3A_955 = arith.addi %add3A_954, %mul3A_953 : i32
        %jit3A_956 = arith.constant 128 : i32
        %div3A_957 = arith.divsi %add3A_955, %jit3A_956 : i32
        %sign3A_958 = arith.constant 0 : i32
        %sign3A_959 = arith.cmpi sgt, %add3A_955, %sign3A_958 : i32
        %sign3A_960 = arith.extui %sign3A_959 : i1 to i32
        %sign3A_961 = arith.constant 0 : i32
        %sign3A_962 = arith.cmpi slt, %add3A_955, %sign3A_961 : i32
        %sign3A_963 = arith.extui %sign3A_962 : i1 to i32
        %sign3A_964 = arith.subi %sign3A_960, %sign3A_963 : i32
        %sign3A_965 = arith.constant 0 : i32
        %sign3A_966 = arith.cmpi sgt, %jit3A_956, %sign3A_965 : i32
        %sign3A_967 = arith.extui %sign3A_966 : i1 to i32
        %sign3A_968 = arith.constant 0 : i32
        %sign3A_969 = arith.cmpi slt, %jit3A_956, %sign3A_968 : i32
        %sign3A_970 = arith.extui %sign3A_969 : i1 to i32
        %sign3A_971 = arith.subi %sign3A_967, %sign3A_970 : i32
        %ne3A_972 = arith.cmpi ne, %sign3A_964, %sign3A_971 : i32
        %rem3A_973 = arith.remsi %add3A_955, %jit3A_956 : i32
        %ne3A_974 = arith.constant 0 : i32
        %ne3A_975 = arith.cmpi ne, %rem3A_973, %ne3A_974 : i32
        %and3A_976 = arith.andi %ne3A_972, %ne3A_975 : i1
        %sub3A_977 = arith.constant 1 : i32
        %sub3A_978 = arith.subi %div3A_957, %sub3A_977 : i32
        %select_n3A_979 = arith.select %and3A_976, %sub3A_978, %div3A_957 : i32
        %broadcast_in_dim3A_980 = vector.broadcast %select_n3A_979 : i32 to vector<16xi32>
        %jit3A_981 = arith.constant 128 : i32
        %eq3A_982 = arith.constant 0 : i32
        %eq3A_983 = arith.cmpi eq, %jit3A_981, %eq3A_982 : i32
        %jit3A_984 = arith.constant 1 : i32
        %select_n3A_985 = arith.select %eq3A_983, %jit3A_984, %jit3A_981 : i32
        %rem3A_986 = arith.remsi %add3A_955, %select_n3A_985 : i32
        %ne3A_987 = arith.constant 0 : i32
        %ne3A_988 = arith.cmpi ne, %rem3A_986, %ne3A_987 : i32
        %lt3A_989 = arith.constant 0 : i32
        %lt3A_990 = arith.cmpi slt, %rem3A_986, %lt3A_989 : i32
        %lt3A_991 = arith.constant 0 : i32
        %lt3A_992 = arith.cmpi slt, %select_n3A_985, %lt3A_991 : i32
        %ne3A_993 = arith.xori %lt3A_990, %lt3A_992 : i1
        %and3A_994 = arith.andi %ne3A_993, %ne3A_988 : i1
        %add3A_995 = arith.addi %rem3A_986, %select_n3A_985 : i32
        %select_n3A_996 = arith.select %and3A_994, %add3A_995, %rem3A_986 : i32
        %broadcast_in_dim3A_997 = vector.broadcast %select_n3A_996 : i32 to vector<16xi32>
        %get3A_998 = arith.index_cast %add3A_955 : i32 to index
        %get3A_999 = arith.constant 0 : index
        %get3A_1000 = tpu.vector_load %arg9[%get3A_998, %get3A_999] {strides = array<i32>} : memref<512x64xf32, #tpu.memory_space<vmem>>, vector<16xf32>,
        tpu.vector_store_idx %arg10[%broadcast_in_dim3A_980, %add3A_51, %select_n3A_48, %broadcast_in_dim3A_997], %get3A_1000 : memref<4x8x8x129xf32, #tpu.memory_space<vmem>>[vector<16xi32>, vector<16xi32>, vector<16xi32>, vector<16xi32>], vector<16xf32>,
        %get3A_1001 = arith.index_cast %add3A_955 : i32 to index
        %get3A_1002 = arith.constant 16 : index
        %get3A_1003 = tpu.vector_load %arg9[%get3A_1001, %get3A_1002] {strides = array<i32>} : memref<512x64xf32, #tpu.memory_space<vmem>>, vector<16xf32>,
        tpu.vector_store_idx %arg10[%broadcast_in_dim3A_980, %add3A_54, %select_n3A_48, %broadcast_in_dim3A_997], %get3A_1003 : memref<4x8x8x129xf32, #tpu.memory_space<vmem>>[vector<16xi32>, vector<16xi32>, vector<16xi32>, vector<16xi32>], vector<16xf32>,
        %get3A_1004 = arith.index_cast %add3A_955 : i32 to index
        %get3A_1005 = arith.constant 32 : index
        %get3A_1006 = tpu.vector_load %arg9[%get3A_1004, %get3A_1005] {strides = array<i32>} : memref<512x64xf32, #tpu.memory_space<vmem>>, vector<16xf32>,
        tpu.vector_store_idx %arg10[%broadcast_in_dim3A_980, %add3A_57, %select_n3A_48, %broadcast_in_dim3A_997], %get3A_1006 : memref<4x8x8x129xf32, #tpu.memory_space<vmem>>[vector<16xi32>, vector<16xi32>, vector<16xi32>, vector<16xi32>], vector<16xf32>,
        %get3A_1007 = arith.index_cast %add3A_955 : i32 to index
        %get3A_1008 = arith.constant 48 : index
        %get3A_1009 = tpu.vector_load %arg9[%get3A_1007, %get3A_1008] {strides = array<i32>} : memref<512x64xf32, #tpu.memory_space<vmem>>, vector<16xf32>,
        tpu.vector_store_idx %arg10[%broadcast_in_dim3A_980, %add3A_60, %select_n3A_48, %broadcast_in_dim3A_997], %get3A_1009 : memref<4x8x8x129xf32, #tpu.memory_space<vmem>>[vector<16xi32>, vector<16xi32>, vector<16xi32>, vector<16xi32>], vector<16xf32>,
        %scan3A_1010 = arith.constant 3 : i32
        %scan3A_1011 = arith.addi %scan3A_833, %scan3A_1010 : i32
        %mul3A_1012 = arith.constant 1 : i32
        %mul3A_1013 = arith.muli %scan3A_1011, %mul3A_1012 : i32
        %add3A_1014 = arith.constant 0 : i32
        %add3A_1015 = arith.addi %add3A_1014, %mul3A_1013 : i32
        %jit3A_1016 = arith.constant 128 : i32
        %div3A_1017 = arith.divsi %add3A_1015, %jit3A_1016 : i32
        %sign3A_1018 = arith.constant 0 : i32
        %sign3A_1019 = arith.cmpi sgt, %add3A_1015, %sign3A_1018 : i32
        %sign3A_1020 = arith.extui %sign3A_1019 : i1 to i32
        %sign3A_1021 = arith.constant 0 : i32
        %sign3A_1022 = arith.cmpi slt, %add3A_1015, %sign3A_1021 : i32
        %sign3A_1023 = arith.extui %sign3A_1022 : i1 to i32
        %sign3A_1024 = arith.subi %sign3A_1020, %sign3A_1023 : i32
        %sign3A_1025 = arith.constant 0 : i32
        %sign3A_1026 = arith.cmpi sgt, %jit3A_1016, %sign3A_1025 : i32
        %sign3A_1027 = arith.extui %sign3A_1026 : i1 to i32
        %sign3A_1028 = arith.constant 0 : i32
        %sign3A_1029 = arith.cmpi slt, %jit3A_1016, %sign3A_1028 : i32
        %sign3A_1030 = arith.extui %sign3A_1029 : i1 to i32
        %sign3A_1031 = arith.subi %sign3A_1027, %sign3A_1030 : i32
        %ne3A_1032 = arith.cmpi ne, %sign3A_1024, %sign3A_1031 : i32
        %rem3A_1033 = arith.remsi %add3A_1015, %jit3A_1016 : i32
        %ne3A_1034 = arith.constant 0 : i32
        %ne3A_1035 = arith.cmpi ne, %rem3A_1033, %ne3A_1034 : i32
        %and3A_1036 = arith.andi %ne3A_1032, %ne3A_1035 : i1
        %sub3A_1037 = arith.constant 1 : i32
        %sub3A_1038 = arith.subi %div3A_1017, %sub3A_1037 : i32
        %select_n3A_1039 = arith.select %and3A_1036, %sub3A_1038, %div3A_1017 : i32
        %broadcast_in_dim3A_1040 = vector.broadcast %select_n3A_1039 : i32 to vector<16xi32>
        %jit3A_1041 = arith.constant 128 : i32
        %eq3A_1042 = arith.constant 0 : i32
        %eq3A_1043 = arith.cmpi eq, %jit3A_1041, %eq3A_1042 : i32
        %jit3A_1044 = arith.constant 1 : i32
        %select_n3A_1045 = arith.select %eq3A_1043, %jit3A_1044, %jit3A_1041 : i32
        %rem3A_1046 = arith.remsi %add3A_1015, %select_n3A_1045 : i32
        %ne3A_1047 = arith.constant 0 : i32
        %ne3A_1048 = arith.cmpi ne, %rem3A_1046, %ne3A_1047 : i32
        %lt3A_1049 = arith.constant 0 : i32
        %lt3A_1050 = arith.cmpi slt, %rem3A_1046, %lt3A_1049 : i32
        %lt3A_1051 = arith.constant 0 : i32
        %lt3A_1052 = arith.cmpi slt, %select_n3A_1045, %lt3A_1051 : i32
        %ne3A_1053 = arith.xori %lt3A_1050, %lt3A_1052 : i1
        %and3A_1054 = arith.andi %ne3A_1053, %ne3A_1048 : i1
        %add3A_1055 = arith.addi %rem3A_1046, %select_n3A_1045 : i32
        %select_n3A_1056 = arith.select %and3A_1054, %add3A_1055, %rem3A_1046 : i32
        %broadcast_in_dim3A_1057 = vector.broadcast %select_n3A_1056 : i32 to vector<16xi32>
        %get3A_1058 = arith.index_cast %add3A_1015 : i32 to index
        %get3A_1059 = arith.constant 0 : index
        %get3A_1060 = tpu.vector_load %arg9[%get3A_1058, %get3A_1059] {strides = array<i32>} : memref<512x64xf32, #tpu.memory_space<vmem>>, vector<16xf32>,
        tpu.vector_store_idx %arg10[%broadcast_in_dim3A_1040, %add3A_51, %select_n3A_48, %broadcast_in_dim3A_1057], %get3A_1060 : memref<4x8x8x129xf32, #tpu.memory_space<vmem>>[vector<16xi32>, vector<16xi32>, vector<16xi32>, vector<16xi32>], vector<16xf32>,
        %get3A_1061 = arith.index_cast %add3A_1015 : i32 to index
        %get3A_1062 = arith.constant 16 : index
        %get3A_1063 = tpu.vector_load %arg9[%get3A_1061, %get3A_1062] {strides = array<i32>} : memref<512x64xf32, #tpu.memory_space<vmem>>, vector<16xf32>,
        tpu.vector_store_idx %arg10[%broadcast_in_dim3A_1040, %add3A_54, %select_n3A_48, %broadcast_in_dim3A_1057], %get3A_1063 : memref<4x8x8x129xf32, #tpu.memory_space<vmem>>[vector<16xi32>, vector<16xi32>, vector<16xi32>, vector<16xi32>], vector<16xf32>,
        %get3A_1064 = arith.index_cast %add3A_1015 : i32 to index
        %get3A_1065 = arith.constant 32 : index
        %get3A_1066 = tpu.vector_load %arg9[%get3A_1064, %get3A_1065] {strides = array<i32>} : memref<512x64xf32, #tpu.memory_space<vmem>>, vector<16xf32>,
        tpu.vector_store_idx %arg10[%broadcast_in_dim3A_1040, %add3A_57, %select_n3A_48, %broadcast_in_dim3A_1057], %get3A_1066 : memref<4x8x8x129xf32, #tpu.memory_space<vmem>>[vector<16xi32>, vector<16xi32>, vector<16xi32>, vector<16xi32>], vector<16xf32>,
        %get3A_1067 = arith.index_cast %add3A_1015 : i32 to index
        %get3A_1068 = arith.constant 48 : index
        %get3A_1069 = tpu.vector_load %arg9[%get3A_1067, %get3A_1068] {strides = array<i32>} : memref<512x64xf32, #tpu.memory_space<vmem>>, vector<16xf32>,
        tpu.vector_store_idx %arg10[%broadcast_in_dim3A_1040, %add3A_60, %select_n3A_48, %broadcast_in_dim3A_1057], %get3A_1069 : memref<4x8x8x129xf32, #tpu.memory_space<vmem>>[vector<16xi32>, vector<16xi32>, vector<16xi32>, vector<16xi32>], vector<16xf32>,
        %scan3A_1070 = arith.constant 4 : i32
        %scan3A_1071 = arith.addi %scan3A_833, %scan3A_1070 : i32
        %mul3A_1072 = arith.constant 1 : i32
        %mul3A_1073 = arith.muli %scan3A_1071, %mul3A_1072 : i32
        %add3A_1074 = arith.constant 0 : i32
        %add3A_1075 = arith.addi %add3A_1074, %mul3A_1073 : i32
        %jit3A_1076 = arith.constant 128 : i32
        %div3A_1077 = arith.divsi %add3A_1075, %jit3A_1076 : i32
        %sign3A_1078 = arith.constant 0 : i32
        %sign3A_1079 = arith.cmpi sgt, %add3A_1075, %sign3A_1078 : i32
        %sign3A_1080 = arith.extui %sign3A_1079 : i1 to i32
        %sign3A_1081 = arith.constant 0 : i32
        %sign3A_1082 = arith.cmpi slt, %add3A_1075, %sign3A_1081 : i32
        %sign3A_1083 = arith.extui %sign3A_1082 : i1 to i32
        %sign3A_1084 = arith.subi %sign3A_1080, %sign3A_1083 : i32
        %sign3A_1085 = arith.constant 0 : i32
        %sign3A_1086 = arith.cmpi sgt, %jit3A_1076, %sign3A_1085 : i32
        %sign3A_1087 = arith.extui %sign3A_1086 : i1 to i32
        %sign3A_1088 = arith.constant 0 : i32
        %sign3A_1089 = arith.cmpi slt, %jit3A_1076, %sign3A_1088 : i32
        %sign3A_1090 = arith.extui %sign3A_1089 : i1 to i32
        %sign3A_1091 = arith.subi %sign3A_1087, %sign3A_1090 : i32
        %ne3A_1092 = arith.cmpi ne, %sign3A_1084, %sign3A_1091 : i32
        %rem3A_1093 = arith.remsi %add3A_1075, %jit3A_1076 : i32
        %ne3A_1094 = arith.constant 0 : i32
        %ne3A_1095 = arith.cmpi ne, %rem3A_1093, %ne3A_1094 : i32
        %and3A_1096 = arith.andi %ne3A_1092, %ne3A_1095 : i1
        %sub3A_1097 = arith.constant 1 : i32
        %sub3A_1098 = arith.subi %div3A_1077, %sub3A_1097 : i32
        %select_n3A_1099 = arith.select %and3A_1096, %sub3A_1098, %div3A_1077 : i32
        %broadcast_in_dim3A_1100 = vector.broadcast %select_n3A_1099 : i32 to vector<16xi32>
        %jit3A_1101 = arith.constant 128 : i32
        %eq3A_1102 = arith.constant 0 : i32
        %eq3A_1103 = arith.cmpi eq, %jit3A_1101, %eq3A_1102 : i32
        %jit3A_1104 = arith.constant 1 : i32
        %select_n3A_1105 = arith.select %eq3A_1103, %jit3A_1104, %jit3A_1101 : i32
        %rem3A_1106 = arith.remsi %add3A_1075, %select_n3A_1105 : i32
        %ne3A_1107 = arith.constant 0 : i32
        %ne3A_1108 = arith.cmpi ne, %rem3A_1106, %ne3A_1107 : i32
        %lt3A_1109 = arith.constant 0 : i32
        %lt3A_1110 = arith.cmpi slt, %rem3A_1106, %lt3A_1109 : i32
        %lt3A_1111 = arith.constant 0 : i32
        %lt3A_1112 = arith.cmpi slt, %select_n3A_1105, %lt3A_1111 : i32
        %ne3A_1113 = arith.xori %lt3A_1110, %lt3A_1112 : i1
        %and3A_1114 = arith.andi %ne3A_1113, %ne3A_1108 : i1
        %add3A_1115 = arith.addi %rem3A_1106, %select_n3A_1105 : i32
        %select_n3A_1116 = arith.select %and3A_1114, %add3A_1115, %rem3A_1106 : i32
        %broadcast_in_dim3A_1117 = vector.broadcast %select_n3A_1116 : i32 to vector<16xi32>
        %get3A_1118 = arith.index_cast %add3A_1075 : i32 to index
        %get3A_1119 = arith.constant 0 : index
        %get3A_1120 = tpu.vector_load %arg9[%get3A_1118, %get3A_1119] {strides = array<i32>} : memref<512x64xf32, #tpu.memory_space<vmem>>, vector<16xf32>,
        tpu.vector_store_idx %arg10[%broadcast_in_dim3A_1100, %add3A_51, %select_n3A_48, %broadcast_in_dim3A_1117], %get3A_1120 : memref<4x8x8x129xf32, #tpu.memory_space<vmem>>[vector<16xi32>, vector<16xi32>, vector<16xi32>, vector<16xi32>], vector<16xf32>,
        %get3A_1121 = arith.index_cast %add3A_1075 : i32 to index
        %get3A_1122 = arith.constant 16 : index
        %get3A_1123 = tpu.vector_load %arg9[%get3A_1121, %get3A_1122] {strides = array<i32>} : memref<512x64xf32, #tpu.memory_space<vmem>>, vector<16xf32>,
        tpu.vector_store_idx %arg10[%broadcast_in_dim3A_1100, %add3A_54, %select_n3A_48, %broadcast_in_dim3A_1117], %get3A_1123 : memref<4x8x8x129xf32, #tpu.memory_space<vmem>>[vector<16xi32>, vector<16xi32>, vector<16xi32>, vector<16xi32>], vector<16xf32>,
        %get3A_1124 = arith.index_cast %add3A_1075 : i32 to index
        %get3A_1125 = arith.constant 32 : index
        %get3A_1126 = tpu.vector_load %arg9[%get3A_1124, %get3A_1125] {strides = array<i32>} : memref<512x64xf32, #tpu.memory_space<vmem>>, vector<16xf32>,
        tpu.vector_store_idx %arg10[%broadcast_in_dim3A_1100, %add3A_57, %select_n3A_48, %broadcast_in_dim3A_1117], %get3A_1126 : memref<4x8x8x129xf32, #tpu.memory_space<vmem>>[vector<16xi32>, vector<16xi32>, vector<16xi32>, vector<16xi32>], vector<16xf32>,
        %get3A_1127 = arith.index_cast %add3A_1075 : i32 to index
        %get3A_1128 = arith.constant 48 : index
        %get3A_1129 = tpu.vector_load %arg9[%get3A_1127, %get3A_1128] {strides = array<i32>} : memref<512x64xf32, #tpu.memory_space<vmem>>, vector<16xf32>,
        tpu.vector_store_idx %arg10[%broadcast_in_dim3A_1100, %add3A_60, %select_n3A_48, %broadcast_in_dim3A_1117], %get3A_1129 : memref<4x8x8x129xf32, #tpu.memory_space<vmem>>[vector<16xi32>, vector<16xi32>, vector<16xi32>, vector<16xi32>], vector<16xf32>,
        %scan3A_1130 = arith.constant 5 : i32
        %scan3A_1131 = arith.addi %scan3A_833, %scan3A_1130 : i32
        %mul3A_1132 = arith.constant 1 : i32
        %mul3A_1133 = arith.muli %scan3A_1131, %mul3A_1132 : i32
        %add3A_1134 = arith.constant 0 : i32
        %add3A_1135 = arith.addi %add3A_1134, %mul3A_1133 : i32
        %jit3A_1136 = arith.constant 128 : i32
        %div3A_1137 = arith.divsi %add3A_1135, %jit3A_1136 : i32
        %sign3A_1138 = arith.constant 0 : i32
        %sign3A_1139 = arith.cmpi sgt, %add3A_1135, %sign3A_1138 : i32
        %sign3A_1140 = arith.extui %sign3A_1139 : i1 to i32
        %sign3A_1141 = arith.constant 0 : i32
        %sign3A_1142 = arith.cmpi slt, %add3A_1135, %sign3A_1141 : i32
        %sign3A_1143 = arith.extui %sign3A_1142 : i1 to i32
        %sign3A_1144 = arith.subi %sign3A_1140, %sign3A_1143 : i32
        %sign3A_1145 = arith.constant 0 : i32
        %sign3A_1146 = arith.cmpi sgt, %jit3A_1136, %sign3A_1145 : i32
        %sign3A_1147 = arith.extui %sign3A_1146 : i1 to i32
        %sign3A_1148 = arith.constant 0 : i32
        %sign3A_1149 = arith.cmpi slt, %jit3A_1136, %sign3A_1148 : i32
        %sign3A_1150 = arith.extui %sign3A_1149 : i1 to i32
        %sign3A_1151 = arith.subi %sign3A_1147, %sign3A_1150 : i32
        %ne3A_1152 = arith.cmpi ne, %sign3A_1144, %sign3A_1151 : i32
        %rem3A_1153 = arith.remsi %add3A_1135, %jit3A_1136 : i32
        %ne3A_1154 = arith.constant 0 : i32
        %ne3A_1155 = arith.cmpi ne, %rem3A_1153, %ne3A_1154 : i32
        %and3A_1156 = arith.andi %ne3A_1152, %ne3A_1155 : i1
        %sub3A_1157 = arith.constant 1 : i32
        %sub3A_1158 = arith.subi %div3A_1137, %sub3A_1157 : i32
        %select_n3A_1159 = arith.select %and3A_1156, %sub3A_1158, %div3A_1137 : i32
        %broadcast_in_dim3A_1160 = vector.broadcast %select_n3A_1159 : i32 to vector<16xi32>
        %jit3A_1161 = arith.constant 128 : i32
        %eq3A_1162 = arith.constant 0 : i32
        %eq3A_1163 = arith.cmpi eq, %jit3A_1161, %eq3A_1162 : i32
        %jit3A_1164 = arith.constant 1 : i32
        %select_n3A_1165 = arith.select %eq3A_1163, %jit3A_1164, %jit3A_1161 : i32
        %rem3A_1166 = arith.remsi %add3A_1135, %select_n3A_1165 : i32
        %ne3A_1167 = arith.constant 0 : i32
        %ne3A_1168 = arith.cmpi ne, %rem3A_1166, %ne3A_1167 : i32
        %lt3A_1169 = arith.constant 0 : i32
        %lt3A_1170 = arith.cmpi slt, %rem3A_1166, %lt3A_1169 : i32
        %lt3A_1171 = arith.constant 0 : i32
        %lt3A_1172 = arith.cmpi slt, %select_n3A_1165, %lt3A_1171 : i32
        %ne3A_1173 = arith.xori %lt3A_1170, %lt3A_1172 : i1
        %and3A_1174 = arith.andi %ne3A_1173, %ne3A_1168 : i1
        %add3A_1175 = arith.addi %rem3A_1166, %select_n3A_1165 : i32
        %select_n3A_1176 = arith.select %and3A_1174, %add3A_1175, %rem3A_1166 : i32
        %broadcast_in_dim3A_1177 = vector.broadcast %select_n3A_1176 : i32 to vector<16xi32>
        %get3A_1178 = arith.index_cast %add3A_1135 : i32 to index
        %get3A_1179 = arith.constant 0 : index
        %get3A_1180 = tpu.vector_load %arg9[%get3A_1178, %get3A_1179] {strides = array<i32>} : memref<512x64xf32, #tpu.memory_space<vmem>>, vector<16xf32>,
        tpu.vector_store_idx %arg10[%broadcast_in_dim3A_1160, %add3A_51, %select_n3A_48, %broadcast_in_dim3A_1177], %get3A_1180 : memref<4x8x8x129xf32, #tpu.memory_space<vmem>>[vector<16xi32>, vector<16xi32>, vector<16xi32>, vector<16xi32>], vector<16xf32>,
        %get3A_1181 = arith.index_cast %add3A_1135 : i32 to index
        %get3A_1182 = arith.constant 16 : index
        %get3A_1183 = tpu.vector_load %arg9[%get3A_1181, %get3A_1182] {strides = array<i32>} : memref<512x64xf32, #tpu.memory_space<vmem>>, vector<16xf32>,
        tpu.vector_store_idx %arg10[%broadcast_in_dim3A_1160, %add3A_54, %select_n3A_48, %broadcast_in_dim3A_1177], %get3A_1183 : memref<4x8x8x129xf32, #tpu.memory_space<vmem>>[vector<16xi32>, vector<16xi32>, vector<16xi32>, vector<16xi32>], vector<16xf32>,
        %get3A_1184 = arith.index_cast %add3A_1135 : i32 to index
        %get3A_1185 = arith.constant 32 : index
        %get3A_1186 = tpu.vector_load %arg9[%get3A_1184, %get3A_1185] {strides = array<i32>} : memref<512x64xf32, #tpu.memory_space<vmem>>, vector<16xf32>,
        tpu.vector_store_idx %arg10[%broadcast_in_dim3A_1160, %add3A_57, %select_n3A_48, %broadcast_in_dim3A_1177], %get3A_1186 : memref<4x8x8x129xf32, #tpu.memory_space<vmem>>[vector<16xi32>, vector<16xi32>, vector<16xi32>, vector<16xi32>], vector<16xf32>,
        %get3A_1187 = arith.index_cast %add3A_1135 : i32 to index
        %get3A_1188 = arith.constant 48 : index
        %get3A_1189 = tpu.vector_load %arg9[%get3A_1187, %get3A_1188] {strides = array<i32>} : memref<512x64xf32, #tpu.memory_space<vmem>>, vector<16xf32>,
        tpu.vector_store_idx %arg10[%broadcast_in_dim3A_1160, %add3A_60, %select_n3A_48, %broadcast_in_dim3A_1177], %get3A_1189 : memref<4x8x8x129xf32, #tpu.memory_space<vmem>>[vector<16xi32>, vector<16xi32>, vector<16xi32>, vector<16xi32>], vector<16xf32>,
        %scan3A_1190 = arith.constant 6 : i32
        %scan3A_1191 = arith.addi %scan3A_833, %scan3A_1190 : i32
        %mul3A_1192 = arith.constant 1 : i32
        %mul3A_1193 = arith.muli %scan3A_1191, %mul3A_1192 : i32
        %add3A_1194 = arith.constant 0 : i32
        %add3A_1195 = arith.addi %add3A_1194, %mul3A_1193 : i32
        %jit3A_1196 = arith.constant 128 : i32
        %div3A_1197 = arith.divsi %add3A_1195, %jit3A_1196 : i32
        %sign3A_1198 = arith.constant 0 : i32
        %sign3A_1199 = arith.cmpi sgt, %add3A_1195, %sign3A_1198 : i32
        %sign3A_1200 = arith.extui %sign3A_1199 : i1 to i32
        %sign3A_1201 = arith.constant 0 : i32
        %sign3A_1202 = arith.cmpi slt, %add3A_1195, %sign3A_1201 : i32
        %sign3A_1203 = arith.extui %sign3A_1202 : i1 to i32
        %sign3A_1204 = arith.subi %sign3A_1200, %sign3A_1203 : i32
        %sign3A_1205 = arith.constant 0 : i32
        %sign3A_1206 = arith.cmpi sgt, %jit3A_1196, %sign3A_1205 : i32
        %sign3A_1207 = arith.extui %sign3A_1206 : i1 to i32
        %sign3A_1208 = arith.constant 0 : i32
        %sign3A_1209 = arith.cmpi slt, %jit3A_1196, %sign3A_1208 : i32
        %sign3A_1210 = arith.extui %sign3A_1209 : i1 to i32
        %sign3A_1211 = arith.subi %sign3A_1207, %sign3A_1210 : i32
        %ne3A_1212 = arith.cmpi ne, %sign3A_1204, %sign3A_1211 : i32
        %rem3A_1213 = arith.remsi %add3A_1195, %jit3A_1196 : i32
        %ne3A_1214 = arith.constant 0 : i32
        %ne3A_1215 = arith.cmpi ne, %rem3A_1213, %ne3A_1214 : i32
        %and3A_1216 = arith.andi %ne3A_1212, %ne3A_1215 : i1
        %sub3A_1217 = arith.constant 1 : i32
        %sub3A_1218 = arith.subi %div3A_1197, %sub3A_1217 : i32
        %select_n3A_1219 = arith.select %and3A_1216, %sub3A_1218, %div3A_1197 : i32
        %broadcast_in_dim3A_1220 = vector.broadcast %select_n3A_1219 : i32 to vector<16xi32>
        %jit3A_1221 = arith.constant 128 : i32
        %eq3A_1222 = arith.constant 0 : i32
        %eq3A_1223 = arith.cmpi eq, %jit3A_1221, %eq3A_1222 : i32
        %jit3A_1224 = arith.constant 1 : i32
        %select_n3A_1225 = arith.select %eq3A_1223, %jit3A_1224, %jit3A_1221 : i32
        %rem3A_1226 = arith.remsi %add3A_1195, %select_n3A_1225 : i32
        %ne3A_1227 = arith.constant 0 : i32
        %ne3A_1228 = arith.cmpi ne, %rem3A_1226, %ne3A_1227 : i32
        %lt3A_1229 = arith.constant 0 : i32
        %lt3A_1230 = arith.cmpi slt, %rem3A_1226, %lt3A_1229 : i32
        %lt3A_1231 = arith.constant 0 : i32
        %lt3A_1232 = arith.cmpi slt, %select_n3A_1225, %lt3A_1231 : i32
        %ne3A_1233 = arith.xori %lt3A_1230, %lt3A_1232 : i1
        %and3A_1234 = arith.andi %ne3A_1233, %ne3A_1228 : i1
        %add3A_1235 = arith.addi %rem3A_1226, %select_n3A_1225 : i32
        %select_n3A_1236 = arith.select %and3A_1234, %add3A_1235, %rem3A_1226 : i32
        %broadcast_in_dim3A_1237 = vector.broadcast %select_n3A_1236 : i32 to vector<16xi32>
        %get3A_1238 = arith.index_cast %add3A_1195 : i32 to index
        %get3A_1239 = arith.constant 0 : index
        %get3A_1240 = tpu.vector_load %arg9[%get3A_1238, %get3A_1239] {strides = array<i32>} : memref<512x64xf32, #tpu.memory_space<vmem>>, vector<16xf32>,
        tpu.vector_store_idx %arg10[%broadcast_in_dim3A_1220, %add3A_51, %select_n3A_48, %broadcast_in_dim3A_1237], %get3A_1240 : memref<4x8x8x129xf32, #tpu.memory_space<vmem>>[vector<16xi32>, vector<16xi32>, vector<16xi32>, vector<16xi32>], vector<16xf32>,
        %get3A_1241 = arith.index_cast %add3A_1195 : i32 to index
        %get3A_1242 = arith.constant 16 : index
        %get3A_1243 = tpu.vector_load %arg9[%get3A_1241, %get3A_1242] {strides = array<i32>} : memref<512x64xf32, #tpu.memory_space<vmem>>, vector<16xf32>,
        tpu.vector_store_idx %arg10[%broadcast_in_dim3A_1220, %add3A_54, %select_n3A_48, %broadcast_in_dim3A_1237], %get3A_1243 : memref<4x8x8x129xf32, #tpu.memory_space<vmem>>[vector<16xi32>, vector<16xi32>, vector<16xi32>, vector<16xi32>], vector<16xf32>,
        %get3A_1244 = arith.index_cast %add3A_1195 : i32 to index
        %get3A_1245 = arith.constant 32 : index
        %get3A_1246 = tpu.vector_load %arg9[%get3A_1244, %get3A_1245] {strides = array<i32>} : memref<512x64xf32, #tpu.memory_space<vmem>>, vector<16xf32>,
        tpu.vector_store_idx %arg10[%broadcast_in_dim3A_1220, %add3A_57, %select_n3A_48, %broadcast_in_dim3A_1237], %get3A_1246 : memref<4x8x8x129xf32, #tpu.memory_space<vmem>>[vector<16xi32>, vector<16xi32>, vector<16xi32>, vector<16xi32>], vector<16xf32>,
        %get3A_1247 = arith.index_cast %add3A_1195 : i32 to index
        %get3A_1248 = arith.constant 48 : index
        %get3A_1249 = tpu.vector_load %arg9[%get3A_1247, %get3A_1248] {strides = array<i32>} : memref<512x64xf32, #tpu.memory_space<vmem>>, vector<16xf32>,
        tpu.vector_store_idx %arg10[%broadcast_in_dim3A_1220, %add3A_60, %select_n3A_48, %broadcast_in_dim3A_1237], %get3A_1249 : memref<4x8x8x129xf32, #tpu.memory_space<vmem>>[vector<16xi32>, vector<16xi32>, vector<16xi32>, vector<16xi32>], vector<16xf32>,
        %scan3A_1250 = arith.constant 7 : i32
        %scan3A_1251 = arith.addi %scan3A_833, %scan3A_1250 : i32
        %mul3A_1252 = arith.constant 1 : i32
        %mul3A_1253 = arith.muli %scan3A_1251, %mul3A_1252 : i32
        %add3A_1254 = arith.constant 0 : i32
        %add3A_1255 = arith.addi %add3A_1254, %mul3A_1253 : i32
        %jit3A_1256 = arith.constant 128 : i32
        %div3A_1257 = arith.divsi %add3A_1255, %jit3A_1256 : i32
        %sign3A_1258 = arith.constant 0 : i32
        %sign3A_1259 = arith.cmpi sgt, %add3A_1255, %sign3A_1258 : i32
        %sign3A_1260 = arith.extui %sign3A_1259 : i1 to i32
        %sign3A_1261 = arith.constant 0 : i32
        %sign3A_1262 = arith.cmpi slt, %add3A_1255, %sign3A_1261 : i32
        %sign3A_1263 = arith.extui %sign3A_1262 : i1 to i32
        %sign3A_1264 = arith.subi %sign3A_1260, %sign3A_1263 : i32
        %sign3A_1265 = arith.constant 0 : i32
        %sign3A_1266 = arith.cmpi sgt, %jit3A_1256, %sign3A_1265 : i32
        %sign3A_1267 = arith.extui %sign3A_1266 : i1 to i32
        %sign3A_1268 = arith.constant 0 : i32
        %sign3A_1269 = arith.cmpi slt, %jit3A_1256, %sign3A_1268 : i32
        %sign3A_1270 = arith.extui %sign3A_1269 : i1 to i32
        %sign3A_1271 = arith.subi %sign3A_1267, %sign3A_1270 : i32
        %ne3A_1272 = arith.cmpi ne, %sign3A_1264, %sign3A_1271 : i32
        %rem3A_1273 = arith.remsi %add3A_1255, %jit3A_1256 : i32
        %ne3A_1274 = arith.constant 0 : i32
        %ne3A_1275 = arith.cmpi ne, %rem3A_1273, %ne3A_1274 : i32
        %and3A_1276 = arith.andi %ne3A_1272, %ne3A_1275 : i1
        %sub3A_1277 = arith.constant 1 : i32
        %sub3A_1278 = arith.subi %div3A_1257, %sub3A_1277 : i32
        %select_n3A_1279 = arith.select %and3A_1276, %sub3A_1278, %div3A_1257 : i32
        %broadcast_in_dim3A_1280 = vector.broadcast %select_n3A_1279 : i32 to vector<16xi32>
        %jit3A_1281 = arith.constant 128 : i32
        %eq3A_1282 = arith.constant 0 : i32
        %eq3A_1283 = arith.cmpi eq, %jit3A_1281, %eq3A_1282 : i32
        %jit3A_1284 = arith.constant 1 : i32
        %select_n3A_1285 = arith.select %eq3A_1283, %jit3A_1284, %jit3A_1281 : i32
        %rem3A_1286 = arith.remsi %add3A_1255, %select_n3A_1285 : i32
        %ne3A_1287 = arith.constant 0 : i32
        %ne3A_1288 = arith.cmpi ne, %rem3A_1286, %ne3A_1287 : i32
        %lt3A_1289 = arith.constant 0 : i32
        %lt3A_1290 = arith.cmpi slt, %rem3A_1286, %lt3A_1289 : i32
        %lt3A_1291 = arith.constant 0 : i32
        %lt3A_1292 = arith.cmpi slt, %select_n3A_1285, %lt3A_1291 : i32
        %ne3A_1293 = arith.xori %lt3A_1290, %lt3A_1292 : i1
        %and3A_1294 = arith.andi %ne3A_1293, %ne3A_1288 : i1
        %add3A_1295 = arith.addi %rem3A_1286, %select_n3A_1285 : i32
        %select_n3A_1296 = arith.select %and3A_1294, %add3A_1295, %rem3A_1286 : i32
        %broadcast_in_dim3A_1297 = vector.broadcast %select_n3A_1296 : i32 to vector<16xi32>
        %get3A_1298 = arith.index_cast %add3A_1255 : i32 to index
        %get3A_1299 = arith.constant 0 : index
        %get3A_1300 = tpu.vector_load %arg9[%get3A_1298, %get3A_1299] {strides = array<i32>} : memref<512x64xf32, #tpu.memory_space<vmem>>, vector<16xf32>,
        tpu.vector_store_idx %arg10[%broadcast_in_dim3A_1280, %add3A_51, %select_n3A_48, %broadcast_in_dim3A_1297], %get3A_1300 : memref<4x8x8x129xf32, #tpu.memory_space<vmem>>[vector<16xi32>, vector<16xi32>, vector<16xi32>, vector<16xi32>], vector<16xf32>,
        %get3A_1301 = arith.index_cast %add3A_1255 : i32 to index
        %get3A_1302 = arith.constant 16 : index
        %get3A_1303 = tpu.vector_load %arg9[%get3A_1301, %get3A_1302] {strides = array<i32>} : memref<512x64xf32, #tpu.memory_space<vmem>>, vector<16xf32>,
        tpu.vector_store_idx %arg10[%broadcast_in_dim3A_1280, %add3A_54, %select_n3A_48, %broadcast_in_dim3A_1297], %get3A_1303 : memref<4x8x8x129xf32, #tpu.memory_space<vmem>>[vector<16xi32>, vector<16xi32>, vector<16xi32>, vector<16xi32>], vector<16xf32>,
        %get3A_1304 = arith.index_cast %add3A_1255 : i32 to index
        %get3A_1305 = arith.constant 32 : index
        %get3A_1306 = tpu.vector_load %arg9[%get3A_1304, %get3A_1305] {strides = array<i32>} : memref<512x64xf32, #tpu.memory_space<vmem>>, vector<16xf32>,
        tpu.vector_store_idx %arg10[%broadcast_in_dim3A_1280, %add3A_57, %select_n3A_48, %broadcast_in_dim3A_1297], %get3A_1306 : memref<4x8x8x129xf32, #tpu.memory_space<vmem>>[vector<16xi32>, vector<16xi32>, vector<16xi32>, vector<16xi32>], vector<16xf32>,
        %get3A_1307 = arith.index_cast %add3A_1255 : i32 to index
        %get3A_1308 = arith.constant 48 : index
        %get3A_1309 = tpu.vector_load %arg9[%get3A_1307, %get3A_1308] {strides = array<i32>} : memref<512x64xf32, #tpu.memory_space<vmem>>, vector<16xf32>,
        tpu.vector_store_idx %arg10[%broadcast_in_dim3A_1280, %add3A_60, %select_n3A_48, %broadcast_in_dim3A_1297], %get3A_1309 : memref<4x8x8x129xf32, #tpu.memory_space<vmem>>[vector<16xi32>, vector<16xi32>, vector<16xi32>, vector<16xi32>], vector<16xf32>,
      }
      %scan3A_656 = arith.constant 512 : i32
      %mul3A_657 = arith.constant 4 : i32
      %mul3A_658 = arith.muli %mul3A_657, %add3A : i32
      %dma_start3A_659 = arith.constant 0 : i32
      %dma_start3A_660 = arith.constant 0 : i32
      %dma_start3A_661 = arith.constant 0 : i32
      %dma_start3A_662 = arith.constant 0 : i32
      %dma_start3A_663 = arith.constant 0 : i32
      %dma_start3A_664 = tpu.memref_slice %arg10[%dma_start3A_661, %dma_start3A_659, %dma_start3A_662, %dma_start3A_663] : memref<4x8x8x129xf32, #tpu.memory_space<vmem>> -> memref<4x1x8x128xf32, #tpu.memory_space<vmem>>
      %dma_start3A_665 = tpu.memref_squeeze %dma_start3A_664 : memref<4x1x8x128xf32, #tpu.memory_space<vmem>> -> memref<4x8x128xf32, #tpu.memory_space<vmem>>
      %dma_start3A_666 = arith.constant 0 : i32
      %dma_start3A_667 = arith.constant 0 : i32
      %dma_start3A_668 = tpu.memref_slice %arg4[%add3A_638, %dma_start3A_660, %mul3A_658, %dma_start3A_666, %dma_start3A_667] : memref<50x8x128x8x128xf32, #tpu.memory_space<hbm>> -> memref<1x1x4x8x128xf32, #tpu.memory_space<hbm>>
      %dma_start3A_669 = tpu.memref_squeeze %dma_start3A_668 : memref<1x1x4x8x128xf32, #tpu.memory_space<hbm>> -> memref<4x8x128xf32, #tpu.memory_space<hbm>>
      %dma_start3A_670 = arith.constant 0 : i32
      %dma_start3A_671 = arith.constant 0 : i32
      %dma_start3A_672 = tpu.memref_slice %arg4[%add3A_638, %dma_start3A_660, %mul3A_658, %dma_start3A_670, %dma_start3A_671] : memref<50x8x128x8x128xf32, #tpu.memory_space<hbm>> -> memref<1x1x4x8x128xf32, #tpu.memory_space<hbm>>
      %dma_start3A_673 = tpu.memref_squeeze %dma_start3A_672 : memref<1x1x4x8x128xf32, #tpu.memory_space<hbm>> -> memref<4x8x128xf32, #tpu.memory_space<hbm>>
      %dma_start3A_674 = arith.constant 0 : i32
      %dma_start3A_675 = arith.constant 0 : i32
      %dma_start3A_676 = arith.constant 0 : i32
      %dma_start3A_677 = tpu.memref_slice %arg10[%dma_start3A_674, %dma_start3A_659, %dma_start3A_675, %dma_start3A_676] : memref<4x8x8x129xf32, #tpu.memory_space<vmem>> -> memref<4x1x8x128xf32, #tpu.memory_space<vmem>>
      %dma_start3A_678 = tpu.memref_squeeze %dma_start3A_677 : memref<4x1x8x128xf32, #tpu.memory_space<vmem>> -> memref<4x8x128xf32, #tpu.memory_space<vmem>>
      tpu.enqueue_dma source(%dma_start3A_678 : memref<4x8x128xf32, #tpu.memory_space<vmem>>) target(%dma_start3A_673 : memref<4x8x128xf32, #tpu.memory_space<hbm>>) target_semaphore(%arg13 : memref<!tpu.dma_semaphore, #tpu.memory_space<semaphore_mem>>)
      %mul3A_679 = arith.constant 4 : i32
      %mul3A_680 = arith.muli %mul3A_679, %add3A : i32
      %dma_start3A_681 = arith.constant 1 : i32
      %dma_start3A_682 = arith.constant 1 : i32
      %dma_start3A_683 = arith.constant 0 : i32
      %dma_start3A_684 = arith.constant 0 : i32
      %dma_start3A_685 = arith.constant 0 : i32
      %dma_start3A_686 = tpu.memref_slice %arg10[%dma_start3A_683, %dma_start3A_681, %dma_start3A_684, %dma_start3A_685] : memref<4x8x8x129xf32, #tpu.memory_space<vmem>> -> memref<4x1x8x128xf32, #tpu.memory_space<vmem>>
      %dma_start3A_687 = tpu.memref_squeeze %dma_start3A_686 : memref<4x1x8x128xf32, #tpu.memory_space<vmem>> -> memref<4x8x128xf32, #tpu.memory_space<vmem>>
      %dma_start3A_688 = arith.constant 0 : i32
      %dma_start3A_689 = arith.constant 0 : i32
      %dma_start3A_690 = tpu.memref_slice %arg4[%add3A_638, %dma_start3A_682, %mul3A_680, %dma_start3A_688, %dma_start3A_689] : memref<50x8x128x8x128xf32, #tpu.memory_space<hbm>> -> memref<1x1x4x8x128xf32, #tpu.memory_space<hbm>>
      %dma_start3A_691 = tpu.memref_squeeze %dma_start3A_690 : memref<1x1x4x8x128xf32, #tpu.memory_space<hbm>> -> memref<4x8x128xf32, #tpu.memory_space<hbm>>
      %dma_start3A_692 = arith.constant 0 : i32
      %dma_start3A_693 = arith.constant 0 : i32
      %dma_start3A_694 = tpu.memref_slice %arg4[%add3A_638, %dma_start3A_682, %mul3A_680, %dma_start3A_692, %dma_start3A_693] : memref<50x8x128x8x128xf32, #tpu.memory_space<hbm>> -> memref<1x1x4x8x128xf32, #tpu.memory_space<hbm>>
      %dma_start3A_695 = tpu.memref_squeeze %dma_start3A_694 : memref<1x1x4x8x128xf32, #tpu.memory_space<hbm>> -> memref<4x8x128xf32, #tpu.memory_space<hbm>>
      %dma_start3A_696 = arith.constant 0 : i32
      %dma_start3A_697 = arith.constant 0 : i32
      %dma_start3A_698 = arith.constant 0 : i32
      %dma_start3A_699 = tpu.memref_slice %arg10[%dma_start3A_696, %dma_start3A_681, %dma_start3A_697, %dma_start3A_698] : memref<4x8x8x129xf32, #tpu.memory_space<vmem>> -> memref<4x1x8x128xf32, #tpu.memory_space<vmem>>
      %dma_start3A_700 = tpu.memref_squeeze %dma_start3A_699 : memref<4x1x8x128xf32, #tpu.memory_space<vmem>> -> memref<4x8x128xf32, #tpu.memory_space<vmem>>
      tpu.enqueue_dma source(%dma_start3A_700 : memref<4x8x128xf32, #tpu.memory_space<vmem>>) target(%dma_start3A_695 : memref<4x8x128xf32, #tpu.memory_space<hbm>>) target_semaphore(%arg13 : memref<!tpu.dma_semaphore, #tpu.memory_space<semaphore_mem>>)
      %mul3A_701 = arith.constant 4 : i32
      %mul3A_702 = arith.muli %mul3A_701, %add3A : i32
      %dma_start3A_703 = arith.constant 2 : i32
      %dma_start3A_704 = arith.constant 2 : i32
      %dma_start3A_705 = arith.constant 0 : i32
      %dma_start3A_706 = arith.constant 0 : i32
      %dma_start3A_707 = arith.constant 0 : i32
      %dma_start3A_708 = tpu.memref_slice %arg10[%dma_start3A_705, %dma_start3A_703, %dma_start3A_706, %dma_start3A_707] : memref<4x8x8x129xf32, #tpu.memory_space<vmem>> -> memref<4x1x8x128xf32, #tpu.memory_space<vmem>>
      %dma_start3A_709 = tpu.memref_squeeze %dma_start3A_708 : memref<4x1x8x128xf32, #tpu.memory_space<vmem>> -> memref<4x8x128xf32, #tpu.memory_space<vmem>>
      %dma_start3A_710 = arith.constant 0 : i32
      %dma_start3A_711 = arith.constant 0 : i32
      %dma_start3A_712 = tpu.memref_slice %arg4[%add3A_638, %dma_start3A_704, %mul3A_702, %dma_start3A_710, %dma_start3A_711] : memref<50x8x128x8x128xf32, #tpu.memory_space<hbm>> -> memref<1x1x4x8x128xf32, #tpu.memory_space<hbm>>
      %dma_start3A_713 = tpu.memref_squeeze %dma_start3A_712 : memref<1x1x4x8x128xf32, #tpu.memory_space<hbm>> -> memref<4x8x128xf32, #tpu.memory_space<hbm>>
      %dma_start3A_714 = arith.constant 0 : i32
      %dma_start3A_715 = arith.constant 0 : i32
      %dma_start3A_716 = tpu.memref_slice %arg4[%add3A_638, %dma_start3A_704, %mul3A_702, %dma_start3A_714, %dma_start3A_715] : memref<50x8x128x8x128xf32, #tpu.memory_space<hbm>> -> memref<1x1x4x8x128xf32, #tpu.memory_space<hbm>>
      %dma_start3A_717 = tpu.memref_squeeze %dma_start3A_716 : memref<1x1x4x8x128xf32, #tpu.memory_space<hbm>> -> memref<4x8x128xf32, #tpu.memory_space<hbm>>
      %dma_start3A_718 = arith.constant 0 : i32
      %dma_start3A_719 = arith.constant 0 : i32
      %dma_start3A_720 = arith.constant 0 : i32
      %dma_start3A_721 = tpu.memref_slice %arg10[%dma_start3A_718, %dma_start3A_703, %dma_start3A_719, %dma_start3A_720] : memref<4x8x8x129xf32, #tpu.memory_space<vmem>> -> memref<4x1x8x128xf32, #tpu.memory_space<vmem>>
      %dma_start3A_722 = tpu.memref_squeeze %dma_start3A_721 : memref<4x1x8x128xf32, #tpu.memory_space<vmem>> -> memref<4x8x128xf32, #tpu.memory_space<vmem>>
      tpu.enqueue_dma source(%dma_start3A_722 : memref<4x8x128xf32, #tpu.memory_space<vmem>>) target(%dma_start3A_717 : memref<4x8x128xf32, #tpu.memory_space<hbm>>) target_semaphore(%arg13 : memref<!tpu.dma_semaphore, #tpu.memory_space<semaphore_mem>>)
      %mul3A_723 = arith.constant 4 : i32
      %mul3A_724 = arith.muli %mul3A_723, %add3A : i32
      %dma_start3A_725 = arith.constant 3 : i32
      %dma_start3A_726 = arith.constant 3 : i32
      %dma_start3A_727 = arith.constant 0 : i32
      %dma_start3A_728 = arith.constant 0 : i32
      %dma_start3A_729 = arith.constant 0 : i32
      %dma_start3A_730 = tpu.memref_slice %arg10[%dma_start3A_727, %dma_start3A_725, %dma_start3A_728, %dma_start3A_729] : memref<4x8x8x129xf32, #tpu.memory_space<vmem>> -> memref<4x1x8x128xf32, #tpu.memory_space<vmem>>
      %dma_start3A_731 = tpu.memref_squeeze %dma_start3A_730 : memref<4x1x8x128xf32, #tpu.memory_space<vmem>> -> memref<4x8x128xf32, #tpu.memory_space<vmem>>
      %dma_start3A_732 = arith.constant 0 : i32
      %dma_start3A_733 = arith.constant 0 : i32
      %dma_start3A_734 = tpu.memref_slice %arg4[%add3A_638, %dma_start3A_726, %mul3A_724, %dma_start3A_732, %dma_start3A_733] : memref<50x8x128x8x128xf32, #tpu.memory_space<hbm>> -> memref<1x1x4x8x128xf32, #tpu.memory_space<hbm>>
      %dma_start3A_735 = tpu.memref_squeeze %dma_start3A_734 : memref<1x1x4x8x128xf32, #tpu.memory_space<hbm>> -> memref<4x8x128xf32, #tpu.memory_space<hbm>>
      %dma_start3A_736 = arith.constant 0 : i32
      %dma_start3A_737 = arith.constant 0 : i32
      %dma_start3A_738 = tpu.memref_slice %arg4[%add3A_638, %dma_start3A_726, %mul3A_724, %dma_start3A_736, %dma_start3A_737] : memref<50x8x128x8x128xf32, #tpu.memory_space<hbm>> -> memref<1x1x4x8x128xf32, #tpu.memory_space<hbm>>
      %dma_start3A_739 = tpu.memref_squeeze %dma_start3A_738 : memref<1x1x4x8x128xf32, #tpu.memory_space<hbm>> -> memref<4x8x128xf32, #tpu.memory_space<hbm>>
      %dma_start3A_740 = arith.constant 0 : i32
      %dma_start3A_741 = arith.constant 0 : i32
      %dma_start3A_742 = arith.constant 0 : i32
      %dma_start3A_743 = tpu.memref_slice %arg10[%dma_start3A_740, %dma_start3A_725, %dma_start3A_741, %dma_start3A_742] : memref<4x8x8x129xf32, #tpu.memory_space<vmem>> -> memref<4x1x8x128xf32, #tpu.memory_space<vmem>>
      %dma_start3A_744 = tpu.memref_squeeze %dma_start3A_743 : memref<4x1x8x128xf32, #tpu.memory_space<vmem>> -> memref<4x8x128xf32, #tpu.memory_space<vmem>>
      tpu.enqueue_dma source(%dma_start3A_744 : memref<4x8x128xf32, #tpu.memory_space<vmem>>) target(%dma_start3A_739 : memref<4x8x128xf32, #tpu.memory_space<hbm>>) target_semaphore(%arg13 : memref<!tpu.dma_semaphore, #tpu.memory_space<semaphore_mem>>)
      %mul3A_745 = arith.constant 4 : i32
      %mul3A_746 = arith.muli %mul3A_745, %add3A : i32
      %dma_start3A_747 = arith.constant 4 : i32
      %dma_start3A_748 = arith.constant 4 : i32
      %dma_start3A_749 = arith.constant 0 : i32
      %dma_start3A_750 = arith.constant 0 : i32
      %dma_start3A_751 = arith.constant 0 : i32
      %dma_start3A_752 = tpu.memref_slice %arg10[%dma_start3A_749, %dma_start3A_747, %dma_start3A_750, %dma_start3A_751] : memref<4x8x8x129xf32, #tpu.memory_space<vmem>> -> memref<4x1x8x128xf32, #tpu.memory_space<vmem>>
      %dma_start3A_753 = tpu.memref_squeeze %dma_start3A_752 : memref<4x1x8x128xf32, #tpu.memory_space<vmem>> -> memref<4x8x128xf32, #tpu.memory_space<vmem>>
      %dma_start3A_754 = arith.constant 0 : i32
      %dma_start3A_755 = arith.constant 0 : i32
      %dma_start3A_756 = tpu.memref_slice %arg4[%add3A_638, %dma_start3A_748, %mul3A_746, %dma_start3A_754, %dma_start3A_755] : memref<50x8x128x8x128xf32, #tpu.memory_space<hbm>> -> memref<1x1x4x8x128xf32, #tpu.memory_space<hbm>>
      %dma_start3A_757 = tpu.memref_squeeze %dma_start3A_756 : memref<1x1x4x8x128xf32, #tpu.memory_space<hbm>> -> memref<4x8x128xf32, #tpu.memory_space<hbm>>
      %dma_start3A_758 = arith.constant 0 : i32
      %dma_start3A_759 = arith.constant 0 : i32
      %dma_start3A_760 = tpu.memref_slice %arg4[%add3A_638, %dma_start3A_748, %mul3A_746, %dma_start3A_758, %dma_start3A_759] : memref<50x8x128x8x128xf32, #tpu.memory_space<hbm>> -> memref<1x1x4x8x128xf32, #tpu.memory_space<hbm>>
      %dma_start3A_761 = tpu.memref_squeeze %dma_start3A_760 : memref<1x1x4x8x128xf32, #tpu.memory_space<hbm>> -> memref<4x8x128xf32, #tpu.memory_space<hbm>>
      %dma_start3A_762 = arith.constant 0 : i32
      %dma_start3A_763 = arith.constant 0 : i32
      %dma_start3A_764 = arith.constant 0 : i32
      %dma_start3A_765 = tpu.memref_slice %arg10[%dma_start3A_762, %dma_start3A_747, %dma_start3A_763, %dma_start3A_764] : memref<4x8x8x129xf32, #tpu.memory_space<vmem>> -> memref<4x1x8x128xf32, #tpu.memory_space<vmem>>
      %dma_start3A_766 = tpu.memref_squeeze %dma_start3A_765 : memref<4x1x8x128xf32, #tpu.memory_space<vmem>> -> memref<4x8x128xf32, #tpu.memory_space<vmem>>
      tpu.enqueue_dma source(%dma_start3A_766 : memref<4x8x128xf32, #tpu.memory_space<vmem>>) target(%dma_start3A_761 : memref<4x8x128xf32, #tpu.memory_space<hbm>>) target_semaphore(%arg13 : memref<!tpu.dma_semaphore, #tpu.memory_space<semaphore_mem>>)
      %mul3A_767 = arith.constant 4 : i32
      %mul3A_768 = arith.muli %mul3A_767, %add3A : i32
      %dma_start3A_769 = arith.constant 5 : i32
      %dma_start3A_770 = arith.constant 5 : i32
      %dma_start3A_771 = arith.constant 0 : i32
      %dma_start3A_772 = arith.constant 0 : i32
      %dma_start3A_773 = arith.constant 0 : i32
      %dma_start3A_774 = tpu.memref_slice %arg10[%dma_start3A_771, %dma_start3A_769, %dma_start3A_772, %dma_start3A_773] : memref<4x8x8x129xf32, #tpu.memory_space<vmem>> -> memref<4x1x8x128xf32, #tpu.memory_space<vmem>>
      %dma_start3A_775 = tpu.memref_squeeze %dma_start3A_774 : memref<4x1x8x128xf32, #tpu.memory_space<vmem>> -> memref<4x8x128xf32, #tpu.memory_space<vmem>>
      %dma_start3A_776 = arith.constant 0 : i32
      %dma_start3A_777 = arith.constant 0 : i32
      %dma_start3A_778 = tpu.memref_slice %arg4[%add3A_638, %dma_start3A_770, %mul3A_768, %dma_start3A_776, %dma_start3A_777] : memref<50x8x128x8x128xf32, #tpu.memory_space<hbm>> -> memref<1x1x4x8x128xf32, #tpu.memory_space<hbm>>
      %dma_start3A_779 = tpu.memref_squeeze %dma_start3A_778 : memref<1x1x4x8x128xf32, #tpu.memory_space<hbm>> -> memref<4x8x128xf32, #tpu.memory_space<hbm>>
      %dma_start3A_780 = arith.constant 0 : i32
      %dma_start3A_781 = arith.constant 0 : i32
      %dma_start3A_782 = tpu.memref_slice %arg4[%add3A_638, %dma_start3A_770, %mul3A_768, %dma_start3A_780, %dma_start3A_781] : memref<50x8x128x8x128xf32, #tpu.memory_space<hbm>> -> memref<1x1x4x8x128xf32, #tpu.memory_space<hbm>>
      %dma_start3A_783 = tpu.memref_squeeze %dma_start3A_782 : memref<1x1x4x8x128xf32, #tpu.memory_space<hbm>> -> memref<4x8x128xf32, #tpu.memory_space<hbm>>
      %dma_start3A_784 = arith.constant 0 : i32
      %dma_start3A_785 = arith.constant 0 : i32
      %dma_start3A_786 = arith.constant 0 : i32
      %dma_start3A_787 = tpu.memref_slice %arg10[%dma_start3A_784, %dma_start3A_769, %dma_start3A_785, %dma_start3A_786] : memref<4x8x8x129xf32, #tpu.memory_space<vmem>> -> memref<4x1x8x128xf32, #tpu.memory_space<vmem>>
      %dma_start3A_788 = tpu.memref_squeeze %dma_start3A_787 : memref<4x1x8x128xf32, #tpu.memory_space<vmem>> -> memref<4x8x128xf32, #tpu.memory_space<vmem>>
      tpu.enqueue_dma source(%dma_start3A_788 : memref<4x8x128xf32, #tpu.memory_space<vmem>>) target(%dma_start3A_783 : memref<4x8x128xf32, #tpu.memory_space<hbm>>) target_semaphore(%arg13 : memref<!tpu.dma_semaphore, #tpu.memory_space<semaphore_mem>>)
      %mul3A_789 = arith.constant 4 : i32
      %mul3A_790 = arith.muli %mul3A_789, %add3A : i32
      %dma_start3A_791 = arith.constant 6 : i32
      %dma_start3A_792 = arith.constant 6 : i32
      %dma_start3A_793 = arith.constant 0 : i32
      %dma_start3A_794 = arith.constant 0 : i32
      %dma_start3A_795 = arith.constant 0 : i32
      %dma_start3A_796 = tpu.memref_slice %arg10[%dma_start3A_793, %dma_start3A_791, %dma_start3A_794, %dma_start3A_795] : memref<4x8x8x129xf32, #tpu.memory_space<vmem>> -> memref<4x1x8x128xf32, #tpu.memory_space<vmem>>
      %dma_start3A_797 = tpu.memref_squeeze %dma_start3A_796 : memref<4x1x8x128xf32, #tpu.memory_space<vmem>> -> memref<4x8x128xf32, #tpu.memory_space<vmem>>
      %dma_start3A_798 = arith.constant 0 : i32
      %dma_start3A_799 = arith.constant 0 : i32
      %dma_start3A_800 = tpu.memref_slice %arg4[%add3A_638, %dma_start3A_792, %mul3A_790, %dma_start3A_798, %dma_start3A_799] : memref<50x8x128x8x128xf32, #tpu.memory_space<hbm>> -> memref<1x1x4x8x128xf32, #tpu.memory_space<hbm>>
      %dma_start3A_801 = tpu.memref_squeeze %dma_start3A_800 : memref<1x1x4x8x128xf32, #tpu.memory_space<hbm>> -> memref<4x8x128xf32, #tpu.memory_space<hbm>>
      %dma_start3A_802 = arith.constant 0 : i32
      %dma_start3A_803 = arith.constant 0 : i32
      %dma_start3A_804 = tpu.memref_slice %arg4[%add3A_638, %dma_start3A_792, %mul3A_790, %dma_start3A_802, %dma_start3A_803] : memref<50x8x128x8x128xf32, #tpu.memory_space<hbm>> -> memref<1x1x4x8x128xf32, #tpu.memory_space<hbm>>
      %dma_start3A_805 = tpu.memref_squeeze %dma_start3A_804 : memref<1x1x4x8x128xf32, #tpu.memory_space<hbm>> -> memref<4x8x128xf32, #tpu.memory_space<hbm>>
      %dma_start3A_806 = arith.constant 0 : i32
      %dma_start3A_807 = arith.constant 0 : i32
      %dma_start3A_808 = arith.constant 0 : i32
      %dma_start3A_809 = tpu.memref_slice %arg10[%dma_start3A_806, %dma_start3A_791, %dma_start3A_807, %dma_start3A_808] : memref<4x8x8x129xf32, #tpu.memory_space<vmem>> -> memref<4x1x8x128xf32, #tpu.memory_space<vmem>>
      %dma_start3A_810 = tpu.memref_squeeze %dma_start3A_809 : memref<4x1x8x128xf32, #tpu.memory_space<vmem>> -> memref<4x8x128xf32, #tpu.memory_space<vmem>>
      tpu.enqueue_dma source(%dma_start3A_810 : memref<4x8x128xf32, #tpu.memory_space<vmem>>) target(%dma_start3A_805 : memref<4x8x128xf32, #tpu.memory_space<hbm>>) target_semaphore(%arg13 : memref<!tpu.dma_semaphore, #tpu.memory_space<semaphore_mem>>)
      %mul3A_811 = arith.constant 4 : i32
      %mul3A_812 = arith.muli %mul3A_811, %add3A : i32
      %dma_start3A_813 = arith.constant 7 : i32
      %dma_start3A_814 = arith.constant 7 : i32
      %dma_start3A_815 = arith.constant 0 : i32
      %dma_start3A_816 = arith.constant 0 : i32
      %dma_start3A_817 = arith.constant 0 : i32
      %dma_start3A_818 = tpu.memref_slice %arg10[%dma_start3A_815, %dma_start3A_813, %dma_start3A_816, %dma_start3A_817] : memref<4x8x8x129xf32, #tpu.memory_space<vmem>> -> memref<4x1x8x128xf32, #tpu.memory_space<vmem>>
      %dma_start3A_819 = tpu.memref_squeeze %dma_start3A_818 : memref<4x1x8x128xf32, #tpu.memory_space<vmem>> -> memref<4x8x128xf32, #tpu.memory_space<vmem>>
      %dma_start3A_820 = arith.constant 0 : i32
      %dma_start3A_821 = arith.constant 0 : i32
      %dma_start3A_822 = tpu.memref_slice %arg4[%add3A_638, %dma_start3A_814, %mul3A_812, %dma_start3A_820, %dma_start3A_821] : memref<50x8x128x8x128xf32, #tpu.memory_space<hbm>> -> memref<1x1x4x8x128xf32, #tpu.memory_space<hbm>>
      %dma_start3A_823 = tpu.memref_squeeze %dma_start3A_822 : memref<1x1x4x8x128xf32, #tpu.memory_space<hbm>> -> memref<4x8x128xf32, #tpu.memory_space<hbm>>
      %dma_start3A_824 = arith.constant 0 : i32
      %dma_start3A_825 = arith.constant 0 : i32
      %dma_start3A_826 = tpu.memref_slice %arg4[%add3A_638, %dma_start3A_814, %mul3A_812, %dma_start3A_824, %dma_start3A_825] : memref<50x8x128x8x128xf32, #tpu.memory_space<hbm>> -> memref<1x1x4x8x128xf32, #tpu.memory_space<hbm>>
      %dma_start3A_827 = tpu.memref_squeeze %dma_start3A_826 : memref<1x1x4x8x128xf32, #tpu.memory_space<hbm>> -> memref<4x8x128xf32, #tpu.memory_space<hbm>>
      %dma_start3A_828 = arith.constant 0 : i32
      %dma_start3A_829 = arith.constant 0 : i32
      %dma_start3A_830 = arith.constant 0 : i32
      %dma_start3A_831 = tpu.memref_slice %arg10[%dma_start3A_828, %dma_start3A_813, %dma_start3A_829, %dma_start3A_830] : memref<4x8x8x129xf32, #tpu.memory_space<vmem>> -> memref<4x1x8x128xf32, #tpu.memory_space<vmem>>
      %dma_start3A_832 = tpu.memref_squeeze %dma_start3A_831 : memref<4x1x8x128xf32, #tpu.memory_space<vmem>> -> memref<4x8x128xf32, #tpu.memory_space<vmem>>
      tpu.enqueue_dma source(%dma_start3A_832 : memref<4x8x128xf32, #tpu.memory_space<vmem>>) target(%dma_start3A_827 : memref<4x8x128xf32, #tpu.memory_space<hbm>>) target_semaphore(%arg13 : memref<!tpu.dma_semaphore, #tpu.memory_space<semaphore_mem>>)
    }
    %scan3A_257 = arith.constant 25 : i32
    %mul3A_258 = arith.constant 4 : i32
    %mul3A_259 = arith.muli %mul3A_258, %add3A : i32
    %dma_wait3A = arith.constant 0 : i32
    %dma_wait3A_260 = arith.constant 49 : i32
    %dma_wait3A_261 = arith.constant 0 : i32
    %dma_wait3A_262 = arith.constant 0 : i32
    %dma_wait3A_263 = arith.constant 0 : i32
    %dma_wait3A_264 = arith.constant 0 : i32
    %dma_wait3A_265 = tpu.memref_slice %arg10[%dma_wait3A_262, %dma_wait3A, %dma_wait3A_263, %dma_wait3A_264] : memref<4x8x8x129xf32, #tpu.memory_space<vmem>> -> memref<4x1x8x128xf32, #tpu.memory_space<vmem>>
    %dma_wait3A_266 = tpu.memref_squeeze %dma_wait3A_265 : memref<4x1x8x128xf32, #tpu.memory_space<vmem>> -> memref<4x8x128xf32, #tpu.memory_space<vmem>>
    %dma_wait3A_267 = arith.constant 0 : i32
    %dma_wait3A_268 = arith.constant 0 : i32
    %dma_wait3A_269 = tpu.memref_slice %arg4[%dma_wait3A_260, %dma_wait3A_261, %mul3A_259, %dma_wait3A_267, %dma_wait3A_268] : memref<50x8x128x8x128xf32, #tpu.memory_space<hbm>> -> memref<1x1x4x8x128xf32, #tpu.memory_space<hbm>>
    %dma_wait3A_270 = tpu.memref_squeeze %dma_wait3A_269 : memref<1x1x4x8x128xf32, #tpu.memory_space<hbm>> -> memref<4x8x128xf32, #tpu.memory_space<hbm>>
    %dma_wait3A_271 = arith.constant 0 : i32
    %dma_wait3A_272 = arith.constant 0 : i32
    %dma_wait3A_273 = tpu.memref_slice %arg4[%dma_wait3A_260, %dma_wait3A_261, %mul3A_259, %dma_wait3A_271, %dma_wait3A_272] : memref<50x8x128x8x128xf32, #tpu.memory_space<hbm>> -> memref<1x1x4x8x128xf32, #tpu.memory_space<hbm>>
    %dma_wait3A_274 = tpu.memref_squeeze %dma_wait3A_273 : memref<1x1x4x8x128xf32, #tpu.memory_space<hbm>> -> memref<4x8x128xf32, #tpu.memory_space<hbm>>
    %dma_wait3A_275 = arith.constant 0 : i32
    %dma_wait3A_276 = arith.constant 0 : i32
    %dma_wait3A_277 = arith.constant 0 : i32
    %dma_wait3A_278 = tpu.memref_slice %arg10[%dma_wait3A_275, %dma_wait3A, %dma_wait3A_276, %dma_wait3A_277] : memref<4x8x8x129xf32, #tpu.memory_space<vmem>> -> memref<4x1x8x128xf32, #tpu.memory_space<vmem>>
    %dma_wait3A_279 = tpu.memref_squeeze %dma_wait3A_278 : memref<4x1x8x128xf32, #tpu.memory_space<vmem>> -> memref<4x8x128xf32, #tpu.memory_space<vmem>>
    tpu.wait_dma2 semaphore(%arg13 : memref<!tpu.dma_semaphore, #tpu.memory_space<semaphore_mem>>) src(%dma_wait3A_279 : memref<4x8x128xf32, #tpu.memory_space<vmem>>) dst(%dma_wait3A_274 : memref<4x8x128xf32, #tpu.memory_space<hbm>>)
    %mul3A_280 = arith.constant 4 : i32
    %mul3A_281 = arith.muli %mul3A_280, %add3A : i32
    %dma_wait3A_282 = arith.constant 1 : i32
    %dma_wait3A_283 = arith.constant 49 : i32
    %dma_wait3A_284 = arith.constant 1 : i32
    %dma_wait3A_285 = arith.constant 0 : i32
    %dma_wait3A_286 = arith.constant 0 : i32
    %dma_wait3A_287 = arith.constant 0 : i32
    %dma_wait3A_288 = tpu.memref_slice %arg10[%dma_wait3A_285, %dma_wait3A_282, %dma_wait3A_286, %dma_wait3A_287] : memref<4x8x8x129xf32, #tpu.memory_space<vmem>> -> memref<4x1x8x128xf32, #tpu.memory_space<vmem>>
    %dma_wait3A_289 = tpu.memref_squeeze %dma_wait3A_288 : memref<4x1x8x128xf32, #tpu.memory_space<vmem>> -> memref<4x8x128xf32, #tpu.memory_space<vmem>>
    %dma_wait3A_290 = arith.constant 0 : i32
    %dma_wait3A_291 = arith.constant 0 : i32
    %dma_wait3A_292 = tpu.memref_slice %arg4[%dma_wait3A_283, %dma_wait3A_284, %mul3A_281, %dma_wait3A_290, %dma_wait3A_291] : memref<50x8x128x8x128xf32, #tpu.memory_space<hbm>> -> memref<1x1x4x8x128xf32, #tpu.memory_space<hbm>>
    %dma_wait3A_293 = tpu.memref_squeeze %dma_wait3A_292 : memref<1x1x4x8x128xf32, #tpu.memory_space<hbm>> -> memref<4x8x128xf32, #tpu.memory_space<hbm>>
    %dma_wait3A_294 = arith.constant 0 : i32
    %dma_wait3A_295 = arith.constant 0 : i32
    %dma_wait3A_296 = tpu.memref_slice %arg4[%dma_wait3A_283, %dma_wait3A_284, %mul3A_281, %dma_wait3A_294, %dma_wait3A_295] : memref<50x8x128x8x128xf32, #tpu.memory_space<hbm>> -> memref<1x1x4x8x128xf32, #tpu.memory_space<hbm>>
    %dma_wait3A_297 = tpu.memref_squeeze %dma_wait3A_296 : memref<1x1x4x8x128xf32, #tpu.memory_space<hbm>> -> memref<4x8x128xf32, #tpu.memory_space<hbm>>
    %dma_wait3A_298 = arith.constant 0 : i32
    %dma_wait3A_299 = arith.constant 0 : i32
    %dma_wait3A_300 = arith.constant 0 : i32
    %dma_wait3A_301 = tpu.memref_slice %arg10[%dma_wait3A_298, %dma_wait3A_282, %dma_wait3A_299, %dma_wait3A_300] : memref<4x8x8x129xf32, #tpu.memory_space<vmem>> -> memref<4x1x8x128xf32, #tpu.memory_space<vmem>>
    %dma_wait3A_302 = tpu.memref_squeeze %dma_wait3A_301 : memref<4x1x8x128xf32, #tpu.memory_space<vmem>> -> memref<4x8x128xf32, #tpu.memory_space<vmem>>
    tpu.wait_dma2 semaphore(%arg13 : memref<!tpu.dma_semaphore, #tpu.memory_space<semaphore_mem>>) src(%dma_wait3A_302 : memref<4x8x128xf32, #tpu.memory_space<vmem>>) dst(%dma_wait3A_297 : memref<4x8x128xf32, #tpu.memory_space<hbm>>)
    %mul3A_303 = arith.constant 4 : i32
    %mul3A_304 = arith.muli %mul3A_303, %add3A : i32
    %dma_wait3A_305 = arith.constant 2 : i32
    %dma_wait3A_306 = arith.constant 49 : i32
    %dma_wait3A_307 = arith.constant 2 : i32
    %dma_wait3A_308 = arith.constant 0 : i32
    %dma_wait3A_309 = arith.constant 0 : i32
    %dma_wait3A_310 = arith.constant 0 : i32
    %dma_wait3A_311 = tpu.memref_slice %arg10[%dma_wait3A_308, %dma_wait3A_305, %dma_wait3A_309, %dma_wait3A_310] : memref<4x8x8x129xf32, #tpu.memory_space<vmem>> -> memref<4x1x8x128xf32, #tpu.memory_space<vmem>>
    %dma_wait3A_312 = tpu.memref_squeeze %dma_wait3A_311 : memref<4x1x8x128xf32, #tpu.memory_space<vmem>> -> memref<4x8x128xf32, #tpu.memory_space<vmem>>
    %dma_wait3A_313 = arith.constant 0 : i32
    %dma_wait3A_314 = arith.constant 0 : i32
    %dma_wait3A_315 = tpu.memref_slice %arg4[%dma_wait3A_306, %dma_wait3A_307, %mul3A_304, %dma_wait3A_313, %dma_wait3A_314] : memref<50x8x128x8x128xf32, #tpu.memory_space<hbm>> -> memref<1x1x4x8x128xf32, #tpu.memory_space<hbm>>
    %dma_wait3A_316 = tpu.memref_squeeze %dma_wait3A_315 : memref<1x1x4x8x128xf32, #tpu.memory_space<hbm>> -> memref<4x8x128xf32, #tpu.memory_space<hbm>>
    %dma_wait3A_317 = arith.constant 0 : i32
    %dma_wait3A_318 = arith.constant 0 : i32
    %dma_wait3A_319 = tpu.memref_slice %arg4[%dma_wait3A_306, %dma_wait3A_307, %mul3A_304, %dma_wait3A_317, %dma_wait3A_318] : memref<50x8x128x8x128xf32, #tpu.memory_space<hbm>> -> memref<1x1x4x8x128xf32, #tpu.memory_space<hbm>>
    %dma_wait3A_320 = tpu.memref_squeeze %dma_wait3A_319 : memref<1x1x4x8x128xf32, #tpu.memory_space<hbm>> -> memref<4x8x128xf32, #tpu.memory_space<hbm>>
    %dma_wait3A_321 = arith.constant 0 : i32
    %dma_wait3A_322 = arith.constant 0 : i32
    %dma_wait3A_323 = arith.constant 0 : i32
    %dma_wait3A_324 = tpu.memref_slice %arg10[%dma_wait3A_321, %dma_wait3A_305, %dma_wait3A_322, %dma_wait3A_323] : memref<4x8x8x129xf32, #tpu.memory_space<vmem>> -> memref<4x1x8x128xf32, #tpu.memory_space<vmem>>
    %dma_wait3A_325 = tpu.memref_squeeze %dma_wait3A_324 : memref<4x1x8x128xf32, #tpu.memory_space<vmem>> -> memref<4x8x128xf32, #tpu.memory_space<vmem>>
    tpu.wait_dma2 semaphore(%arg13 : memref<!tpu.dma_semaphore, #tpu.memory_space<semaphore_mem>>) src(%dma_wait3A_325 : memref<4x8x128xf32, #tpu.memory_space<vmem>>) dst(%dma_wait3A_320 : memref<4x8x128xf32, #tpu.memory_space<hbm>>)
    %mul3A_326 = arith.constant 4 : i32
    %mul3A_327 = arith.muli %mul3A_326, %add3A : i32
    %dma_wait3A_328 = arith.constant 3 : i32
    %dma_wait3A_329 = arith.constant 49 : i32
    %dma_wait3A_330 = arith.constant 3 : i32
    %dma_wait3A_331 = arith.constant 0 : i32
    %dma_wait3A_332 = arith.constant 0 : i32
    %dma_wait3A_333 = arith.constant 0 : i32
    %dma_wait3A_334 = tpu.memref_slice %arg10[%dma_wait3A_331, %dma_wait3A_328, %dma_wait3A_332, %dma_wait3A_333] : memref<4x8x8x129xf32, #tpu.memory_space<vmem>> -> memref<4x1x8x128xf32, #tpu.memory_space<vmem>>
    %dma_wait3A_335 = tpu.memref_squeeze %dma_wait3A_334 : memref<4x1x8x128xf32, #tpu.memory_space<vmem>> -> memref<4x8x128xf32, #tpu.memory_space<vmem>>
    %dma_wait3A_336 = arith.constant 0 : i32
    %dma_wait3A_337 = arith.constant 0 : i32
    %dma_wait3A_338 = tpu.memref_slice %arg4[%dma_wait3A_329, %dma_wait3A_330, %mul3A_327, %dma_wait3A_336, %dma_wait3A_337] : memref<50x8x128x8x128xf32, #tpu.memory_space<hbm>> -> memref<1x1x4x8x128xf32, #tpu.memory_space<hbm>>
    %dma_wait3A_339 = tpu.memref_squeeze %dma_wait3A_338 : memref<1x1x4x8x128xf32, #tpu.memory_space<hbm>> -> memref<4x8x128xf32, #tpu.memory_space<hbm>>
    %dma_wait3A_340 = arith.constant 0 : i32
    %dma_wait3A_341 = arith.constant 0 : i32
    %dma_wait3A_342 = tpu.memref_slice %arg4[%dma_wait3A_329, %dma_wait3A_330, %mul3A_327, %dma_wait3A_340, %dma_wait3A_341] : memref<50x8x128x8x128xf32, #tpu.memory_space<hbm>> -> memref<1x1x4x8x128xf32, #tpu.memory_space<hbm>>
    %dma_wait3A_343 = tpu.memref_squeeze %dma_wait3A_342 : memref<1x1x4x8x128xf32, #tpu.memory_space<hbm>> -> memref<4x8x128xf32, #tpu.memory_space<hbm>>
    %dma_wait3A_344 = arith.constant 0 : i32
    %dma_wait3A_345 = arith.constant 0 : i32
    %dma_wait3A_346 = arith.constant 0 : i32
    %dma_wait3A_347 = tpu.memref_slice %arg10[%dma_wait3A_344, %dma_wait3A_328, %dma_wait3A_345, %dma_wait3A_346] : memref<4x8x8x129xf32, #tpu.memory_space<vmem>> -> memref<4x1x8x128xf32, #tpu.memory_space<vmem>>
    %dma_wait3A_348 = tpu.memref_squeeze %dma_wait3A_347 : memref<4x1x8x128xf32, #tpu.memory_space<vmem>> -> memref<4x8x128xf32, #tpu.memory_space<vmem>>
    tpu.wait_dma2 semaphore(%arg13 : memref<!tpu.dma_semaphore, #tpu.memory_space<semaphore_mem>>) src(%dma_wait3A_348 : memref<4x8x128xf32, #tpu.memory_space<vmem>>) dst(%dma_wait3A_343 : memref<4x8x128xf32, #tpu.memory_space<hbm>>)
    %mul3A_349 = arith.constant 4 : i32
    %mul3A_350 = arith.muli %mul3A_349, %add3A : i32
    %dma_wait3A_351 = arith.constant 4 : i32
    %dma_wait3A_352 = arith.constant 49 : i32
    %dma_wait3A_353 = arith.constant 4 : i32
    %dma_wait3A_354 = arith.constant 0 : i32
    %dma_wait3A_355 = arith.constant 0 : i32
    %dma_wait3A_356 = arith.constant 0 : i32
    %dma_wait3A_357 = tpu.memref_slice %arg10[%dma_wait3A_354, %dma_wait3A_351, %dma_wait3A_355, %dma_wait3A_356] : memref<4x8x8x129xf32, #tpu.memory_space<vmem>> -> memref<4x1x8x128xf32, #tpu.memory_space<vmem>>
    %dma_wait3A_358 = tpu.memref_squeeze %dma_wait3A_357 : memref<4x1x8x128xf32, #tpu.memory_space<vmem>> -> memref<4x8x128xf32, #tpu.memory_space<vmem>>
    %dma_wait3A_359 = arith.constant 0 : i32
    %dma_wait3A_360 = arith.constant 0 : i32
    %dma_wait3A_361 = tpu.memref_slice %arg4[%dma_wait3A_352, %dma_wait3A_353, %mul3A_350, %dma_wait3A_359, %dma_wait3A_360] : memref<50x8x128x8x128xf32, #tpu.memory_space<hbm>> -> memref<1x1x4x8x128xf32, #tpu.memory_space<hbm>>
    %dma_wait3A_362 = tpu.memref_squeeze %dma_wait3A_361 : memref<1x1x4x8x128xf32, #tpu.memory_space<hbm>> -> memref<4x8x128xf32, #tpu.memory_space<hbm>>
    %dma_wait3A_363 = arith.constant 0 : i32
    %dma_wait3A_364 = arith.constant 0 : i32
    %dma_wait3A_365 = tpu.memref_slice %arg4[%dma_wait3A_352, %dma_wait3A_353, %mul3A_350, %dma_wait3A_363, %dma_wait3A_364] : memref<50x8x128x8x128xf32, #tpu.memory_space<hbm>> -> memref<1x1x4x8x128xf32, #tpu.memory_space<hbm>>
    %dma_wait3A_366 = tpu.memref_squeeze %dma_wait3A_365 : memref<1x1x4x8x128xf32, #tpu.memory_space<hbm>> -> memref<4x8x128xf32, #tpu.memory_space<hbm>>
    %dma_wait3A_367 = arith.constant 0 : i32
    %dma_wait3A_368 = arith.constant 0 : i32
    %dma_wait3A_369 = arith.constant 0 : i32
    %dma_wait3A_370 = tpu.memref_slice %arg10[%dma_wait3A_367, %dma_wait3A_351, %dma_wait3A_368, %dma_wait3A_369] : memref<4x8x8x129xf32, #tpu.memory_space<vmem>> -> memref<4x1x8x128xf32, #tpu.memory_space<vmem>>
    %dma_wait3A_371 = tpu.memref_squeeze %dma_wait3A_370 : memref<4x1x8x128xf32, #tpu.memory_space<vmem>> -> memref<4x8x128xf32, #tpu.memory_space<vmem>>
    tpu.wait_dma2 semaphore(%arg13 : memref<!tpu.dma_semaphore, #tpu.memory_space<semaphore_mem>>) src(%dma_wait3A_371 : memref<4x8x128xf32, #tpu.memory_space<vmem>>) dst(%dma_wait3A_366 : memref<4x8x128xf32, #tpu.memory_space<hbm>>)
    %mul3A_372 = arith.constant 4 : i32
    %mul3A_373 = arith.muli %mul3A_372, %add3A : i32
    %dma_wait3A_374 = arith.constant 5 : i32
    %dma_wait3A_375 = arith.constant 49 : i32
    %dma_wait3A_376 = arith.constant 5 : i32
    %dma_wait3A_377 = arith.constant 0 : i32
    %dma_wait3A_378 = arith.constant 0 : i32
    %dma_wait3A_379 = arith.constant 0 : i32
    %dma_wait3A_380 = tpu.memref_slice %arg10[%dma_wait3A_377, %dma_wait3A_374, %dma_wait3A_378, %dma_wait3A_379] : memref<4x8x8x129xf32, #tpu.memory_space<vmem>> -> memref<4x1x8x128xf32, #tpu.memory_space<vmem>>
    %dma_wait3A_381 = tpu.memref_squeeze %dma_wait3A_380 : memref<4x1x8x128xf32, #tpu.memory_space<vmem>> -> memref<4x8x128xf32, #tpu.memory_space<vmem>>
    %dma_wait3A_382 = arith.constant 0 : i32
    %dma_wait3A_383 = arith.constant 0 : i32
    %dma_wait3A_384 = tpu.memref_slice %arg4[%dma_wait3A_375, %dma_wait3A_376, %mul3A_373, %dma_wait3A_382, %dma_wait3A_383] : memref<50x8x128x8x128xf32, #tpu.memory_space<hbm>> -> memref<1x1x4x8x128xf32, #tpu.memory_space<hbm>>
    %dma_wait3A_385 = tpu.memref_squeeze %dma_wait3A_384 : memref<1x1x4x8x128xf32, #tpu.memory_space<hbm>> -> memref<4x8x128xf32, #tpu.memory_space<hbm>>
    %dma_wait3A_386 = arith.constant 0 : i32
    %dma_wait3A_387 = arith.constant 0 : i32
    %dma_wait3A_388 = tpu.memref_slice %arg4[%dma_wait3A_375, %dma_wait3A_376, %mul3A_373, %dma_wait3A_386, %dma_wait3A_387] : memref<50x8x128x8x128xf32, #tpu.memory_space<hbm>> -> memref<1x1x4x8x128xf32, #tpu.memory_space<hbm>>
    %dma_wait3A_389 = tpu.memref_squeeze %dma_wait3A_388 : memref<1x1x4x8x128xf32, #tpu.memory_space<hbm>> -> memref<4x8x128xf32, #tpu.memory_space<hbm>>
    %dma_wait3A_390 = arith.constant 0 : i32
    %dma_wait3A_391 = arith.constant 0 : i32
    %dma_wait3A_392 = arith.constant 0 : i32
    %dma_wait3A_393 = tpu.memref_slice %arg10[%dma_wait3A_390, %dma_wait3A_374, %dma_wait3A_391, %dma_wait3A_392] : memref<4x8x8x129xf32, #tpu.memory_space<vmem>> -> memref<4x1x8x128xf32, #tpu.memory_space<vmem>>
    %dma_wait3A_394 = tpu.memref_squeeze %dma_wait3A_393 : memref<4x1x8x128xf32, #tpu.memory_space<vmem>> -> memref<4x8x128xf32, #tpu.memory_space<vmem>>
    tpu.wait_dma2 semaphore(%arg13 : memref<!tpu.dma_semaphore, #tpu.memory_space<semaphore_mem>>) src(%dma_wait3A_394 : memref<4x8x128xf32, #tpu.memory_space<vmem>>) dst(%dma_wait3A_389 : memref<4x8x128xf32, #tpu.memory_space<hbm>>)
    %mul3A_395 = arith.constant 4 : i32
    %mul3A_396 = arith.muli %mul3A_395, %add3A : i32
    %dma_wait3A_397 = arith.constant 6 : i32
    %dma_wait3A_398 = arith.constant 49 : i32
    %dma_wait3A_399 = arith.constant 6 : i32
    %dma_wait3A_400 = arith.constant 0 : i32
    %dma_wait3A_401 = arith.constant 0 : i32
    %dma_wait3A_402 = arith.constant 0 : i32
    %dma_wait3A_403 = tpu.memref_slice %arg10[%dma_wait3A_400, %dma_wait3A_397, %dma_wait3A_401, %dma_wait3A_402] : memref<4x8x8x129xf32, #tpu.memory_space<vmem>> -> memref<4x1x8x128xf32, #tpu.memory_space<vmem>>
    %dma_wait3A_404 = tpu.memref_squeeze %dma_wait3A_403 : memref<4x1x8x128xf32, #tpu.memory_space<vmem>> -> memref<4x8x128xf32, #tpu.memory_space<vmem>>
    %dma_wait3A_405 = arith.constant 0 : i32
    %dma_wait3A_406 = arith.constant 0 : i32
    %dma_wait3A_407 = tpu.memref_slice %arg4[%dma_wait3A_398, %dma_wait3A_399, %mul3A_396, %dma_wait3A_405, %dma_wait3A_406] : memref<50x8x128x8x128xf32, #tpu.memory_space<hbm>> -> memref<1x1x4x8x128xf32, #tpu.memory_space<hbm>>
    %dma_wait3A_408 = tpu.memref_squeeze %dma_wait3A_407 : memref<1x1x4x8x128xf32, #tpu.memory_space<hbm>> -> memref<4x8x128xf32, #tpu.memory_space<hbm>>
    %dma_wait3A_409 = arith.constant 0 : i32
    %dma_wait3A_410 = arith.constant 0 : i32
    %dma_wait3A_411 = tpu.memref_slice %arg4[%dma_wait3A_398, %dma_wait3A_399, %mul3A_396, %dma_wait3A_409, %dma_wait3A_410] : memref<50x8x128x8x128xf32, #tpu.memory_space<hbm>> -> memref<1x1x4x8x128xf32, #tpu.memory_space<hbm>>
    %dma_wait3A_412 = tpu.memref_squeeze %dma_wait3A_411 : memref<1x1x4x8x128xf32, #tpu.memory_space<hbm>> -> memref<4x8x128xf32, #tpu.memory_space<hbm>>
    %dma_wait3A_413 = arith.constant 0 : i32
    %dma_wait3A_414 = arith.constant 0 : i32
    %dma_wait3A_415 = arith.constant 0 : i32
    %dma_wait3A_416 = tpu.memref_slice %arg10[%dma_wait3A_413, %dma_wait3A_397, %dma_wait3A_414, %dma_wait3A_415] : memref<4x8x8x129xf32, #tpu.memory_space<vmem>> -> memref<4x1x8x128xf32, #tpu.memory_space<vmem>>
    %dma_wait3A_417 = tpu.memref_squeeze %dma_wait3A_416 : memref<4x1x8x128xf32, #tpu.memory_space<vmem>> -> memref<4x8x128xf32, #tpu.memory_space<vmem>>
    tpu.wait_dma2 semaphore(%arg13 : memref<!tpu.dma_semaphore, #tpu.memory_space<semaphore_mem>>) src(%dma_wait3A_417 : memref<4x8x128xf32, #tpu.memory_space<vmem>>) dst(%dma_wait3A_412 : memref<4x8x128xf32, #tpu.memory_space<hbm>>)
    %mul3A_418 = arith.constant 4 : i32
    %mul3A_419 = arith.muli %mul3A_418, %add3A : i32
    %dma_wait3A_420 = arith.constant 7 : i32
    %dma_wait3A_421 = arith.constant 49 : i32
    %dma_wait3A_422 = arith.constant 7 : i32
    %dma_wait3A_423 = arith.constant 0 : i32
    %dma_wait3A_424 = arith.constant 0 : i32
    %dma_wait3A_425 = arith.constant 0 : i32
    %dma_wait3A_426 = tpu.memref_slice %arg10[%dma_wait3A_423, %dma_wait3A_420, %dma_wait3A_424, %dma_wait3A_425] : memref<4x8x8x129xf32, #tpu.memory_space<vmem>> -> memref<4x1x8x128xf32, #tpu.memory_space<vmem>>
    %dma_wait3A_427 = tpu.memref_squeeze %dma_wait3A_426 : memref<4x1x8x128xf32, #tpu.memory_space<vmem>> -> memref<4x8x128xf32, #tpu.memory_space<vmem>>
    %dma_wait3A_428 = arith.constant 0 : i32
    %dma_wait3A_429 = arith.constant 0 : i32
    %dma_wait3A_430 = tpu.memref_slice %arg4[%dma_wait3A_421, %dma_wait3A_422, %mul3A_419, %dma_wait3A_428, %dma_wait3A_429] : memref<50x8x128x8x128xf32, #tpu.memory_space<hbm>> -> memref<1x1x4x8x128xf32, #tpu.memory_space<hbm>>
    %dma_wait3A_431 = tpu.memref_squeeze %dma_wait3A_430 : memref<1x1x4x8x128xf32, #tpu.memory_space<hbm>> -> memref<4x8x128xf32, #tpu.memory_space<hbm>>
    %dma_wait3A_432 = arith.constant 0 : i32
    %dma_wait3A_433 = arith.constant 0 : i32
    %dma_wait3A_434 = tpu.memref_slice %arg4[%dma_wait3A_421, %dma_wait3A_422, %mul3A_419, %dma_wait3A_432, %dma_wait3A_433] : memref<50x8x128x8x128xf32, #tpu.memory_space<hbm>> -> memref<1x1x4x8x128xf32, #tpu.memory_space<hbm>>
    %dma_wait3A_435 = tpu.memref_squeeze %dma_wait3A_434 : memref<1x1x4x8x128xf32, #tpu.memory_space<hbm>> -> memref<4x8x128xf32, #tpu.memory_space<hbm>>
    %dma_wait3A_436 = arith.constant 0 : i32
    %dma_wait3A_437 = arith.constant 0 : i32
    %dma_wait3A_438 = arith.constant 0 : i32
    %dma_wait3A_439 = tpu.memref_slice %arg10[%dma_wait3A_436, %dma_wait3A_420, %dma_wait3A_437, %dma_wait3A_438] : memref<4x8x8x129xf32, #tpu.memory_space<vmem>> -> memref<4x1x8x128xf32, #tpu.memory_space<vmem>>
    %dma_wait3A_440 = tpu.memref_squeeze %dma_wait3A_439 : memref<4x1x8x128xf32, #tpu.memory_space<vmem>> -> memref<4x8x128xf32, #tpu.memory_space<vmem>>
    tpu.wait_dma2 semaphore(%arg13 : memref<!tpu.dma_semaphore, #tpu.memory_space<semaphore_mem>>) src(%dma_wait3A_440 : memref<4x8x128xf32, #tpu.memory_space<vmem>>) dst(%dma_wait3A_435 : memref<4x8x128xf32, #tpu.memory_space<hbm>>)
    return
  }
}

</mosaic_0001>

<sc_bundles>
// kernel: _sc_gather.3.cloned.1.call-start
scs
__scs_entry_jumppad:
0x0: {  	(pc) =	sbr.rel $0x88, $3  }
0x1: {  	(tag) =	ssettag $0x0;
	lr =	simm.s32 $0x1  }
0x2: {  	[smem:$0x3F9F] =	sst lr;
	_ =	strace $0xD0000000  }
0x3: {  	_ = 	snop  }
0x4: {  	_ = 	snop  }
0x5: {  	_ = 	snop  }
0x6: {  	_ = 	snop  }
0x7: {  	_ = 	snop  }
__scs_overlays_trampoline_lowered:
0x8: {  	[smem:$0x3FAE] =	sst s0  }
0x9: {  	[smem:$0x3FAF] =	sst s1  }
0xa: {  	[smem:$0x3FB0] =	sst s2  }
0xb: {  	[smem:$0x3FB1] =	sst s3  }
0xc: {  	[smem:$0x3FB2] =	sst s4  }
0xd: {  	[smem:$0x3FB3] =	sst s5  }
0xe: {  	[smem:$0x3FB4] =	sst s6  }
0xf: {  	[smem:$0x3FB5] =	sst s7  }
0x10: {  	[smem:$0x3FB6] =	sst s8  }
0x11: {  	[smem:$0x3FB7] =	sst s9;
	s0 =	simm.s32 @!p0 $0x0  }
0x12: {  	s1 =	sld [smem:$0x3F9D];
	s0 =	simm.s32 @p0 $0x1  }
0x13: {  	[smem:$0x3FB8] =	sst s0;
	s0 =	simm.s32 @!p1 $0x0  }
0x14: {  	s2 =	sld [smem:$0x3F9C];
	s0 =	simm.s32 @p1 $0x1  }
0x15: {  	[smem:$0x3FB9] =	sst s0;
	s0 =	simm.s32 @!p2 $0x0  }
0x16: {  	s3 =	sld [smem:$0x3FDB];
	s0 =	simm.s32 @p2 $0x1  }
0x17: {  	s4 =	simm.s32 $0x1BF5;
	[smem:$0x3FBB] =	sst s0  }
0x18: {  	s0 =	sld [smem:$0x3F9E];
	_ =	swait.ge [sflag:s4], $0x0  }
0x19: {  	s7 =	sld [smem:$0x3F9F]  }
0x1a: {  	s8 =	sadd.s32 $0xFFFFE003, lr  }
0x1b: {  	s9 =	sadd.s32 $0xFFFFFEF7, lr;
	s5 =	simm.s32 $0xFFFFFFFF;
	p2 =	slt.u32 s8, $0xFFFFF086  }
0x1c: {  	p1 =	slt.u32 s9, $0xF7A;
	s5 =	simm.s32 @!p2 $0x0  }
0x1d: {  	s5 =	simm.s32 @p1 $0x1;
	p0 =	seq.s32 s7, s2  }
0x1e: {  	s7 =	smul.u32 @!p0 $0xF7A, s2;
	p2 =	seq.s32 @!p0 s5, $0x0  }
0x1f: {  	s9 =	smul.u32 $0xF7A, s1;
	s8 =	simm.s32 @!p0 $0x1BF5;
	p2 =	por !p2, p0  }
0x20: {  	[sflag:s8] =	ssyncset.s32 @!p0 $0xFFFFF086;
	s6 =	sadd.s32 @!p0 s3, s7;
	s7 =	simm.s32 @!p0 $0x108  }
0x21: {  	s3 =	sadd.s32 s3, s9;
	s6 =	sadd.s32 @!p0 $0x88, s6;
	s7 =	simm.s32 @p2 $0x1082  }
0x22: {  	[simem:s7], [sflag:s8] =	dma.local @!p0 [hbm:s6], $0xF7A  }
0x23: {  	s9 =	sor.u32 $0xD0000000, s2;
	s6 =	simm.s32 $0x108;
	_ =	swait.ge @!p0 [sflag:s8], $0x0  }
0x24: {  	s3 =	sadd.s32 $0x88, s3;
	s6 =	simm.s32 @!p1 $0x1082;
	[sflag:s4] =	ssyncset.s32 $0xFFFFF086  }
0x25: {  	[simem:s6], [sflag:s4] =	dma.local [hbm:s3], $0xF7A  }
0x26: {  	[smem:$0x3F9F] =	sst s1;
	(tag) =	ssettag s2;
	_ =	strace s9  }
0x27: {  	s1 =	sld [smem:$0x3FAF]  }
0x28: {  	s2 =	sld [smem:$0x3FB0]  }
0x29: {  	s4 =	sld [smem:$0x3FB2]  }
0x2a: {  	p0 =	seq.s32 s5, $0x0;
	s5 =	sld [smem:$0x3FB3]  }
0x2b: {  	s6 =	sld [smem:$0x3FB4]  }
0x2c: {  	s7 =	sld [smem:$0x3FB5]  }
0x2d: {  	s3 =	simm.s32 $0x108;
	s8 =	sld [smem:$0x3FB6]  }
0x2e: {  	s3 =	simm.s32 @!p0 $0x1082;
	s9 =	sld [smem:$0x3FB7]  }
0x2f: {  	lr =	sadd.s32 s0, s3;
	s0 =	sld [smem:$0x3FAE]  }
0x30: {  	s3 =	sld [smem:$0x3FB1]  }
0x31: {  	[smem:$0x3FBA] =	sst s10  }
0x32: {  	s10 =	sld [smem:$0x3FB8];
	_ =	sdelay $0x3  }
0x33: {  	p0 =	seq.s32 s10, $0x1;
	s10 =	sld [smem:$0x3FBA];
	_ =	sdelay $0x3  }
0x34: {  	[smem:$0x3FBA] =	sst s10  }
0x35: {  	s10 =	sld [smem:$0x3FB9];
	_ =	sdelay $0x3  }
0x36: {  	p1 =	seq.s32 s10, $0x1;
	s10 =	sld [smem:$0x3FBA];
	_ =	sdelay $0x3  }
0x37: {  	[smem:$0x3FBA] =	sst s10  }
0x38: {  	s10 =	sld [smem:$0x3FBB]  }
0x39: {  	_ = 	snop;
	(pc) =	sbr.ind lr, $3  }
0x3a: {  	_ = 	snop  }
0x3b: {  	_ = 	snop  }
0x3c: {  	p2 =	seq.s32 s10, $0x1;
	s10 =	sld [smem:$0x3FBA]  }
0x3d: {  	_ =	shalt  }
0x3e: {  	_ =	shalt  }
0x3f: {  	_ =	shalt  }
0x40: {  	_ =	shalt  }
0x41: {  	_ =	shalt  }
0x42: {  	_ =	shalt  }
0x43: {  	_ =	shalt  }
0x44: {  	_ =	shalt  }
0x45: {  	_ =	shalt  }
0x46: {  	_ =	shalt  }
0x47: {  	_ =	shalt  }
0x48: {  	_ =	shalt  }
0x49: {  	_ =	shalt  }
0x4a: {  	_ =	shalt  }
0x4b: {  	_ =	shalt  }
0x4c: {  	_ =	shalt  }
0x4d: {  	_ =	shalt  }
0x4e: {  	_ =	shalt  }
0x4f: {  	_ =	shalt  }
0x50: {  	_ =	shalt  }
0x51: {  	_ =	shalt  }
0x52: {  	_ =	shalt  }
0x53: {  	_ =	shalt  }
0x54: {  	_ =	shalt  }
0x55: {  	_ =	shalt  }
0x56: {  	_ =	shalt  }
0x57: {  	_ =	shalt  }
0x58: {  	_ =	shalt  }
0x59: {  	_ =	shalt  }
0x5a: {  	_ =	shalt  }
0x5b: {  	_ =	shalt  }
0x5c: {  	_ =	shalt  }
0x5d: {  	_ =	shalt  }
0x5e: {  	_ =	shalt  }
0x5f: {  	_ =	shalt  }
0x60: {  	_ =	shalt  }
0x61: {  	_ =	shalt  }
0x62: {  	_ =	shalt  }
0x63: {  	_ =	shalt  }
0x64: {  	_ =	shalt  }
0x65: {  	_ =	shalt  }
0x66: {  	_ =	shalt  }
0x67: {  	_ =	shalt  }
0x68: {  	_ =	shalt  }
0x69: {  	_ =	shalt  }
0x6a: {  	_ =	shalt  }
0x6b: {  	_ =	shalt  }
0x6c: {  	_ =	shalt  }
0x6d: {  	_ =	shalt  }
0x6e: {  	_ =	shalt  }
0x6f: {  	_ =	shalt  }
0x70: {  	_ =	shalt  }
0x71: {  	_ =	shalt  }
0x72: {  	_ =	shalt  }
0x73: {  	_ =	shalt  }
0x74: {  	_ =	shalt  }
0x75: {  	_ =	shalt  }
0x76: {  	_ =	shalt  }
0x77: {  	_ =	shalt  }
0x78: {  	_ =	shalt  }
0x79: {  	_ =	shalt  }
0x7a: {  	_ =	shalt  }
0x7b: {  	_ =	shalt  }
0x7c: {  	_ =	shalt  }
0x7d: {  	_ =	shalt  }
0x7e: {  	_ =	shalt  }
0x7f: {  	_ =	shalt  }
0x80: {  	_ =	shalt  }
0x81: {  	_ =	shalt  }
0x82: {  	_ =	shalt  }
0x83: {  	_ =	shalt  }
0x84: {  	_ =	shalt  }
0x85: {  	_ =	shalt  }
0x86: {  	_ =	shalt  }
0x87: {  	_ =	shalt  }
.Lfunc_end0:
.L_simem_size_0:
called_computation_lowered:
.L_overlay_start_0:
0x88: {  	s2 =	sld [smem:$0x3FD9]  }
0x89: {  	s3 =	sld [smem:$0x3FFE];
	_ =	sdelay $0x1  }
0x8a: {  	s1 =	srdreg.scid  }
0x8b: {  	s0 =	sand.u32 $0x1, s1  }
0x8c: {  	s17 =	sshll.u32 s0, $0xA;
	s2 =	sadd.s32 s3, s2  }
0x8d: {  	s2 =	sadd.s32 s2, s17  }
0x8e: {  	[smem:$0x3FC6] =	sst s2  }
0x8f: {  	_ = 	snop  }
0x90: {  	s2 =	sld [smem:$0x3FC8]  }
0x91: {  	s18 =	sld [smem:$0x3FD0];
	(tm) =	ssettm $0x1  }
0x92: {  	s4 =	sld [smem:$0x3FFB];
	_ =	sdelay $0x3  }
0x93: {  	_ =	strace s4  }
0x94: {  	s4 =	sld [smem:$0x3FFC];
	_ =	sdelay $0x3  }
0x95: {  	_ =	strace s4  }
0x96: {  	s4 =	sld [smem:$0x3FFD];
	_ =	sdelay $0x3  }
0x97: {  	_ =	strace s4  }
0x98: {  	_ =	strace $0x8FFFFFFF  }
0x99: {  	s19 =	sld [smem:$0x3FDB];
	_ =	sdelay $0x1  }
0x9a: {  	s5 =	simm.s32 $_scs_section_size  }
0x9b: {  	s6 =	simm.s32 $_size__tile_overlayer_lowered;
	s7 =	simm.s32 $_tile_overlayer_lowered  }
0x9c: {  	s22 =	simm.s32 $0x1BFF;
	s21 =	sshll.u32 s7, $0x1;
	s4 =	sadd.s32 s5, s19  }
0x9d: {  	s8 =	simm.s32 $0x0;
	s20 =	sshll.u32 s6, $0x1;
	s6 =	sadd.s32 s21, s4  }
0x9e: {  	[timem:s8], [sflag:s22] =	dma.local [hbm:s6], s20  }
0x9f: {  	_ =	swait.ge [sflag:s22], s20  }
0xa0: {  	s5 =	ssub.s32 $0x0, s20;
	[sflag:s22] =	ssyncset.done $0x0  }
0xa1: {  	[sflag:s22] =	ssyncadd.s32 s5;
	_ =	sdelay $0x1  }
0xa2: {  	s23 =	simm.s32 $0x1B8B  }
0xa3: {  	_ =	swait.ge [sflag:s23], $0x1  }
0xa4: {  	[sflag:s23] =	ssyncset.done $0x0  }
0xa5: {  	s25 =	simm.s32 $0x1B8E;
	s24 =	sld [smem:$0x3FFE];
	[sflag:s23] =	ssyncadd.s32 $0xFFFFFFFF  }
0xa6: {  	s26 =	simm.s32 $execute0_lowered;
	[smem:$0x3FD2] =	sst s25  }
0xa7: {  	s6 =	sshll.u32 s26, $0x1;
	_ =	strace $0x80000046;
	[dreg:$0x1] =	wrdreg $0xFFFFFFFF  }
0xa8: {  	s28 =	simm.s32 $_size_execute0_lowered;
	s4 =	sadd.s32 s4, s6;
	[dreg:$0x0] =	wrdreg $0x0  }
0xa9: {  	s6 =	sshll.u32 s28, $0x1;
	[dreg:$0x2] =	wrdreg s4  }
0xaa: {  	[dreg:$0x3] =	wrdreg s6  }
0xab: {  	[dreg:$0x4] =	wrdreg $0xC0  }
0xac: {  	_ =	task [dreg:s8], $0x5FFFF  }
0xad: {  	[dreg:$0x1] =	wrdreg $0xFFFFFFFF  }
0xae: {  	[dreg:$0x0] =	wrdreg $0x60  }
0xaf: {  	[dreg:$0x2] =	wrdreg s24  }
0xb0: {  	[dreg:$0x3] =	wrdreg s2  }
0xb1: {  	[dreg:$0x4] =	wrdreg s18  }
0xb2: {  	[dreg:$0x5] =	wrdreg $0x9  }
0xb3: {  	_ =	task.clear_ibuf [dreg:s8], $0x6FFFF;
	_ =	strace $0x90000046  }
0xb4: {  	s29 =	simm.s32 $0x9;
	_ =	strace $0x80000048  }
0xb5: {  	_ =	swait.ge [sflag:s29], $0x1  }
0xb6: {  	[sflag:s29] =	ssyncadd.s32 $0xFFFFFFFF  }
0xb7: {  	_ =	strace $0x90000048  }
0xb8: {  	_ =	sfence  }
0xb9: {  	s30 =	sld [smem:$0x0];
	_ =	sdelay $0x2  }
0xba: {  	s31 =	sshll.u32 s1, $0xD;
	s1 =	sshrl.u32 s1, $0x2  }
0xbb: {  	s3 =	sand.u32 $0x4000, s31;
	s1 =	sadd.s32 s1, s30  }
0xbc: {  	s0 =	sor.u32 s3, s0;
	s1 =	sshll.u32 s1, $0x11  }
0xbd: {  	s0 =	sor.u32 s1, s0  }
0xbe: {  	s0 =	sadd.s32 $0x8F2B, s0  }
0xbf: {  	[sflag:s0] =	ssyncadd.remote.s32 $0x1  }
0xc0: {  	_ =	sfence.sel $0xFFFF  }
0xc1: {  	[dreg:$0x0] =	wrdreg $0xFFFFFFFF;
	(pc) =	sbr.abs _section_cstart, $3  }
0xc2: {  	[dreg:$0x1] =	wrdreg $0xFFFFFFFF  }
0xc3: {  	_ =	task.clear_ibuf [dreg:s8], $0x2FFFF;
	_ =	strace $0x9FFFFFFF  }
0xc4: {  	(tm) =	ssettm $0x7FFFFFFF  }
0xc5: {  	_ =	shalt  }
tec
execute0_lowered:
.L_overlay_start_1:
0x0: {  	(tag) =	ssettag $0x1  }
0x1: {  	s0 =	rddreg [dreg:$0x0];
	v30 =	vlaneseq.u32  }
0x2: {  	s2 =	rddreg [dreg:$0x1];
	v0 =	vmul.u32 $0x32, v30  }
0x3: {  	s1 =	rddreg [dreg:$0x2];
	v33 =	vimm.s32 $0x0;
	vm0 =	vcmask $0x300  }
0x4: {  	s4 =	srdreg.scid;
	s5 =	stileid.u32;
	v30 =	vmul.u32 $0x88, v30;
	v33 =	vsel vm0, $0x3, v33;
	v1 =	vadd.s32 $0x320, v0  }
0x5: {  	s3 =	simm.s32 $0x0;
	s16 =	simm.s32 $0x200;
	s17 =	simm.s32 $0x6400;
	v2 =	vadd.s32 $0x640, v0;
	v3 =	vadd.s32 $0x960, v0;
	v4 =	vadd.s32 $0xC80, v0  }
0x6: {  	s18 =	simm.s32 $0x6800;
	s19 =	simm.s32 $0x1;
	s20 =	simm.s32 $0x6600;
	v5 =	vadd.s32 $0xFA0, v0;
	v6 =	vadd.s32 $0x12C0, v0;
	v7 =	vadd.s32 $0x15E0, v0  }
0x7: {  	s21 =	simm.s32 $0xE800;
	s22 =	simm.s32 $0x16800;
	s23 =	simm.s32 $0x2;
	v8 =	vadd.s32 $0x1900, v0;
	v9 =	vadd.s32 $0x1C20, v0;
	v10 =	vadd.s32 $0x1F40, v0  }
0x8: {  	s24 =	simm.s32 $0x3;
	s25 =	simm.s32 $0x0;
	s4 =	sand.u32 $0x1, s4;
	v11 =	vadd.s32 $0x2260, v0;
	v12 =	vadd.s32 $0x2580, v0;
	v13 =	vadd.s32 $0x28A0, v0  }
0x9: {  	s5 =	sshll.u32 s5, $0x1;
	[smem:$0x7FF] =	sst s3;
	s9 =	sadd.s32 $0xC000, s1;
	v14 =	vadd.s32 $0x2BC0, v0;
	v15 =	vadd.s32 $0x2EE0, v0;
	v16 =	vadd.s32 $0x3200, v0  }
0xa: {  	s10 =	sadd.s32 $0x10000, s1;
	s11 =	sadd.s32 $0x14000, s1;
	s5 =	sor.u32 s4, s5;
	v17 =	vadd.s32 $0x3520, v0;
	v18 =	vadd.s32 $0x3840, v0;
	v19 =	vadd.s32 $0x3B60, v0  }
0xb: {  	s12 =	sadd.s32 $0x18000, s1;
	s6 =	ssub.s32 $0x2, s4;
	s8 =	smul.u32 $0xC80, s5;
	v20 =	vadd.s32 $0x3E80, v0;
	v21 =	vadd.s32 $0x41A0, v0;
	v22 =	vadd.s32 $0x44C0, v0  }
0xc: {  	s13 =	sadd.s32 $0x1C000, s1;
	_ =	strace $0x80000047;
	s7 =	sshrl.u32 s6, $0x1;
	v23 =	vadd.s32 $0x47E0, v0;
	v24 =	vadd.s32 $0x4B00, v0;
	v25 =	vadd.s32 $0x4E20, v0  }
0xd: {  	s4 =	sadd.s32 $0xF42800, s0;
	v26 =	vadd.s32 $0x5140, v0;
	v27 =	vadd.s32 $0x5460, v0;
	v28 =	vadd.s32 $0x5780, v0;
	s31 =	ssub.s32 s6, s7;
	s2 =	sadd.s32 s2, s8  }
0xe: {  	v29 =	vadd.s32 $0x5AA0, v0;
	v31 =	vadd.s32 $0x5DC0, v0;
	v32 =	vadd.s32 $0x60E0, v0;
	s6 =	sshll.u32 s5, $0xC;
	s0 =	smax.u32 s31, $0x1;
	[dreg:$0x4] =	wrdreg s2  }
0xf: {  	v34 =	vadd.s32 $0x880, v30;
	v35 =	vadd.s32 $0x1100, v30;
	v36 =	vadd.s32 $0x1980, v30;
	s7 =	sadd.s32 $0x4000, s1;
	s8 =	sadd.s32 $0x8000, s1;
	[dreg:$0x5] =	wrdreg s0  }
.LBB2_1:
0x10: {  	s0 =	rddreg [dreg:$0x4];
	s31 =	simm.s32 $0x4  }
0x11: {  	[tilespmem:s3], [sflag:$0x4] =	stream.linear.gather [hbm4b:s0+s3], $0x6400, $0x38;
	[tilespmem:$0x1F000] =	vst v63  }
0x12: {  	_ =	swait.ge [sflag:s31], $0x6400  }
0x13: {  	[sflag:s31] =	ssyncset.done $0x0  }
0x14: {  	[sflag:s31] =	ssyncadd.s32 $0xFFFF9C00  }
0x15: {  	v37 =	vld.idx.msk [tilespmem:v0+s3+$0x0], $0xffff;
	_ =	sdelay $0x4  }
0x16: {  	[tilespmem:$0x6400] =	vst v37  }
0x17: {  	v37 =	vld.idx.msk [tilespmem:v1+s3+$0x0], $0xffff;
	_ =	sdelay $0x4  }
0x18: {  	[tilespmem:$0x6410] =	vst v37  }
0x19: {  	v37 =	vld.idx.msk [tilespmem:v2+s3+$0x0], $0xffff;
	_ =	sdelay $0x4  }
0x1a: {  	[tilespmem:$0x6420] =	vst v37  }
0x1b: {  	v37 =	vld.idx.msk [tilespmem:v3+s3+$0x0], $0xffff;
	_ =	sdelay $0x4  }
0x1c: {  	[tilespmem:$0x6430] =	vst v37  }
0x1d: {  	v37 =	vld.idx.msk [tilespmem:v4+s3+$0x0], $0xffff;
	_ =	sdelay $0x4  }
0x1e: {  	[tilespmem:$0x6440] =	vst v37  }
0x1f: {  	v37 =	vld.idx.msk [tilespmem:v5+s3+$0x0], $0xffff;
	_ =	sdelay $0x4  }
0x20: {  	[tilespmem:$0x6450] =	vst v37  }
0x21: {  	v37 =	vld.idx.msk [tilespmem:v6+s3+$0x0], $0xffff;
	_ =	sdelay $0x4  }
0x22: {  	[tilespmem:$0x6460] =	vst v37  }
0x23: {  	v37 =	vld.idx.msk [tilespmem:v7+s3+$0x0], $0xffff;
	_ =	sdelay $0x4  }
0x24: {  	[tilespmem:$0x6470] =	vst v37  }
0x25: {  	v37 =	vld.idx.msk [tilespmem:v8+s3+$0x0], $0xffff;
	_ =	sdelay $0x4  }
0x26: {  	[tilespmem:$0x6480] =	vst v37  }
0x27: {  	v37 =	vld.idx.msk [tilespmem:v9+s3+$0x0], $0xffff;
	_ =	sdelay $0x4  }
0x28: {  	[tilespmem:$0x6490] =	vst v37  }
0x29: {  	v37 =	vld.idx.msk [tilespmem:v10+s3+$0x0], $0xffff;
	_ =	sdelay $0x4  }
0x2a: {  	[tilespmem:$0x64A0] =	vst v37  }
0x2b: {  	v37 =	vld.idx.msk [tilespmem:v11+s3+$0x0], $0xffff;
	_ =	sdelay $0x4  }
0x2c: {  	[tilespmem:$0x64B0] =	vst v37  }
0x2d: {  	v37 =	vld.idx.msk [tilespmem:v12+s3+$0x0], $0xffff;
	_ =	sdelay $0x4  }
0x2e: {  	[tilespmem:$0x64C0] =	vst v37  }
0x2f: {  	v37 =	vld.idx.msk [tilespmem:v13+s3+$0x0], $0xffff;
	_ =	sdelay $0x4  }
0x30: {  	[tilespmem:$0x64D0] =	vst v37  }
0x31: {  	v37 =	vld.idx.msk [tilespmem:v14+s3+$0x0], $0xffff;
	_ =	sdelay $0x4  }
0x32: {  	[tilespmem:$0x64E0] =	vst v37  }
0x33: {  	v37 =	vld.idx.msk [tilespmem:v15+s3+$0x0], $0xffff;
	_ =	sdelay $0x4  }
0x34: {  	[tilespmem:$0x64F0] =	vst v37  }
0x35: {  	v37 =	vld.idx.msk [tilespmem:v16+s3+$0x0], $0xffff;
	_ =	sdelay $0x4  }
0x36: {  	[tilespmem:$0x6500] =	vst v37  }
0x37: {  	v37 =	vld.idx.msk [tilespmem:v17+s3+$0x0], $0xffff;
	_ =	sdelay $0x4  }
0x38: {  	[tilespmem:$0x6510] =	vst v37  }
0x39: {  	v37 =	vld.idx.msk [tilespmem:v18+s3+$0x0], $0xffff;
	_ =	sdelay $0x4  }
0x3a: {  	[tilespmem:$0x6520] =	vst v37  }
0x3b: {  	v37 =	vld.idx.msk [tilespmem:v19+s3+$0x0], $0xffff;
	_ =	sdelay $0x4  }
0x3c: {  	[tilespmem:$0x6530] =	vst v37  }
0x3d: {  	v37 =	vld.idx.msk [tilespmem:v20+s3+$0x0], $0xffff;
	_ =	sdelay $0x4  }
0x3e: {  	[tilespmem:$0x6540] =	vst v37  }
0x3f: {  	v37 =	vld.idx.msk [tilespmem:v21+s3+$0x0], $0xffff;
	_ =	sdelay $0x4  }
0x40: {  	[tilespmem:$0x6550] =	vst v37  }
0x41: {  	v37 =	vld.idx.msk [tilespmem:v22+s3+$0x0], $0xffff;
	_ =	sdelay $0x4  }
0x42: {  	[tilespmem:$0x6560] =	vst v37  }
0x43: {  	v37 =	vld.idx.msk [tilespmem:v23+s3+$0x0], $0xffff;
	_ =	sdelay $0x4  }
0x44: {  	[tilespmem:$0x6570] =	vst v37  }
0x45: {  	v37 =	vld.idx.msk [tilespmem:v24+s3+$0x0], $0xffff;
	_ =	sdelay $0x4  }
0x46: {  	[tilespmem:$0x6580] =	vst v37  }
0x47: {  	v37 =	vld.idx.msk [tilespmem:v25+s3+$0x0], $0xffff;
	_ =	sdelay $0x4  }
0x48: {  	[tilespmem:$0x6590] =	vst v37  }
0x49: {  	v37 =	vld.idx.msk [tilespmem:v26+s3+$0x0], $0xffff;
	_ =	sdelay $0x4  }
0x4a: {  	[tilespmem:$0x65A0] =	vst v37  }
0x4b: {  	v37 =	vld.idx.msk [tilespmem:v27+s3+$0x0], $0xffff;
	_ =	sdelay $0x4  }
0x4c: {  	[tilespmem:$0x65B0] =	vst v37  }
0x4d: {  	v37 =	vld.idx.msk [tilespmem:v28+s3+$0x0], $0xffff;
	_ =	sdelay $0x4  }
0x4e: {  	[tilespmem:$0x65C0] =	vst v37  }
0x4f: {  	v37 =	vld.idx.msk [tilespmem:v29+s3+$0x0], $0xffff;
	_ =	sdelay $0x4  }
0x50: {  	[tilespmem:$0x65D0] =	vst v37  }
0x51: {  	v37 =	vld.idx.msk [tilespmem:v31+s3+$0x0], $0xffff;
	_ =	sdelay $0x4  }
0x52: {  	[tilespmem:$0x65E0] =	vst v37  }
0x53: {  	v37 =	vld.idx.msk [tilespmem:v32+s3+$0x0], $0xffff;
	_ =	sdelay $0x4  }
0x54: {  	s26 =	simm.s32 $0x0;
	[tilespmem:$0x65F0] =	vst v37  }
0x55: {  	[tilespmem:s18], [sflag:$0x1] =	stream.indirect.gather [hbm4b:s4+s16], $0x40, s17, s16, $0xb8;
	[tilespmem:$0x1F000] =	vst v63  }
.LBB2_2:
0x56: {  	s28 =	sshllo.u32 s26, $0x1  }
0x57: {  	v37 =	vadd.s32 s28, v0;
	_ =	sdelay $0x1  }
0x58: {  	_ =	swait.ge [sflag:s19], $0x8000  }
0x59: {  	[sflag:s19] =	ssyncset.done $0x0  }
0x5a: {  	s29 =	sshll.u32 s26, $0x1;
	[sflag:s19] =	ssyncadd.s32 $0xFFFF8000  }
0x5b: {  	s0 =	sadd.s32 $0x321, s29;
	v37 =	vld.idx.msk [tilespmem:v37+s3+$0x0], $0xffff  }
0x5c: {  	v38 =	vadd.s32 s0, v0;
	_ =	sdelay $0x3  }
0x5d: {  	[tilespmem:$0x6600] =	vst v37  }
0x5e: {  	s15 =	sor.u32 $0x641, s29;
	v37 =	vld.idx.msk [tilespmem:v38+s3+$0x0], $0xffff  }
0x5f: {  	v41 =	vadd.s32 s15, v0;
	_ =	sdelay $0x3  }
0x60: {  	[tilespmem:$0x6610] =	vst v37  }
0x61: {  	s2 =	sadd.s32 $0x961, s29;
	v37 =	vld.idx.msk [tilespmem:v41+s3+$0x0], $0xffff  }
0x62: {  	v42 =	vadd.s32 s2, v0;
	_ =	sdelay $0x3  }
0x63: {  	[tilespmem:$0x6620] =	vst v37  }
0x64: {  	s5 =	sor.u32 $0xC81, s29;
	v37 =	vld.idx.msk [tilespmem:v42+s3+$0x0], $0xffff  }
0x65: {  	v43 =	vadd.s32 s5, v0;
	_ =	sdelay $0x3  }
0x66: {  	[tilespmem:$0x6630] =	vst v37  }
0x67: {  	s14 =	sadd.s32 $0xFA1, s29;
	v37 =	vld.idx.msk [tilespmem:v43+s3+$0x0], $0xffff  }
0x68: {  	v44 =	vadd.s32 s14, v0;
	_ =	sdelay $0x3  }
0x69: {  	[tilespmem:$0x6640] =	vst v37  }
0x6a: {  	s15 =	sor.u32 $0x12C1, s29;
	v37 =	vld.idx.msk [tilespmem:v44+s3+$0x0], $0xffff  }
0x6b: {  	v45 =	vadd.s32 s15, v0;
	_ =	sdelay $0x3  }
0x6c: {  	[tilespmem:$0x6650] =	vst v37  }
0x6d: {  	s2 =	sadd.s32 $0x15E1, s29;
	v37 =	vld.idx.msk [tilespmem:v45+s3+$0x0], $0xffff  }
0x6e: {  	v46 =	vadd.s32 s2, v0;
	_ =	sdelay $0x3  }
0x6f: {  	[tilespmem:$0x6660] =	vst v37  }
0x70: {  	s5 =	sor.u32 $0x1901, s29;
	v37 =	vld.idx.msk [tilespmem:v46+s3+$0x0], $0xffff  }
0x71: {  	v47 =	vadd.s32 s5, v0;
	_ =	sdelay $0x3  }
0x72: {  	[tilespmem:$0x6670] =	vst v37  }
0x73: {  	s14 =	sadd.s32 $0x1C21, s29;
	v37 =	vld.idx.msk [tilespmem:v47+s3+$0x0], $0xffff  }
0x74: {  	v48 =	vadd.s32 s14, v0;
	_ =	sdelay $0x3  }
0x75: {  	[tilespmem:$0x6680] =	vst v37  }
0x76: {  	s15 =	sor.u32 $0x1F41, s29;
	v37 =	vld.idx.msk [tilespmem:v48+s3+$0x0], $0xffff  }
0x77: {  	v49 =	vadd.s32 s15, v0;
	_ =	sdelay $0x3  }
0x78: {  	[tilespmem:$0x6690] =	vst v37  }
0x79: {  	s2 =	sadd.s32 $0x2261, s29;
	v37 =	vld.idx.msk [tilespmem:v49+s3+$0x0], $0xffff  }
0x7a: {  	v50 =	vadd.s32 s2, v0;
	_ =	sdelay $0x3  }
0x7b: {  	[tilespmem:$0x66A0] =	vst v37  }
0x7c: {  	s5 =	sor.u32 $0x2581, s29;
	v37 =	vld.idx.msk [tilespmem:v50+s3+$0x0], $0xffff  }
0x7d: {  	v51 =	vadd.s32 s5, v0;
	_ =	sdelay $0x3  }
0x7e: {  	[tilespmem:$0x66B0] =	vst v37  }
0x7f: {  	s14 =	sadd.s32 $0x28A1, s29;
	v37 =	vld.idx.msk [tilespmem:v51+s3+$0x0], $0xffff  }
0x80: {  	v52 =	vadd.s32 s14, v0;
	_ =	sdelay $0x3  }
0x81: {  	[tilespmem:$0x66C0] =	vst v37  }
0x82: {  	s15 =	sor.u32 $0x2BC1, s29;
	v37 =	vld.idx.msk [tilespmem:v52+s3+$0x0], $0xffff  }
0x83: {  	v53 =	vadd.s32 s15, v0;
	_ =	sdelay $0x3  }
0x84: {  	[tilespmem:$0x66D0] =	vst v37  }
0x85: {  	s2 =	sadd.s32 $0x2EE1, s29;
	v37 =	vld.idx.msk [tilespmem:v53+s3+$0x0], $0xffff  }
0x86: {  	v54 =	vadd.s32 s2, v0;
	_ =	sdelay $0x3  }
0x87: {  	[tilespmem:$0x66E0] =	vst v37  }
0x88: {  	s5 =	sor.u32 $0x3201, s29;
	v37 =	vld.idx.msk [tilespmem:v54+s3+$0x0], $0xffff  }
0x89: {  	v55 =	vadd.s32 s5, v0;
	_ =	sdelay $0x3  }
0x8a: {  	[tilespmem:$0x66F0] =	vst v37  }
0x8b: {  	s14 =	sadd.s32 $0x3521, s29;
	v37 =	vld.idx.msk [tilespmem:v55+s3+$0x0], $0xffff  }
0x8c: {  	v56 =	vadd.s32 s14, v0;
	_ =	sdelay $0x3  }
0x8d: {  	[tilespmem:$0x6700] =	vst v37  }
0x8e: {  	s15 =	sor.u32 $0x3841, s29;
	v37 =	vld.idx.msk [tilespmem:v56+s3+$0x0], $0xffff  }
0x8f: {  	v57 =	vadd.s32 s15, v0;
	_ =	sdelay $0x3  }
0x90: {  	[tilespmem:$0x6710] =	vst v37  }
0x91: {  	s2 =	sadd.s32 $0x3B61, s29;
	v37 =	vld.idx.msk [tilespmem:v57+s3+$0x0], $0xffff  }
0x92: {  	v58 =	vadd.s32 s2, v0;
	_ =	sdelay $0x3  }
0x93: {  	[tilespmem:$0x6720] =	vst v37  }
0x94: {  	s5 =	sor.u32 $0x3E81, s29;
	v37 =	vld.idx.msk [tilespmem:v58+s3+$0x0], $0xffff  }
0x95: {  	v59 =	vadd.s32 s5, v0;
	_ =	sdelay $0x3  }
0x96: {  	[tilespmem:$0x6730] =	vst v37  }
0x97: {  	s14 =	sadd.s32 $0x41A1, s29;
	v37 =	vld.idx.msk [tilespmem:v59+s3+$0x0], $0xffff  }
0x98: {  	v60 =	vadd.s32 s14, v0;
	_ =	sdelay $0x3  }
0x99: {  	[tilespmem:$0x6740] =	vst v37  }
0x9a: {  	s15 =	sor.u32 $0x44C1, s29;
	v37 =	vld.idx.msk [tilespmem:v60+s3+$0x0], $0xffff  }
0x9b: {  	v61 =	vadd.s32 s15, v0;
	_ =	sdelay $0x3  }
0x9c: {  	[tilespmem:$0x6750] =	vst v37  }
0x9d: {  	s2 =	sadd.s32 $0x47E1, s29;
	v37 =	vld.idx.msk [tilespmem:v61+s3+$0x0], $0xffff  }
0x9e: {  	v62 =	vadd.s32 s2, v0;
	_ =	sdelay $0x3  }
0x9f: {  	[tilespmem:$0x6760] =	vst v37  }
0xa0: {  	s5 =	sor.u32 $0x4B01, s29;
	v37 =	vld.idx.msk [tilespmem:v62+s3+$0x0], $0xffff  }
0xa1: {  	v63 =	vadd.s32 s5, v0;
	_ =	sdelay $0x3  }
0xa2: {  	[tilespmem:$0x6770] =	vst v37  }
0xa3: {  	s14 =	sadd.s32 $0x4E21, s29;
	v37 =	vld.idx.msk [tilespmem:v63+s3+$0x0], $0xffff  }
0xa4: {  	v40 =	vadd.s32 s14, v0;
	_ =	sdelay $0x3  }
0xa5: {  	[tilespmem:$0x6780] =	vst v37  }
0xa6: {  	s15 =	sor.u32 $0x5141, s29;
	v37 =	vld.idx.msk [tilespmem:v40+s3+$0x0], $0xffff  }
0xa7: {  	v41 =	vadd.s32 s15, v0;
	_ =	sdelay $0x3  }
0xa8: {  	[tilespmem:$0x6790] =	vst v37  }
0xa9: {  	s2 =	sadd.s32 $0x5461, s29;
	v37 =	vld.idx.msk [tilespmem:v41+s3+$0x0], $0xffff  }
0xaa: {  	v42 =	vadd.s32 s2, v0;
	_ =	sdelay $0x3  }
0xab: {  	[tilespmem:$0x67A0] =	vst v37  }
0xac: {  	s5 =	sor.u32 $0x5781, s29;
	v37 =	vld.idx.msk [tilespmem:v42+s3+$0x0], $0xffff  }
0xad: {  	v43 =	vadd.s32 s5, v0;
	_ =	sdelay $0x3  }
0xae: {  	[tilespmem:$0x67B0] =	vst v37  }
0xaf: {  	s14 =	sadd.s32 $0x5AA1, s29;
	v37 =	vld.idx.msk [tilespmem:v43+s3+$0x0], $0xffff  }
0xb0: {  	v44 =	vadd.s32 s14, v0;
	_ =	sdelay $0x3  }
0xb1: {  	[tilespmem:$0x67C0] =	vst v37  }
0xb2: {  	s15 =	sor.u32 $0x5DC1, s29;
	v37 =	vld.idx.msk [tilespmem:v44+s3+$0x0], $0xffff  }
0xb3: {  	v45 =	vadd.s32 s15, v0;
	_ =	sdelay $0x3  }
0xb4: {  	[tilespmem:$0x67D0] =	vst v37  }
0xb5: {  	s2 =	sadd.s32 $0x60E1, s29;
	v37 =	vld.idx.msk [tilespmem:v45+s3+$0x0], $0xffff  }
0xb6: {  	v46 =	vadd.s32 s2, v0;
	_ =	sdelay $0x3  }
0xb7: {  	[tilespmem:$0x67E0] =	vst v37  }
0xb8: {  	v37 =	vld.idx.msk [tilespmem:v46+s3+$0x0], $0xffff;
	_ =	sdelay $0x3  }
0xb9: {  	p0 =	seq.s32 s26, $0x0  }
0xba: {  	s0 =	simm.s32 @!p0 $0x3;
	[tilespmem:$0x67F0] =	vst v37  }
0xbb: {  	[tilespmem:s21], [sflag:$0x2] =	stream.indirect.gather [hbm4b:s4+s16], $0x40, s20, s16, $0xb8;
	[tilespmem:$0x1F000] =	vst v63  }
0xbc: {  	_ =	swait.ge @!p0 [sflag:s0], $0x1000  }
0xbd: {  	[sflag:s0] =	ssyncset.done @!p0 $0x0  }
0xbe: {  	[sflag:s0] =	ssyncadd.s32 @!p0 $0xFFFFF000  }
0xbf: {  	_ =	swait.ge @!p0 [sflag:s0], $0x1000  }
0xc0: {  	[sflag:s0] =	ssyncset.done @!p0 $0x0  }
0xc1: {  	[sflag:s0] =	ssyncadd.s32 @!p0 $0xFFFFF000  }
0xc2: {  	_ =	swait.ge @!p0 [sflag:s0], $0x1000  }
0xc3: {  	[sflag:s0] =	ssyncset.done @!p0 $0x0  }
0xc4: {  	[sflag:s0] =	ssyncadd.s32 @!p0 $0xFFFFF000  }
0xc5: {  	_ =	swait.ge @!p0 [sflag:s0], $0x1000  }
0xc6: {  	[sflag:s0] =	ssyncset.done @!p0 $0x0  }
0xc7: {  	[sflag:s0] =	ssyncadd.s32 @!p0 $0xFFFFF000  }
0xc8: {  	_ =	swait.ge @!p0 [sflag:s0], $0x1000  }
0xc9: {  	[sflag:s0] =	ssyncset.done @!p0 $0x0  }
0xca: {  	[sflag:s0] =	ssyncadd.s32 @!p0 $0xFFFFF000  }
0xcb: {  	_ =	swait.ge @!p0 [sflag:s0], $0x1000  }
0xcc: {  	[sflag:s0] =	ssyncset.done @!p0 $0x0  }
0xcd: {  	s30 =	simm.s32 $0x0;
	s2 =	simm.s32 $0x0;
	[sflag:s0] =	ssyncadd.s32 @!p0 $0xFFFFF000  }
0xce: {  	s5 =	sand.u32 $0x78, s30;
	v47 =	vmov s2;
	_ =	swait.ge @!p0 [sflag:s0], $0x1000  }
0xcf: {  	v48 =	vmov s5;
	v37 =	vmul.u32 $0x2200, v47;
	[sflag:s0] =	ssyncset.done @!p0 $0x0  }
0xd0: {  	v38 =	vshrl.u32 v48, $0x3;
	[sflag:s0] =	ssyncadd.s32 @!p0 $0xFFFFF000  }
0xd1: {  	v38 =	vshll.u32 v38, v33;
	v37 =	vbroadcast v37, $0x0;
	_ =	swait.ge @!p0 [sflag:s0], $0x1000  }
0xd2: {  	v41 =	vbroadcast v38, $0x0;
	[sflag:s0] =	ssyncset.done @!p0 $0x0  }
0xd3: {  	s31 =	simm.s32 $0x6900;
	v38 =	vadd.s32 v30, v37;
	[sflag:s0] =	ssyncadd.s32 @!p0 $0xFFFFF000  }
0xd4: {  	v40 =	vadd.s32 v41, v38;
	v39 =	vld [tilespmem:s31+$0xFFFFFF00];
	_ =	sdelay $0x4  }
0xd5: {  	[tilespmem:v40+s22+$0x0] =	vst.idx.msk $0xffff, v39;
	v39 =	vadd.s32 v34, v37  }
0xd6: {  	v40 =	vld [tilespmem:s31+$0xFFFFFF10];
	v42 =	vadd.s32 v41, v39;
	_ =	sdelay $0x4  }
0xd7: {  	[tilespmem:v42+s22+$0x0] =	vst.idx.msk $0xffff, v40;
	v40 =	vadd.s32 v35, v37  }
0xd8: {  	v42 =	vld [tilespmem:s31+$0xFFFFFF20];
	v43 =	vadd.s32 v41, v40;
	_ =	sdelay $0x3  }
0xd9: {  	s5 =	simm.s32 $0x1  }
0xda: {  	s0 =	sand.u32 $0x78, s5;
	v37 =	vadd.s32 v36, v37;
	[tilespmem:v43+s22+$0x0] =	vst.idx.msk $0xffff, v42  }
0xdb: {  	v49 =	vmov s0;
	v41 =	vadd.s32 v41, v37;
	v42 =	vld [tilespmem:s31+$0xFFFFFF30]  }
0xdc: {  	v43 =	vshrl.u32 v49, $0x3  }
0xdd: {  	v43 =	vshll.u32 v43, v33  }
0xde: {  	v43 =	vbroadcast v43, $0x0;
	_ =	sdelay $0x1  }
0xdf: {  	v50 =	vadd.s32 v38, v43;
	[tilespmem:v41+s22+$0x0] =	vst.idx.msk $0xffff, v42  }
0xe0: {  	v41 =	vor.u32 $0x1, v50;
	v42 =	vld [tilespmem:s31+$0xFFFFFF40];
	_ =	sdelay $0x4  }
0xe1: {  	v51 =	vadd.s32 v39, v43;
	[tilespmem:v41+s22+$0x0] =	vst.idx.msk $0xffff, v42  }
0xe2: {  	v41 =	vor.u32 $0x1, v51;
	v42 =	vld [tilespmem:s31+$0xFFFFFF50];
	_ =	sdelay $0x4  }
0xe3: {  	v52 =	vadd.s32 v40, v43;
	[tilespmem:v41+s22+$0x0] =	vst.idx.msk $0xffff, v42  }
0xe4: {  	v41 =	vor.u32 $0x1, v52;
	v42 =	vld [tilespmem:s31+$0xFFFFFF60];
	_ =	sdelay $0x3  }
0xe5: {  	s14 =	simm.s32 $0x2  }
0xe6: {  	s0 =	sand.u32 $0x78, s14;
	v53 =	vadd.s32 v37, v43;
	[tilespmem:v41+s22+$0x0] =	vst.idx.msk $0xffff, v42  }
0xe7: {  	v54 =	vmov s0;
	v41 =	vor.u32 $0x1, v53;
	v42 =	vld [tilespmem:s31+$0xFFFFFF70]  }
0xe8: {  	v43 =	vshrl.u32 v54, $0x3  }
0xe9: {  	v43 =	vshll.u32 v43, v33  }
0xea: {  	v43 =	vbroadcast v43, $0x0;
	_ =	sdelay $0x1  }
0xeb: {  	v55 =	vadd.s32 v38, v43;
	[tilespmem:v41+s22+$0x0] =	vst.idx.msk $0xffff, v42  }
0xec: {  	v41 =	vor.u32 $0x2, v55;
	v42 =	vld [tilespmem:s31+$0xFFFFFF80];
	_ =	sdelay $0x4  }
0xed: {  	v56 =	vadd.s32 v39, v43;
	[tilespmem:v41+s22+$0x0] =	vst.idx.msk $0xffff, v42  }
0xee: {  	v41 =	vor.u32 $0x2, v56;
	v42 =	vld [tilespmem:s31+$0xFFFFFF90];
	_ =	sdelay $0x4  }
0xef: {  	v57 =	vadd.s32 v40, v43;
	[tilespmem:v41+s22+$0x0] =	vst.idx.msk $0xffff, v42  }
0xf0: {  	v41 =	vor.u32 $0x2, v57;
	v42 =	vld [tilespmem:s31+$0xFFFFFFA0];
	_ =	sdelay $0x3  }
0xf1: {  	s15 =	simm.s32 $0x3  }
0xf2: {  	s0 =	sand.u32 $0x78, s15;
	v58 =	vadd.s32 v37, v43;
	[tilespmem:v41+s22+$0x0] =	vst.idx.msk $0xffff, v42  }
0xf3: {  	v59 =	vmov s0;
	v41 =	vor.u32 $0x2, v58;
	v42 =	vld [tilespmem:s31+$0xFFFFFFB0]  }
0xf4: {  	v43 =	vshrl.u32 v59, $0x3  }
0xf5: {  	v43 =	vshll.u32 v43, v33  }
0xf6: {  	v43 =	vbroadcast v43, $0x0;
	_ =	sdelay $0x1  }
0xf7: {  	v60 =	vadd.s32 v38, v43;
	[tilespmem:v41+s22+$0x0] =	vst.idx.msk $0xffff, v42  }
0xf8: {  	v41 =	vor.u32 $0x3, v60;
	v42 =	vld [tilespmem:s31+$0xFFFFFFC0];
	_ =	sdelay $0x4  }
0xf9: {  	v61 =	vadd.s32 v39, v43;
	[tilespmem:v41+s22+$0x0] =	vst.idx.msk $0xffff, v42  }
0xfa: {  	v41 =	vor.u32 $0x3, v61;
	v42 =	vld [tilespmem:s31+$0xFFFFFFD0];
	_ =	sdelay $0x4  }
0xfb: {  	v62 =	vadd.s32 v40, v43;
	[tilespmem:v41+s22+$0x0] =	vst.idx.msk $0xffff, v42  }
0xfc: {  	v41 =	vor.u32 $0x3, v62;
	v42 =	vld [tilespmem:s31+$0xFFFFFFE0];
	_ =	sdelay $0x3  }
0xfd: {  	s2 =	simm.s32 $0x4  }
0xfe: {  	s0 =	sand.u32 $0x78, s2;
	v63 =	vadd.s32 v37, v43;
	[tilespmem:v41+s22+$0x0] =	vst.idx.msk $0xffff, v42  }
0xff: {  	v45 =	vmov s0;
	v41 =	vor.u32 $0x3, v63;
	v42 =	vld [tilespmem:s31+$0xFFFFFFF0]  }
0x100: {  	v43 =	vshrl.u32 v45, $0x3  }
0x101: {  	v43 =	vshll.u32 v43, v33  }
0x102: {  	v43 =	vbroadcast v43, $0x0;
	_ =	sdelay $0x1  }
0x103: {  	v46 =	vadd.s32 v38, v43;
	[tilespmem:v41+s22+$0x0] =	vst.idx.msk $0xffff, v42  }
0x104: {  	v41 =	vor.u32 $0x4, v46;
	v42 =	vld [tilespmem:s31+$0x0];
	_ =	sdelay $0x4  }
0x105: {  	v47 =	vadd.s32 v39, v43;
	[tilespmem:v41+s22+$0x0] =	vst.idx.msk $0xffff, v42  }
0x106: {  	v41 =	vor.u32 $0x4, v47;
	v42 =	vld [tilespmem:s31+$0x10];
	_ =	sdelay $0x4  }
0x107: {  	v48 =	vadd.s32 v40, v43;
	[tilespmem:v41+s22+$0x0] =	vst.idx.msk $0xffff, v42  }
0x108: {  	v41 =	vor.u32 $0x4, v48;
	v42 =	vld [tilespmem:s31+$0x20];
	_ =	sdelay $0x3  }
0x109: {  	s5 =	simm.s32 $0x5  }
0x10a: {  	s0 =	sand.u32 $0x78, s5;
	v49 =	vadd.s32 v37, v43;
	[tilespmem:v41+s22+$0x0] =	vst.idx.msk $0xffff, v42  }
0x10b: {  	v50 =	vmov s0;
	v41 =	vor.u32 $0x4, v49;
	v42 =	vld [tilespmem:s31+$0x30]  }
0x10c: {  	v43 =	vshrl.u32 v50, $0x3  }
0x10d: {  	v43 =	vshll.u32 v43, v33  }
0x10e: {  	v43 =	vbroadcast v43, $0x0;
	_ =	sdelay $0x1  }
0x10f: {  	v51 =	vadd.s32 v38, v43;
	[tilespmem:v41+s22+$0x0] =	vst.idx.msk $0xffff, v42  }
0x110: {  	v41 =	vor.u32 $0x5, v51;
	v42 =	vld [tilespmem:s31+$0x40];
	_ =	sdelay $0x4  }
0x111: {  	v52 =	vadd.s32 v39, v43;
	[tilespmem:v41+s22+$0x0] =	vst.idx.msk $0xffff, v42  }
0x112: {  	v41 =	vor.u32 $0x5, v52;
	v42 =	vld [tilespmem:s31+$0x50];
	_ =	sdelay $0x4  }
0x113: {  	v53 =	vadd.s32 v40, v43;
	[tilespmem:v41+s22+$0x0] =	vst.idx.msk $0xffff, v42  }
0x114: {  	v41 =	vor.u32 $0x5, v53;
	v42 =	vld [tilespmem:s31+$0x60];
	_ =	sdelay $0x3  }
0x115: {  	s14 =	simm.s32 $0x6  }
0x116: {  	s0 =	sand.u32 $0x78, s14;
	v54 =	vadd.s32 v37, v43;
	[tilespmem:v41+s22+$0x0] =	vst.idx.msk $0xffff, v42  }
0x117: {  	v55 =	vmov s0;
	v41 =	vor.u32 $0x5, v54;
	v42 =	vld [tilespmem:s31+$0x70]  }
0x118: {  	v43 =	vshrl.u32 v55, $0x3  }
0x119: {  	v43 =	vshll.u32 v43, v33  }
0x11a: {  	v43 =	vbroadcast v43, $0x0;
	_ =	sdelay $0x1  }
0x11b: {  	v56 =	vadd.s32 v38, v43;
	[tilespmem:v41+s22+$0x0] =	vst.idx.msk $0xffff, v42  }
0x11c: {  	v41 =	vor.u32 $0x6, v56;
	v42 =	vld [tilespmem:s31+$0x80];
	_ =	sdelay $0x4  }
0x11d: {  	v57 =	vadd.s32 v39, v43;
	[tilespmem:v41+s22+$0x0] =	vst.idx.msk $0xffff, v42  }
0x11e: {  	v41 =	vor.u32 $0x6, v57;
	v42 =	vld [tilespmem:s31+$0x90];
	_ =	sdelay $0x4  }
0x11f: {  	v58 =	vadd.s32 v40, v43;
	[tilespmem:v41+s22+$0x0] =	vst.idx.msk $0xffff, v42  }
0x120: {  	v41 =	vor.u32 $0x6, v58;
	v42 =	vld [tilespmem:s31+$0xA0];
	_ =	sdelay $0x3  }
0x121: {  	s15 =	simm.s32 $0x7  }
0x122: {  	s0 =	sand.u32 $0x78, s15;
	v59 =	vadd.s32 v37, v43;
	[tilespmem:v41+s22+$0x0] =	vst.idx.msk $0xffff, v42  }
0x123: {  	v43 =	vor.u32 $0x6, v59;
	v60 =	vmov s0;
	v42 =	vld [tilespmem:s31+$0xB0]  }
0x124: {  	v41 =	vshrl.u32 v60, $0x3  }
0x125: {  	v41 =	vshll.u32 v41, v33  }
0x126: {  	v41 =	vbroadcast v41, $0x0;
	_ =	sdelay $0x1  }
0x127: {  	v38 =	vadd.s32 v38, v41;
	[tilespmem:v43+s22+$0x0] =	vst.idx.msk $0xffff, v42  }
0x128: {  	v38 =	vor.u32 $0x7, v38;
	v42 =	vld [tilespmem:s31+$0xC0];
	_ =	sdelay $0x4  }
0x129: {  	v61 =	vadd.s32 v39, v41;
	[tilespmem:v38+s22+$0x0] =	vst.idx.msk $0xffff, v42  }
0x12a: {  	v38 =	vor.u32 $0x7, v61;
	v62 =	vld [tilespmem:s31+$0xD0];
	_ =	sdelay $0x4  }
0x12b: {  	v63 =	vadd.s32 v40, v41;
	[tilespmem:v38+s22+$0x0] =	vst.idx.msk $0xffff, v62  }
0x12c: {  	v39 =	vor.u32 $0x7, v63;
	v38 =	vld [tilespmem:s31+$0xE0]  }
.LBB2_3:
0x12d: {  	_ =	sdelay $0x2  }
0x12e: {  	s0 =	smov.u32 s30;
	s30 =	sadd.s32 $0x8, s30  }
0x12f: {  	v37 =	vadd.s32 v37, v41;
	s2 =	sshrl.u32 s30, $0x7;
	p0 =	slt.u32 s30, $0x1F8;
	[tilespmem:v39+s22+$0x0] =	vst.idx.msk $0xffff, v38  }
0x130: {  	s5 =	sand.u32 $0x78, s30;
	v37 =	vor.u32 $0x7, v37;
	v38 =	vmov s2;
	v39 =	vld [tilespmem:s31+$0xF0]  }
0x131: {  	v40 =	vmov s5;
	v38 =	vmul.u32 $0x2200, v38  }
0x132: {  	v40 =	vshrl.u32 v40, $0x3  }
0x133: {  	v41 =	vbroadcast v38, $0x0;
	v38 =	vshll.u32 v40, v33  }
0x134: {  	v42 =	vbroadcast v38, $0x0  }
0x135: {  	s31 =	sadd.s32 $0x200, s31;
	v38 =	vadd.s32 v30, v41;
	[tilespmem:v37+s22+$0x0] =	vst.idx.msk $0xffff, v39  }
0x136: {  	v39 =	vadd.s32 v42, v38;
	v37 =	vld [tilespmem:s31+$0xFFFFFF00];
	_ =	sdelay $0x4  }
0x137: {  	[tilespmem:v39+s22+$0x0] =	vst.idx.msk $0xffff, v37;
	v39 =	vadd.s32 v34, v41  }
0x138: {  	v37 =	vld [tilespmem:s31+$0xFFFFFF10];
	v40 =	vadd.s32 v42, v39;
	_ =	sdelay $0x4  }
0x139: {  	[tilespmem:v40+s22+$0x0] =	vst.idx.msk $0xffff, v37;
	v40 =	vadd.s32 v35, v41  }
0x13a: {  	v37 =	vld [tilespmem:s31+$0xFFFFFF20];
	v43 =	vadd.s32 v42, v40;
	_ =	sdelay $0x3  }
0x13b: {  	s2 =	sadd.s32 $0x9, s0  }
0x13c: {  	s2 =	sand.u32 $0x78, s2;
	[tilespmem:v43+s22+$0x0] =	vst.idx.msk $0xffff, v37;
	v37 =	vadd.s32 v36, v41  }
0x13d: {  	v43 =	vmov s2;
	v41 =	vld [tilespmem:s31+$0xFFFFFF30];
	v42 =	vadd.s32 v42, v37  }
0x13e: {  	v43 =	vshrl.u32 v43, $0x3  }
0x13f: {  	v43 =	vshll.u32 v43, v33  }
0x140: {  	v43 =	vbroadcast v43, $0x0;
	_ =	sdelay $0x1  }
0x141: {  	[tilespmem:v42+s22+$0x0] =	vst.idx.msk $0xffff, v41;
	v41 =	vadd.s32 v38, v43  }
0x142: {  	v42 =	vld [tilespmem:s31+$0xFFFFFF40];
	v41 =	vor.u32 $0x1, v41;
	_ =	sdelay $0x4  }
0x143: {  	[tilespmem:v41+s22+$0x0] =	vst.idx.msk $0xffff, v42;
	v41 =	vadd.s32 v39, v43  }
0x144: {  	v42 =	vld [tilespmem:s31+$0xFFFFFF50];
	v41 =	vor.u32 $0x1, v41;
	_ =	sdelay $0x4  }
0x145: {  	[tilespmem:v41+s22+$0x0] =	vst.idx.msk $0xffff, v42;
	v41 =	vadd.s32 v40, v43  }
0x146: {  	v42 =	vld [tilespmem:s31+$0xFFFFFF60];
	v41 =	vor.u32 $0x1, v41;
	_ =	sdelay $0x3  }
0x147: {  	s2 =	sadd.s32 $0xA, s0  }
0x148: {  	s2 =	sand.u32 $0x78, s2;
	[tilespmem:v41+s22+$0x0] =	vst.idx.msk $0xffff, v42;
	v41 =	vadd.s32 v37, v43  }
0x149: {  	v43 =	vmov s2;
	v42 =	vld [tilespmem:s31+$0xFFFFFF70];
	v41 =	vor.u32 $0x1, v41  }
0x14a: {  	v43 =	vshrl.u32 v43, $0x3  }
0x14b: {  	v43 =	vshll.u32 v43, v33  }
0x14c: {  	v43 =	vbroadcast v43, $0x0;
	_ =	sdelay $0x1  }
0x14d: {  	[tilespmem:v41+s22+$0x0] =	vst.idx.msk $0xffff, v42;
	v41 =	vadd.s32 v38, v43  }
0x14e: {  	v42 =	vld [tilespmem:s31+$0xFFFFFF80];
	v41 =	vor.u32 $0x2, v41;
	_ =	sdelay $0x4  }
0x14f: {  	[tilespmem:v41+s22+$0x0] =	vst.idx.msk $0xffff, v42;
	v41 =	vadd.s32 v39, v43  }
0x150: {  	v42 =	vld [tilespmem:s31+$0xFFFFFF90];
	v41 =	vor.u32 $0x2, v41;
	_ =	sdelay $0x4  }
0x151: {  	[tilespmem:v41+s22+$0x0] =	vst.idx.msk $0xffff, v42;
	v41 =	vadd.s32 v40, v43  }
0x152: {  	v42 =	vld [tilespmem:s31+$0xFFFFFFA0];
	v41 =	vor.u32 $0x2, v41;
	_ =	sdelay $0x3  }
0x153: {  	s2 =	sadd.s32 $0xB, s0  }
0x154: {  	s2 =	sand.u32 $0x78, s2;
	[tilespmem:v41+s22+$0x0] =	vst.idx.msk $0xffff, v42;
	v41 =	vadd.s32 v37, v43  }
0x155: {  	v43 =	vmov s2;
	v42 =	vld [tilespmem:s31+$0xFFFFFFB0];
	v41 =	vor.u32 $0x2, v41  }
0x156: {  	v43 =	vshrl.u32 v43, $0x3  }
0x157: {  	v43 =	vshll.u32 v43, v33  }
0x158: {  	v43 =	vbroadcast v43, $0x0;
	_ =	sdelay $0x1  }
0x159: {  	[tilespmem:v41+s22+$0x0] =	vst.idx.msk $0xffff, v42;
	v41 =	vadd.s32 v38, v43  }
0x15a: {  	v42 =	vld [tilespmem:s31+$0xFFFFFFC0];
	v41 =	vor.u32 $0x3, v41;
	_ =	sdelay $0x4  }
0x15b: {  	[tilespmem:v41+s22+$0x0] =	vst.idx.msk $0xffff, v42;
	v41 =	vadd.s32 v39, v43  }
0x15c: {  	v42 =	vld [tilespmem:s31+$0xFFFFFFD0];
	v41 =	vor.u32 $0x3, v41;
	_ =	sdelay $0x4  }
0x15d: {  	[tilespmem:v41+s22+$0x0] =	vst.idx.msk $0xffff, v42;
	v41 =	vadd.s32 v40, v43  }
0x15e: {  	v42 =	vld [tilespmem:s31+$0xFFFFFFE0];
	v41 =	vor.u32 $0x3, v41;
	_ =	sdelay $0x3  }
0x15f: {  	s2 =	sadd.s32 $0xC, s0  }
0x160: {  	s2 =	sand.u32 $0x78, s2;
	[tilespmem:v41+s22+$0x0] =	vst.idx.msk $0xffff, v42;
	v41 =	vadd.s32 v37, v43  }
0x161: {  	v43 =	vmov s2;
	v42 =	vld [tilespmem:s31+$0xFFFFFFF0];
	v41 =	vor.u32 $0x3, v41  }
0x162: {  	v43 =	vshrl.u32 v43, $0x3  }
0x163: {  	v43 =	vshll.u32 v43, v33  }
0x164: {  	v43 =	vbroadcast v43, $0x0;
	_ =	sdelay $0x1  }
0x165: {  	[tilespmem:v41+s22+$0x0] =	vst.idx.msk $0xffff, v42;
	v41 =	vadd.s32 v38, v43  }
0x166: {  	v42 =	vld [tilespmem:s31+$0x0];
	v41 =	vor.u32 $0x4, v41;
	_ =	sdelay $0x4  }
0x167: {  	[tilespmem:v41+s22+$0x0] =	vst.idx.msk $0xffff, v42;
	v41 =	vadd.s32 v39, v43  }
0x168: {  	v42 =	vld [tilespmem:s31+$0x10];
	v41 =	vor.u32 $0x4, v41;
	_ =	sdelay $0x4  }
0x169: {  	[tilespmem:v41+s22+$0x0] =	vst.idx.msk $0xffff, v42;
	v41 =	vadd.s32 v40, v43  }
0x16a: {  	v42 =	vld [tilespmem:s31+$0x20];
	v41 =	vor.u32 $0x4, v41;
	_ =	sdelay $0x3  }
0x16b: {  	s2 =	sadd.s32 $0xD, s0  }
0x16c: {  	s2 =	sand.u32 $0x78, s2;
	[tilespmem:v41+s22+$0x0] =	vst.idx.msk $0xffff, v42;
	v41 =	vadd.s32 v37, v43  }
0x16d: {  	v43 =	vmov s2;
	v42 =	vld [tilespmem:s31+$0x30];
	v41 =	vor.u32 $0x4, v41  }
0x16e: {  	v43 =	vshrl.u32 v43, $0x3  }
0x16f: {  	v43 =	vshll.u32 v43, v33  }
0x170: {  	v43 =	vbroadcast v43, $0x0;
	_ =	sdelay $0x1  }
0x171: {  	[tilespmem:v41+s22+$0x0] =	vst.idx.msk $0xffff, v42;
	v41 =	vadd.s32 v38, v43  }
0x172: {  	v42 =	vld [tilespmem:s31+$0x40];
	v41 =	vor.u32 $0x5, v41;
	_ =	sdelay $0x4  }
0x173: {  	[tilespmem:v41+s22+$0x0] =	vst.idx.msk $0xffff, v42;
	v41 =	vadd.s32 v39, v43  }
0x174: {  	v42 =	vld [tilespmem:s31+$0x50];
	v41 =	vor.u32 $0x5, v41;
	_ =	sdelay $0x4  }
0x175: {  	[tilespmem:v41+s22+$0x0] =	vst.idx.msk $0xffff, v42;
	v41 =	vadd.s32 v40, v43  }
0x176: {  	v42 =	vld [tilespmem:s31+$0x60];
	v41 =	vor.u32 $0x5, v41;
	_ =	sdelay $0x3  }
0x177: {  	s2 =	sadd.s32 $0xE, s0  }
0x178: {  	s2 =	sand.u32 $0x78, s2;
	[tilespmem:v41+s22+$0x0] =	vst.idx.msk $0xffff, v42;
	v41 =	vadd.s32 v37, v43  }
0x179: {  	v43 =	vmov s2;
	v42 =	vld [tilespmem:s31+$0x70];
	v41 =	vor.u32 $0x5, v41  }
0x17a: {  	v43 =	vshrl.u32 v43, $0x3  }
0x17b: {  	v43 =	vshll.u32 v43, v33  }
0x17c: {  	v43 =	vbroadcast v43, $0x0;
	_ =	sdelay $0x1  }
0x17d: {  	[tilespmem:v41+s22+$0x0] =	vst.idx.msk $0xffff, v42;
	v41 =	vadd.s32 v38, v43  }
0x17e: {  	v42 =	vld [tilespmem:s31+$0x80];
	v41 =	vor.u32 $0x6, v41;
	_ =	sdelay $0x4  }
0x17f: {  	[tilespmem:v41+s22+$0x0] =	vst.idx.msk $0xffff, v42;
	v41 =	vadd.s32 v39, v43  }
0x180: {  	v42 =	vld [tilespmem:s31+$0x90];
	v41 =	vor.u32 $0x6, v41;
	_ =	sdelay $0x4  }
0x181: {  	[tilespmem:v41+s22+$0x0] =	vst.idx.msk $0xffff, v42;
	v41 =	vadd.s32 v40, v43  }
0x182: {  	v42 =	vld [tilespmem:s31+$0xA0];
	v41 =	vor.u32 $0x6, v41;
	_ =	sdelay $0x3  }
0x183: {  	s0 =	sadd.s32 $0xF, s0  }
0x184: {  	s0 =	sand.u32 $0x78, s0;
	[tilespmem:v41+s22+$0x0] =	vst.idx.msk $0xffff, v42;
	v41 =	vadd.s32 v37, v43  }
0x185: {  	v42 =	vld [tilespmem:s31+$0xB0];
	v43 =	vor.u32 $0x6, v41;
	v41 =	vmov s0  }
0x186: {  	v41 =	vshrl.u32 v41, $0x3  }
0x187: {  	v41 =	vshll.u32 v41, v33  }
0x188: {  	v41 =	vbroadcast v41, $0x0;
	_ =	sdelay $0x1  }
0x189: {  	[tilespmem:v43+s22+$0x0] =	vst.idx.msk $0xffff, v42;
	v38 =	vadd.s32 v38, v41  }
0x18a: {  	v42 =	vld [tilespmem:s31+$0xC0];
	v38 =	vor.u32 $0x7, v38;
	_ =	sdelay $0x4  }
0x18b: {  	[tilespmem:v38+s22+$0x0] =	vst.idx.msk $0xffff, v42;
	v38 =	vadd.s32 v39, v41  }
0x18c: {  	v39 =	vld [tilespmem:s31+$0xD0];
	v38 =	vor.u32 $0x7, v38;
	_ =	sdelay $0x1  }
.Ltmp0:
0x18d: {  	(pc) =	sbr.rel @p0 .LBB2_3-.Ltmp0, $3  }
0x18e: {  	_ =	sdelay $0x1  }
0x18f: {  	[tilespmem:v38+s22+$0x0] =	vst.idx.msk $0xffff, v39;
	v39 =	vadd.s32 v40, v41  }
0x190: {  	v38 =	vld [tilespmem:s31+$0xE0];
	v39 =	vor.u32 $0x7, v39  }
0x191: {  	_ =	sdelay $0x3  }
0x192: {  	v37 =	vadd.s32 v37, v41;
	[tilespmem:v39+s22+$0x0] =	vst.idx.msk $0xffff, v38  }
0x193: {  	v37 =	vor.u32 $0x7, v37;
	v38 =	vld [tilespmem:s31+$0xF0];
	_ =	sdelay $0x1  }
0x194: {  	s0 =	sshll.u32 s26, $0x15  }
0x195: {  	s0 =	sor.u32 s6, s0  }
0x196: {  	s30 =	sshrl.u32 s0, $0x3  }
0x197: {  	s2 =	simm.s32 $0x16800;
	s31 =	sadd.s32 s1, s30;
	[tilespmem:v37+s22+$0x0] =	vst.idx.msk $0xffff, v38  }
0x198: {  	[hbm4b:s31+s3] =	stream.linear.scatter [tilespmem:s2], [sflag:$0x3], $0x80, $0x38;
	[tilespmem:$0x1F000] =	vst v63  }
0x199: {  	s5 =	simm.s32 $0x16888;
	s2 =	sadd.s32 $0x10, s31  }
0x19a: {  	[hbm4b:s2+s3] =	stream.linear.scatter [tilespmem:s5], [sflag:$0x3], $0x80, $0x38;
	[tilespmem:$0x1F000] =	vst v63  }
0x19b: {  	s14 =	simm.s32 $0x16910;
	s15 =	sadd.s32 $0x20, s31  }
0x19c: {  	[hbm4b:s15+s3] =	stream.linear.scatter [tilespmem:s14], [sflag:$0x3], $0x80, $0x38;
	[tilespmem:$0x1F000] =	vst v63  }
0x19d: {  	s2 =	simm.s32 $0x16998;
	s5 =	sadd.s32 $0x30, s31  }
0x19e: {  	[hbm4b:s5+s3] =	stream.linear.scatter [tilespmem:s2], [sflag:$0x3], $0x80, $0x38;
	[tilespmem:$0x1F000] =	vst v63  }
0x19f: {  	s14 =	simm.s32 $0x16A20;
	s15 =	sadd.s32 $0x40, s31  }
0x1a0: {  	[hbm4b:s15+s3] =	stream.linear.scatter [tilespmem:s14], [sflag:$0x3], $0x80, $0x38;
	[tilespmem:$0x1F000] =	vst v63  }
0x1a1: {  	s0 =	simm.s32 $0x2200;
	s2 =	simm.s32 $0x16AA8;
	s5 =	sadd.s32 $0x50, s31  }
0x1a2: {  	[hbm4b:s5+s3] =	stream.linear.scatter [tilespmem:s2], [sflag:$0x3], $0x80, $0x38;
	[tilespmem:$0x1F000] =	vst v63  }
0x1a3: {  	s14 =	simm.s32 $0x16B30;
	s15 =	sadd.s32 $0x60, s31;
	s2 =	simm.s32 $0x11000  }
0x1a4: {  	[hbm4b:s15+s3] =	stream.linear.scatter [tilespmem:s14], [sflag:$0x3], $0x80, $0x38;
	[tilespmem:$0x1F000] =	vst v63  }
0x1a5: {  	s5 =	simm.s32 $0x16BB8;
	s14 =	sadd.s32 $0x70, s31;
	s31 =	sadd.s32 $0x80, s31  }
.LBB2_5:
0x1a6: {  	[hbm4b:s14+s3] =	stream.linear.scatter [tilespmem:s5], [sflag:$0x3], $0x80, $0x38;
	[tilespmem:$0x1F000] =	vst v63  }
0x1a7: {  	s5 =	smov.u32 s0;
	s0 =	smov.u32 s2  }
0x1a8: {  	s15 =	sadd.s32 $0x8800, s2;
	s0 =	sshra.s32 s0, $0x2;
	s14 =	sadd.s32 $0x16800, s5  }
0x1a9: {  	[hbm4b:s31+s3] =	stream.linear.scatter [tilespmem:s14], [sflag:$0x3], $0x80, $0x38;
	[tilespmem:$0x1F000] =	vst v63  }
0x1aa: {  	p0 =	sne.s32 s2, $0x19800;
	s2 =	sadd.s32 $0x16888, s5;
	s14 =	sadd.s32 $0x10, s31  }
0x1ab: {  	[hbm4b:s14+s3] =	stream.linear.scatter [tilespmem:s2], [sflag:$0x3], $0x80, $0x38;
	[tilespmem:$0x1F000] =	vst v63  }
0x1ac: {  	s2 =	sadd.s32 $0x16910, s5;
	s14 =	sadd.s32 $0x20, s31  }
0x1ad: {  	[hbm4b:s14+s3] =	stream.linear.scatter [tilespmem:s2], [sflag:$0x3], $0x80, $0x38;
	[tilespmem:$0x1F000] =	vst v63  }
0x1ae: {  	s2 =	sadd.s32 $0x16998, s5;
	s14 =	sadd.s32 $0x30, s31  }
0x1af: {  	[hbm4b:s14+s3] =	stream.linear.scatter [tilespmem:s2], [sflag:$0x3], $0x80, $0x38;
	[tilespmem:$0x1F000] =	vst v63  }
0x1b0: {  	s2 =	sadd.s32 $0x16A20, s5;
	s14 =	sadd.s32 $0x40, s31  }
0x1b1: {  	[hbm4b:s14+s3] =	stream.linear.scatter [tilespmem:s2], [sflag:$0x3], $0x80, $0x38;
	[tilespmem:$0x1F000] =	vst v63  }
.Ltmp1:
0x1b2: {  	s2 =	sadd.s32 $0x16AA8, s5;
	s14 =	sadd.s32 $0x50, s31;
	(pc) =	sbr.rel @p0 .LBB2_5-.Ltmp1, $4  }
0x1b3: {  	[hbm4b:s14+s3] =	stream.linear.scatter [tilespmem:s2], [sflag:$0x3], $0x80, $0x38;
	[tilespmem:$0x1F000] =	vst v63  }
0x1b4: {  	s2 =	sadd.s32 $0x16B30, s5;
	s14 =	sadd.s32 $0x60, s31;
	s5 =	sadd.s32 $0x16BB8, s5  }
0x1b5: {  	[hbm4b:s14+s3] =	stream.linear.scatter [tilespmem:s2], [sflag:$0x3], $0x80, $0x38;
	[tilespmem:$0x1F000] =	vst v63  }
0x1b6: {  	s14 =	sadd.s32 $0x70, s31;
	s31 =	sadd.s32 $0x80, s31;
	s2 =	smov.u32 s15  }
0x1b7: {  	[hbm4b:s14+s3] =	stream.linear.scatter [tilespmem:s5], [sflag:$0x3], $0x80, $0x38;
	[tilespmem:$0x1F000] =	vst v63  }
0x1b8: {  	s2 =	sadd.s32 $0x16800, s0  }
0x1b9: {  	[hbm4b:s31+s3] =	stream.linear.scatter [tilespmem:s2], [sflag:$0x3], $0x80, $0x38;
	[tilespmem:$0x1F000] =	vst v63  }
0x1ba: {  	s14 =	sadd.s32 $0x16888, s0;
	s15 =	sadd.s32 $0x10, s31  }
0x1bb: {  	[hbm4b:s15+s3] =	stream.linear.scatter [tilespmem:s14], [sflag:$0x3], $0x80, $0x38;
	[tilespmem:$0x1F000] =	vst v63  }
0x1bc: {  	s14 =	sadd.s32 $0x16910, s0;
	s15 =	sadd.s32 $0x20, s31  }
0x1bd: {  	[hbm4b:s15+s3] =	stream.linear.scatter [tilespmem:s14], [sflag:$0x3], $0x80, $0x38;
	[tilespmem:$0x1F000] =	vst v63  }
0x1be: {  	s14 =	sadd.s32 $0x16998, s0;
	s15 =	sadd.s32 $0x30, s31  }
0x1bf: {  	[hbm4b:s15+s3] =	stream.linear.scatter [tilespmem:s14], [sflag:$0x3], $0x80, $0x38;
	[tilespmem:$0x1F000] =	vst v63  }
0x1c0: {  	s14 =	sadd.s32 $0x16A20, s0;
	s15 =	sadd.s32 $0x40, s31  }
0x1c1: {  	[hbm4b:s15+s3] =	stream.linear.scatter [tilespmem:s14], [sflag:$0x3], $0x80, $0x38;
	[tilespmem:$0x1F000] =	vst v63  }
0x1c2: {  	s14 =	sadd.s32 $0x16AA8, s0;
	s15 =	sadd.s32 $0x50, s31  }
0x1c3: {  	[hbm4b:s15+s3] =	stream.linear.scatter [tilespmem:s14], [sflag:$0x3], $0x80, $0x38;
	[tilespmem:$0x1F000] =	vst v63  }
0x1c4: {  	s14 =	sadd.s32 $0x16B30, s0;
	s15 =	sadd.s32 $0x60, s31  }
0x1c5: {  	[hbm4b:s15+s3] =	stream.linear.scatter [tilespmem:s14], [sflag:$0x3], $0x80, $0x38;
	[tilespmem:$0x1F000] =	vst v63  }
0x1c6: {  	s14 =	sadd.s32 $0x16BB8, s0;
	s15 =	sadd.s32 $0x70, s31  }
0x1c7: {  	[hbm4b:s15+s3] =	stream.linear.scatter [tilespmem:s14], [sflag:$0x3], $0x80, $0x38;
	[tilespmem:$0x1F000] =	vst v63  }
0x1c8: {  	s2 =	simm.s32 $0x16C40;
	s15 =	sadd.s32 s30, s7  }
0x1c9: {  	[hbm4b:s15+s3] =	stream.linear.scatter [tilespmem:s2], [sflag:$0x3], $0x80, $0x38;
	[tilespmem:$0x1F000] =	vst v63  }
0x1ca: {  	s5 =	simm.s32 $0x16CC8;
	s14 =	sadd.s32 $0x10, s15  }
0x1cb: {  	[hbm4b:s14+s3] =	stream.linear.scatter [tilespmem:s5], [sflag:$0x3], $0x80, $0x38;
	[tilespmem:$0x1F000] =	vst v63  }
0x1cc: {  	s5 =	simm.s32 $0x16D50;
	s14 =	sadd.s32 $0x20, s15  }
0x1cd: {  	[hbm4b:s14+s3] =	stream.linear.scatter [tilespmem:s5], [sflag:$0x3], $0x80, $0x38;
	[tilespmem:$0x1F000] =	vst v63  }
0x1ce: {  	s5 =	simm.s32 $0x16DD8;
	s14 =	sadd.s32 $0x30, s15  }
0x1cf: {  	[hbm4b:s14+s3] =	stream.linear.scatter [tilespmem:s5], [sflag:$0x3], $0x80, $0x38;
	[tilespmem:$0x1F000] =	vst v63  }
0x1d0: {  	s5 =	simm.s32 $0x16E60;
	s14 =	sadd.s32 $0x40, s15  }
0x1d1: {  	[hbm4b:s14+s3] =	stream.linear.scatter [tilespmem:s5], [sflag:$0x3], $0x80, $0x38;
	[tilespmem:$0x1F000] =	vst v63  }
0x1d2: {  	s0 =	simm.s32 $0x2200;
	s5 =	simm.s32 $0x16EE8;
	s14 =	sadd.s32 $0x50, s15  }
0x1d3: {  	[hbm4b:s14+s3] =	stream.linear.scatter [tilespmem:s5], [sflag:$0x3], $0x80, $0x38;
	[tilespmem:$0x1F000] =	vst v63  }
0x1d4: {  	s31 =	sadd.s32 $0x80, s15;
	s5 =	simm.s32 $0x16F70;
	s14 =	sadd.s32 $0x60, s15  }
0x1d5: {  	[hbm4b:s14+s3] =	stream.linear.scatter [tilespmem:s5], [sflag:$0x3], $0x80, $0x38;
	[tilespmem:$0x1F000] =	vst v63  }
0x1d6: {  	s2 =	simm.s32 $0x11000;
	s5 =	simm.s32 $0x16FF8;
	s14 =	sadd.s32 $0x70, s15  }
.LBB2_7:
0x1d7: {  	[hbm4b:s14+s3] =	stream.linear.scatter [tilespmem:s5], [sflag:$0x3], $0x80, $0x38;
	[tilespmem:$0x1F000] =	vst v63  }
0x1d8: {  	s5 =	smov.u32 s0;
	s0 =	smov.u32 s2  }
0x1d9: {  	s15 =	sadd.s32 $0x8800, s2;
	s0 =	sshra.s32 s0, $0x2;
	s14 =	sadd.s32 $0x16C40, s5  }
0x1da: {  	[hbm4b:s31+s3] =	stream.linear.scatter [tilespmem:s14], [sflag:$0x3], $0x80, $0x38;
	[tilespmem:$0x1F000] =	vst v63  }
0x1db: {  	p0 =	sne.s32 s2, $0x19800;
	s2 =	sadd.s32 $0x16CC8, s5;
	s14 =	sadd.s32 $0x10, s31  }
0x1dc: {  	[hbm4b:s14+s3] =	stream.linear.scatter [tilespmem:s2], [sflag:$0x3], $0x80, $0x38;
	[tilespmem:$0x1F000] =	vst v63  }
0x1dd: {  	s2 =	sadd.s32 $0x16D50, s5;
	s14 =	sadd.s32 $0x20, s31  }
0x1de: {  	[hbm4b:s14+s3] =	stream.linear.scatter [tilespmem:s2], [sflag:$0x3], $0x80, $0x38;
	[tilespmem:$0x1F000] =	vst v63  }
0x1df: {  	s2 =	sadd.s32 $0x16DD8, s5;
	s14 =	sadd.s32 $0x30, s31  }
0x1e0: {  	[hbm4b:s14+s3] =	stream.linear.scatter [tilespmem:s2], [sflag:$0x3], $0x80, $0x38;
	[tilespmem:$0x1F000] =	vst v63  }
0x1e1: {  	s2 =	sadd.s32 $0x16E60, s5;
	s14 =	sadd.s32 $0x40, s31  }
0x1e2: {  	[hbm4b:s14+s3] =	stream.linear.scatter [tilespmem:s2], [sflag:$0x3], $0x80, $0x38;
	[tilespmem:$0x1F000] =	vst v63  }
.Ltmp2:
0x1e3: {  	s2 =	sadd.s32 $0x16EE8, s5;
	s14 =	sadd.s32 $0x50, s31;
	(pc) =	sbr.rel @p0 .LBB2_7-.Ltmp2, $4  }
0x1e4: {  	[hbm4b:s14+s3] =	stream.linear.scatter [tilespmem:s2], [sflag:$0x3], $0x80, $0x38;
	[tilespmem:$0x1F000] =	vst v63  }
0x1e5: {  	s2 =	sadd.s32 $0x16F70, s5;
	s14 =	sadd.s32 $0x60, s31;
	s5 =	sadd.s32 $0x16FF8, s5  }
0x1e6: {  	[hbm4b:s14+s3] =	stream.linear.scatter [tilespmem:s2], [sflag:$0x3], $0x80, $0x38;
	[tilespmem:$0x1F000] =	vst v63  }
0x1e7: {  	s14 =	sadd.s32 $0x70, s31;
	s31 =	sadd.s32 $0x80, s31;
	s2 =	smov.u32 s15  }
0x1e8: {  	[hbm4b:s14+s3] =	stream.linear.scatter [tilespmem:s5], [sflag:$0x3], $0x80, $0x38;
	[tilespmem:$0x1F000] =	vst v63  }
0x1e9: {  	s2 =	sadd.s32 $0x16C40, s0  }
0x1ea: {  	[hbm4b:s31+s3] =	stream.linear.scatter [tilespmem:s2], [sflag:$0x3], $0x80, $0x38;
	[tilespmem:$0x1F000] =	vst v63  }
0x1eb: {  	s14 =	sadd.s32 $0x16CC8, s0;
	s15 =	sadd.s32 $0x10, s31  }
0x1ec: {  	[hbm4b:s15+s3] =	stream.linear.scatter [tilespmem:s14], [sflag:$0x3], $0x80, $0x38;
	[tilespmem:$0x1F000] =	vst v63  }
0x1ed: {  	s14 =	sadd.s32 $0x16D50, s0;
	s15 =	sadd.s32 $0x20, s31  }
0x1ee: {  	[hbm4b:s15+s3] =	stream.linear.scatter [tilespmem:s14], [sflag:$0x3], $0x80, $0x38;
	[tilespmem:$0x1F000] =	vst v63  }
0x1ef: {  	s14 =	sadd.s32 $0x16DD8, s0;
	s15 =	sadd.s32 $0x30, s31  }
0x1f0: {  	[hbm4b:s15+s3] =	stream.linear.scatter [tilespmem:s14], [sflag:$0x3], $0x80, $0x38;
	[tilespmem:$0x1F000] =	vst v63  }
0x1f1: {  	s14 =	sadd.s32 $0x16E60, s0;
	s15 =	sadd.s32 $0x40, s31  }
0x1f2: {  	[hbm4b:s15+s3] =	stream.linear.scatter [tilespmem:s14], [sflag:$0x3], $0x80, $0x38;
	[tilespmem:$0x1F000] =	vst v63  }
0x1f3: {  	s14 =	sadd.s32 $0x16EE8, s0;
	s15 =	sadd.s32 $0x50, s31  }
0x1f4: {  	[hbm4b:s15+s3] =	stream.linear.scatter [tilespmem:s14], [sflag:$0x3], $0x80, $0x38;
	[tilespmem:$0x1F000] =	vst v63  }
0x1f5: {  	s14 =	sadd.s32 $0x16F70, s0;
	s15 =	sadd.s32 $0x60, s31  }
0x1f6: {  	[hbm4b:s15+s3] =	stream.linear.scatter [tilespmem:s14], [sflag:$0x3], $0x80, $0x38;
	[tilespmem:$0x1F000] =	vst v63  }
0x1f7: {  	s14 =	sadd.s32 $0x16FF8, s0;
	s15 =	sadd.s32 $0x70, s31  }
0x1f8: {  	[hbm4b:s15+s3] =	stream.linear.scatter [tilespmem:s14], [sflag:$0x3], $0x80, $0x38;
	[tilespmem:$0x1F000] =	vst v63  }
0x1f9: {  	s2 =	simm.s32 $0x17080;
	s15 =	sadd.s32 s30, s8  }
0x1fa: {  	[hbm4b:s15+s3] =	stream.linear.scatter [tilespmem:s2], [sflag:$0x3], $0x80, $0x38;
	[tilespmem:$0x1F000] =	vst v63  }
0x1fb: {  	s5 =	simm.s32 $0x17108;
	s14 =	sadd.s32 $0x10, s15  }
0x1fc: {  	[hbm4b:s14+s3] =	stream.linear.scatter [tilespmem:s5], [sflag:$0x3], $0x80, $0x38;
	[tilespmem:$0x1F000] =	vst v63  }
0x1fd: {  	s5 =	simm.s32 $0x17190;
	s14 =	sadd.s32 $0x20, s15  }
0x1fe: {  	[hbm4b:s14+s3] =	stream.linear.scatter [tilespmem:s5], [sflag:$0x3], $0x80, $0x38;
	[tilespmem:$0x1F000] =	vst v63  }
0x1ff: {  	s5 =	simm.s32 $0x17218;
	s14 =	sadd.s32 $0x30, s15  }
0x200: {  	[hbm4b:s14+s3] =	stream.linear.scatter [tilespmem:s5], [sflag:$0x3], $0x80, $0x38;
	[tilespmem:$0x1F000] =	vst v63  }
0x201: {  	s5 =	simm.s32 $0x172A0;
	s14 =	sadd.s32 $0x40, s15  }
0x202: {  	[hbm4b:s14+s3] =	stream.linear.scatter [tilespmem:s5], [sflag:$0x3], $0x80, $0x38;
	[tilespmem:$0x1F000] =	vst v63  }
0x203: {  	s0 =	simm.s32 $0x2200;
	s5 =	simm.s32 $0x17328;
	s14 =	sadd.s32 $0x50, s15  }
0x204: {  	[hbm4b:s14+s3] =	stream.linear.scatter [tilespmem:s5], [sflag:$0x3], $0x80, $0x38;
	[tilespmem:$0x1F000] =	vst v63  }
0x205: {  	s31 =	sadd.s32 $0x80, s15;
	s5 =	simm.s32 $0x173B0;
	s14 =	sadd.s32 $0x60, s15  }
0x206: {  	[hbm4b:s14+s3] =	stream.linear.scatter [tilespmem:s5], [sflag:$0x3], $0x80, $0x38;
	[tilespmem:$0x1F000] =	vst v63  }
0x207: {  	s2 =	simm.s32 $0x11000;
	s5 =	simm.s32 $0x17438;
	s14 =	sadd.s32 $0x70, s15  }
.LBB2_9:
0x208: {  	[hbm4b:s14+s3] =	stream.linear.scatter [tilespmem:s5], [sflag:$0x3], $0x80, $0x38;
	[tilespmem:$0x1F000] =	vst v63  }
0x209: {  	s5 =	smov.u32 s0;
	s0 =	smov.u32 s2  }
0x20a: {  	s15 =	sadd.s32 $0x8800, s2;
	s0 =	sshra.s32 s0, $0x2;
	s14 =	sadd.s32 $0x17080, s5  }
0x20b: {  	[hbm4b:s31+s3] =	stream.linear.scatter [tilespmem:s14], [sflag:$0x3], $0x80, $0x38;
	[tilespmem:$0x1F000] =	vst v63  }
0x20c: {  	p0 =	sne.s32 s2, $0x19800;
	s2 =	sadd.s32 $0x17108, s5;
	s14 =	sadd.s32 $0x10, s31  }
0x20d: {  	[hbm4b:s14+s3] =	stream.linear.scatter [tilespmem:s2], [sflag:$0x3], $0x80, $0x38;
	[tilespmem:$0x1F000] =	vst v63  }
0x20e: {  	s2 =	sadd.s32 $0x17190, s5;
	s14 =	sadd.s32 $0x20, s31  }
0x20f: {  	[hbm4b:s14+s3] =	stream.linear.scatter [tilespmem:s2], [sflag:$0x3], $0x80, $0x38;
	[tilespmem:$0x1F000] =	vst v63  }
0x210: {  	s2 =	sadd.s32 $0x17218, s5;
	s14 =	sadd.s32 $0x30, s31  }
0x211: {  	[hbm4b:s14+s3] =	stream.linear.scatter [tilespmem:s2], [sflag:$0x3], $0x80, $0x38;
	[tilespmem:$0x1F000] =	vst v63  }
0x212: {  	s2 =	sadd.s32 $0x172A0, s5;
	s14 =	sadd.s32 $0x40, s31  }
0x213: {  	[hbm4b:s14+s3] =	stream.linear.scatter [tilespmem:s2], [sflag:$0x3], $0x80, $0x38;
	[tilespmem:$0x1F000] =	vst v63  }
.Ltmp3:
0x214: {  	s2 =	sadd.s32 $0x17328, s5;
	s14 =	sadd.s32 $0x50, s31;
	(pc) =	sbr.rel @p0 .LBB2_9-.Ltmp3, $4  }
0x215: {  	[hbm4b:s14+s3] =	stream.linear.scatter [tilespmem:s2], [sflag:$0x3], $0x80, $0x38;
	[tilespmem:$0x1F000] =	vst v63  }
0x216: {  	s2 =	sadd.s32 $0x173B0, s5;
	s14 =	sadd.s32 $0x60, s31;
	s5 =	sadd.s32 $0x17438, s5  }
0x217: {  	[hbm4b:s14+s3] =	stream.linear.scatter [tilespmem:s2], [sflag:$0x3], $0x80, $0x38;
	[tilespmem:$0x1F000] =	vst v63  }
0x218: {  	s14 =	sadd.s32 $0x70, s31;
	s31 =	sadd.s32 $0x80, s31;
	s2 =	smov.u32 s15  }
0x219: {  	[hbm4b:s14+s3] =	stream.linear.scatter [tilespmem:s5], [sflag:$0x3], $0x80, $0x38;
	[tilespmem:$0x1F000] =	vst v63  }
0x21a: {  	s2 =	sadd.s32 $0x17080, s0  }
0x21b: {  	[hbm4b:s31+s3] =	stream.linear.scatter [tilespmem:s2], [sflag:$0x3], $0x80, $0x38;
	[tilespmem:$0x1F000] =	vst v63  }
0x21c: {  	s14 =	sadd.s32 $0x17108, s0;
	s15 =	sadd.s32 $0x10, s31  }
0x21d: {  	[hbm4b:s15+s3] =	stream.linear.scatter [tilespmem:s14], [sflag:$0x3], $0x80, $0x38;
	[tilespmem:$0x1F000] =	vst v63  }
0x21e: {  	s14 =	sadd.s32 $0x17190, s0;
	s15 =	sadd.s32 $0x20, s31  }
0x21f: {  	[hbm4b:s15+s3] =	stream.linear.scatter [tilespmem:s14], [sflag:$0x3], $0x80, $0x38;
	[tilespmem:$0x1F000] =	vst v63  }
0x220: {  	s14 =	sadd.s32 $0x17218, s0;
	s15 =	sadd.s32 $0x30, s31  }
0x221: {  	[hbm4b:s15+s3] =	stream.linear.scatter [tilespmem:s14], [sflag:$0x3], $0x80, $0x38;
	[tilespmem:$0x1F000] =	vst v63  }
0x222: {  	s14 =	sadd.s32 $0x172A0, s0;
	s15 =	sadd.s32 $0x40, s31  }
0x223: {  	[hbm4b:s15+s3] =	stream.linear.scatter [tilespmem:s14], [sflag:$0x3], $0x80, $0x38;
	[tilespmem:$0x1F000] =	vst v63  }
0x224: {  	s14 =	sadd.s32 $0x17328, s0;
	s15 =	sadd.s32 $0x50, s31  }
0x225: {  	[hbm4b:s15+s3] =	stream.linear.scatter [tilespmem:s14], [sflag:$0x3], $0x80, $0x38;
	[tilespmem:$0x1F000] =	vst v63  }
0x226: {  	s14 =	sadd.s32 $0x173B0, s0;
	s15 =	sadd.s32 $0x60, s31  }
0x227: {  	[hbm4b:s15+s3] =	stream.linear.scatter [tilespmem:s14], [sflag:$0x3], $0x80, $0x38;
	[tilespmem:$0x1F000] =	vst v63  }
0x228: {  	s14 =	sadd.s32 $0x17438, s0;
	s15 =	sadd.s32 $0x70, s31  }
0x229: {  	[hbm4b:s15+s3] =	stream.linear.scatter [tilespmem:s14], [sflag:$0x3], $0x80, $0x38;
	[tilespmem:$0x1F000] =	vst v63  }
0x22a: {  	s2 =	simm.s32 $0x174C0;
	s15 =	sadd.s32 s30, s9  }
0x22b: {  	[hbm4b:s15+s3] =	stream.linear.scatter [tilespmem:s2], [sflag:$0x3], $0x80, $0x38;
	[tilespmem:$0x1F000] =	vst v63  }
0x22c: {  	s5 =	simm.s32 $0x17548;
	s14 =	sadd.s32 $0x10, s15  }
0x22d: {  	[hbm4b:s14+s3] =	stream.linear.scatter [tilespmem:s5], [sflag:$0x3], $0x80, $0x38;
	[tilespmem:$0x1F000] =	vst v63  }
0x22e: {  	s5 =	simm.s32 $0x175D0;
	s14 =	sadd.s32 $0x20, s15  }
0x22f: {  	[hbm4b:s14+s3] =	stream.linear.scatter [tilespmem:s5], [sflag:$0x3], $0x80, $0x38;
	[tilespmem:$0x1F000] =	vst v63  }
0x230: {  	s5 =	simm.s32 $0x17658;
	s14 =	sadd.s32 $0x30, s15  }
0x231: {  	[hbm4b:s14+s3] =	stream.linear.scatter [tilespmem:s5], [sflag:$0x3], $0x80, $0x38;
	[tilespmem:$0x1F000] =	vst v63  }
0x232: {  	s5 =	simm.s32 $0x176E0;
	s14 =	sadd.s32 $0x40, s15  }
0x233: {  	[hbm4b:s14+s3] =	stream.linear.scatter [tilespmem:s5], [sflag:$0x3], $0x80, $0x38;
	[tilespmem:$0x1F000] =	vst v63  }
0x234: {  	s0 =	simm.s32 $0x2200;
	s5 =	simm.s32 $0x17768;
	s14 =	sadd.s32 $0x50, s15  }
0x235: {  	[hbm4b:s14+s3] =	stream.linear.scatter [tilespmem:s5], [sflag:$0x3], $0x80, $0x38;
	[tilespmem:$0x1F000] =	vst v63  }
0x236: {  	s31 =	sadd.s32 $0x80, s15;
	s5 =	simm.s32 $0x177F0;
	s14 =	sadd.s32 $0x60, s15  }
0x237: {  	[hbm4b:s14+s3] =	stream.linear.scatter [tilespmem:s5], [sflag:$0x3], $0x80, $0x38;
	[tilespmem:$0x1F000] =	vst v63  }
0x238: {  	s2 =	simm.s32 $0x11000;
	s5 =	simm.s32 $0x17878;
	s14 =	sadd.s32 $0x70, s15  }
.LBB2_11:
0x239: {  	[hbm4b:s14+s3] =	stream.linear.scatter [tilespmem:s5], [sflag:$0x3], $0x80, $0x38;
	[tilespmem:$0x1F000] =	vst v63  }
0x23a: {  	s5 =	smov.u32 s0;
	s0 =	smov.u32 s2  }
0x23b: {  	s15 =	sadd.s32 $0x8800, s2;
	s0 =	sshra.s32 s0, $0x2;
	s14 =	sadd.s32 $0x174C0, s5  }
0x23c: {  	[hbm4b:s31+s3] =	stream.linear.scatter [tilespmem:s14], [sflag:$0x3], $0x80, $0x38;
	[tilespmem:$0x1F000] =	vst v63  }
0x23d: {  	p0 =	sne.s32 s2, $0x19800;
	s2 =	sadd.s32 $0x17548, s5;
	s14 =	sadd.s32 $0x10, s31  }
0x23e: {  	[hbm4b:s14+s3] =	stream.linear.scatter [tilespmem:s2], [sflag:$0x3], $0x80, $0x38;
	[tilespmem:$0x1F000] =	vst v63  }
0x23f: {  	s2 =	sadd.s32 $0x175D0, s5;
	s14 =	sadd.s32 $0x20, s31  }
0x240: {  	[hbm4b:s14+s3] =	stream.linear.scatter [tilespmem:s2], [sflag:$0x3], $0x80, $0x38;
	[tilespmem:$0x1F000] =	vst v63  }
0x241: {  	s2 =	sadd.s32 $0x17658, s5;
	s14 =	sadd.s32 $0x30, s31  }
0x242: {  	[hbm4b:s14+s3] =	stream.linear.scatter [tilespmem:s2], [sflag:$0x3], $0x80, $0x38;
	[tilespmem:$0x1F000] =	vst v63  }
0x243: {  	s2 =	sadd.s32 $0x176E0, s5;
	s14 =	sadd.s32 $0x40, s31  }
0x244: {  	[hbm4b:s14+s3] =	stream.linear.scatter [tilespmem:s2], [sflag:$0x3], $0x80, $0x38;
	[tilespmem:$0x1F000] =	vst v63  }
.Ltmp4:
0x245: {  	s2 =	sadd.s32 $0x17768, s5;
	s14 =	sadd.s32 $0x50, s31;
	(pc) =	sbr.rel @p0 .LBB2_11-.Ltmp4, $4  }
0x246: {  	[hbm4b:s14+s3] =	stream.linear.scatter [tilespmem:s2], [sflag:$0x3], $0x80, $0x38;
	[tilespmem:$0x1F000] =	vst v63  }
0x247: {  	s2 =	sadd.s32 $0x177F0, s5;
	s14 =	sadd.s32 $0x60, s31;
	s5 =	sadd.s32 $0x17878, s5  }
0x248: {  	[hbm4b:s14+s3] =	stream.linear.scatter [tilespmem:s2], [sflag:$0x3], $0x80, $0x38;
	[tilespmem:$0x1F000] =	vst v63  }
0x249: {  	s14 =	sadd.s32 $0x70, s31;
	s31 =	sadd.s32 $0x80, s31;
	s2 =	smov.u32 s15  }
0x24a: {  	[hbm4b:s14+s3] =	stream.linear.scatter [tilespmem:s5], [sflag:$0x3], $0x80, $0x38;
	[tilespmem:$0x1F000] =	vst v63  }
0x24b: {  	s2 =	sadd.s32 $0x174C0, s0  }
0x24c: {  	[hbm4b:s31+s3] =	stream.linear.scatter [tilespmem:s2], [sflag:$0x3], $0x80, $0x38;
	[tilespmem:$0x1F000] =	vst v63  }
0x24d: {  	s14 =	sadd.s32 $0x17548, s0;
	s15 =	sadd.s32 $0x10, s31  }
0x24e: {  	[hbm4b:s15+s3] =	stream.linear.scatter [tilespmem:s14], [sflag:$0x3], $0x80, $0x38;
	[tilespmem:$0x1F000] =	vst v63  }
0x24f: {  	s14 =	sadd.s32 $0x175D0, s0;
	s15 =	sadd.s32 $0x20, s31  }
0x250: {  	[hbm4b:s15+s3] =	stream.linear.scatter [tilespmem:s14], [sflag:$0x3], $0x80, $0x38;
	[tilespmem:$0x1F000] =	vst v63  }
0x251: {  	s14 =	sadd.s32 $0x17658, s0;
	s15 =	sadd.s32 $0x30, s31  }
0x252: {  	[hbm4b:s15+s3] =	stream.linear.scatter [tilespmem:s14], [sflag:$0x3], $0x80, $0x38;
	[tilespmem:$0x1F000] =	vst v63  }
0x253: {  	s14 =	sadd.s32 $0x176E0, s0;
	s15 =	sadd.s32 $0x40, s31  }
0x254: {  	[hbm4b:s15+s3] =	stream.linear.scatter [tilespmem:s14], [sflag:$0x3], $0x80, $0x38;
	[tilespmem:$0x1F000] =	vst v63  }
0x255: {  	s14 =	sadd.s32 $0x17768, s0;
	s15 =	sadd.s32 $0x50, s31  }
0x256: {  	[hbm4b:s15+s3] =	stream.linear.scatter [tilespmem:s14], [sflag:$0x3], $0x80, $0x38;
	[tilespmem:$0x1F000] =	vst v63  }
0x257: {  	s14 =	sadd.s32 $0x177F0, s0;
	s15 =	sadd.s32 $0x60, s31  }
0x258: {  	[hbm4b:s15+s3] =	stream.linear.scatter [tilespmem:s14], [sflag:$0x3], $0x80, $0x38;
	[tilespmem:$0x1F000] =	vst v63  }
0x259: {  	s14 =	sadd.s32 $0x17878, s0;
	s15 =	sadd.s32 $0x70, s31  }
0x25a: {  	[hbm4b:s15+s3] =	stream.linear.scatter [tilespmem:s14], [sflag:$0x3], $0x80, $0x38;
	[tilespmem:$0x1F000] =	vst v63  }
0x25b: {  	s2 =	simm.s32 $0x17900;
	s15 =	sadd.s32 s30, s10  }
0x25c: {  	[hbm4b:s15+s3] =	stream.linear.scatter [tilespmem:s2], [sflag:$0x3], $0x80, $0x38;
	[tilespmem:$0x1F000] =	vst v63  }
0x25d: {  	s5 =	simm.s32 $0x17988;
	s14 =	sadd.s32 $0x10, s15  }
0x25e: {  	[hbm4b:s14+s3] =	stream.linear.scatter [tilespmem:s5], [sflag:$0x3], $0x80, $0x38;
	[tilespmem:$0x1F000] =	vst v63  }
0x25f: {  	s5 =	simm.s32 $0x17A10;
	s14 =	sadd.s32 $0x20, s15  }
0x260: {  	[hbm4b:s14+s3] =	stream.linear.scatter [tilespmem:s5], [sflag:$0x3], $0x80, $0x38;
	[tilespmem:$0x1F000] =	vst v63  }
0x261: {  	s5 =	simm.s32 $0x17A98;
	s14 =	sadd.s32 $0x30, s15  }
0x262: {  	[hbm4b:s14+s3] =	stream.linear.scatter [tilespmem:s5], [sflag:$0x3], $0x80, $0x38;
	[tilespmem:$0x1F000] =	vst v63  }
0x263: {  	s5 =	simm.s32 $0x17B20;
	s14 =	sadd.s32 $0x40, s15  }
0x264: {  	[hbm4b:s14+s3] =	stream.linear.scatter [tilespmem:s5], [sflag:$0x3], $0x80, $0x38;
	[tilespmem:$0x1F000] =	vst v63  }
0x265: {  	s0 =	simm.s32 $0x2200;
	s5 =	simm.s32 $0x17BA8;
	s14 =	sadd.s32 $0x50, s15  }
0x266: {  	[hbm4b:s14+s3] =	stream.linear.scatter [tilespmem:s5], [sflag:$0x3], $0x80, $0x38;
	[tilespmem:$0x1F000] =	vst v63  }
0x267: {  	s31 =	sadd.s32 $0x80, s15;
	s5 =	simm.s32 $0x17C30;
	s14 =	sadd.s32 $0x60, s15  }
0x268: {  	[hbm4b:s14+s3] =	stream.linear.scatter [tilespmem:s5], [sflag:$0x3], $0x80, $0x38;
	[tilespmem:$0x1F000] =	vst v63  }
0x269: {  	s2 =	simm.s32 $0x11000;
	s5 =	simm.s32 $0x17CB8;
	s14 =	sadd.s32 $0x70, s15  }
.LBB2_13:
0x26a: {  	[hbm4b:s14+s3] =	stream.linear.scatter [tilespmem:s5], [sflag:$0x3], $0x80, $0x38;
	[tilespmem:$0x1F000] =	vst v63  }
0x26b: {  	s5 =	smov.u32 s0;
	s0 =	smov.u32 s2  }
0x26c: {  	s15 =	sadd.s32 $0x8800, s2;
	s0 =	sshra.s32 s0, $0x2;
	s14 =	sadd.s32 $0x17900, s5  }
0x26d: {  	[hbm4b:s31+s3] =	stream.linear.scatter [tilespmem:s14], [sflag:$0x3], $0x80, $0x38;
	[tilespmem:$0x1F000] =	vst v63  }
0x26e: {  	p0 =	sne.s32 s2, $0x19800;
	s2 =	sadd.s32 $0x17988, s5;
	s14 =	sadd.s32 $0x10, s31  }
0x26f: {  	[hbm4b:s14+s3] =	stream.linear.scatter [tilespmem:s2], [sflag:$0x3], $0x80, $0x38;
	[tilespmem:$0x1F000] =	vst v63  }
0x270: {  	s2 =	sadd.s32 $0x17A10, s5;
	s14 =	sadd.s32 $0x20, s31  }
0x271: {  	[hbm4b:s14+s3] =	stream.linear.scatter [tilespmem:s2], [sflag:$0x3], $0x80, $0x38;
	[tilespmem:$0x1F000] =	vst v63  }
0x272: {  	s2 =	sadd.s32 $0x17A98, s5;
	s14 =	sadd.s32 $0x30, s31  }
0x273: {  	[hbm4b:s14+s3] =	stream.linear.scatter [tilespmem:s2], [sflag:$0x3], $0x80, $0x38;
	[tilespmem:$0x1F000] =	vst v63  }
0x274: {  	s2 =	sadd.s32 $0x17B20, s5;
	s14 =	sadd.s32 $0x40, s31  }
0x275: {  	[hbm4b:s14+s3] =	stream.linear.scatter [tilespmem:s2], [sflag:$0x3], $0x80, $0x38;
	[tilespmem:$0x1F000] =	vst v63  }
.Ltmp5:
0x276: {  	s2 =	sadd.s32 $0x17BA8, s5;
	s14 =	sadd.s32 $0x50, s31;
	(pc) =	sbr.rel @p0 .LBB2_13-.Ltmp5, $4  }
0x277: {  	[hbm4b:s14+s3] =	stream.linear.scatter [tilespmem:s2], [sflag:$0x3], $0x80, $0x38;
	[tilespmem:$0x1F000] =	vst v63  }
0x278: {  	s2 =	sadd.s32 $0x17C30, s5;
	s14 =	sadd.s32 $0x60, s31;
	s5 =	sadd.s32 $0x17CB8, s5  }
0x279: {  	[hbm4b:s14+s3] =	stream.linear.scatter [tilespmem:s2], [sflag:$0x3], $0x80, $0x38;
	[tilespmem:$0x1F000] =	vst v63  }
0x27a: {  	s14 =	sadd.s32 $0x70, s31;
	s31 =	sadd.s32 $0x80, s31;
	s2 =	smov.u32 s15  }
0x27b: {  	[hbm4b:s14+s3] =	stream.linear.scatter [tilespmem:s5], [sflag:$0x3], $0x80, $0x38;
	[tilespmem:$0x1F000] =	vst v63  }
0x27c: {  	s2 =	sadd.s32 $0x17900, s0  }
0x27d: {  	[hbm4b:s31+s3] =	stream.linear.scatter [tilespmem:s2], [sflag:$0x3], $0x80, $0x38;
	[tilespmem:$0x1F000] =	vst v63  }
0x27e: {  	s14 =	sadd.s32 $0x17988, s0;
	s15 =	sadd.s32 $0x10, s31  }
0x27f: {  	[hbm4b:s15+s3] =	stream.linear.scatter [tilespmem:s14], [sflag:$0x3], $0x80, $0x38;
	[tilespmem:$0x1F000] =	vst v63  }
0x280: {  	s14 =	sadd.s32 $0x17A10, s0;
	s15 =	sadd.s32 $0x20, s31  }
0x281: {  	[hbm4b:s15+s3] =	stream.linear.scatter [tilespmem:s14], [sflag:$0x3], $0x80, $0x38;
	[tilespmem:$0x1F000] =	vst v63  }
0x282: {  	s14 =	sadd.s32 $0x17A98, s0;
	s15 =	sadd.s32 $0x30, s31  }
0x283: {  	[hbm4b:s15+s3] =	stream.linear.scatter [tilespmem:s14], [sflag:$0x3], $0x80, $0x38;
	[tilespmem:$0x1F000] =	vst v63  }
0x284: {  	s14 =	sadd.s32 $0x17B20, s0;
	s15 =	sadd.s32 $0x40, s31  }
0x285: {  	[hbm4b:s15+s3] =	stream.linear.scatter [tilespmem:s14], [sflag:$0x3], $0x80, $0x38;
	[tilespmem:$0x1F000] =	vst v63  }
0x286: {  	s14 =	sadd.s32 $0x17BA8, s0;
	s15 =	sadd.s32 $0x50, s31  }
0x287: {  	[hbm4b:s15+s3] =	stream.linear.scatter [tilespmem:s14], [sflag:$0x3], $0x80, $0x38;
	[tilespmem:$0x1F000] =	vst v63  }
0x288: {  	s14 =	sadd.s32 $0x17C30, s0;
	s15 =	sadd.s32 $0x60, s31  }
0x289: {  	[hbm4b:s15+s3] =	stream.linear.scatter [tilespmem:s14], [sflag:$0x3], $0x80, $0x38;
	[tilespmem:$0x1F000] =	vst v63  }
0x28a: {  	s14 =	sadd.s32 $0x17CB8, s0;
	s15 =	sadd.s32 $0x70, s31  }
0x28b: {  	[hbm4b:s15+s3] =	stream.linear.scatter [tilespmem:s14], [sflag:$0x3], $0x80, $0x38;
	[tilespmem:$0x1F000] =	vst v63  }
0x28c: {  	s2 =	simm.s32 $0x17D40;
	s15 =	sadd.s32 s30, s11  }
0x28d: {  	[hbm4b:s15+s3] =	stream.linear.scatter [tilespmem:s2], [sflag:$0x3], $0x80, $0x38;
	[tilespmem:$0x1F000] =	vst v63  }
0x28e: {  	s5 =	simm.s32 $0x17DC8;
	s14 =	sadd.s32 $0x10, s15  }
0x28f: {  	[hbm4b:s14+s3] =	stream.linear.scatter [tilespmem:s5], [sflag:$0x3], $0x80, $0x38;
	[tilespmem:$0x1F000] =	vst v63  }
0x290: {  	s5 =	simm.s32 $0x17E50;
	s14 =	sadd.s32 $0x20, s15  }
0x291: {  	[hbm4b:s14+s3] =	stream.linear.scatter [tilespmem:s5], [sflag:$0x3], $0x80, $0x38;
	[tilespmem:$0x1F000] =	vst v63  }
0x292: {  	s5 =	simm.s32 $0x17ED8;
	s14 =	sadd.s32 $0x30, s15  }
0x293: {  	[hbm4b:s14+s3] =	stream.linear.scatter [tilespmem:s5], [sflag:$0x3], $0x80, $0x38;
	[tilespmem:$0x1F000] =	vst v63  }
0x294: {  	s5 =	simm.s32 $0x17F60;
	s14 =	sadd.s32 $0x40, s15  }
0x295: {  	[hbm4b:s14+s3] =	stream.linear.scatter [tilespmem:s5], [sflag:$0x3], $0x80, $0x38;
	[tilespmem:$0x1F000] =	vst v63  }
0x296: {  	s0 =	simm.s32 $0x2200;
	s5 =	simm.s32 $0x17FE8;
	s14 =	sadd.s32 $0x50, s15  }
0x297: {  	[hbm4b:s14+s3] =	stream.linear.scatter [tilespmem:s5], [sflag:$0x3], $0x80, $0x38;
	[tilespmem:$0x1F000] =	vst v63  }
0x298: {  	s31 =	sadd.s32 $0x80, s15;
	s5 =	simm.s32 $0x18070;
	s14 =	sadd.s32 $0x60, s15  }
0x299: {  	[hbm4b:s14+s3] =	stream.linear.scatter [tilespmem:s5], [sflag:$0x3], $0x80, $0x38;
	[tilespmem:$0x1F000] =	vst v63  }
0x29a: {  	s2 =	simm.s32 $0x11000;
	s5 =	simm.s32 $0x180F8;
	s14 =	sadd.s32 $0x70, s15  }
.LBB2_15:
0x29b: {  	[hbm4b:s14+s3] =	stream.linear.scatter [tilespmem:s5], [sflag:$0x3], $0x80, $0x38;
	[tilespmem:$0x1F000] =	vst v63  }
0x29c: {  	s5 =	smov.u32 s0;
	s0 =	smov.u32 s2  }
0x29d: {  	s15 =	sadd.s32 $0x8800, s2;
	s0 =	sshra.s32 s0, $0x2;
	s14 =	sadd.s32 $0x17D40, s5  }
0x29e: {  	[hbm4b:s31+s3] =	stream.linear.scatter [tilespmem:s14], [sflag:$0x3], $0x80, $0x38;
	[tilespmem:$0x1F000] =	vst v63  }
0x29f: {  	p0 =	sne.s32 s2, $0x19800;
	s2 =	sadd.s32 $0x17DC8, s5;
	s14 =	sadd.s32 $0x10, s31  }
0x2a0: {  	[hbm4b:s14+s3] =	stream.linear.scatter [tilespmem:s2], [sflag:$0x3], $0x80, $0x38;
	[tilespmem:$0x1F000] =	vst v63  }
0x2a1: {  	s2 =	sadd.s32 $0x17E50, s5;
	s14 =	sadd.s32 $0x20, s31  }
0x2a2: {  	[hbm4b:s14+s3] =	stream.linear.scatter [tilespmem:s2], [sflag:$0x3], $0x80, $0x38;
	[tilespmem:$0x1F000] =	vst v63  }
0x2a3: {  	s2 =	sadd.s32 $0x17ED8, s5;
	s14 =	sadd.s32 $0x30, s31  }
0x2a4: {  	[hbm4b:s14+s3] =	stream.linear.scatter [tilespmem:s2], [sflag:$0x3], $0x80, $0x38;
	[tilespmem:$0x1F000] =	vst v63  }
0x2a5: {  	s2 =	sadd.s32 $0x17F60, s5;
	s14 =	sadd.s32 $0x40, s31  }
0x2a6: {  	[hbm4b:s14+s3] =	stream.linear.scatter [tilespmem:s2], [sflag:$0x3], $0x80, $0x38;
	[tilespmem:$0x1F000] =	vst v63  }
.Ltmp6:
0x2a7: {  	s2 =	sadd.s32 $0x17FE8, s5;
	s14 =	sadd.s32 $0x50, s31;
	(pc) =	sbr.rel @p0 .LBB2_15-.Ltmp6, $4  }
0x2a8: {  	[hbm4b:s14+s3] =	stream.linear.scatter [tilespmem:s2], [sflag:$0x3], $0x80, $0x38;
	[tilespmem:$0x1F000] =	vst v63  }
0x2a9: {  	s2 =	sadd.s32 $0x18070, s5;
	s14 =	sadd.s32 $0x60, s31;
	s5 =	sadd.s32 $0x180F8, s5  }
0x2aa: {  	[hbm4b:s14+s3] =	stream.linear.scatter [tilespmem:s2], [sflag:$0x3], $0x80, $0x38;
	[tilespmem:$0x1F000] =	vst v63  }
0x2ab: {  	s14 =	sadd.s32 $0x70, s31;
	s31 =	sadd.s32 $0x80, s31;
	s2 =	smov.u32 s15  }
0x2ac: {  	[hbm4b:s14+s3] =	stream.linear.scatter [tilespmem:s5], [sflag:$0x3], $0x80, $0x38;
	[tilespmem:$0x1F000] =	vst v63  }
0x2ad: {  	s2 =	sadd.s32 $0x17D40, s0  }
0x2ae: {  	[hbm4b:s31+s3] =	stream.linear.scatter [tilespmem:s2], [sflag:$0x3], $0x80, $0x38;
	[tilespmem:$0x1F000] =	vst v63  }
0x2af: {  	s14 =	sadd.s32 $0x17DC8, s0;
	s15 =	sadd.s32 $0x10, s31  }
0x2b0: {  	[hbm4b:s15+s3] =	stream.linear.scatter [tilespmem:s14], [sflag:$0x3], $0x80, $0x38;
	[tilespmem:$0x1F000] =	vst v63  }
0x2b1: {  	s14 =	sadd.s32 $0x17E50, s0;
	s15 =	sadd.s32 $0x20, s31  }
0x2b2: {  	[hbm4b:s15+s3] =	stream.linear.scatter [tilespmem:s14], [sflag:$0x3], $0x80, $0x38;
	[tilespmem:$0x1F000] =	vst v63  }
0x2b3: {  	s14 =	sadd.s32 $0x17ED8, s0;
	s15 =	sadd.s32 $0x30, s31  }
0x2b4: {  	[hbm4b:s15+s3] =	stream.linear.scatter [tilespmem:s14], [sflag:$0x3], $0x80, $0x38;
	[tilespmem:$0x1F000] =	vst v63  }
0x2b5: {  	s14 =	sadd.s32 $0x17F60, s0;
	s15 =	sadd.s32 $0x40, s31  }
0x2b6: {  	[hbm4b:s15+s3] =	stream.linear.scatter [tilespmem:s14], [sflag:$0x3], $0x80, $0x38;
	[tilespmem:$0x1F000] =	vst v63  }
0x2b7: {  	s14 =	sadd.s32 $0x17FE8, s0;
	s15 =	sadd.s32 $0x50, s31  }
0x2b8: {  	[hbm4b:s15+s3] =	stream.linear.scatter [tilespmem:s14], [sflag:$0x3], $0x80, $0x38;
	[tilespmem:$0x1F000] =	vst v63  }
0x2b9: {  	s14 =	sadd.s32 $0x18070, s0;
	s15 =	sadd.s32 $0x60, s31  }
0x2ba: {  	[hbm4b:s15+s3] =	stream.linear.scatter [tilespmem:s14], [sflag:$0x3], $0x80, $0x38;
	[tilespmem:$0x1F000] =	vst v63  }
0x2bb: {  	s14 =	sadd.s32 $0x180F8, s0;
	s15 =	sadd.s32 $0x70, s31  }
0x2bc: {  	[hbm4b:s15+s3] =	stream.linear.scatter [tilespmem:s14], [sflag:$0x3], $0x80, $0x38;
	[tilespmem:$0x1F000] =	vst v63  }
0x2bd: {  	s2 =	simm.s32 $0x18180;
	s15 =	sadd.s32 s30, s12  }
0x2be: {  	[hbm4b:s15+s3] =	stream.linear.scatter [tilespmem:s2], [sflag:$0x3], $0x80, $0x38;
	[tilespmem:$0x1F000] =	vst v63  }
0x2bf: {  	s5 =	simm.s32 $0x18208;
	s14 =	sadd.s32 $0x10, s15  }
0x2c0: {  	[hbm4b:s14+s3] =	stream.linear.scatter [tilespmem:s5], [sflag:$0x3], $0x80, $0x38;
	[tilespmem:$0x1F000] =	vst v63  }
0x2c1: {  	s5 =	simm.s32 $0x18290;
	s14 =	sadd.s32 $0x20, s15  }
0x2c2: {  	[hbm4b:s14+s3] =	stream.linear.scatter [tilespmem:s5], [sflag:$0x3], $0x80, $0x38;
	[tilespmem:$0x1F000] =	vst v63  }
0x2c3: {  	s5 =	simm.s32 $0x18318;
	s14 =	sadd.s32 $0x30, s15  }
0x2c4: {  	[hbm4b:s14+s3] =	stream.linear.scatter [tilespmem:s5], [sflag:$0x3], $0x80, $0x38;
	[tilespmem:$0x1F000] =	vst v63  }
0x2c5: {  	s5 =	simm.s32 $0x183A0;
	s14 =	sadd.s32 $0x40, s15  }
0x2c6: {  	[hbm4b:s14+s3] =	stream.linear.scatter [tilespmem:s5], [sflag:$0x3], $0x80, $0x38;
	[tilespmem:$0x1F000] =	vst v63  }
0x2c7: {  	s0 =	simm.s32 $0x2200;
	s5 =	simm.s32 $0x18428;
	s14 =	sadd.s32 $0x50, s15  }
0x2c8: {  	[hbm4b:s14+s3] =	stream.linear.scatter [tilespmem:s5], [sflag:$0x3], $0x80, $0x38;
	[tilespmem:$0x1F000] =	vst v63  }
0x2c9: {  	s31 =	sadd.s32 $0x80, s15;
	s5 =	simm.s32 $0x184B0;
	s14 =	sadd.s32 $0x60, s15  }
0x2ca: {  	[hbm4b:s14+s3] =	stream.linear.scatter [tilespmem:s5], [sflag:$0x3], $0x80, $0x38;
	[tilespmem:$0x1F000] =	vst v63  }
0x2cb: {  	s2 =	simm.s32 $0x11000;
	s5 =	simm.s32 $0x18538;
	s14 =	sadd.s32 $0x70, s15  }
.LBB2_17:
0x2cc: {  	[hbm4b:s14+s3] =	stream.linear.scatter [tilespmem:s5], [sflag:$0x3], $0x80, $0x38;
	[tilespmem:$0x1F000] =	vst v63  }
0x2cd: {  	s5 =	smov.u32 s0;
	s0 =	smov.u32 s2  }
0x2ce: {  	s15 =	sadd.s32 $0x8800, s2;
	s0 =	sshra.s32 s0, $0x2;
	s14 =	sadd.s32 $0x18180, s5  }
0x2cf: {  	[hbm4b:s31+s3] =	stream.linear.scatter [tilespmem:s14], [sflag:$0x3], $0x80, $0x38;
	[tilespmem:$0x1F000] =	vst v63  }
0x2d0: {  	p0 =	sne.s32 s2, $0x19800;
	s2 =	sadd.s32 $0x18208, s5;
	s14 =	sadd.s32 $0x10, s31  }
0x2d1: {  	[hbm4b:s14+s3] =	stream.linear.scatter [tilespmem:s2], [sflag:$0x3], $0x80, $0x38;
	[tilespmem:$0x1F000] =	vst v63  }
0x2d2: {  	s2 =	sadd.s32 $0x18290, s5;
	s14 =	sadd.s32 $0x20, s31  }
0x2d3: {  	[hbm4b:s14+s3] =	stream.linear.scatter [tilespmem:s2], [sflag:$0x3], $0x80, $0x38;
	[tilespmem:$0x1F000] =	vst v63  }
0x2d4: {  	s2 =	sadd.s32 $0x18318, s5;
	s14 =	sadd.s32 $0x30, s31  }
0x2d5: {  	[hbm4b:s14+s3] =	stream.linear.scatter [tilespmem:s2], [sflag:$0x3], $0x80, $0x38;
	[tilespmem:$0x1F000] =	vst v63  }
0x2d6: {  	s2 =	sadd.s32 $0x183A0, s5;
	s14 =	sadd.s32 $0x40, s31  }
0x2d7: {  	[hbm4b:s14+s3] =	stream.linear.scatter [tilespmem:s2], [sflag:$0x3], $0x80, $0x38;
	[tilespmem:$0x1F000] =	vst v63  }
.Ltmp7:
0x2d8: {  	s2 =	sadd.s32 $0x18428, s5;
	s14 =	sadd.s32 $0x50, s31;
	(pc) =	sbr.rel @p0 .LBB2_17-.Ltmp7, $4  }
0x2d9: {  	[hbm4b:s14+s3] =	stream.linear.scatter [tilespmem:s2], [sflag:$0x3], $0x80, $0x38;
	[tilespmem:$0x1F000] =	vst v63  }
0x2da: {  	s2 =	sadd.s32 $0x184B0, s5;
	s14 =	sadd.s32 $0x60, s31;
	s5 =	sadd.s32 $0x18538, s5  }
0x2db: {  	[hbm4b:s14+s3] =	stream.linear.scatter [tilespmem:s2], [sflag:$0x3], $0x80, $0x38;
	[tilespmem:$0x1F000] =	vst v63  }
0x2dc: {  	s14 =	sadd.s32 $0x70, s31;
	s31 =	sadd.s32 $0x80, s31;
	s2 =	smov.u32 s15  }
0x2dd: {  	[hbm4b:s14+s3] =	stream.linear.scatter [tilespmem:s5], [sflag:$0x3], $0x80, $0x38;
	[tilespmem:$0x1F000] =	vst v63  }
0x2de: {  	s2 =	sadd.s32 $0x18180, s0  }
0x2df: {  	[hbm4b:s31+s3] =	stream.linear.scatter [tilespmem:s2], [sflag:$0x3], $0x80, $0x38;
	[tilespmem:$0x1F000] =	vst v63  }
0x2e0: {  	s14 =	sadd.s32 $0x18208, s0;
	s15 =	sadd.s32 $0x10, s31  }
0x2e1: {  	[hbm4b:s15+s3] =	stream.linear.scatter [tilespmem:s14], [sflag:$0x3], $0x80, $0x38;
	[tilespmem:$0x1F000] =	vst v63  }
0x2e2: {  	s14 =	sadd.s32 $0x18290, s0;
	s15 =	sadd.s32 $0x20, s31  }
0x2e3: {  	[hbm4b:s15+s3] =	stream.linear.scatter [tilespmem:s14], [sflag:$0x3], $0x80, $0x38;
	[tilespmem:$0x1F000] =	vst v63  }
0x2e4: {  	s14 =	sadd.s32 $0x18318, s0;
	s15 =	sadd.s32 $0x30, s31  }
0x2e5: {  	[hbm4b:s15+s3] =	stream.linear.scatter [tilespmem:s14], [sflag:$0x3], $0x80, $0x38;
	[tilespmem:$0x1F000] =	vst v63  }
0x2e6: {  	s14 =	sadd.s32 $0x183A0, s0;
	s15 =	sadd.s32 $0x40, s31  }
0x2e7: {  	[hbm4b:s15+s3] =	stream.linear.scatter [tilespmem:s14], [sflag:$0x3], $0x80, $0x38;
	[tilespmem:$0x1F000] =	vst v63  }
0x2e8: {  	s14 =	sadd.s32 $0x18428, s0;
	s15 =	sadd.s32 $0x50, s31  }
0x2e9: {  	[hbm4b:s15+s3] =	stream.linear.scatter [tilespmem:s14], [sflag:$0x3], $0x80, $0x38;
	[tilespmem:$0x1F000] =	vst v63  }
0x2ea: {  	s14 =	sadd.s32 $0x184B0, s0;
	s15 =	sadd.s32 $0x60, s31  }
0x2eb: {  	[hbm4b:s15+s3] =	stream.linear.scatter [tilespmem:s14], [sflag:$0x3], $0x80, $0x38;
	[tilespmem:$0x1F000] =	vst v63  }
0x2ec: {  	s14 =	sadd.s32 $0x18538, s0;
	s15 =	sadd.s32 $0x70, s31  }
0x2ed: {  	[hbm4b:s15+s3] =	stream.linear.scatter [tilespmem:s14], [sflag:$0x3], $0x80, $0x38;
	[tilespmem:$0x1F000] =	vst v63  }
0x2ee: {  	s31 =	simm.s32 $0x185C0;
	s15 =	sadd.s32 s30, s13  }
0x2ef: {  	[hbm4b:s15+s3] =	stream.linear.scatter [tilespmem:s31], [sflag:$0x3], $0x80, $0x38;
	[tilespmem:$0x1F000] =	vst v63  }
0x2f0: {  	s2 =	simm.s32 $0x18648;
	s5 =	sadd.s32 $0x10, s15  }
0x2f1: {  	[hbm4b:s5+s3] =	stream.linear.scatter [tilespmem:s2], [sflag:$0x3], $0x80, $0x38;
	[tilespmem:$0x1F000] =	vst v63  }
0x2f2: {  	s14 =	simm.s32 $0x186D0;
	s31 =	sadd.s32 $0x20, s15  }
0x2f3: {  	[hbm4b:s31+s3] =	stream.linear.scatter [tilespmem:s14], [sflag:$0x3], $0x80, $0x38;
	[tilespmem:$0x1F000] =	vst v63  }
0x2f4: {  	s2 =	simm.s32 $0x18758;
	s5 =	sadd.s32 $0x30, s15  }
0x2f5: {  	[hbm4b:s5+s3] =	stream.linear.scatter [tilespmem:s2], [sflag:$0x3], $0x80, $0x38;
	[tilespmem:$0x1F000] =	vst v63  }
0x2f6: {  	s14 =	simm.s32 $0x187E0;
	s31 =	sadd.s32 $0x40, s15  }
0x2f7: {  	[hbm4b:s31+s3] =	stream.linear.scatter [tilespmem:s14], [sflag:$0x3], $0x80, $0x38;
	[tilespmem:$0x1F000] =	vst v63  }
0x2f8: {  	s0 =	simm.s32 $0x2200;
	s2 =	simm.s32 $0x18868;
	s5 =	sadd.s32 $0x50, s15  }
0x2f9: {  	[hbm4b:s5+s3] =	stream.linear.scatter [tilespmem:s2], [sflag:$0x3], $0x80, $0x38;
	[tilespmem:$0x1F000] =	vst v63  }
0x2fa: {  	s30 =	sadd.s32 $0x80, s15;
	s14 =	simm.s32 $0x188F0;
	s31 =	sadd.s32 $0x60, s15  }
0x2fb: {  	[hbm4b:s31+s3] =	stream.linear.scatter [tilespmem:s14], [sflag:$0x3], $0x80, $0x38;
	[tilespmem:$0x1F000] =	vst v63  }
0x2fc: {  	s2 =	simm.s32 $0x11000;
	s5 =	simm.s32 $0x18978;
	s14 =	sadd.s32 $0x70, s15  }
.LBB2_19:
0x2fd: {  	[hbm4b:s14+s3] =	stream.linear.scatter [tilespmem:s5], [sflag:$0x3], $0x80, $0x38;
	[tilespmem:$0x1F000] =	vst v63  }
0x2fe: {  	s5 =	smov.u32 s0;
	s0 =	smov.u32 s2  }
0x2ff: {  	s15 =	sadd.s32 $0x8800, s2;
	s0 =	sshra.s32 s0, $0x2;
	s14 =	sadd.s32 $0x185C0, s5  }
0x300: {  	[hbm4b:s30+s3] =	stream.linear.scatter [tilespmem:s14], [sflag:$0x3], $0x80, $0x38;
	[tilespmem:$0x1F000] =	vst v63  }
0x301: {  	p0 =	sne.s32 s2, $0x19800;
	s2 =	sadd.s32 $0x18648, s5;
	s14 =	sadd.s32 $0x10, s30  }
0x302: {  	[hbm4b:s14+s3] =	stream.linear.scatter [tilespmem:s2], [sflag:$0x3], $0x80, $0x38;
	[tilespmem:$0x1F000] =	vst v63  }
0x303: {  	s2 =	sadd.s32 $0x186D0, s5;
	s14 =	sadd.s32 $0x20, s30  }
0x304: {  	[hbm4b:s14+s3] =	stream.linear.scatter [tilespmem:s2], [sflag:$0x3], $0x80, $0x38;
	[tilespmem:$0x1F000] =	vst v63  }
0x305: {  	s2 =	sadd.s32 $0x18758, s5;
	s14 =	sadd.s32 $0x30, s30  }
0x306: {  	[hbm4b:s14+s3] =	stream.linear.scatter [tilespmem:s2], [sflag:$0x3], $0x80, $0x38;
	[tilespmem:$0x1F000] =	vst v63  }
0x307: {  	s2 =	sadd.s32 $0x187E0, s5;
	s14 =	sadd.s32 $0x40, s30  }
0x308: {  	[hbm4b:s14+s3] =	stream.linear.scatter [tilespmem:s2], [sflag:$0x3], $0x80, $0x38;
	[tilespmem:$0x1F000] =	vst v63  }
.Ltmp8:
0x309: {  	s2 =	sadd.s32 $0x18868, s5;
	s14 =	sadd.s32 $0x50, s30;
	(pc) =	sbr.rel @p0 .LBB2_19-.Ltmp8, $4  }
0x30a: {  	[hbm4b:s14+s3] =	stream.linear.scatter [tilespmem:s2], [sflag:$0x3], $0x80, $0x38;
	[tilespmem:$0x1F000] =	vst v63  }
0x30b: {  	s2 =	sadd.s32 $0x188F0, s5;
	s14 =	sadd.s32 $0x60, s30;
	s5 =	sadd.s32 $0x18978, s5  }
0x30c: {  	[hbm4b:s14+s3] =	stream.linear.scatter [tilespmem:s2], [sflag:$0x3], $0x80, $0x38;
	[tilespmem:$0x1F000] =	vst v63  }
0x30d: {  	s14 =	sadd.s32 $0x70, s30;
	s30 =	sadd.s32 $0x80, s30;
	s2 =	smov.u32 s15  }
0x30e: {  	[hbm4b:s14+s3] =	stream.linear.scatter [tilespmem:s5], [sflag:$0x3], $0x80, $0x38;
	[tilespmem:$0x1F000] =	vst v63  }
0x30f: {  	s2 =	sadd.s32 $0x185C0, s0  }
0x310: {  	[hbm4b:s30+s3] =	stream.linear.scatter [tilespmem:s2], [sflag:$0x3], $0x80, $0x38;
	[tilespmem:$0x1F000] =	vst v63  }
0x311: {  	s15 =	sadd.s32 $0x18648, s0;
	s31 =	sadd.s32 $0x10, s30  }
0x312: {  	[hbm4b:s31+s3] =	stream.linear.scatter [tilespmem:s15], [sflag:$0x3], $0x80, $0x38;
	[tilespmem:$0x1F000] =	vst v63  }
0x313: {  	s5 =	sadd.s32 $0x186D0, s0;
	s14 =	sadd.s32 $0x20, s30  }
0x314: {  	[hbm4b:s14+s3] =	stream.linear.scatter [tilespmem:s5], [sflag:$0x3], $0x80, $0x38;
	[tilespmem:$0x1F000] =	vst v63  }
0x315: {  	s15 =	sadd.s32 $0x18758, s0;
	s31 =	sadd.s32 $0x30, s30  }
0x316: {  	[hbm4b:s31+s3] =	stream.linear.scatter [tilespmem:s15], [sflag:$0x3], $0x80, $0x38;
	[tilespmem:$0x1F000] =	vst v63  }
0x317: {  	s5 =	sadd.s32 $0x187E0, s0;
	s14 =	sadd.s32 $0x40, s30  }
0x318: {  	[hbm4b:s14+s3] =	stream.linear.scatter [tilespmem:s5], [sflag:$0x3], $0x80, $0x38;
	[tilespmem:$0x1F000] =	vst v63  }
0x319: {  	s15 =	sadd.s32 $0x18868, s0;
	s31 =	sadd.s32 $0x50, s30  }
0x31a: {  	[hbm4b:s31+s3] =	stream.linear.scatter [tilespmem:s15], [sflag:$0x3], $0x80, $0x38;
	[tilespmem:$0x1F000] =	vst v63  }
0x31b: {  	p0 =	sgt.u32 s28, $0x30;
	s5 =	sadd.s32 $0x188F0, s0;
	s14 =	sadd.s32 $0x60, s30  }
0x31c: {  	[hbm4b:s14+s3] =	stream.linear.scatter [tilespmem:s5], [sflag:$0x3], $0x80, $0x38;
	[tilespmem:$0x1F000] =	vst v63  }
.Ltmp9:
0x31d: {  	s15 =	sadd.s32 $0x18978, s0;
	s31 =	sadd.s32 $0x70, s30;
	(pc) =	sbr.rel @p0 .LBB2_22-.Ltmp9, $4  }
0x31e: {  	[hbm4b:s31+s3] =	stream.linear.scatter [tilespmem:s15], [sflag:$0x3], $0x80, $0x38;
	[tilespmem:$0x1F000] =	vst v63  }
0x31f: {  	_ =	swait.ge [sflag:s23], $0x8000  }
0x320: {  	[sflag:s23] =	ssyncset.done $0x0  }
0x321: {  	[sflag:s23] =	ssyncadd.s32 $0xFFFF8000  }
0x322: {  	s0 =	sadd.s32 $0x2, s29  }
0x323: {  	v37 =	vadd.s32 s0, v0;
	_ =	sdelay $0x4  }
0x324: {  	s31 =	sadd.s32 $0x322, s29;
	v37 =	vld.idx.msk [tilespmem:v37+s3+$0x0], $0xffff  }
0x325: {  	v38 =	vadd.s32 s31, v0;
	_ =	sdelay $0x3  }
0x326: {  	[tilespmem:$0x6400] =	vst v37  }
0x327: {  	s2 =	sadd.s32 $0x642, s29;
	v37 =	vld.idx.msk [tilespmem:v38+s3+$0x0], $0xffff  }
0x328: {  	v58 =	vadd.s32 s2, v0;
	_ =	sdelay $0x3  }
0x329: {  	[tilespmem:$0x6410] =	vst v37  }
0x32a: {  	s5 =	sadd.s32 $0x962, s29;
	v37 =	vld.idx.msk [tilespmem:v58+s3+$0x0], $0xffff  }
0x32b: {  	v59 =	vadd.s32 s5, v0;
	_ =	sdelay $0x3  }
0x32c: {  	[tilespmem:$0x6420] =	vst v37  }
0x32d: {  	s14 =	sadd.s32 $0xC82, s29;
	v37 =	vld.idx.msk [tilespmem:v59+s3+$0x0], $0xffff  }
0x32e: {  	v60 =	vadd.s32 s14, v0;
	_ =	sdelay $0x3  }
0x32f: {  	[tilespmem:$0x6430] =	vst v37  }
0x330: {  	s15 =	sadd.s32 $0xFA2, s29;
	v37 =	vld.idx.msk [tilespmem:v60+s3+$0x0], $0xffff  }
0x331: {  	v61 =	vadd.s32 s15, v0;
	_ =	sdelay $0x3  }
0x332: {  	[tilespmem:$0x6440] =	vst v37  }
0x333: {  	s30 =	sadd.s32 $0x12C2, s29;
	v37 =	vld.idx.msk [tilespmem:v61+s3+$0x0], $0xffff  }
0x334: {  	v62 =	vadd.s32 s30, v0;
	_ =	sdelay $0x3  }
0x335: {  	[tilespmem:$0x6450] =	vst v37  }
0x336: {  	s31 =	sadd.s32 $0x15E2, s29;
	v37 =	vld.idx.msk [tilespmem:v62+s3+$0x0], $0xffff  }
0x337: {  	v63 =	vadd.s32 s31, v0;
	_ =	sdelay $0x3  }
0x338: {  	[tilespmem:$0x6460] =	vst v37  }
0x339: {  	s2 =	sadd.s32 $0x1902, s29;
	v37 =	vld.idx.msk [tilespmem:v63+s3+$0x0], $0xffff  }
0x33a: {  	v40 =	vadd.s32 s2, v0;
	_ =	sdelay $0x3  }
0x33b: {  	[tilespmem:$0x6470] =	vst v37  }
0x33c: {  	s5 =	sadd.s32 $0x1C22, s29;
	v37 =	vld.idx.msk [tilespmem:v40+s3+$0x0], $0xffff  }
0x33d: {  	v41 =	vadd.s32 s5, v0;
	_ =	sdelay $0x3  }
0x33e: {  	[tilespmem:$0x6480] =	vst v37  }
0x33f: {  	s14 =	sadd.s32 $0x1F42, s29;
	v37 =	vld.idx.msk [tilespmem:v41+s3+$0x0], $0xffff  }
0x340: {  	v42 =	vadd.s32 s14, v0;
	_ =	sdelay $0x3  }
0x341: {  	[tilespmem:$0x6490] =	vst v37  }
0x342: {  	s15 =	sadd.s32 $0x2262, s29;
	v37 =	vld.idx.msk [tilespmem:v42+s3+$0x0], $0xffff  }
0x343: {  	v43 =	vadd.s32 s15, v0;
	_ =	sdelay $0x3  }
0x344: {  	[tilespmem:$0x64A0] =	vst v37  }
0x345: {  	s30 =	sadd.s32 $0x2582, s29;
	v37 =	vld.idx.msk [tilespmem:v43+s3+$0x0], $0xffff  }
0x346: {  	v44 =	vadd.s32 s30, v0;
	_ =	sdelay $0x3  }
0x347: {  	[tilespmem:$0x64B0] =	vst v37  }
0x348: {  	s31 =	sadd.s32 $0x28A2, s29;
	v37 =	vld.idx.msk [tilespmem:v44+s3+$0x0], $0xffff  }
0x349: {  	v45 =	vadd.s32 s31, v0;
	_ =	sdelay $0x3  }
0x34a: {  	[tilespmem:$0x64C0] =	vst v37  }
0x34b: {  	s2 =	sadd.s32 $0x2BC2, s29;
	v37 =	vld.idx.msk [tilespmem:v45+s3+$0x0], $0xffff  }
0x34c: {  	v46 =	vadd.s32 s2, v0;
	_ =	sdelay $0x3  }
0x34d: {  	[tilespmem:$0x64D0] =	vst v37  }
0x34e: {  	s5 =	sadd.s32 $0x2EE2, s29;
	v37 =	vld.idx.msk [tilespmem:v46+s3+$0x0], $0xffff  }
0x34f: {  	v47 =	vadd.s32 s5, v0;
	_ =	sdelay $0x3  }
0x350: {  	[tilespmem:$0x64E0] =	vst v37  }
0x351: {  	s14 =	sadd.s32 $0x3202, s29;
	v37 =	vld.idx.msk [tilespmem:v47+s3+$0x0], $0xffff  }
0x352: {  	v48 =	vadd.s32 s14, v0;
	_ =	sdelay $0x3  }
0x353: {  	[tilespmem:$0x64F0] =	vst v37  }
0x354: {  	s15 =	sadd.s32 $0x3522, s29;
	v37 =	vld.idx.msk [tilespmem:v48+s3+$0x0], $0xffff  }
0x355: {  	v49 =	vadd.s32 s15, v0;
	_ =	sdelay $0x3  }
0x356: {  	[tilespmem:$0x6500] =	vst v37  }
0x357: {  	s30 =	sadd.s32 $0x3842, s29;
	v37 =	vld.idx.msk [tilespmem:v49+s3+$0x0], $0xffff  }
0x358: {  	v50 =	vadd.s32 s30, v0;
	_ =	sdelay $0x3  }
0x359: {  	[tilespmem:$0x6510] =	vst v37  }
0x35a: {  	s31 =	sadd.s32 $0x3B62, s29;
	v37 =	vld.idx.msk [tilespmem:v50+s3+$0x0], $0xffff  }
0x35b: {  	v51 =	vadd.s32 s31, v0;
	_ =	sdelay $0x3  }
0x35c: {  	[tilespmem:$0x6520] =	vst v37  }
0x35d: {  	s2 =	sadd.s32 $0x3E82, s29;
	v37 =	vld.idx.msk [tilespmem:v51+s3+$0x0], $0xffff  }
0x35e: {  	v52 =	vadd.s32 s2, v0;
	_ =	sdelay $0x3  }
0x35f: {  	[tilespmem:$0x6530] =	vst v37  }
0x360: {  	s5 =	sadd.s32 $0x41A2, s29;
	v37 =	vld.idx.msk [tilespmem:v52+s3+$0x0], $0xffff  }
0x361: {  	v53 =	vadd.s32 s5, v0;
	_ =	sdelay $0x3  }
0x362: {  	[tilespmem:$0x6540] =	vst v37  }
0x363: {  	s14 =	sadd.s32 $0x44C2, s29;
	v37 =	vld.idx.msk [tilespmem:v53+s3+$0x0], $0xffff  }
0x364: {  	v54 =	vadd.s32 s14, v0;
	_ =	sdelay $0x3  }
0x365: {  	[tilespmem:$0x6550] =	vst v37  }
0x366: {  	s15 =	sadd.s32 $0x47E2, s29;
	v37 =	vld.idx.msk [tilespmem:v54+s3+$0x0], $0xffff  }
0x367: {  	v55 =	vadd.s32 s15, v0;
	_ =	sdelay $0x3  }
0x368: {  	[tilespmem:$0x6560] =	vst v37  }
0x369: {  	s30 =	sadd.s32 $0x4B02, s29;
	v37 =	vld.idx.msk [tilespmem:v55+s3+$0x0], $0xffff  }
0x36a: {  	v56 =	vadd.s32 s30, v0;
	_ =	sdelay $0x3  }
0x36b: {  	[tilespmem:$0x6570] =	vst v37  }
0x36c: {  	s31 =	sadd.s32 $0x4E22, s29;
	v37 =	vld.idx.msk [tilespmem:v56+s3+$0x0], $0xffff  }
0x36d: {  	v57 =	vadd.s32 s31, v0;
	_ =	sdelay $0x3  }
0x36e: {  	[tilespmem:$0x6580] =	vst v37  }
0x36f: {  	s2 =	sadd.s32 $0x5142, s29;
	v37 =	vld.idx.msk [tilespmem:v57+s3+$0x0], $0xffff  }
0x370: {  	v58 =	vadd.s32 s2, v0;
	_ =	sdelay $0x3  }
0x371: {  	[tilespmem:$0x6590] =	vst v37  }
0x372: {  	s5 =	sadd.s32 $0x5462, s29;
	v37 =	vld.idx.msk [tilespmem:v58+s3+$0x0], $0xffff  }
0x373: {  	v59 =	vadd.s32 s5, v0;
	_ =	sdelay $0x3  }
0x374: {  	[tilespmem:$0x65A0] =	vst v37  }
0x375: {  	s14 =	sadd.s32 $0x5782, s29;
	v37 =	vld.idx.msk [tilespmem:v59+s3+$0x0], $0xffff  }
0x376: {  	v60 =	vadd.s32 s14, v0;
	_ =	sdelay $0x3  }
0x377: {  	[tilespmem:$0x65B0] =	vst v37  }
0x378: {  	s15 =	sadd.s32 $0x5AA2, s29;
	v37 =	vld.idx.msk [tilespmem:v60+s3+$0x0], $0xffff  }
0x379: {  	v61 =	vadd.s32 s15, v0;
	_ =	sdelay $0x3  }
0x37a: {  	[tilespmem:$0x65C0] =	vst v37  }
0x37b: {  	s30 =	sadd.s32 $0x5DC2, s29;
	v37 =	vld.idx.msk [tilespmem:v61+s3+$0x0], $0xffff  }
0x37c: {  	v62 =	vadd.s32 s30, v0;
	_ =	sdelay $0x3  }
0x37d: {  	[tilespmem:$0x65D0] =	vst v37  }
0x37e: {  	s31 =	sadd.s32 $0x60E2, s29;
	v37 =	vld.idx.msk [tilespmem:v62+s3+$0x0], $0xffff  }
0x37f: {  	v63 =	vadd.s32 s31, v0;
	_ =	sdelay $0x3  }
0x380: {  	[tilespmem:$0x65E0] =	vst v37  }
0x381: {  	v37 =	vld.idx.msk [tilespmem:v63+s3+$0x0], $0xffff;
	_ =	sdelay $0x4  }
0x382: {  	[tilespmem:$0x65F0] =	vst v37  }
0x383: {  	[tilespmem:s18], [sflag:$0x1] =	stream.indirect.gather [hbm4b:s4+s16], $0x40, s17, s16, $0xb8;
	[tilespmem:$0x1F000] =	vst v63  }
.LBB2_22:
0x384: {  	_ =	swait.ge [sflag:s24], $0x1000  }
0x385: {  	[sflag:s24] =	ssyncset.done $0x0  }
0x386: {  	[sflag:s24] =	ssyncadd.s32 $0xFFFFF000  }
0x387: {  	_ =	swait.ge [sflag:s24], $0x1000  }
0x388: {  	[sflag:s24] =	ssyncset.done $0x0  }
0x389: {  	[sflag:s24] =	ssyncadd.s32 $0xFFFFF000  }
0x38a: {  	_ =	swait.ge [sflag:s24], $0x1000  }
0x38b: {  	[sflag:s24] =	ssyncset.done $0x0  }
0x38c: {  	[sflag:s24] =	ssyncadd.s32 $0xFFFFF000  }
0x38d: {  	_ =	swait.ge [sflag:s24], $0x1000  }
0x38e: {  	[sflag:s24] =	ssyncset.done $0x0  }
0x38f: {  	[sflag:s24] =	ssyncadd.s32 $0xFFFFF000  }
0x390: {  	_ =	swait.ge [sflag:s24], $0x1000  }
0x391: {  	[sflag:s24] =	ssyncset.done $0x0  }
0x392: {  	[sflag:s24] =	ssyncadd.s32 $0xFFFFF000  }
0x393: {  	_ =	swait.ge [sflag:s24], $0x1000  }
0x394: {  	[sflag:s24] =	ssyncset.done $0x0  }
0x395: {  	s29 =	simm.s32 $0x0;
	s0 =	simm.s32 $0x0;
	[sflag:s24] =	ssyncadd.s32 $0xFFFFF000  }
0x396: {  	s2 =	sand.u32 $0x78, s29;
	v37 =	vmov s0;
	_ =	swait.ge [sflag:s24], $0x1000  }
0x397: {  	v38 =	vmov s2;
	v37 =	vmul.u32 $0x2200, v37;
	[sflag:s24] =	ssyncset.done $0x0  }
0x398: {  	v38 =	vshrl.u32 v38, $0x3;
	[sflag:s24] =	ssyncadd.s32 $0xFFFFF000  }
0x399: {  	v37 =	vbroadcast v37, $0x0;
	v38 =	vshll.u32 v38, v33;
	_ =	swait.ge [sflag:s24], $0x1000  }
0x39a: {  	v41 =	vbroadcast v38, $0x0;
	[sflag:s24] =	ssyncset.done $0x0  }
0x39b: {  	s30 =	simm.s32 $0xE900;
	v38 =	vadd.s32 v30, v37;
	[sflag:s24] =	ssyncadd.s32 $0xFFFFF000  }
0x39c: {  	v40 =	vadd.s32 v41, v38;
	v39 =	vld [tilespmem:s30+$0xFFFFFF00];
	_ =	sdelay $0x4  }
0x39d: {  	[tilespmem:v40+s22+$0x0] =	vst.idx.msk $0xffff, v39;
	v39 =	vadd.s32 v34, v37  }
0x39e: {  	v40 =	vld [tilespmem:s30+$0xFFFFFF10];
	v42 =	vadd.s32 v41, v39;
	_ =	sdelay $0x4  }
0x39f: {  	[tilespmem:v42+s22+$0x0] =	vst.idx.msk $0xffff, v40;
	v40 =	vadd.s32 v35, v37  }
0x3a0: {  	v42 =	vld [tilespmem:s30+$0xFFFFFF20];
	v43 =	vadd.s32 v41, v40;
	_ =	sdelay $0x3  }
0x3a1: {  	s15 =	simm.s32 $0x1  }
0x3a2: {  	s0 =	sand.u32 $0x78, s15;
	v37 =	vadd.s32 v36, v37;
	[tilespmem:v43+s22+$0x0] =	vst.idx.msk $0xffff, v42  }
0x3a3: {  	v49 =	vmov s0;
	v41 =	vadd.s32 v41, v37;
	v42 =	vld [tilespmem:s30+$0xFFFFFF30]  }
0x3a4: {  	v43 =	vshrl.u32 v49, $0x3  }
0x3a5: {  	v43 =	vshll.u32 v43, v33  }
0x3a6: {  	v43 =	vbroadcast v43, $0x0;
	_ =	sdelay $0x1  }
0x3a7: {  	v50 =	vadd.s32 v38, v43;
	[tilespmem:v41+s22+$0x0] =	vst.idx.msk $0xffff, v42  }
0x3a8: {  	v41 =	vor.u32 $0x1, v50;
	v42 =	vld [tilespmem:s30+$0xFFFFFF40];
	_ =	sdelay $0x4  }
0x3a9: {  	v51 =	vadd.s32 v39, v43;
	[tilespmem:v41+s22+$0x0] =	vst.idx.msk $0xffff, v42  }
0x3aa: {  	v41 =	vor.u32 $0x1, v51;
	v42 =	vld [tilespmem:s30+$0xFFFFFF50];
	_ =	sdelay $0x4  }
0x3ab: {  	v52 =	vadd.s32 v40, v43;
	[tilespmem:v41+s22+$0x0] =	vst.idx.msk $0xffff, v42  }
0x3ac: {  	v41 =	vor.u32 $0x1, v52;
	v42 =	vld [tilespmem:s30+$0xFFFFFF60];
	_ =	sdelay $0x3  }
0x3ad: {  	s31 =	simm.s32 $0x2  }
0x3ae: {  	s0 =	sand.u32 $0x78, s31;
	v53 =	vadd.s32 v37, v43;
	[tilespmem:v41+s22+$0x0] =	vst.idx.msk $0xffff, v42  }
0x3af: {  	v54 =	vmov s0;
	v41 =	vor.u32 $0x1, v53;
	v42 =	vld [tilespmem:s30+$0xFFFFFF70]  }
0x3b0: {  	v43 =	vshrl.u32 v54, $0x3  }
0x3b1: {  	v43 =	vshll.u32 v43, v33  }
0x3b2: {  	v43 =	vbroadcast v43, $0x0;
	_ =	sdelay $0x1  }
0x3b3: {  	v55 =	vadd.s32 v38, v43;
	[tilespmem:v41+s22+$0x0] =	vst.idx.msk $0xffff, v42  }
0x3b4: {  	v41 =	vor.u32 $0x2, v55;
	v42 =	vld [tilespmem:s30+$0xFFFFFF80];
	_ =	sdelay $0x4  }
0x3b5: {  	v56 =	vadd.s32 v39, v43;
	[tilespmem:v41+s22+$0x0] =	vst.idx.msk $0xffff, v42  }
0x3b6: {  	v41 =	vor.u32 $0x2, v56;
	v42 =	vld [tilespmem:s30+$0xFFFFFF90];
	_ =	sdelay $0x4  }
0x3b7: {  	v57 =	vadd.s32 v40, v43;
	[tilespmem:v41+s22+$0x0] =	vst.idx.msk $0xffff, v42  }
0x3b8: {  	v41 =	vor.u32 $0x2, v57;
	v42 =	vld [tilespmem:s30+$0xFFFFFFA0];
	_ =	sdelay $0x3  }
0x3b9: {  	s2 =	simm.s32 $0x3  }
0x3ba: {  	s0 =	sand.u32 $0x78, s2;
	v58 =	vadd.s32 v37, v43;
	[tilespmem:v41+s22+$0x0] =	vst.idx.msk $0xffff, v42  }
0x3bb: {  	v59 =	vmov s0;
	v41 =	vor.u32 $0x2, v58;
	v42 =	vld [tilespmem:s30+$0xFFFFFFB0]  }
0x3bc: {  	v43 =	vshrl.u32 v59, $0x3  }
0x3bd: {  	v43 =	vshll.u32 v43, v33  }
0x3be: {  	v43 =	vbroadcast v43, $0x0;
	_ =	sdelay $0x1  }
0x3bf: {  	v60 =	vadd.s32 v38, v43;
	[tilespmem:v41+s22+$0x0] =	vst.idx.msk $0xffff, v42  }
0x3c0: {  	v41 =	vor.u32 $0x3, v60;
	v42 =	vld [tilespmem:s30+$0xFFFFFFC0];
	_ =	sdelay $0x4  }
0x3c1: {  	v61 =	vadd.s32 v39, v43;
	[tilespmem:v41+s22+$0x0] =	vst.idx.msk $0xffff, v42  }
0x3c2: {  	v41 =	vor.u32 $0x3, v61;
	v42 =	vld [tilespmem:s30+$0xFFFFFFD0];
	_ =	sdelay $0x4  }
0x3c3: {  	v62 =	vadd.s32 v40, v43;
	[tilespmem:v41+s22+$0x0] =	vst.idx.msk $0xffff, v42  }
0x3c4: {  	v41 =	vor.u32 $0x3, v62;
	v42 =	vld [tilespmem:s30+$0xFFFFFFE0];
	_ =	sdelay $0x3  }
0x3c5: {  	s5 =	simm.s32 $0x4  }
0x3c6: {  	s0 =	sand.u32 $0x78, s5;
	v63 =	vadd.s32 v37, v43;
	[tilespmem:v41+s22+$0x0] =	vst.idx.msk $0xffff, v42  }
0x3c7: {  	v45 =	vmov s0;
	v41 =	vor.u32 $0x3, v63;
	v42 =	vld [tilespmem:s30+$0xFFFFFFF0]  }
0x3c8: {  	v43 =	vshrl.u32 v45, $0x3  }
0x3c9: {  	v43 =	vshll.u32 v43, v33  }
0x3ca: {  	v43 =	vbroadcast v43, $0x0;
	_ =	sdelay $0x1  }
0x3cb: {  	v46 =	vadd.s32 v38, v43;
	[tilespmem:v41+s22+$0x0] =	vst.idx.msk $0xffff, v42  }
0x3cc: {  	v41 =	vor.u32 $0x4, v46;
	v42 =	vld [tilespmem:s30+$0x0];
	_ =	sdelay $0x4  }
0x3cd: {  	v47 =	vadd.s32 v39, v43;
	[tilespmem:v41+s22+$0x0] =	vst.idx.msk $0xffff, v42  }
0x3ce: {  	v41 =	vor.u32 $0x4, v47;
	v42 =	vld [tilespmem:s30+$0x10];
	_ =	sdelay $0x4  }
0x3cf: {  	v48 =	vadd.s32 v40, v43;
	[tilespmem:v41+s22+$0x0] =	vst.idx.msk $0xffff, v42  }
0x3d0: {  	v41 =	vor.u32 $0x4, v48;
	v42 =	vld [tilespmem:s30+$0x20];
	_ =	sdelay $0x3  }
0x3d1: {  	s14 =	simm.s32 $0x5  }
0x3d2: {  	s0 =	sand.u32 $0x78, s14;
	v49 =	vadd.s32 v37, v43;
	[tilespmem:v41+s22+$0x0] =	vst.idx.msk $0xffff, v42  }
0x3d3: {  	v50 =	vmov s0;
	v41 =	vor.u32 $0x4, v49;
	v42 =	vld [tilespmem:s30+$0x30]  }
0x3d4: {  	v43 =	vshrl.u32 v50, $0x3  }
0x3d5: {  	v43 =	vshll.u32 v43, v33  }
0x3d6: {  	v43 =	vbroadcast v43, $0x0;
	_ =	sdelay $0x1  }
0x3d7: {  	v51 =	vadd.s32 v38, v43;
	[tilespmem:v41+s22+$0x0] =	vst.idx.msk $0xffff, v42  }
0x3d8: {  	v41 =	vor.u32 $0x5, v51;
	v42 =	vld [tilespmem:s30+$0x40];
	_ =	sdelay $0x4  }
0x3d9: {  	v52 =	vadd.s32 v39, v43;
	[tilespmem:v41+s22+$0x0] =	vst.idx.msk $0xffff, v42  }
0x3da: {  	v41 =	vor.u32 $0x5, v52;
	v42 =	vld [tilespmem:s30+$0x50];
	_ =	sdelay $0x4  }
0x3db: {  	v53 =	vadd.s32 v40, v43;
	[tilespmem:v41+s22+$0x0] =	vst.idx.msk $0xffff, v42  }
0x3dc: {  	v41 =	vor.u32 $0x5, v53;
	v42 =	vld [tilespmem:s30+$0x60];
	_ =	sdelay $0x3  }
0x3dd: {  	s15 =	simm.s32 $0x6  }
0x3de: {  	s0 =	sand.u32 $0x78, s15;
	v54 =	vadd.s32 v37, v43;
	[tilespmem:v41+s22+$0x0] =	vst.idx.msk $0xffff, v42  }
0x3df: {  	v55 =	vmov s0;
	v41 =	vor.u32 $0x5, v54;
	v42 =	vld [tilespmem:s30+$0x70]  }
0x3e0: {  	v43 =	vshrl.u32 v55, $0x3  }
0x3e1: {  	v43 =	vshll.u32 v43, v33  }
0x3e2: {  	v43 =	vbroadcast v43, $0x0;
	_ =	sdelay $0x1  }
0x3e3: {  	v56 =	vadd.s32 v38, v43;
	[tilespmem:v41+s22+$0x0] =	vst.idx.msk $0xffff, v42  }
0x3e4: {  	v41 =	vor.u32 $0x6, v56;
	v42 =	vld [tilespmem:s30+$0x80];
	_ =	sdelay $0x4  }
0x3e5: {  	v57 =	vadd.s32 v39, v43;
	[tilespmem:v41+s22+$0x0] =	vst.idx.msk $0xffff, v42  }
0x3e6: {  	v41 =	vor.u32 $0x6, v57;
	v42 =	vld [tilespmem:s30+$0x90];
	_ =	sdelay $0x4  }
0x3e7: {  	v58 =	vadd.s32 v40, v43;
	[tilespmem:v41+s22+$0x0] =	vst.idx.msk $0xffff, v42  }
0x3e8: {  	v41 =	vor.u32 $0x6, v58;
	v42 =	vld [tilespmem:s30+$0xA0];
	_ =	sdelay $0x3  }
0x3e9: {  	s31 =	simm.s32 $0x7  }
0x3ea: {  	s0 =	sand.u32 $0x78, s31;
	v59 =	vadd.s32 v37, v43;
	[tilespmem:v41+s22+$0x0] =	vst.idx.msk $0xffff, v42  }
0x3eb: {  	v43 =	vor.u32 $0x6, v59;
	v60 =	vmov s0;
	v42 =	vld [tilespmem:s30+$0xB0]  }
0x3ec: {  	v41 =	vshrl.u32 v60, $0x3  }
0x3ed: {  	v41 =	vshll.u32 v41, v33  }
0x3ee: {  	v41 =	vbroadcast v41, $0x0;
	_ =	sdelay $0x1  }
0x3ef: {  	v38 =	vadd.s32 v38, v41;
	[tilespmem:v43+s22+$0x0] =	vst.idx.msk $0xffff, v42  }
0x3f0: {  	v38 =	vor.u32 $0x7, v38;
	v42 =	vld [tilespmem:s30+$0xC0];
	_ =	sdelay $0x4  }
0x3f1: {  	v61 =	vadd.s32 v39, v41;
	[tilespmem:v38+s22+$0x0] =	vst.idx.msk $0xffff, v42  }
0x3f2: {  	v38 =	vor.u32 $0x7, v61;
	v62 =	vld [tilespmem:s30+$0xD0];
	_ =	sdelay $0x4  }
0x3f3: {  	v63 =	vadd.s32 v40, v41;
	[tilespmem:v38+s22+$0x0] =	vst.idx.msk $0xffff, v62  }
0x3f4: {  	v39 =	vor.u32 $0x7, v63;
	v38 =	vld [tilespmem:s30+$0xE0]  }
.LBB2_23:
0x3f5: {  	_ =	sdelay $0x2  }
0x3f6: {  	s0 =	smov.u32 s29;
	s29 =	sadd.s32 $0x8, s29  }
0x3f7: {  	v37 =	vadd.s32 v37, v41;
	s2 =	sshrl.u32 s29, $0x7;
	p0 =	slt.u32 s29, $0x1F8;
	[tilespmem:v39+s22+$0x0] =	vst.idx.msk $0xffff, v38  }
0x3f8: {  	s5 =	sand.u32 $0x78, s29;
	v37 =	vor.u32 $0x7, v37;
	v38 =	vmov s2;
	v39 =	vld [tilespmem:s30+$0xF0]  }
0x3f9: {  	v40 =	vmov s5;
	v38 =	vmul.u32 $0x2200, v38  }
0x3fa: {  	v40 =	vshrl.u32 v40, $0x3  }
0x3fb: {  	v41 =	vbroadcast v38, $0x0;
	v38 =	vshll.u32 v40, v33  }
0x3fc: {  	v42 =	vbroadcast v38, $0x0  }
0x3fd: {  	s30 =	sadd.s32 $0x200, s30;
	v38 =	vadd.s32 v30, v41;
	[tilespmem:v37+s22+$0x0] =	vst.idx.msk $0xffff, v39  }
0x3fe: {  	v39 =	vadd.s32 v42, v38;
	v37 =	vld [tilespmem:s30+$0xFFFFFF00];
	_ =	sdelay $0x4  }
0x3ff: {  	[tilespmem:v39+s22+$0x0] =	vst.idx.msk $0xffff, v37;
	v39 =	vadd.s32 v34, v41  }
0x400: {  	v37 =	vld [tilespmem:s30+$0xFFFFFF10];
	v40 =	vadd.s32 v42, v39;
	_ =	sdelay $0x4  }
0x401: {  	[tilespmem:v40+s22+$0x0] =	vst.idx.msk $0xffff, v37;
	v40 =	vadd.s32 v35, v41  }
0x402: {  	v37 =	vld [tilespmem:s30+$0xFFFFFF20];
	v43 =	vadd.s32 v42, v40;
	_ =	sdelay $0x3  }
0x403: {  	s2 =	sadd.s32 $0x9, s0  }
0x404: {  	s2 =	sand.u32 $0x78, s2;
	[tilespmem:v43+s22+$0x0] =	vst.idx.msk $0xffff, v37;
	v37 =	vadd.s32 v36, v41  }
0x405: {  	v43 =	vmov s2;
	v41 =	vld [tilespmem:s30+$0xFFFFFF30];
	v42 =	vadd.s32 v42, v37  }
0x406: {  	v43 =	vshrl.u32 v43, $0x3  }
0x407: {  	v43 =	vshll.u32 v43, v33  }
0x408: {  	v43 =	vbroadcast v43, $0x0;
	_ =	sdelay $0x1  }
0x409: {  	[tilespmem:v42+s22+$0x0] =	vst.idx.msk $0xffff, v41;
	v41 =	vadd.s32 v38, v43  }
0x40a: {  	v42 =	vld [tilespmem:s30+$0xFFFFFF40];
	v41 =	vor.u32 $0x1, v41;
	_ =	sdelay $0x4  }
0x40b: {  	[tilespmem:v41+s22+$0x0] =	vst.idx.msk $0xffff, v42;
	v41 =	vadd.s32 v39, v43  }
0x40c: {  	v42 =	vld [tilespmem:s30+$0xFFFFFF50];
	v41 =	vor.u32 $0x1, v41;
	_ =	sdelay $0x4  }
0x40d: {  	[tilespmem:v41+s22+$0x0] =	vst.idx.msk $0xffff, v42;
	v41 =	vadd.s32 v40, v43  }
0x40e: {  	v42 =	vld [tilespmem:s30+$0xFFFFFF60];
	v41 =	vor.u32 $0x1, v41;
	_ =	sdelay $0x3  }
0x40f: {  	s2 =	sadd.s32 $0xA, s0  }
0x410: {  	s2 =	sand.u32 $0x78, s2;
	[tilespmem:v41+s22+$0x0] =	vst.idx.msk $0xffff, v42;
	v41 =	vadd.s32 v37, v43  }
0x411: {  	v43 =	vmov s2;
	v42 =	vld [tilespmem:s30+$0xFFFFFF70];
	v41 =	vor.u32 $0x1, v41  }
0x412: {  	v43 =	vshrl.u32 v43, $0x3  }
0x413: {  	v43 =	vshll.u32 v43, v33  }
0x414: {  	v43 =	vbroadcast v43, $0x0;
	_ =	sdelay $0x1  }
0x415: {  	[tilespmem:v41+s22+$0x0] =	vst.idx.msk $0xffff, v42;
	v41 =	vadd.s32 v38, v43  }
0x416: {  	v42 =	vld [tilespmem:s30+$0xFFFFFF80];
	v41 =	vor.u32 $0x2, v41;
	_ =	sdelay $0x4  }
0x417: {  	[tilespmem:v41+s22+$0x0] =	vst.idx.msk $0xffff, v42;
	v41 =	vadd.s32 v39, v43  }
0x418: {  	v42 =	vld [tilespmem:s30+$0xFFFFFF90];
	v41 =	vor.u32 $0x2, v41;
	_ =	sdelay $0x4  }
0x419: {  	[tilespmem:v41+s22+$0x0] =	vst.idx.msk $0xffff, v42;
	v41 =	vadd.s32 v40, v43  }
0x41a: {  	v42 =	vld [tilespmem:s30+$0xFFFFFFA0];
	v41 =	vor.u32 $0x2, v41;
	_ =	sdelay $0x3  }
0x41b: {  	s2 =	sadd.s32 $0xB, s0  }
0x41c: {  	s2 =	sand.u32 $0x78, s2;
	[tilespmem:v41+s22+$0x0] =	vst.idx.msk $0xffff, v42;
	v41 =	vadd.s32 v37, v43  }
0x41d: {  	v43 =	vmov s2;
	v42 =	vld [tilespmem:s30+$0xFFFFFFB0];
	v41 =	vor.u32 $0x2, v41  }
0x41e: {  	v43 =	vshrl.u32 v43, $0x3  }
0x41f: {  	v43 =	vshll.u32 v43, v33  }
0x420: {  	v43 =	vbroadcast v43, $0x0;
	_ =	sdelay $0x1  }
0x421: {  	[tilespmem:v41+s22+$0x0] =	vst.idx.msk $0xffff, v42;
	v41 =	vadd.s32 v38, v43  }
0x422: {  	v42 =	vld [tilespmem:s30+$0xFFFFFFC0];
	v41 =	vor.u32 $0x3, v41;
	_ =	sdelay $0x4  }
0x423: {  	[tilespmem:v41+s22+$0x0] =	vst.idx.msk $0xffff, v42;
	v41 =	vadd.s32 v39, v43  }
0x424: {  	v42 =	vld [tilespmem:s30+$0xFFFFFFD0];
	v41 =	vor.u32 $0x3, v41;
	_ =	sdelay $0x4  }
0x425: {  	[tilespmem:v41+s22+$0x0] =	vst.idx.msk $0xffff, v42;
	v41 =	vadd.s32 v40, v43  }
0x426: {  	v42 =	vld [tilespmem:s30+$0xFFFFFFE0];
	v41 =	vor.u32 $0x3, v41;
	_ =	sdelay $0x3  }
0x427: {  	s2 =	sadd.s32 $0xC, s0  }
0x428: {  	s2 =	sand.u32 $0x78, s2;
	[tilespmem:v41+s22+$0x0] =	vst.idx.msk $0xffff, v42;
	v41 =	vadd.s32 v37, v43  }
0x429: {  	v43 =	vmov s2;
	v42 =	vld [tilespmem:s30+$0xFFFFFFF0];
	v41 =	vor.u32 $0x3, v41  }
0x42a: {  	v43 =	vshrl.u32 v43, $0x3  }
0x42b: {  	v43 =	vshll.u32 v43, v33  }
0x42c: {  	v43 =	vbroadcast v43, $0x0;
	_ =	sdelay $0x1  }
0x42d: {  	[tilespmem:v41+s22+$0x0] =	vst.idx.msk $0xffff, v42;
	v41 =	vadd.s32 v38, v43  }
0x42e: {  	v42 =	vld [tilespmem:s30+$0x0];
	v41 =	vor.u32 $0x4, v41;
	_ =	sdelay $0x4  }
0x42f: {  	[tilespmem:v41+s22+$0x0] =	vst.idx.msk $0xffff, v42;
	v41 =	vadd.s32 v39, v43  }
0x430: {  	v42 =	vld [tilespmem:s30+$0x10];
	v41 =	vor.u32 $0x4, v41;
	_ =	sdelay $0x4  }
0x431: {  	[tilespmem:v41+s22+$0x0] =	vst.idx.msk $0xffff, v42;
	v41 =	vadd.s32 v40, v43  }
0x432: {  	v42 =	vld [tilespmem:s30+$0x20];
	v41 =	vor.u32 $0x4, v41;
	_ =	sdelay $0x3  }
0x433: {  	s2 =	sadd.s32 $0xD, s0  }
0x434: {  	s2 =	sand.u32 $0x78, s2;
	[tilespmem:v41+s22+$0x0] =	vst.idx.msk $0xffff, v42;
	v41 =	vadd.s32 v37, v43  }
0x435: {  	v43 =	vmov s2;
	v42 =	vld [tilespmem:s30+$0x30];
	v41 =	vor.u32 $0x4, v41  }
0x436: {  	v43 =	vshrl.u32 v43, $0x3  }
0x437: {  	v43 =	vshll.u32 v43, v33  }
0x438: {  	v43 =	vbroadcast v43, $0x0;
	_ =	sdelay $0x1  }
0x439: {  	[tilespmem:v41+s22+$0x0] =	vst.idx.msk $0xffff, v42;
	v41 =	vadd.s32 v38, v43  }
0x43a: {  	v42 =	vld [tilespmem:s30+$0x40];
	v41 =	vor.u32 $0x5, v41;
	_ =	sdelay $0x4  }
0x43b: {  	[tilespmem:v41+s22+$0x0] =	vst.idx.msk $0xffff, v42;
	v41 =	vadd.s32 v39, v43  }
0x43c: {  	v42 =	vld [tilespmem:s30+$0x50];
	v41 =	vor.u32 $0x5, v41;
	_ =	sdelay $0x4  }
0x43d: {  	[tilespmem:v41+s22+$0x0] =	vst.idx.msk $0xffff, v42;
	v41 =	vadd.s32 v40, v43  }
0x43e: {  	v42 =	vld [tilespmem:s30+$0x60];
	v41 =	vor.u32 $0x5, v41;
	_ =	sdelay $0x3  }
0x43f: {  	s2 =	sadd.s32 $0xE, s0  }
0x440: {  	s2 =	sand.u32 $0x78, s2;
	[tilespmem:v41+s22+$0x0] =	vst.idx.msk $0xffff, v42;
	v41 =	vadd.s32 v37, v43  }
0x441: {  	v43 =	vmov s2;
	v42 =	vld [tilespmem:s30+$0x70];
	v41 =	vor.u32 $0x5, v41  }
0x442: {  	v43 =	vshrl.u32 v43, $0x3  }
0x443: {  	v43 =	vshll.u32 v43, v33  }
0x444: {  	v43 =	vbroadcast v43, $0x0;
	_ =	sdelay $0x1  }
0x445: {  	[tilespmem:v41+s22+$0x0] =	vst.idx.msk $0xffff, v42;
	v41 =	vadd.s32 v38, v43  }
0x446: {  	v42 =	vld [tilespmem:s30+$0x80];
	v41 =	vor.u32 $0x6, v41;
	_ =	sdelay $0x4  }
0x447: {  	[tilespmem:v41+s22+$0x0] =	vst.idx.msk $0xffff, v42;
	v41 =	vadd.s32 v39, v43  }
0x448: {  	v42 =	vld [tilespmem:s30+$0x90];
	v41 =	vor.u32 $0x6, v41;
	_ =	sdelay $0x4  }
0x449: {  	[tilespmem:v41+s22+$0x0] =	vst.idx.msk $0xffff, v42;
	v41 =	vadd.s32 v40, v43  }
0x44a: {  	v42 =	vld [tilespmem:s30+$0xA0];
	v41 =	vor.u32 $0x6, v41;
	_ =	sdelay $0x3  }
0x44b: {  	s0 =	sadd.s32 $0xF, s0  }
0x44c: {  	s0 =	sand.u32 $0x78, s0;
	[tilespmem:v41+s22+$0x0] =	vst.idx.msk $0xffff, v42;
	v41 =	vadd.s32 v37, v43  }
0x44d: {  	v42 =	vld [tilespmem:s30+$0xB0];
	v43 =	vor.u32 $0x6, v41;
	v41 =	vmov s0  }
0x44e: {  	v41 =	vshrl.u32 v41, $0x3  }
0x44f: {  	v41 =	vshll.u32 v41, v33  }
0x450: {  	v41 =	vbroadcast v41, $0x0;
	_ =	sdelay $0x1  }
0x451: {  	[tilespmem:v43+s22+$0x0] =	vst.idx.msk $0xffff, v42;
	v38 =	vadd.s32 v38, v41  }
0x452: {  	v42 =	vld [tilespmem:s30+$0xC0];
	v38 =	vor.u32 $0x7, v38;
	_ =	sdelay $0x4  }
0x453: {  	[tilespmem:v38+s22+$0x0] =	vst.idx.msk $0xffff, v42;
	v38 =	vadd.s32 v39, v41  }
0x454: {  	v39 =	vld [tilespmem:s30+$0xD0];
	v38 =	vor.u32 $0x7, v38;
	_ =	sdelay $0x1  }
.Ltmp10:
0x455: {  	(pc) =	sbr.rel @p0 .LBB2_23-.Ltmp10, $3  }
0x456: {  	_ =	sdelay $0x1  }
0x457: {  	[tilespmem:v38+s22+$0x0] =	vst.idx.msk $0xffff, v39;
	v39 =	vadd.s32 v40, v41  }
0x458: {  	v38 =	vld [tilespmem:s30+$0xE0];
	v39 =	vor.u32 $0x7, v39  }
0x459: {  	_ =	sdelay $0x3  }
0x45a: {  	v37 =	vadd.s32 v37, v41;
	[tilespmem:v39+s22+$0x0] =	vst.idx.msk $0xffff, v38  }
0x45b: {  	v37 =	vor.u32 $0x7, v37;
	v38 =	vld [tilespmem:s30+$0xF0];
	_ =	sdelay $0x1  }
0x45c: {  	s0 =	sshll.u32 s28, $0x14  }
0x45d: {  	s0 =	sor.u32 s6, s0  }
0x45e: {  	s28 =	sshrl.u32 s0, $0x3  }
0x45f: {  	s5 =	simm.s32 $0x16800;
	s15 =	sadd.s32 s1, s28;
	[tilespmem:v37+s22+$0x0] =	vst.idx.msk $0xffff, v38  }
0x460: {  	[hbm4b:s15+s3] =	stream.linear.scatter [tilespmem:s5], [sflag:$0x3], $0x80, $0x38;
	[tilespmem:$0x1F000] =	vst v63  }
0x461: {  	s14 =	simm.s32 $0x16888;
	s2 =	sadd.s32 $0x10, s15  }
0x462: {  	[hbm4b:s2+s3] =	stream.linear.scatter [tilespmem:s14], [sflag:$0x3], $0x80, $0x38;
	[tilespmem:$0x1F000] =	vst v63  }
0x463: {  	s0 =	simm.s32 $0x2200;
	s31 =	sadd.s32 $0x20, s15;
	s30 =	simm.s32 $0x16910  }
0x464: {  	[hbm4b:s31+s3] =	stream.linear.scatter [tilespmem:s30], [sflag:$0x3], $0x80, $0x38;
	[tilespmem:$0x1F000] =	vst v63  }
0x465: {  	s29 =	sadd.s32 $0x80, s15;
	s5 =	simm.s32 $0x16998;
	s14 =	sadd.s32 $0x30, s15  }
0x466: {  	[hbm4b:s14+s3] =	stream.linear.scatter [tilespmem:s5], [sflag:$0x3], $0x80, $0x38;
	[tilespmem:$0x1F000] =	vst v63  }
0x467: {  	s2 =	simm.s32 $0x11000;
	s30 =	simm.s32 $0x16A20;
	s31 =	sadd.s32 $0x40, s15  }
0x468: {  	[hbm4b:s31+s3] =	stream.linear.scatter [tilespmem:s30], [sflag:$0x3], $0x80, $0x38;
	[tilespmem:$0x1F000] =	vst v63  }
0x469: {  	s5 =	simm.s32 $0x16AA8;
	s14 =	sadd.s32 $0x50, s15;
	s30 =	simm.s32 $0x16B30  }
0x46a: {  	[hbm4b:s14+s3] =	stream.linear.scatter [tilespmem:s5], [sflag:$0x3], $0x80, $0x38;
	[tilespmem:$0x1F000] =	vst v63  }
0x46b: {  	s31 =	sadd.s32 $0x60, s15;
	s5 =	simm.s32 $0x16BB8;
	s14 =	sadd.s32 $0x70, s15  }
0x46c: {  	[hbm4b:s31+s3] =	stream.linear.scatter [tilespmem:s30], [sflag:$0x3], $0x80, $0x38;
	[tilespmem:$0x1F000] =	vst v63  }
.LBB2_25:
0x46d: {  	[hbm4b:s14+s3] =	stream.linear.scatter [tilespmem:s5], [sflag:$0x3], $0x80, $0x38;
	[tilespmem:$0x1F000] =	vst v63  }
0x46e: {  	s5 =	smov.u32 s0;
	s0 =	smov.u32 s2  }
0x46f: {  	s15 =	sadd.s32 $0x8800, s2;
	s0 =	sshra.s32 s0, $0x2;
	s14 =	sadd.s32 $0x16800, s5  }
0x470: {  	[hbm4b:s29+s3] =	stream.linear.scatter [tilespmem:s14], [sflag:$0x3], $0x80, $0x38;
	[tilespmem:$0x1F000] =	vst v63  }
0x471: {  	p0 =	sne.s32 s2, $0x19800;
	s2 =	sadd.s32 $0x16888, s5;
	s14 =	sadd.s32 $0x10, s29  }
0x472: {  	[hbm4b:s14+s3] =	stream.linear.scatter [tilespmem:s2], [sflag:$0x3], $0x80, $0x38;
	[tilespmem:$0x1F000] =	vst v63  }
0x473: {  	s2 =	sadd.s32 $0x16910, s5;
	s14 =	sadd.s32 $0x20, s29  }
0x474: {  	[hbm4b:s14+s3] =	stream.linear.scatter [tilespmem:s2], [sflag:$0x3], $0x80, $0x38;
	[tilespmem:$0x1F000] =	vst v63  }
0x475: {  	s2 =	sadd.s32 $0x16998, s5;
	s14 =	sadd.s32 $0x30, s29  }
0x476: {  	[hbm4b:s14+s3] =	stream.linear.scatter [tilespmem:s2], [sflag:$0x3], $0x80, $0x38;
	[tilespmem:$0x1F000] =	vst v63  }
0x477: {  	s2 =	sadd.s32 $0x16A20, s5;
	s14 =	sadd.s32 $0x40, s29  }
0x478: {  	[hbm4b:s14+s3] =	stream.linear.scatter [tilespmem:s2], [sflag:$0x3], $0x80, $0x38;
	[tilespmem:$0x1F000] =	vst v63  }
.Ltmp11:
0x479: {  	s2 =	sadd.s32 $0x16AA8, s5;
	s14 =	sadd.s32 $0x50, s29;
	(pc) =	sbr.rel @p0 .LBB2_25-.Ltmp11, $4  }
0x47a: {  	[hbm4b:s14+s3] =	stream.linear.scatter [tilespmem:s2], [sflag:$0x3], $0x80, $0x38;
	[tilespmem:$0x1F000] =	vst v63  }
0x47b: {  	s2 =	sadd.s32 $0x16B30, s5;
	s14 =	sadd.s32 $0x60, s29;
	s5 =	sadd.s32 $0x16BB8, s5  }
0x47c: {  	[hbm4b:s14+s3] =	stream.linear.scatter [tilespmem:s2], [sflag:$0x3], $0x80, $0x38;
	[tilespmem:$0x1F000] =	vst v63  }
0x47d: {  	s14 =	sadd.s32 $0x70, s29;
	s29 =	sadd.s32 $0x80, s29;
	s2 =	smov.u32 s15  }
0x47e: {  	[hbm4b:s14+s3] =	stream.linear.scatter [tilespmem:s5], [sflag:$0x3], $0x80, $0x38;
	[tilespmem:$0x1F000] =	vst v63  }
0x47f: {  	s2 =	sadd.s32 $0x16800, s0  }
0x480: {  	[hbm4b:s29+s3] =	stream.linear.scatter [tilespmem:s2], [sflag:$0x3], $0x80, $0x38;
	[tilespmem:$0x1F000] =	vst v63  }
0x481: {  	s30 =	sadd.s32 $0x16888, s0;
	s31 =	sadd.s32 $0x10, s29  }
0x482: {  	[hbm4b:s31+s3] =	stream.linear.scatter [tilespmem:s30], [sflag:$0x3], $0x80, $0x38;
	[tilespmem:$0x1F000] =	vst v63  }
0x483: {  	s14 =	sadd.s32 $0x16910, s0;
	s15 =	sadd.s32 $0x20, s29  }
0x484: {  	[hbm4b:s15+s3] =	stream.linear.scatter [tilespmem:s14], [sflag:$0x3], $0x80, $0x38;
	[tilespmem:$0x1F000] =	vst v63  }
0x485: {  	s30 =	sadd.s32 $0x16998, s0;
	s31 =	sadd.s32 $0x30, s29  }
0x486: {  	[hbm4b:s31+s3] =	stream.linear.scatter [tilespmem:s30], [sflag:$0x3], $0x80, $0x38;
	[tilespmem:$0x1F000] =	vst v63  }
0x487: {  	s14 =	sadd.s32 $0x16A20, s0;
	s15 =	sadd.s32 $0x40, s29  }
0x488: {  	[hbm4b:s15+s3] =	stream.linear.scatter [tilespmem:s14], [sflag:$0x3], $0x80, $0x38;
	[tilespmem:$0x1F000] =	vst v63  }
0x489: {  	s30 =	sadd.s32 $0x16AA8, s0;
	s31 =	sadd.s32 $0x50, s29  }
0x48a: {  	[hbm4b:s31+s3] =	stream.linear.scatter [tilespmem:s30], [sflag:$0x3], $0x80, $0x38;
	[tilespmem:$0x1F000] =	vst v63  }
0x48b: {  	s14 =	sadd.s32 $0x16B30, s0;
	s15 =	sadd.s32 $0x60, s29  }
0x48c: {  	[hbm4b:s15+s3] =	stream.linear.scatter [tilespmem:s14], [sflag:$0x3], $0x80, $0x38;
	[tilespmem:$0x1F000] =	vst v63  }
0x48d: {  	s30 =	sadd.s32 $0x16BB8, s0;
	s31 =	sadd.s32 $0x70, s29  }
0x48e: {  	[hbm4b:s31+s3] =	stream.linear.scatter [tilespmem:s30], [sflag:$0x3], $0x80, $0x38;
	[tilespmem:$0x1F000] =	vst v63  }
0x48f: {  	s2 =	simm.s32 $0x16C40;
	s15 =	sadd.s32 s28, s7  }
0x490: {  	[hbm4b:s15+s3] =	stream.linear.scatter [tilespmem:s2], [sflag:$0x3], $0x80, $0x38;
	[tilespmem:$0x1F000] =	vst v63  }
0x491: {  	s5 =	simm.s32 $0x16CC8;
	s14 =	sadd.s32 $0x10, s15  }
0x492: {  	[hbm4b:s14+s3] =	stream.linear.scatter [tilespmem:s5], [sflag:$0x3], $0x80, $0x38;
	[tilespmem:$0x1F000] =	vst v63  }
0x493: {  	s0 =	simm.s32 $0x2200;
	s30 =	simm.s32 $0x16D50;
	s31 =	sadd.s32 $0x20, s15  }
0x494: {  	[hbm4b:s31+s3] =	stream.linear.scatter [tilespmem:s30], [sflag:$0x3], $0x80, $0x38;
	[tilespmem:$0x1F000] =	vst v63  }
0x495: {  	s29 =	sadd.s32 $0x80, s15;
	s5 =	simm.s32 $0x16DD8;
	s14 =	sadd.s32 $0x30, s15  }
0x496: {  	[hbm4b:s14+s3] =	stream.linear.scatter [tilespmem:s5], [sflag:$0x3], $0x80, $0x38;
	[tilespmem:$0x1F000] =	vst v63  }
0x497: {  	s2 =	simm.s32 $0x11000;
	s30 =	simm.s32 $0x16E60;
	s31 =	sadd.s32 $0x40, s15  }
0x498: {  	[hbm4b:s31+s3] =	stream.linear.scatter [tilespmem:s30], [sflag:$0x3], $0x80, $0x38;
	[tilespmem:$0x1F000] =	vst v63  }
0x499: {  	s5 =	simm.s32 $0x16EE8;
	s14 =	sadd.s32 $0x50, s15;
	s30 =	simm.s32 $0x16F70  }
0x49a: {  	[hbm4b:s14+s3] =	stream.linear.scatter [tilespmem:s5], [sflag:$0x3], $0x80, $0x38;
	[tilespmem:$0x1F000] =	vst v63  }
0x49b: {  	s31 =	sadd.s32 $0x60, s15;
	s5 =	simm.s32 $0x16FF8;
	s14 =	sadd.s32 $0x70, s15  }
0x49c: {  	[hbm4b:s31+s3] =	stream.linear.scatter [tilespmem:s30], [sflag:$0x3], $0x80, $0x38;
	[tilespmem:$0x1F000] =	vst v63  }
.LBB2_27:
0x49d: {  	[hbm4b:s14+s3] =	stream.linear.scatter [tilespmem:s5], [sflag:$0x3], $0x80, $0x38;
	[tilespmem:$0x1F000] =	vst v63  }
0x49e: {  	s5 =	smov.u32 s0;
	s0 =	smov.u32 s2  }
0x49f: {  	s15 =	sadd.s32 $0x8800, s2;
	s0 =	sshra.s32 s0, $0x2;
	s14 =	sadd.s32 $0x16C40, s5  }
0x4a0: {  	[hbm4b:s29+s3] =	stream.linear.scatter [tilespmem:s14], [sflag:$0x3], $0x80, $0x38;
	[tilespmem:$0x1F000] =	vst v63  }
0x4a1: {  	p0 =	sne.s32 s2, $0x19800;
	s2 =	sadd.s32 $0x16CC8, s5;
	s14 =	sadd.s32 $0x10, s29  }
0x4a2: {  	[hbm4b:s14+s3] =	stream.linear.scatter [tilespmem:s2], [sflag:$0x3], $0x80, $0x38;
	[tilespmem:$0x1F000] =	vst v63  }
0x4a3: {  	s2 =	sadd.s32 $0x16D50, s5;
	s14 =	sadd.s32 $0x20, s29  }
0x4a4: {  	[hbm4b:s14+s3] =	stream.linear.scatter [tilespmem:s2], [sflag:$0x3], $0x80, $0x38;
	[tilespmem:$0x1F000] =	vst v63  }
0x4a5: {  	s2 =	sadd.s32 $0x16DD8, s5;
	s14 =	sadd.s32 $0x30, s29  }
0x4a6: {  	[hbm4b:s14+s3] =	stream.linear.scatter [tilespmem:s2], [sflag:$0x3], $0x80, $0x38;
	[tilespmem:$0x1F000] =	vst v63  }
0x4a7: {  	s2 =	sadd.s32 $0x16E60, s5;
	s14 =	sadd.s32 $0x40, s29  }
0x4a8: {  	[hbm4b:s14+s3] =	stream.linear.scatter [tilespmem:s2], [sflag:$0x3], $0x80, $0x38;
	[tilespmem:$0x1F000] =	vst v63  }
.Ltmp12:
0x4a9: {  	s2 =	sadd.s32 $0x16EE8, s5;
	s14 =	sadd.s32 $0x50, s29;
	(pc) =	sbr.rel @p0 .LBB2_27-.Ltmp12, $4  }
0x4aa: {  	[hbm4b:s14+s3] =	stream.linear.scatter [tilespmem:s2], [sflag:$0x3], $0x80, $0x38;
	[tilespmem:$0x1F000] =	vst v63  }
0x4ab: {  	s2 =	sadd.s32 $0x16F70, s5;
	s14 =	sadd.s32 $0x60, s29;
	s5 =	sadd.s32 $0x16FF8, s5  }
0x4ac: {  	[hbm4b:s14+s3] =	stream.linear.scatter [tilespmem:s2], [sflag:$0x3], $0x80, $0x38;
	[tilespmem:$0x1F000] =	vst v63  }
0x4ad: {  	s14 =	sadd.s32 $0x70, s29;
	s29 =	sadd.s32 $0x80, s29;
	s2 =	smov.u32 s15  }
0x4ae: {  	[hbm4b:s14+s3] =	stream.linear.scatter [tilespmem:s5], [sflag:$0x3], $0x80, $0x38;
	[tilespmem:$0x1F000] =	vst v63  }
0x4af: {  	s2 =	sadd.s32 $0x16C40, s0  }
0x4b0: {  	[hbm4b:s29+s3] =	stream.linear.scatter [tilespmem:s2], [sflag:$0x3], $0x80, $0x38;
	[tilespmem:$0x1F000] =	vst v63  }
0x4b1: {  	s30 =	sadd.s32 $0x16CC8, s0;
	s31 =	sadd.s32 $0x10, s29  }
0x4b2: {  	[hbm4b:s31+s3] =	stream.linear.scatter [tilespmem:s30], [sflag:$0x3], $0x80, $0x38;
	[tilespmem:$0x1F000] =	vst v63  }
0x4b3: {  	s14 =	sadd.s32 $0x16D50, s0;
	s15 =	sadd.s32 $0x20, s29  }
0x4b4: {  	[hbm4b:s15+s3] =	stream.linear.scatter [tilespmem:s14], [sflag:$0x3], $0x80, $0x38;
	[tilespmem:$0x1F000] =	vst v63  }
0x4b5: {  	s30 =	sadd.s32 $0x16DD8, s0;
	s31 =	sadd.s32 $0x30, s29  }
0x4b6: {  	[hbm4b:s31+s3] =	stream.linear.scatter [tilespmem:s30], [sflag:$0x3], $0x80, $0x38;
	[tilespmem:$0x1F000] =	vst v63  }
0x4b7: {  	s14 =	sadd.s32 $0x16E60, s0;
	s15 =	sadd.s32 $0x40, s29  }
0x4b8: {  	[hbm4b:s15+s3] =	stream.linear.scatter [tilespmem:s14], [sflag:$0x3], $0x80, $0x38;
	[tilespmem:$0x1F000] =	vst v63  }
0x4b9: {  	s30 =	sadd.s32 $0x16EE8, s0;
	s31 =	sadd.s32 $0x50, s29  }
0x4ba: {  	[hbm4b:s31+s3] =	stream.linear.scatter [tilespmem:s30], [sflag:$0x3], $0x80, $0x38;
	[tilespmem:$0x1F000] =	vst v63  }
0x4bb: {  	s14 =	sadd.s32 $0x16F70, s0;
	s15 =	sadd.s32 $0x60, s29  }
0x4bc: {  	[hbm4b:s15+s3] =	stream.linear.scatter [tilespmem:s14], [sflag:$0x3], $0x80, $0x38;
	[tilespmem:$0x1F000] =	vst v63  }
0x4bd: {  	s30 =	sadd.s32 $0x16FF8, s0;
	s31 =	sadd.s32 $0x70, s29  }
0x4be: {  	[hbm4b:s31+s3] =	stream.linear.scatter [tilespmem:s30], [sflag:$0x3], $0x80, $0x38;
	[tilespmem:$0x1F000] =	vst v63  }
0x4bf: {  	s2 =	simm.s32 $0x17080;
	s15 =	sadd.s32 s28, s8  }
0x4c0: {  	[hbm4b:s15+s3] =	stream.linear.scatter [tilespmem:s2], [sflag:$0x3], $0x80, $0x38;
	[tilespmem:$0x1F000] =	vst v63  }
0x4c1: {  	s5 =	simm.s32 $0x17108;
	s14 =	sadd.s32 $0x10, s15  }
0x4c2: {  	[hbm4b:s14+s3] =	stream.linear.scatter [tilespmem:s5], [sflag:$0x3], $0x80, $0x38;
	[tilespmem:$0x1F000] =	vst v63  }
0x4c3: {  	s0 =	simm.s32 $0x2200;
	s30 =	simm.s32 $0x17190;
	s31 =	sadd.s32 $0x20, s15  }
0x4c4: {  	[hbm4b:s31+s3] =	stream.linear.scatter [tilespmem:s30], [sflag:$0x3], $0x80, $0x38;
	[tilespmem:$0x1F000] =	vst v63  }
0x4c5: {  	s29 =	sadd.s32 $0x80, s15;
	s5 =	simm.s32 $0x17218;
	s14 =	sadd.s32 $0x30, s15  }
0x4c6: {  	[hbm4b:s14+s3] =	stream.linear.scatter [tilespmem:s5], [sflag:$0x3], $0x80, $0x38;
	[tilespmem:$0x1F000] =	vst v63  }
0x4c7: {  	s2 =	simm.s32 $0x11000;
	s30 =	simm.s32 $0x172A0;
	s31 =	sadd.s32 $0x40, s15  }
0x4c8: {  	[hbm4b:s31+s3] =	stream.linear.scatter [tilespmem:s30], [sflag:$0x3], $0x80, $0x38;
	[tilespmem:$0x1F000] =	vst v63  }
0x4c9: {  	s5 =	simm.s32 $0x17328;
	s14 =	sadd.s32 $0x50, s15;
	s30 =	simm.s32 $0x173B0  }
0x4ca: {  	[hbm4b:s14+s3] =	stream.linear.scatter [tilespmem:s5], [sflag:$0x3], $0x80, $0x38;
	[tilespmem:$0x1F000] =	vst v63  }
0x4cb: {  	s31 =	sadd.s32 $0x60, s15;
	s5 =	simm.s32 $0x17438;
	s14 =	sadd.s32 $0x70, s15  }
0x4cc: {  	[hbm4b:s31+s3] =	stream.linear.scatter [tilespmem:s30], [sflag:$0x3], $0x80, $0x38;
	[tilespmem:$0x1F000] =	vst v63  }
.LBB2_29:
0x4cd: {  	[hbm4b:s14+s3] =	stream.linear.scatter [tilespmem:s5], [sflag:$0x3], $0x80, $0x38;
	[tilespmem:$0x1F000] =	vst v63  }
0x4ce: {  	s5 =	smov.u32 s0;
	s0 =	smov.u32 s2  }
0x4cf: {  	s15 =	sadd.s32 $0x8800, s2;
	s0 =	sshra.s32 s0, $0x2;
	s14 =	sadd.s32 $0x17080, s5  }
0x4d0: {  	[hbm4b:s29+s3] =	stream.linear.scatter [tilespmem:s14], [sflag:$0x3], $0x80, $0x38;
	[tilespmem:$0x1F000] =	vst v63  }
0x4d1: {  	p0 =	sne.s32 s2, $0x19800;
	s2 =	sadd.s32 $0x17108, s5;
	s14 =	sadd.s32 $0x10, s29  }
0x4d2: {  	[hbm4b:s14+s3] =	stream.linear.scatter [tilespmem:s2], [sflag:$0x3], $0x80, $0x38;
	[tilespmem:$0x1F000] =	vst v63  }
0x4d3: {  	s2 =	sadd.s32 $0x17190, s5;
	s14 =	sadd.s32 $0x20, s29  }
0x4d4: {  	[hbm4b:s14+s3] =	stream.linear.scatter [tilespmem:s2], [sflag:$0x3], $0x80, $0x38;
	[tilespmem:$0x1F000] =	vst v63  }
0x4d5: {  	s2 =	sadd.s32 $0x17218, s5;
	s14 =	sadd.s32 $0x30, s29  }
0x4d6: {  	[hbm4b:s14+s3] =	stream.linear.scatter [tilespmem:s2], [sflag:$0x3], $0x80, $0x38;
	[tilespmem:$0x1F000] =	vst v63  }
0x4d7: {  	s2 =	sadd.s32 $0x172A0, s5;
	s14 =	sadd.s32 $0x40, s29  }
0x4d8: {  	[hbm4b:s14+s3] =	stream.linear.scatter [tilespmem:s2], [sflag:$0x3], $0x80, $0x38;
	[tilespmem:$0x1F000] =	vst v63  }
.Ltmp13:
0x4d9: {  	s2 =	sadd.s32 $0x17328, s5;
	s14 =	sadd.s32 $0x50, s29;
	(pc) =	sbr.rel @p0 .LBB2_29-.Ltmp13, $4  }
0x4da: {  	[hbm4b:s14+s3] =	stream.linear.scatter [tilespmem:s2], [sflag:$0x3], $0x80, $0x38;
	[tilespmem:$0x1F000] =	vst v63  }
0x4db: {  	s2 =	sadd.s32 $0x173B0, s5;
	s14 =	sadd.s32 $0x60, s29;
	s5 =	sadd.s32 $0x17438, s5  }
0x4dc: {  	[hbm4b:s14+s3] =	stream.linear.scatter [tilespmem:s2], [sflag:$0x3], $0x80, $0x38;
	[tilespmem:$0x1F000] =	vst v63  }
0x4dd: {  	s14 =	sadd.s32 $0x70, s29;
	s29 =	sadd.s32 $0x80, s29;
	s2 =	smov.u32 s15  }
0x4de: {  	[hbm4b:s14+s3] =	stream.linear.scatter [tilespmem:s5], [sflag:$0x3], $0x80, $0x38;
	[tilespmem:$0x1F000] =	vst v63  }
0x4df: {  	s2 =	sadd.s32 $0x17080, s0  }
0x4e0: {  	[hbm4b:s29+s3] =	stream.linear.scatter [tilespmem:s2], [sflag:$0x3], $0x80, $0x38;
	[tilespmem:$0x1F000] =	vst v63  }
0x4e1: {  	s30 =	sadd.s32 $0x17108, s0;
	s31 =	sadd.s32 $0x10, s29  }
0x4e2: {  	[hbm4b:s31+s3] =	stream.linear.scatter [tilespmem:s30], [sflag:$0x3], $0x80, $0x38;
	[tilespmem:$0x1F000] =	vst v63  }
0x4e3: {  	s14 =	sadd.s32 $0x17190, s0;
	s15 =	sadd.s32 $0x20, s29  }
0x4e4: {  	[hbm4b:s15+s3] =	stream.linear.scatter [tilespmem:s14], [sflag:$0x3], $0x80, $0x38;
	[tilespmem:$0x1F000] =	vst v63  }
0x4e5: {  	s30 =	sadd.s32 $0x17218, s0;
	s31 =	sadd.s32 $0x30, s29  }
0x4e6: {  	[hbm4b:s31+s3] =	stream.linear.scatter [tilespmem:s30], [sflag:$0x3], $0x80, $0x38;
	[tilespmem:$0x1F000] =	vst v63  }
0x4e7: {  	s14 =	sadd.s32 $0x172A0, s0;
	s15 =	sadd.s32 $0x40, s29  }
0x4e8: {  	[hbm4b:s15+s3] =	stream.linear.scatter [tilespmem:s14], [sflag:$0x3], $0x80, $0x38;
	[tilespmem:$0x1F000] =	vst v63  }
0x4e9: {  	s30 =	sadd.s32 $0x17328, s0;
	s31 =	sadd.s32 $0x50, s29  }
0x4ea: {  	[hbm4b:s31+s3] =	stream.linear.scatter [tilespmem:s30], [sflag:$0x3], $0x80, $0x38;
	[tilespmem:$0x1F000] =	vst v63  }
0x4eb: {  	s14 =	sadd.s32 $0x173B0, s0;
	s15 =	sadd.s32 $0x60, s29  }
0x4ec: {  	[hbm4b:s15+s3] =	stream.linear.scatter [tilespmem:s14], [sflag:$0x3], $0x80, $0x38;
	[tilespmem:$0x1F000] =	vst v63  }
0x4ed: {  	s30 =	sadd.s32 $0x17438, s0;
	s31 =	sadd.s32 $0x70, s29  }
0x4ee: {  	[hbm4b:s31+s3] =	stream.linear.scatter [tilespmem:s30], [sflag:$0x3], $0x80, $0x38;
	[tilespmem:$0x1F000] =	vst v63  }
0x4ef: {  	s2 =	simm.s32 $0x174C0;
	s15 =	sadd.s32 s28, s9  }
0x4f0: {  	[hbm4b:s15+s3] =	stream.linear.scatter [tilespmem:s2], [sflag:$0x3], $0x80, $0x38;
	[tilespmem:$0x1F000] =	vst v63  }
0x4f1: {  	s5 =	simm.s32 $0x17548;
	s14 =	sadd.s32 $0x10, s15  }
0x4f2: {  	[hbm4b:s14+s3] =	stream.linear.scatter [tilespmem:s5], [sflag:$0x3], $0x80, $0x38;
	[tilespmem:$0x1F000] =	vst v63  }
0x4f3: {  	s0 =	simm.s32 $0x2200;
	s30 =	simm.s32 $0x175D0;
	s31 =	sadd.s32 $0x20, s15  }
0x4f4: {  	[hbm4b:s31+s3] =	stream.linear.scatter [tilespmem:s30], [sflag:$0x3], $0x80, $0x38;
	[tilespmem:$0x1F000] =	vst v63  }
0x4f5: {  	s29 =	sadd.s32 $0x80, s15;
	s5 =	simm.s32 $0x17658;
	s14 =	sadd.s32 $0x30, s15  }
0x4f6: {  	[hbm4b:s14+s3] =	stream.linear.scatter [tilespmem:s5], [sflag:$0x3], $0x80, $0x38;
	[tilespmem:$0x1F000] =	vst v63  }
0x4f7: {  	s2 =	simm.s32 $0x11000;
	s30 =	simm.s32 $0x176E0;
	s31 =	sadd.s32 $0x40, s15  }
0x4f8: {  	[hbm4b:s31+s3] =	stream.linear.scatter [tilespmem:s30], [sflag:$0x3], $0x80, $0x38;
	[tilespmem:$0x1F000] =	vst v63  }
0x4f9: {  	s5 =	simm.s32 $0x17768;
	s14 =	sadd.s32 $0x50, s15;
	s30 =	simm.s32 $0x177F0  }
0x4fa: {  	[hbm4b:s14+s3] =	stream.linear.scatter [tilespmem:s5], [sflag:$0x3], $0x80, $0x38;
	[tilespmem:$0x1F000] =	vst v63  }
0x4fb: {  	s31 =	sadd.s32 $0x60, s15;
	s5 =	simm.s32 $0x17878;
	s14 =	sadd.s32 $0x70, s15  }
0x4fc: {  	[hbm4b:s31+s3] =	stream.linear.scatter [tilespmem:s30], [sflag:$0x3], $0x80, $0x38;
	[tilespmem:$0x1F000] =	vst v63  }
.LBB2_31:
0x4fd: {  	[hbm4b:s14+s3] =	stream.linear.scatter [tilespmem:s5], [sflag:$0x3], $0x80, $0x38;
	[tilespmem:$0x1F000] =	vst v63  }
0x4fe: {  	s5 =	smov.u32 s0;
	s0 =	smov.u32 s2  }
0x4ff: {  	s15 =	sadd.s32 $0x8800, s2;
	s0 =	sshra.s32 s0, $0x2;
	s14 =	sadd.s32 $0x174C0, s5  }
0x500: {  	[hbm4b:s29+s3] =	stream.linear.scatter [tilespmem:s14], [sflag:$0x3], $0x80, $0x38;
	[tilespmem:$0x1F000] =	vst v63  }
0x501: {  	p0 =	sne.s32 s2, $0x19800;
	s2 =	sadd.s32 $0x17548, s5;
	s14 =	sadd.s32 $0x10, s29  }
0x502: {  	[hbm4b:s14+s3] =	stream.linear.scatter [tilespmem:s2], [sflag:$0x3], $0x80, $0x38;
	[tilespmem:$0x1F000] =	vst v63  }
0x503: {  	s2 =	sadd.s32 $0x175D0, s5;
	s14 =	sadd.s32 $0x20, s29  }
0x504: {  	[hbm4b:s14+s3] =	stream.linear.scatter [tilespmem:s2], [sflag:$0x3], $0x80, $0x38;
	[tilespmem:$0x1F000] =	vst v63  }
0x505: {  	s2 =	sadd.s32 $0x17658, s5;
	s14 =	sadd.s32 $0x30, s29  }
0x506: {  	[hbm4b:s14+s3] =	stream.linear.scatter [tilespmem:s2], [sflag:$0x3], $0x80, $0x38;
	[tilespmem:$0x1F000] =	vst v63  }
0x507: {  	s2 =	sadd.s32 $0x176E0, s5;
	s14 =	sadd.s32 $0x40, s29  }
0x508: {  	[hbm4b:s14+s3] =	stream.linear.scatter [tilespmem:s2], [sflag:$0x3], $0x80, $0x38;
	[tilespmem:$0x1F000] =	vst v63  }
.Ltmp14:
0x509: {  	s2 =	sadd.s32 $0x17768, s5;
	s14 =	sadd.s32 $0x50, s29;
	(pc) =	sbr.rel @p0 .LBB2_31-.Ltmp14, $4  }
0x50a: {  	[hbm4b:s14+s3] =	stream.linear.scatter [tilespmem:s2], [sflag:$0x3], $0x80, $0x38;
	[tilespmem:$0x1F000] =	vst v63  }
0x50b: {  	s2 =	sadd.s32 $0x177F0, s5;
	s14 =	sadd.s32 $0x60, s29;
	s5 =	sadd.s32 $0x17878, s5  }
0x50c: {  	[hbm4b:s14+s3] =	stream.linear.scatter [tilespmem:s2], [sflag:$0x3], $0x80, $0x38;
	[tilespmem:$0x1F000] =	vst v63  }
0x50d: {  	s14 =	sadd.s32 $0x70, s29;
	s29 =	sadd.s32 $0x80, s29;
	s2 =	smov.u32 s15  }
0x50e: {  	[hbm4b:s14+s3] =	stream.linear.scatter [tilespmem:s5], [sflag:$0x3], $0x80, $0x38;
	[tilespmem:$0x1F000] =	vst v63  }
0x50f: {  	s2 =	sadd.s32 $0x174C0, s0  }
0x510: {  	[hbm4b:s29+s3] =	stream.linear.scatter [tilespmem:s2], [sflag:$0x3], $0x80, $0x38;
	[tilespmem:$0x1F000] =	vst v63  }
0x511: {  	s30 =	sadd.s32 $0x17548, s0;
	s31 =	sadd.s32 $0x10, s29  }
0x512: {  	[hbm4b:s31+s3] =	stream.linear.scatter [tilespmem:s30], [sflag:$0x3], $0x80, $0x38;
	[tilespmem:$0x1F000] =	vst v63  }
0x513: {  	s14 =	sadd.s32 $0x175D0, s0;
	s15 =	sadd.s32 $0x20, s29  }
0x514: {  	[hbm4b:s15+s3] =	stream.linear.scatter [tilespmem:s14], [sflag:$0x3], $0x80, $0x38;
	[tilespmem:$0x1F000] =	vst v63  }
0x515: {  	s30 =	sadd.s32 $0x17658, s0;
	s31 =	sadd.s32 $0x30, s29  }
0x516: {  	[hbm4b:s31+s3] =	stream.linear.scatter [tilespmem:s30], [sflag:$0x3], $0x80, $0x38;
	[tilespmem:$0x1F000] =	vst v63  }
0x517: {  	s14 =	sadd.s32 $0x176E0, s0;
	s15 =	sadd.s32 $0x40, s29  }
0x518: {  	[hbm4b:s15+s3] =	stream.linear.scatter [tilespmem:s14], [sflag:$0x3], $0x80, $0x38;
	[tilespmem:$0x1F000] =	vst v63  }
0x519: {  	s30 =	sadd.s32 $0x17768, s0;
	s31 =	sadd.s32 $0x50, s29  }
0x51a: {  	[hbm4b:s31+s3] =	stream.linear.scatter [tilespmem:s30], [sflag:$0x3], $0x80, $0x38;
	[tilespmem:$0x1F000] =	vst v63  }
0x51b: {  	s14 =	sadd.s32 $0x177F0, s0;
	s15 =	sadd.s32 $0x60, s29  }
0x51c: {  	[hbm4b:s15+s3] =	stream.linear.scatter [tilespmem:s14], [sflag:$0x3], $0x80, $0x38;
	[tilespmem:$0x1F000] =	vst v63  }
0x51d: {  	s30 =	sadd.s32 $0x17878, s0;
	s31 =	sadd.s32 $0x70, s29  }
0x51e: {  	[hbm4b:s31+s3] =	stream.linear.scatter [tilespmem:s30], [sflag:$0x3], $0x80, $0x38;
	[tilespmem:$0x1F000] =	vst v63  }
0x51f: {  	s2 =	simm.s32 $0x17900;
	s15 =	sadd.s32 s28, s10  }
0x520: {  	[hbm4b:s15+s3] =	stream.linear.scatter [tilespmem:s2], [sflag:$0x3], $0x80, $0x38;
	[tilespmem:$0x1F000] =	vst v63  }
0x521: {  	s5 =	simm.s32 $0x17988;
	s14 =	sadd.s32 $0x10, s15  }
0x522: {  	[hbm4b:s14+s3] =	stream.linear.scatter [tilespmem:s5], [sflag:$0x3], $0x80, $0x38;
	[tilespmem:$0x1F000] =	vst v63  }
0x523: {  	s0 =	simm.s32 $0x2200;
	s30 =	simm.s32 $0x17A10;
	s31 =	sadd.s32 $0x20, s15  }
0x524: {  	[hbm4b:s31+s3] =	stream.linear.scatter [tilespmem:s30], [sflag:$0x3], $0x80, $0x38;
	[tilespmem:$0x1F000] =	vst v63  }
0x525: {  	s29 =	sadd.s32 $0x80, s15;
	s5 =	simm.s32 $0x17A98;
	s14 =	sadd.s32 $0x30, s15  }
0x526: {  	[hbm4b:s14+s3] =	stream.linear.scatter [tilespmem:s5], [sflag:$0x3], $0x80, $0x38;
	[tilespmem:$0x1F000] =	vst v63  }
0x527: {  	s2 =	simm.s32 $0x11000;
	s30 =	simm.s32 $0x17B20;
	s31 =	sadd.s32 $0x40, s15  }
0x528: {  	[hbm4b:s31+s3] =	stream.linear.scatter [tilespmem:s30], [sflag:$0x3], $0x80, $0x38;
	[tilespmem:$0x1F000] =	vst v63  }
0x529: {  	s5 =	simm.s32 $0x17BA8;
	s14 =	sadd.s32 $0x50, s15;
	s30 =	simm.s32 $0x17C30  }
0x52a: {  	[hbm4b:s14+s3] =	stream.linear.scatter [tilespmem:s5], [sflag:$0x3], $0x80, $0x38;
	[tilespmem:$0x1F000] =	vst v63  }
0x52b: {  	s31 =	sadd.s32 $0x60, s15;
	s5 =	simm.s32 $0x17CB8;
	s14 =	sadd.s32 $0x70, s15  }
0x52c: {  	[hbm4b:s31+s3] =	stream.linear.scatter [tilespmem:s30], [sflag:$0x3], $0x80, $0x38;
	[tilespmem:$0x1F000] =	vst v63  }
.LBB2_33:
0x52d: {  	[hbm4b:s14+s3] =	stream.linear.scatter [tilespmem:s5], [sflag:$0x3], $0x80, $0x38;
	[tilespmem:$0x1F000] =	vst v63  }
0x52e: {  	s5 =	smov.u32 s0;
	s0 =	smov.u32 s2  }
0x52f: {  	s15 =	sadd.s32 $0x8800, s2;
	s0 =	sshra.s32 s0, $0x2;
	s14 =	sadd.s32 $0x17900, s5  }
0x530: {  	[hbm4b:s29+s3] =	stream.linear.scatter [tilespmem:s14], [sflag:$0x3], $0x80, $0x38;
	[tilespmem:$0x1F000] =	vst v63  }
0x531: {  	p0 =	sne.s32 s2, $0x19800;
	s2 =	sadd.s32 $0x17988, s5;
	s14 =	sadd.s32 $0x10, s29  }
0x532: {  	[hbm4b:s14+s3] =	stream.linear.scatter [tilespmem:s2], [sflag:$0x3], $0x80, $0x38;
	[tilespmem:$0x1F000] =	vst v63  }
0x533: {  	s2 =	sadd.s32 $0x17A10, s5;
	s14 =	sadd.s32 $0x20, s29  }
0x534: {  	[hbm4b:s14+s3] =	stream.linear.scatter [tilespmem:s2], [sflag:$0x3], $0x80, $0x38;
	[tilespmem:$0x1F000] =	vst v63  }
0x535: {  	s2 =	sadd.s32 $0x17A98, s5;
	s14 =	sadd.s32 $0x30, s29  }
0x536: {  	[hbm4b:s14+s3] =	stream.linear.scatter [tilespmem:s2], [sflag:$0x3], $0x80, $0x38;
	[tilespmem:$0x1F000] =	vst v63  }
0x537: {  	s2 =	sadd.s32 $0x17B20, s5;
	s14 =	sadd.s32 $0x40, s29  }
0x538: {  	[hbm4b:s14+s3] =	stream.linear.scatter [tilespmem:s2], [sflag:$0x3], $0x80, $0x38;
	[tilespmem:$0x1F000] =	vst v63  }
.Ltmp15:
0x539: {  	s2 =	sadd.s32 $0x17BA8, s5;
	s14 =	sadd.s32 $0x50, s29;
	(pc) =	sbr.rel @p0 .LBB2_33-.Ltmp15, $4  }
0x53a: {  	[hbm4b:s14+s3] =	stream.linear.scatter [tilespmem:s2], [sflag:$0x3], $0x80, $0x38;
	[tilespmem:$0x1F000] =	vst v63  }
0x53b: {  	s2 =	sadd.s32 $0x17C30, s5;
	s14 =	sadd.s32 $0x60, s29;
	s5 =	sadd.s32 $0x17CB8, s5  }
0x53c: {  	[hbm4b:s14+s3] =	stream.linear.scatter [tilespmem:s2], [sflag:$0x3], $0x80, $0x38;
	[tilespmem:$0x1F000] =	vst v63  }
0x53d: {  	s14 =	sadd.s32 $0x70, s29;
	s29 =	sadd.s32 $0x80, s29;
	s2 =	smov.u32 s15  }
0x53e: {  	[hbm4b:s14+s3] =	stream.linear.scatter [tilespmem:s5], [sflag:$0x3], $0x80, $0x38;
	[tilespmem:$0x1F000] =	vst v63  }
0x53f: {  	s2 =	sadd.s32 $0x17900, s0  }
0x540: {  	[hbm4b:s29+s3] =	stream.linear.scatter [tilespmem:s2], [sflag:$0x3], $0x80, $0x38;
	[tilespmem:$0x1F000] =	vst v63  }
0x541: {  	s30 =	sadd.s32 $0x17988, s0;
	s31 =	sadd.s32 $0x10, s29  }
0x542: {  	[hbm4b:s31+s3] =	stream.linear.scatter [tilespmem:s30], [sflag:$0x3], $0x80, $0x38;
	[tilespmem:$0x1F000] =	vst v63  }
0x543: {  	s14 =	sadd.s32 $0x17A10, s0;
	s15 =	sadd.s32 $0x20, s29  }
0x544: {  	[hbm4b:s15+s3] =	stream.linear.scatter [tilespmem:s14], [sflag:$0x3], $0x80, $0x38;
	[tilespmem:$0x1F000] =	vst v63  }
0x545: {  	s30 =	sadd.s32 $0x17A98, s0;
	s31 =	sadd.s32 $0x30, s29  }
0x546: {  	[hbm4b:s31+s3] =	stream.linear.scatter [tilespmem:s30], [sflag:$0x3], $0x80, $0x38;
	[tilespmem:$0x1F000] =	vst v63  }
0x547: {  	s14 =	sadd.s32 $0x17B20, s0;
	s15 =	sadd.s32 $0x40, s29  }
0x548: {  	[hbm4b:s15+s3] =	stream.linear.scatter [tilespmem:s14], [sflag:$0x3], $0x80, $0x38;
	[tilespmem:$0x1F000] =	vst v63  }
0x549: {  	s30 =	sadd.s32 $0x17BA8, s0;
	s31 =	sadd.s32 $0x50, s29  }
0x54a: {  	[hbm4b:s31+s3] =	stream.linear.scatter [tilespmem:s30], [sflag:$0x3], $0x80, $0x38;
	[tilespmem:$0x1F000] =	vst v63  }
0x54b: {  	s14 =	sadd.s32 $0x17C30, s0;
	s15 =	sadd.s32 $0x60, s29  }
0x54c: {  	[hbm4b:s15+s3] =	stream.linear.scatter [tilespmem:s14], [sflag:$0x3], $0x80, $0x38;
	[tilespmem:$0x1F000] =	vst v63  }
0x54d: {  	s30 =	sadd.s32 $0x17CB8, s0;
	s31 =	sadd.s32 $0x70, s29  }
0x54e: {  	[hbm4b:s31+s3] =	stream.linear.scatter [tilespmem:s30], [sflag:$0x3], $0x80, $0x38;
	[tilespmem:$0x1F000] =	vst v63  }
0x54f: {  	s2 =	simm.s32 $0x17D40;
	s15 =	sadd.s32 s28, s11  }
0x550: {  	[hbm4b:s15+s3] =	stream.linear.scatter [tilespmem:s2], [sflag:$0x3], $0x80, $0x38;
	[tilespmem:$0x1F000] =	vst v63  }
0x551: {  	s5 =	simm.s32 $0x17DC8;
	s14 =	sadd.s32 $0x10, s15  }
0x552: {  	[hbm4b:s14+s3] =	stream.linear.scatter [tilespmem:s5], [sflag:$0x3], $0x80, $0x38;
	[tilespmem:$0x1F000] =	vst v63  }
0x553: {  	s0 =	simm.s32 $0x2200;
	s30 =	simm.s32 $0x17E50;
	s31 =	sadd.s32 $0x20, s15  }
0x554: {  	[hbm4b:s31+s3] =	stream.linear.scatter [tilespmem:s30], [sflag:$0x3], $0x80, $0x38;
	[tilespmem:$0x1F000] =	vst v63  }
0x555: {  	s29 =	sadd.s32 $0x80, s15;
	s5 =	simm.s32 $0x17ED8;
	s14 =	sadd.s32 $0x30, s15  }
0x556: {  	[hbm4b:s14+s3] =	stream.linear.scatter [tilespmem:s5], [sflag:$0x3], $0x80, $0x38;
	[tilespmem:$0x1F000] =	vst v63  }
0x557: {  	s2 =	simm.s32 $0x11000;
	s30 =	simm.s32 $0x17F60;
	s31 =	sadd.s32 $0x40, s15  }
0x558: {  	[hbm4b:s31+s3] =	stream.linear.scatter [tilespmem:s30], [sflag:$0x3], $0x80, $0x38;
	[tilespmem:$0x1F000] =	vst v63  }
0x559: {  	s5 =	simm.s32 $0x17FE8;
	s14 =	sadd.s32 $0x50, s15;
	s30 =	simm.s32 $0x18070  }
0x55a: {  	[hbm4b:s14+s3] =	stream.linear.scatter [tilespmem:s5], [sflag:$0x3], $0x80, $0x38;
	[tilespmem:$0x1F000] =	vst v63  }
0x55b: {  	s31 =	sadd.s32 $0x60, s15;
	s5 =	simm.s32 $0x180F8;
	s14 =	sadd.s32 $0x70, s15  }
0x55c: {  	[hbm4b:s31+s3] =	stream.linear.scatter [tilespmem:s30], [sflag:$0x3], $0x80, $0x38;
	[tilespmem:$0x1F000] =	vst v63  }
.LBB2_35:
0x55d: {  	[hbm4b:s14+s3] =	stream.linear.scatter [tilespmem:s5], [sflag:$0x3], $0x80, $0x38;
	[tilespmem:$0x1F000] =	vst v63  }
0x55e: {  	s5 =	smov.u32 s0;
	s0 =	smov.u32 s2  }
0x55f: {  	s15 =	sadd.s32 $0x8800, s2;
	s0 =	sshra.s32 s0, $0x2;
	s14 =	sadd.s32 $0x17D40, s5  }
0x560: {  	[hbm4b:s29+s3] =	stream.linear.scatter [tilespmem:s14], [sflag:$0x3], $0x80, $0x38;
	[tilespmem:$0x1F000] =	vst v63  }
0x561: {  	p0 =	sne.s32 s2, $0x19800;
	s2 =	sadd.s32 $0x17DC8, s5;
	s14 =	sadd.s32 $0x10, s29  }
0x562: {  	[hbm4b:s14+s3] =	stream.linear.scatter [tilespmem:s2], [sflag:$0x3], $0x80, $0x38;
	[tilespmem:$0x1F000] =	vst v63  }
0x563: {  	s2 =	sadd.s32 $0x17E50, s5;
	s14 =	sadd.s32 $0x20, s29  }
0x564: {  	[hbm4b:s14+s3] =	stream.linear.scatter [tilespmem:s2], [sflag:$0x3], $0x80, $0x38;
	[tilespmem:$0x1F000] =	vst v63  }
0x565: {  	s2 =	sadd.s32 $0x17ED8, s5;
	s14 =	sadd.s32 $0x30, s29  }
0x566: {  	[hbm4b:s14+s3] =	stream.linear.scatter [tilespmem:s2], [sflag:$0x3], $0x80, $0x38;
	[tilespmem:$0x1F000] =	vst v63  }
0x567: {  	s2 =	sadd.s32 $0x17F60, s5;
	s14 =	sadd.s32 $0x40, s29  }
0x568: {  	[hbm4b:s14+s3] =	stream.linear.scatter [tilespmem:s2], [sflag:$0x3], $0x80, $0x38;
	[tilespmem:$0x1F000] =	vst v63  }
.Ltmp16:
0x569: {  	s2 =	sadd.s32 $0x17FE8, s5;
	s14 =	sadd.s32 $0x50, s29;
	(pc) =	sbr.rel @p0 .LBB2_35-.Ltmp16, $4  }
0x56a: {  	[hbm4b:s14+s3] =	stream.linear.scatter [tilespmem:s2], [sflag:$0x3], $0x80, $0x38;
	[tilespmem:$0x1F000] =	vst v63  }
0x56b: {  	s2 =	sadd.s32 $0x18070, s5;
	s14 =	sadd.s32 $0x60, s29;
	s5 =	sadd.s32 $0x180F8, s5  }
0x56c: {  	[hbm4b:s14+s3] =	stream.linear.scatter [tilespmem:s2], [sflag:$0x3], $0x80, $0x38;
	[tilespmem:$0x1F000] =	vst v63  }
0x56d: {  	s14 =	sadd.s32 $0x70, s29;
	s29 =	sadd.s32 $0x80, s29;
	s2 =	smov.u32 s15  }
0x56e: {  	[hbm4b:s14+s3] =	stream.linear.scatter [tilespmem:s5], [sflag:$0x3], $0x80, $0x38;
	[tilespmem:$0x1F000] =	vst v63  }
0x56f: {  	s2 =	sadd.s32 $0x17D40, s0  }
0x570: {  	[hbm4b:s29+s3] =	stream.linear.scatter [tilespmem:s2], [sflag:$0x3], $0x80, $0x38;
	[tilespmem:$0x1F000] =	vst v63  }
0x571: {  	s30 =	sadd.s32 $0x17DC8, s0;
	s31 =	sadd.s32 $0x10, s29  }
0x572: {  	[hbm4b:s31+s3] =	stream.linear.scatter [tilespmem:s30], [sflag:$0x3], $0x80, $0x38;
	[tilespmem:$0x1F000] =	vst v63  }
0x573: {  	s14 =	sadd.s32 $0x17E50, s0;
	s15 =	sadd.s32 $0x20, s29  }
0x574: {  	[hbm4b:s15+s3] =	stream.linear.scatter [tilespmem:s14], [sflag:$0x3], $0x80, $0x38;
	[tilespmem:$0x1F000] =	vst v63  }
0x575: {  	s30 =	sadd.s32 $0x17ED8, s0;
	s31 =	sadd.s32 $0x30, s29  }
0x576: {  	[hbm4b:s31+s3] =	stream.linear.scatter [tilespmem:s30], [sflag:$0x3], $0x80, $0x38;
	[tilespmem:$0x1F000] =	vst v63  }
0x577: {  	s14 =	sadd.s32 $0x17F60, s0;
	s15 =	sadd.s32 $0x40, s29  }
0x578: {  	[hbm4b:s15+s3] =	stream.linear.scatter [tilespmem:s14], [sflag:$0x3], $0x80, $0x38;
	[tilespmem:$0x1F000] =	vst v63  }
0x579: {  	s30 =	sadd.s32 $0x17FE8, s0;
	s31 =	sadd.s32 $0x50, s29  }
0x57a: {  	[hbm4b:s31+s3] =	stream.linear.scatter [tilespmem:s30], [sflag:$0x3], $0x80, $0x38;
	[tilespmem:$0x1F000] =	vst v63  }
0x57b: {  	s14 =	sadd.s32 $0x18070, s0;
	s15 =	sadd.s32 $0x60, s29  }
0x57c: {  	[hbm4b:s15+s3] =	stream.linear.scatter [tilespmem:s14], [sflag:$0x3], $0x80, $0x38;
	[tilespmem:$0x1F000] =	vst v63  }
0x57d: {  	s30 =	sadd.s32 $0x180F8, s0;
	s31 =	sadd.s32 $0x70, s29  }
0x57e: {  	[hbm4b:s31+s3] =	stream.linear.scatter [tilespmem:s30], [sflag:$0x3], $0x80, $0x38;
	[tilespmem:$0x1F000] =	vst v63  }
0x57f: {  	s2 =	simm.s32 $0x18180;
	s15 =	sadd.s32 s28, s12  }
0x580: {  	[hbm4b:s15+s3] =	stream.linear.scatter [tilespmem:s2], [sflag:$0x3], $0x80, $0x38;
	[tilespmem:$0x1F000] =	vst v63  }
0x581: {  	s5 =	simm.s32 $0x18208;
	s14 =	sadd.s32 $0x10, s15  }
0x582: {  	[hbm4b:s14+s3] =	stream.linear.scatter [tilespmem:s5], [sflag:$0x3], $0x80, $0x38;
	[tilespmem:$0x1F000] =	vst v63  }
0x583: {  	s0 =	simm.s32 $0x2200;
	s30 =	simm.s32 $0x18290;
	s31 =	sadd.s32 $0x20, s15  }
0x584: {  	[hbm4b:s31+s3] =	stream.linear.scatter [tilespmem:s30], [sflag:$0x3], $0x80, $0x38;
	[tilespmem:$0x1F000] =	vst v63  }
0x585: {  	s29 =	sadd.s32 $0x80, s15;
	s5 =	simm.s32 $0x18318;
	s14 =	sadd.s32 $0x30, s15  }
0x586: {  	[hbm4b:s14+s3] =	stream.linear.scatter [tilespmem:s5], [sflag:$0x3], $0x80, $0x38;
	[tilespmem:$0x1F000] =	vst v63  }
0x587: {  	s2 =	simm.s32 $0x11000;
	s30 =	simm.s32 $0x183A0;
	s31 =	sadd.s32 $0x40, s15  }
0x588: {  	[hbm4b:s31+s3] =	stream.linear.scatter [tilespmem:s30], [sflag:$0x3], $0x80, $0x38;
	[tilespmem:$0x1F000] =	vst v63  }
0x589: {  	s5 =	simm.s32 $0x18428;
	s14 =	sadd.s32 $0x50, s15;
	s30 =	simm.s32 $0x184B0  }
0x58a: {  	[hbm4b:s14+s3] =	stream.linear.scatter [tilespmem:s5], [sflag:$0x3], $0x80, $0x38;
	[tilespmem:$0x1F000] =	vst v63  }
0x58b: {  	s31 =	sadd.s32 $0x60, s15;
	s5 =	simm.s32 $0x18538;
	s14 =	sadd.s32 $0x70, s15  }
0x58c: {  	[hbm4b:s31+s3] =	stream.linear.scatter [tilespmem:s30], [sflag:$0x3], $0x80, $0x38;
	[tilespmem:$0x1F000] =	vst v63  }
.LBB2_37:
0x58d: {  	[hbm4b:s14+s3] =	stream.linear.scatter [tilespmem:s5], [sflag:$0x3], $0x80, $0x38;
	[tilespmem:$0x1F000] =	vst v63  }
0x58e: {  	s5 =	smov.u32 s0;
	s0 =	smov.u32 s2  }
0x58f: {  	s15 =	sadd.s32 $0x8800, s2;
	s0 =	sshra.s32 s0, $0x2;
	s14 =	sadd.s32 $0x18180, s5  }
0x590: {  	[hbm4b:s29+s3] =	stream.linear.scatter [tilespmem:s14], [sflag:$0x3], $0x80, $0x38;
	[tilespmem:$0x1F000] =	vst v63  }
0x591: {  	p0 =	sne.s32 s2, $0x19800;
	s2 =	sadd.s32 $0x18208, s5;
	s14 =	sadd.s32 $0x10, s29  }
0x592: {  	[hbm4b:s14+s3] =	stream.linear.scatter [tilespmem:s2], [sflag:$0x3], $0x80, $0x38;
	[tilespmem:$0x1F000] =	vst v63  }
0x593: {  	s2 =	sadd.s32 $0x18290, s5;
	s14 =	sadd.s32 $0x20, s29  }
0x594: {  	[hbm4b:s14+s3] =	stream.linear.scatter [tilespmem:s2], [sflag:$0x3], $0x80, $0x38;
	[tilespmem:$0x1F000] =	vst v63  }
0x595: {  	s2 =	sadd.s32 $0x18318, s5;
	s14 =	sadd.s32 $0x30, s29  }
0x596: {  	[hbm4b:s14+s3] =	stream.linear.scatter [tilespmem:s2], [sflag:$0x3], $0x80, $0x38;
	[tilespmem:$0x1F000] =	vst v63  }
0x597: {  	s2 =	sadd.s32 $0x183A0, s5;
	s14 =	sadd.s32 $0x40, s29  }
0x598: {  	[hbm4b:s14+s3] =	stream.linear.scatter [tilespmem:s2], [sflag:$0x3], $0x80, $0x38;
	[tilespmem:$0x1F000] =	vst v63  }
.Ltmp17:
0x599: {  	s2 =	sadd.s32 $0x18428, s5;
	s14 =	sadd.s32 $0x50, s29;
	(pc) =	sbr.rel @p0 .LBB2_37-.Ltmp17, $4  }
0x59a: {  	[hbm4b:s14+s3] =	stream.linear.scatter [tilespmem:s2], [sflag:$0x3], $0x80, $0x38;
	[tilespmem:$0x1F000] =	vst v63  }
0x59b: {  	s2 =	sadd.s32 $0x184B0, s5;
	s14 =	sadd.s32 $0x60, s29;
	s5 =	sadd.s32 $0x18538, s5  }
0x59c: {  	[hbm4b:s14+s3] =	stream.linear.scatter [tilespmem:s2], [sflag:$0x3], $0x80, $0x38;
	[tilespmem:$0x1F000] =	vst v63  }
0x59d: {  	s14 =	sadd.s32 $0x70, s29;
	s29 =	sadd.s32 $0x80, s29;
	s2 =	smov.u32 s15  }
0x59e: {  	[hbm4b:s14+s3] =	stream.linear.scatter [tilespmem:s5], [sflag:$0x3], $0x80, $0x38;
	[tilespmem:$0x1F000] =	vst v63  }
0x59f: {  	s2 =	sadd.s32 $0x18180, s0  }
0x5a0: {  	[hbm4b:s29+s3] =	stream.linear.scatter [tilespmem:s2], [sflag:$0x3], $0x80, $0x38;
	[tilespmem:$0x1F000] =	vst v63  }
0x5a1: {  	s30 =	sadd.s32 $0x18208, s0;
	s31 =	sadd.s32 $0x10, s29  }
0x5a2: {  	[hbm4b:s31+s3] =	stream.linear.scatter [tilespmem:s30], [sflag:$0x3], $0x80, $0x38;
	[tilespmem:$0x1F000] =	vst v63  }
0x5a3: {  	s14 =	sadd.s32 $0x18290, s0;
	s15 =	sadd.s32 $0x20, s29  }
0x5a4: {  	[hbm4b:s15+s3] =	stream.linear.scatter [tilespmem:s14], [sflag:$0x3], $0x80, $0x38;
	[tilespmem:$0x1F000] =	vst v63  }
0x5a5: {  	s30 =	sadd.s32 $0x18318, s0;
	s31 =	sadd.s32 $0x30, s29  }
0x5a6: {  	[hbm4b:s31+s3] =	stream.linear.scatter [tilespmem:s30], [sflag:$0x3], $0x80, $0x38;
	[tilespmem:$0x1F000] =	vst v63  }
0x5a7: {  	s14 =	sadd.s32 $0x183A0, s0;
	s15 =	sadd.s32 $0x40, s29  }
0x5a8: {  	[hbm4b:s15+s3] =	stream.linear.scatter [tilespmem:s14], [sflag:$0x3], $0x80, $0x38;
	[tilespmem:$0x1F000] =	vst v63  }
0x5a9: {  	s30 =	sadd.s32 $0x18428, s0;
	s31 =	sadd.s32 $0x50, s29  }
0x5aa: {  	[hbm4b:s31+s3] =	stream.linear.scatter [tilespmem:s30], [sflag:$0x3], $0x80, $0x38;
	[tilespmem:$0x1F000] =	vst v63  }
0x5ab: {  	s5 =	sadd.s32 $0x184B0, s0;
	s14 =	sadd.s32 $0x60, s29  }
0x5ac: {  	[hbm4b:s14+s3] =	stream.linear.scatter [tilespmem:s5], [sflag:$0x3], $0x80, $0x38;
	[tilespmem:$0x1F000] =	vst v63  }
0x5ad: {  	s15 =	sadd.s32 $0x18538, s0;
	s30 =	sadd.s32 $0x70, s29  }
0x5ae: {  	[hbm4b:s30+s3] =	stream.linear.scatter [tilespmem:s15], [sflag:$0x3], $0x80, $0x38;
	[tilespmem:$0x1F000] =	vst v63  }
0x5af: {  	s31 =	simm.s32 $0x185C0;
	s15 =	sadd.s32 s28, s13  }
0x5b0: {  	[hbm4b:s15+s3] =	stream.linear.scatter [tilespmem:s31], [sflag:$0x3], $0x80, $0x38;
	[tilespmem:$0x1F000] =	vst v63  }
0x5b1: {  	s2 =	simm.s32 $0x18648;
	s5 =	sadd.s32 $0x10, s15  }
0x5b2: {  	[hbm4b:s5+s3] =	stream.linear.scatter [tilespmem:s2], [sflag:$0x3], $0x80, $0x38;
	[tilespmem:$0x1F000] =	vst v63  }
0x5b3: {  	s0 =	simm.s32 $0x2200;
	s14 =	simm.s32 $0x186D0;
	s29 =	sadd.s32 $0x20, s15  }
0x5b4: {  	[hbm4b:s29+s3] =	stream.linear.scatter [tilespmem:s14], [sflag:$0x3], $0x80, $0x38;
	[tilespmem:$0x1F000] =	vst v63  }
0x5b5: {  	s30 =	simm.s32 $0x18758;
	s28 =	sadd.s32 $0x80, s15;
	s31 =	sadd.s32 $0x30, s15  }
0x5b6: {  	[hbm4b:s31+s3] =	stream.linear.scatter [tilespmem:s30], [sflag:$0x3], $0x80, $0x38;
	[tilespmem:$0x1F000] =	vst v63  }
0x5b7: {  	s2 =	simm.s32 $0x187E0;
	s5 =	sadd.s32 $0x40, s15;
	s14 =	simm.s32 $0x18868  }
0x5b8: {  	[hbm4b:s5+s3] =	stream.linear.scatter [tilespmem:s2], [sflag:$0x3], $0x80, $0x38;
	[tilespmem:$0x1F000] =	vst v63  }
0x5b9: {  	s29 =	sadd.s32 $0x50, s15;
	s30 =	simm.s32 $0x188F0;
	s31 =	sadd.s32 $0x60, s15  }
0x5ba: {  	[hbm4b:s29+s3] =	stream.linear.scatter [tilespmem:s14], [sflag:$0x3], $0x80, $0x38;
	[tilespmem:$0x1F000] =	vst v63  }
0x5bb: {  	s2 =	simm.s32 $0x11000;
	s5 =	simm.s32 $0x18978;
	s14 =	sadd.s32 $0x70, s15  }
0x5bc: {  	[hbm4b:s31+s3] =	stream.linear.scatter [tilespmem:s30], [sflag:$0x3], $0x80, $0x38;
	[tilespmem:$0x1F000] =	vst v63  }
.LBB2_39:
0x5bd: {  	[hbm4b:s14+s3] =	stream.linear.scatter [tilespmem:s5], [sflag:$0x3], $0x80, $0x38;
	[tilespmem:$0x1F000] =	vst v63  }
0x5be: {  	s5 =	smov.u32 s0;
	s0 =	smov.u32 s2  }
0x5bf: {  	s15 =	sadd.s32 $0x8800, s2;
	s0 =	sshra.s32 s0, $0x2;
	s14 =	sadd.s32 $0x185C0, s5  }
0x5c0: {  	[hbm4b:s28+s3] =	stream.linear.scatter [tilespmem:s14], [sflag:$0x3], $0x80, $0x38;
	[tilespmem:$0x1F000] =	vst v63  }
0x5c1: {  	p0 =	sne.s32 s2, $0x19800;
	s2 =	sadd.s32 $0x18648, s5;
	s14 =	sadd.s32 $0x10, s28  }
0x5c2: {  	[hbm4b:s14+s3] =	stream.linear.scatter [tilespmem:s2], [sflag:$0x3], $0x80, $0x38;
	[tilespmem:$0x1F000] =	vst v63  }
0x5c3: {  	s2 =	sadd.s32 $0x186D0, s5;
	s14 =	sadd.s32 $0x20, s28  }
0x5c4: {  	[hbm4b:s14+s3] =	stream.linear.scatter [tilespmem:s2], [sflag:$0x3], $0x80, $0x38;
	[tilespmem:$0x1F000] =	vst v63  }
0x5c5: {  	s2 =	sadd.s32 $0x18758, s5;
	s14 =	sadd.s32 $0x30, s28  }
0x5c6: {  	[hbm4b:s14+s3] =	stream.linear.scatter [tilespmem:s2], [sflag:$0x3], $0x80, $0x38;
	[tilespmem:$0x1F000] =	vst v63  }
0x5c7: {  	s2 =	sadd.s32 $0x187E0, s5;
	s14 =	sadd.s32 $0x40, s28  }
0x5c8: {  	[hbm4b:s14+s3] =	stream.linear.scatter [tilespmem:s2], [sflag:$0x3], $0x80, $0x38;
	[tilespmem:$0x1F000] =	vst v63  }
.Ltmp18:
0x5c9: {  	s2 =	sadd.s32 $0x18868, s5;
	s14 =	sadd.s32 $0x50, s28;
	(pc) =	sbr.rel @p0 .LBB2_39-.Ltmp18, $4  }
0x5ca: {  	[hbm4b:s14+s3] =	stream.linear.scatter [tilespmem:s2], [sflag:$0x3], $0x80, $0x38;
	[tilespmem:$0x1F000] =	vst v63  }
0x5cb: {  	s2 =	sadd.s32 $0x188F0, s5;
	s14 =	sadd.s32 $0x60, s28;
	s5 =	sadd.s32 $0x18978, s5  }
0x5cc: {  	[hbm4b:s14+s3] =	stream.linear.scatter [tilespmem:s2], [sflag:$0x3], $0x80, $0x38;
	[tilespmem:$0x1F000] =	vst v63  }
0x5cd: {  	s14 =	sadd.s32 $0x70, s28;
	s28 =	sadd.s32 $0x80, s28;
	s2 =	smov.u32 s15  }
0x5ce: {  	[hbm4b:s14+s3] =	stream.linear.scatter [tilespmem:s5], [sflag:$0x3], $0x80, $0x38;
	[tilespmem:$0x1F000] =	vst v63  }
0x5cf: {  	s2 =	sadd.s32 $0x185C0, s0  }
0x5d0: {  	[hbm4b:s28+s3] =	stream.linear.scatter [tilespmem:s2], [sflag:$0x3], $0x80, $0x38;
	[tilespmem:$0x1F000] =	vst v63  }
0x5d1: {  	s30 =	sadd.s32 $0x18648, s0;
	s31 =	sadd.s32 $0x10, s28  }
0x5d2: {  	[hbm4b:s31+s3] =	stream.linear.scatter [tilespmem:s30], [sflag:$0x3], $0x80, $0x38;
	[tilespmem:$0x1F000] =	vst v63  }
0x5d3: {  	s5 =	sadd.s32 $0x186D0, s0;
	s14 =	sadd.s32 $0x20, s28  }
0x5d4: {  	[hbm4b:s14+s3] =	stream.linear.scatter [tilespmem:s5], [sflag:$0x3], $0x80, $0x38;
	[tilespmem:$0x1F000] =	vst v63  }
0x5d5: {  	s15 =	sadd.s32 $0x18758, s0;
	s29 =	sadd.s32 $0x30, s28  }
0x5d6: {  	[hbm4b:s29+s3] =	stream.linear.scatter [tilespmem:s15], [sflag:$0x3], $0x80, $0x38;
	[tilespmem:$0x1F000] =	vst v63  }
0x5d7: {  	s26 =	sadd.s32 $0x1, s26;
	s30 =	sadd.s32 $0x187E0, s0;
	s31 =	sadd.s32 $0x40, s28  }
0x5d8: {  	[hbm4b:s31+s3] =	stream.linear.scatter [tilespmem:s30], [sflag:$0x3], $0x80, $0x38;
	[tilespmem:$0x1F000] =	vst v63  }
0x5d9: {  	p0 =	sne.s32 s26, $0x19;
	s5 =	sadd.s32 $0x18868, s0;
	s14 =	sadd.s32 $0x50, s28  }
0x5da: {  	[hbm4b:s14+s3] =	stream.linear.scatter [tilespmem:s5], [sflag:$0x3], $0x80, $0x38;
	[tilespmem:$0x1F000] =	vst v63  }
.Ltmp19:
0x5db: {  	_ = 	snop;
	(pc) =	sbr.rel @p0 .LBB2_2-.Ltmp19, $4  }
0x5dc: {  	s15 =	sadd.s32 $0x188F0, s0;
	s29 =	sadd.s32 $0x60, s28  }
0x5dd: {  	[hbm4b:s29+s3] =	stream.linear.scatter [tilespmem:s15], [sflag:$0x3], $0x80, $0x38;
	[tilespmem:$0x1F000] =	vst v63  }
0x5de: {  	s30 =	sadd.s32 $0x18978, s0;
	s31 =	sadd.s32 $0x70, s28  }
0x5df: {  	[hbm4b:s31+s3] =	stream.linear.scatter [tilespmem:s30], [sflag:$0x3], $0x80, $0x38;
	[tilespmem:$0x1F000] =	vst v63  }
0x5e0: {  	_ =	swait.ge [sflag:s24], $0x1000  }
0x5e1: {  	[sflag:s24] =	ssyncset.done $0x0  }
0x5e2: {  	[sflag:s24] =	ssyncadd.s32 $0xFFFFF000  }
0x5e3: {  	_ =	swait.ge [sflag:s24], $0x1000  }
0x5e4: {  	[sflag:s24] =	ssyncset.done $0x0  }
0x5e5: {  	[sflag:s24] =	ssyncadd.s32 $0xFFFFF000  }
0x5e6: {  	_ =	swait.ge [sflag:s24], $0x1000  }
0x5e7: {  	[sflag:s24] =	ssyncset.done $0x0  }
0x5e8: {  	[sflag:s24] =	ssyncadd.s32 $0xFFFFF000  }
0x5e9: {  	_ =	swait.ge [sflag:s24], $0x1000  }
0x5ea: {  	[sflag:s24] =	ssyncset.done $0x0  }
0x5eb: {  	[sflag:s24] =	ssyncadd.s32 $0xFFFFF000  }
0x5ec: {  	_ =	swait.ge [sflag:s24], $0x1000  }
0x5ed: {  	[sflag:s24] =	ssyncset.done $0x0  }
0x5ee: {  	[sflag:s24] =	ssyncadd.s32 $0xFFFFF000  }
0x5ef: {  	_ =	swait.ge [sflag:s24], $0x1000  }
0x5f0: {  	[sflag:s24] =	ssyncset.done $0x0  }
0x5f1: {  	[sflag:s24] =	ssyncadd.s32 $0xFFFFF000  }
0x5f2: {  	_ =	swait.ge [sflag:s24], $0x1000  }
0x5f3: {  	[sflag:s24] =	ssyncset.done $0x0  }
0x5f4: {  	[sflag:s24] =	ssyncadd.s32 $0xFFFFF000  }
0x5f5: {  	_ =	swait.ge [sflag:s24], $0x1000  }
0x5f6: {  	s25 =	sadd.s32 $0x1, s25;
	s0 =	rddreg [dreg:$0x5]  }
0x5f7: {  	p0 =	sne.s32 s25, s0  }
.Ltmp20:
0x5f8: {  	_ = 	snop;
	(pc) =	sbr.rel @p0 .LBB2_1-.Ltmp20, $3  }
0x5f9: {  	_ =	sdelay $0x1  }
0x5fa: {  	[sflag:s24] =	ssyncset.done $0x0  }
0x5fb: {  	[sflag:s24] =	ssyncadd.s32 $0xFFFFF000  }
0x5fc: {  	_ =	sfence.sel $0x180000  }
0x5fd: {  	[bflag:$0x0] =	sbarrier.arrive $0xFFFF  }
0x5fe: {  	_ =	strace $0x90000047  }
0x5ff: {  	s0 =	stileid.u32;
	[bflag:$0x2] =	sbarrier.arrive $0xFFFF  }
0x600: {  	p0 =	sne.s32 s0, $0x0;
	s0 =	rddreg [dreg:$0x3]  }
0x601: {  	s0 =	sadd.s32 @!p0 $0x100000, s0  }
0x602: {  	[sflag:s0] =	ssyncadd.tile.s32 @!p0 $0x1;
	_ =	shalt  }
.Lfunc_end2:
_tile_overlayer_lowered:
.L_overlay_start_2:
0x603: {  	(tag) =	ssettag $0x2  }
0x604: {  	s0 =	rddreg [dreg:$0x0];
	s2 =	stileid.u32  }
0x605: {  	s1 =	rddreg [dreg:$0x1];
	p0 =	sne.s32 s2, $0x0  }
0x606: {  	s3 =	rddreg [dreg:$0x2];
	[bflag:$0x3] =	sbarrier.arrive $0xFFFF;
	s2 =	simm.s32 @!p0 $0x1C04  }
0x607: {  	[timem:s3], [sflag:s2] =	dma.local @!p0 [hbm:s0], s1  }
0x608: {  	s0 =	simm.s32 @!p0 $0x4  }
0x609: {  	_ =	swait.ge @!p0 [sflag:s0], s1  }
0x60a: {  	s1 =	ssub.s32 @!p0 $0x0, s1;
	[sflag:s0] =	ssyncset.done @!p0 $0x0  }
0x60b: {  	[sflag:s0] =	ssyncadd.s32 @!p0 s1  }
0x60c: {  	[bflag:$0x3] =	sbarrier.arrive $0xFFFF  }
0x60d: {  	_ =	shalt  }

</sc_bundles>
